<compile_context>
chip_gen: v7x
topology: tpu7x:2x2x1
jax: 0.10.2.dev20260603
libtpu: 0.0.44.dev20260713+nightly
codegen_flags: <defaults>
</compile_context>

<pallas_src>
import functools

import jax
import jax.numpy as jnp
import numpy as np
from jax import lax
from jax.experimental import pallas as pl
from jax.experimental.pallas import tpu as pltpu
from jax.experimental.pallas import tpu_sc as plsc

B, H, S, DH = 1, 16, 8192, 128
D = H * DH
FF = 5632
T = 256
NKV = 4096
HALF = DH // 2
FF_BLK = 512
N_FF = FF // FF_BLK
EPS = 1e-6

QKV_CBLK = 512
N_QKV = D // QKV_CBLK
OP_KBLK = 256
N_OP = D // OP_KBLK
AH = 2

TB = 1024
NW = 32
ROWS = H * S
CH = 128
TAIL = S - TB
HALF_TAIL = TAIL // 2
NCH_TAIL = HALF_TAIL // CH


def _norm_counts_kernel(hid_ref, n1_ref, idx_ref, hn_ref, counts_ref):
    x = hid_ref[...]
    v = jnp.mean(x * x, axis=-1, keepdims=True)
    hn_ref[...] = x * jax.lax.rsqrt(v + EPS) * n1_ref[...]
    idx = idx_ref[...]
    pos = jax.lax.broadcasted_iota(jnp.int32, (NKV, T), 1)
    onehot = (idx == pos).astype(jnp.float32)
    counts_ref[...] = jnp.sum(onehot, axis=0, keepdims=True)


def _qkv_kernel(hn_ref, wq_ref, wk_ref, wv_ref, q_ref, k_ref, v_ref):
    hn = hn_ref[...].astype(jnp.bfloat16)
    q = jnp.dot(hn, wq_ref[...].astype(jnp.bfloat16),
                preferred_element_type=jnp.float32)
    k = jnp.dot(hn, wk_ref[...].astype(jnp.bfloat16),
                preferred_element_type=jnp.float32)
    v = jnp.dot(hn, wv_ref[...].astype(jnp.bfloat16),
                preferred_element_type=jnp.float32)
    t = jax.lax.broadcasted_iota(jnp.int32, (T, HALF), 0).astype(jnp.float32)
    j = jax.lax.broadcasted_iota(jnp.int32, (T, HALF), 1).astype(jnp.float32)
    freqs = t * jnp.exp(j * jnp.float32(-np.log(10000.0) / HALF))
    cos = jnp.cos(freqs)
    sin = jnp.sin(freqs)
    cos2 = jnp.concatenate([cos, cos], axis=1)
    sin2 = jnp.concatenate([sin, sin], axis=1)

    def rope(x):
        outs = []
        for hh in range(QKV_CBLK // DH):
            xh = x[:, hh * DH:(hh + 1) * DH]
            x1 = xh[:, :HALF]
            x2 = xh[:, HALF:]
            rot = jnp.concatenate([-x2, x1], axis=1)
            outs.append(xh * cos2 + rot * sin2)
        return jnp.concatenate(outs, axis=1)

    q_ref[...] = rope(q) * jnp.float32(DH ** -0.5)
    k_ref[...] = rope(k)
    v_ref[...] = v


def _nt_dot(a, b):
    return jax.lax.dot_general(a, b, (((1,), (1,)), ((), ())),
                               preferred_element_type=jnp.float32)


def _attn_kernel(q_ref, k_ref, v_ref, kc_ref, vc_ref, counts_ref, idx_ref,
                 ctx_ref, imp_ref, ipos_ref, inew_ref):
    g = pl.program_id(0)
    counts = counts_ref[...]
    ti = jax.lax.broadcasted_iota(jnp.int32, (T, T), 0)
    pi = jax.lax.broadcasted_iota(jnp.int32, (T, T), 1)
    mask = ti >= pi
    neg = jnp.float32(-1e30)

    @pl.when(g == 0)
    def _():
        ipos_ref[...] = jnp.zeros_like(ipos_ref)
        inew_ref[...] = jnp.zeros_like(inew_ref)

    for hh in range(AH):
        cs = hh * DH
        q = q_ref[:, cs:cs + DH]
        kn = k_ref[:, cs:cs + DH]
        vn = v_ref[:, cs:cs + DH]
        kc = kc_ref[0, hh]
        vc = vc_ref[0, hh]
        sc = jnp.where(mask, _nt_dot(q, kc), neg)
        sn = jnp.where(mask, _nt_dot(q, kn), neg)
        m = jnp.maximum(jnp.max(sc, axis=1, keepdims=True),
                        jnp.max(sn, axis=1, keepdims=True))
        ec = jnp.exp(sc - m)
        en = jnp.exp(sn - m)
        wc = ec * counts
        z = (jnp.sum(wc, axis=1, keepdims=True)
             + jnp.sum(en, axis=1, keepdims=True))
        ctx = (jnp.dot(wc, vc, preferred_element_type=jnp.float32)
               + jnp.dot(en, vn, preferred_element_type=jnp.float32)) / z
        ctx_ref[:, cs:cs + DH] = ctx
        zl = z[T - 1:T, :]
        ipos_ref[...] += ec[T - 1:T, :] / zl
        inew_ref[...] += en[T - 1:T, :] / zl

    @pl.when(g == (H // AH) - 1)
    def _():
        idx = idx_ref[...]
        pos = jax.lax.broadcasted_iota(jnp.int32, (NKV, T), 1)
        onehot = (idx == pos).astype(jnp.float32)
        imp_ref[:, :NKV] = _nt_dot(ipos_ref[...], onehot)
        imp_ref[:, NKV:] = inew_ref[...]


def _oproj_kernel(ctx_ref, resid_ref, wo_ref, n2_ref, h2_ref, hn_ref):
    g = pl.program_id(0)
    d = jnp.dot(ctx_ref[...].astype(jnp.bfloat16),
                wo_ref[...].astype(jnp.bfloat16),
                preferred_element_type=jnp.float32)

    @pl.when(g == 0)
    def _():
        h2_ref[...] = resid_ref[...] + d

    @pl.when(g > 0)
    def _():
        h2_ref[...] += d

    @pl.when(g == N_OP - 1)
    def _():
        h2 = h2_ref[...]
        v = jnp.mean(h2 * h2, axis=-1, keepdims=True)
        hn_ref[...] = h2 * jax.lax.rsqrt(v + EPS) * n2_ref[...]


def _mlp_kernel(hn_ref, h2_ref, wg_ref, wu_ref, wd_ref, out_ref):
    i = pl.program_id(0)
    hn = hn_ref[...].astype(jnp.bfloat16)
    g = jnp.dot(hn, wg_ref[...].astype(jnp.bfloat16),
                preferred_element_type=jnp.float32)
    u = jnp.dot(hn, wu_ref[...].astype(jnp.bfloat16),
                preferred_element_type=jnp.float32)
    a = (g / (1.0 + jnp.exp(-g))) * u
    d = jnp.dot(a.astype(jnp.bfloat16), wd_ref[...].astype(jnp.bfloat16),
                preferred_element_type=jnp.float32)

    @pl.when(i == 0)
    def _():
        out_ref[...] = h2_ref[...]

    out_ref[...] += d


def _sc_bulk_copy_body(kc_hbm, vc_hbm, nk_hbm, nv_hbm,
                       buf0, buf1, rs0, rs1, ws0, ws1):
    c = lax.axis_index("c")
    s = lax.axis_index("s")
    w = s * 2 + c
    head = w // 2
    base = head * S + TB + (w % 2) * HALF_TAIL
    bufs = (buf0, buf1)
    rsems = (rs0, rs1)
    wsems = (ws0, ws1)

    writes = [None, None]
    n = 0
    for src, dst in ((kc_hbm, nk_hbm), (vc_hbm, nv_hbm)):
        for i in range(NCH_TAIL):
            b = n % 2
            n += 1
            if writes[b] is not None:
                writes[b].wait()
            rd = pltpu.make_async_copy(src.at[pl.ds(base + i * CH, CH)],
                                       bufs[b], rsems[b])
            rd.start()
            rd.wait()
            wr = pltpu.make_async_copy(bufs[b],
                                       dst.at[pl.ds(base + i * CH, CH)],
                                       wsems[b])
            wr.start()
            writes[b] = wr
    for wr in writes:
        if wr is not None:
            wr.wait()


_sc_bulk_copy = functools.partial(
    pl.kernel,
    out_type=[jax.ShapeDtypeStruct((ROWS, DH), jnp.float32)] * 2,
    mesh=plsc.VectorSubcoreMesh(core_axis_name="c", subcore_axis_name="s"),
    scratch_types=[pltpu.VMEM((CH, DH), jnp.float32)] * 2
                  + [pltpu.SemaphoreType.DMA] * 4,
)(_sc_bulk_copy_body)


def _head_rows_kernel(kc_ref, vc_ref, kn_ref, vn_ref,
                      nk_in_ref, nv_in_ref, nk_ref, nv_ref):
    del nk_in_ref, nv_in_ref
    nk_ref[:T] = kn_ref[...]
    nv_ref[:T] = vn_ref[...]
    nk_ref[T:] = kc_ref[0, 0, T:]
    nv_ref[T:] = vc_ref[0, 0, T:]


def kernel(hidden_states, key_cache, value_cache, in_kv_cache_idxs,
           hidden_states_idxs, Wq, Wk, Wv, Wo, Wg, Wu, Wd, norm1, norm2):
    f32 = jnp.float32
    hs2d = hidden_states.reshape(T, D)
    idx_col = in_kv_cache_idxs.reshape(NKV, 1)
    n1 = norm1.reshape(1, D)
    n2 = norm2.reshape(1, D)

    nk_bulk, nv_bulk = _sc_bulk_copy(key_cache.reshape(ROWS, DH),
                                     value_cache.reshape(ROWS, DH))

    hn, counts = pl.pallas_call(
        _norm_counts_kernel,
        out_shape=[jax.ShapeDtypeStruct((T, D), f32),
                   jax.ShapeDtypeStruct((1, T), f32)],
    )(hs2d, n1, idx_col)

    q, k_new, v_new = pl.pallas_call(
        _qkv_kernel,
        grid=(N_QKV,),
        in_specs=[
            pl.BlockSpec((T, D), lambda g: (0, 0)),
            pl.BlockSpec((D, QKV_CBLK), lambda g: (0, g)),
            pl.BlockSpec((D, QKV_CBLK), lambda g: (0, g)),
            pl.BlockSpec((D, QKV_CBLK), lambda g: (0, g)),
        ],
        out_specs=[
            pl.BlockSpec((T, QKV_CBLK), lambda g: (0, g)),
            pl.BlockSpec((T, QKV_CBLK), lambda g: (0, g)),
            pl.BlockSpec((T, QKV_CBLK), lambda g: (0, g)),
        ],
        out_shape=[jax.ShapeDtypeStruct((T, D), f32)] * 3,
    )(hn, Wq, Wk, Wv)

    ctx, importance, _, _ = pl.pallas_call(
        _attn_kernel,
        grid=(H // AH,),
        in_specs=[
            pl.BlockSpec((T, AH * DH), lambda g: (0, g)),
            pl.BlockSpec((T, AH * DH), lambda g: (0, g)),
            pl.BlockSpec((T, AH * DH), lambda g: (0, g)),
            pl.BlockSpec((1, AH, T, DH), lambda g: (0, g, 0, 0)),
            pl.BlockSpec((1, AH, T, DH), lambda g: (0, g, 0, 0)),
            pl.BlockSpec((1, T), lambda g: (0, 0)),
            pl.BlockSpec((NKV, 1), lambda g: (0, 0)),
        ],
        out_specs=[
            pl.BlockSpec((T, AH * DH), lambda g: (0, g)),
            pl.BlockSpec((1, NKV + T), lambda g: (0, 0)),
            pl.BlockSpec((1, T), lambda g: (0, 0)),
            pl.BlockSpec((1, T), lambda g: (0, 0)),
        ],
        out_shape=[jax.ShapeDtypeStruct((T, D), f32),
                   jax.ShapeDtypeStruct((1, NKV + T), f32),
                   jax.ShapeDtypeStruct((1, T), f32),
                   jax.ShapeDtypeStruct((1, T), f32)],
    )(q, k_new, v_new, key_cache, value_cache, counts, idx_col)

    h2, hn2 = pl.pallas_call(
        _oproj_kernel,
        grid=(N_OP,),
        in_specs=[
            pl.BlockSpec((T, OP_KBLK), lambda g: (0, g)),
            pl.BlockSpec((T, D), lambda g: (0, 0)),
            pl.BlockSpec((OP_KBLK, D), lambda g: (g, 0)),
            pl.BlockSpec((1, D), lambda g: (0, 0)),
        ],
        out_specs=[
            pl.BlockSpec((T, D), lambda g: (0, 0)),
            pl.BlockSpec((T, D), lambda g: (0, 0)),
        ],
        out_shape=[jax.ShapeDtypeStruct((T, D), f32)] * 2,
    )(ctx, hs2d, Wo, n2)

    out2d = pl.pallas_call(
        _mlp_kernel,
        grid=(N_FF,),
        in_specs=[
            pl.BlockSpec((T, D), lambda i: (0, 0)),
            pl.BlockSpec((T, D), lambda i: (0, 0)),
            pl.BlockSpec((D, FF_BLK), lambda i: (0, i)),
            pl.BlockSpec((D, FF_BLK), lambda i: (0, i)),
            pl.BlockSpec((FF_BLK, D), lambda i: (i, 0)),
        ],
        out_specs=pl.BlockSpec((T, D), lambda i: (0, 0)),
        out_shape=jax.ShapeDtypeStruct((T, D), f32),
    )(hn2, h2, Wg, Wu, Wd)

    SPB = S // TB
    nk2d, nv2d = pl.pallas_call(
        _head_rows_kernel,
        grid=(H,),
        in_specs=[
            pl.BlockSpec((1, 1, TB, DH), lambda h: (0, h, 0, 0)),
            pl.BlockSpec((1, 1, TB, DH), lambda h: (0, h, 0, 0)),
            pl.BlockSpec((T, DH), lambda h: (0, h)),
            pl.BlockSpec((T, DH), lambda h: (0, h)),
            pl.BlockSpec((8, DH), lambda h: (h * (S // 8), 0)),
            pl.BlockSpec((8, DH), lambda h: (h * (S // 8), 0)),
        ],
        out_specs=[
            pl.BlockSpec((TB, DH), lambda h: (h * SPB, 0)),
            pl.BlockSpec((TB, DH), lambda h: (h * SPB, 0)),
        ],
        out_shape=[jax.ShapeDtypeStruct((ROWS, DH), f32)] * 2,
        input_output_aliases={4: 0, 5: 1},
    )(key_cache, value_cache, k_new, v_new, nk_bulk, nv_bulk)
    new_k = nk2d.reshape(B, H, S, DH)
    new_v = nv2d.reshape(B, H, S, DH)

    out_hidden = out2d.reshape(B, T, D)
    return (out_hidden, new_k, new_v, importance)

# --- scband reference (transcript-rebuilt; emitter-appended) ---
"""Pipeline reference for scband-decoder-layer-23338852286670 (READ-ONLY COPY).

The authoritative reference and input builder live on the scoring server;
editing this copy changes nothing except your own understanding.
"""

import jax, jax.numpy as jnp
import numpy as np

B, H, S, DH = 1, 16, 8192, 128
D = H * DH
FF = 5632
T = 256
NKV = 4096

def rmsnorm(x, w, eps=1e-6):
    v = jnp.mean(x * x, axis=-1, keepdims=True)
    return x * jax.lax.rsqrt(v + eps) * w

def rope(x, pos):
    half = DH // 2
    inv_freq = 1.0 / (10000.0 ** (jnp.arange(half, dtype=jnp.float32) / half))
    freqs = pos[:, None] * inv_freq[None, :]
    emb = jnp.concatenate([freqs, freqs], axis=-1)
    cos = jnp.cos(emb)[None, None]
    sin = jnp.sin(emb)[None, None]
    x1 = x[..., :half]
    x2 = x[..., half:]
    rot = jnp.concatenate([-x2, x1], axis=-1)
    return x * cos + rot * sin

def setup_inputs(seed: int = 0):
    key = jax.random.key(seed)
    ks = jax.random.split(key, 16)
    inp = {}
    inp['hidden_states'] = jax.random.normal(ks[0], (B, T, D), jnp.float32)
    inp['key_cache'] = jax.random.normal(ks[1], (B, H, S, DH), jnp.float32)
    inp['value_cache'] = jax.random.normal(ks[2], (B, H, S, DH), jnp.float32)
    inp['in_kv_cache_idxs'] = jnp.sort(jax.random.randint(ks[3], (NKV,), 0, S, dtype=jnp.int32))
    inp['hidden_states_idxs'] = jnp.arange(T, dtype=jnp.int32)
    inp['Wq'] = jax.random.normal(ks[4], (D, D), jnp.float32) * 0.02
    inp['Wk'] = jax.random.normal(ks[5], (D, D), jnp.float32) * 0.02
    inp['Wv'] = jax.random.normal(ks[6], (D, D), jnp.float32) * 0.02
    inp['Wo'] = jax.random.normal(ks[7], (D, D), jnp.float32) * 0.02
    inp['Wg'] = jax.random.normal(ks[8], (D, FF), jnp.float32) * 0.02
    inp['Wu'] = jax.random.normal(ks[9], (D, FF), jnp.float32) * 0.02
    inp['Wd'] = jax.random.normal(ks[10], (FF, D), jnp.float32) * 0.02
    inp['norm1'] = jnp.ones((D,), jnp.float32)
    inp['norm2'] = jnp.ones((D,), jnp.float32)
    return inp

def reference(hidden_states, key_cache, value_cache, in_kv_cache_idxs, hidden_states_idxs, Wq, Wk, Wv, Wo, Wg, Wu, Wd, norm1, norm2):
    # get_kv_cache: gather already-cached K/V rows for selected positions (memory-bound gather)
    k_cached = jnp.take(key_cache, in_kv_cache_idxs, axis=2)
    v_cached = jnp.take(value_cache, in_kv_cache_idxs, axis=2)
    # LlamaDecoderLayer forward on the active hidden states
    resid = hidden_states
    h = rmsnorm(hidden_states, norm1)
    q = (h @ Wq).reshape(B, T, H, DH).transpose(0, 2, 1, 3)
    k_new = (h @ Wk).reshape(B, T, H, DH).transpose(0, 2, 1, 3)
    v_new = (h @ Wv).reshape(B, T, H, DH).transpose(0, 2, 1, 3)
    pos = hidden_states_idxs.astype(jnp.float32)
    q = rope(q, pos)
    k_new = rope(k_new, pos)
    # local KV cache = cached entries followed by newly computed entries
    k_all = jnp.concatenate([k_cached, k_new], axis=2)
    v_all = jnp.concatenate([v_cached, v_new], axis=2)
    # causal mask gathered via keys_idxs_to_tokens_idxs and hidden_states_idxs
    key_positions = jnp.concatenate([in_kv_cache_idxs, hidden_states_idxs], axis=0)
    mask = hidden_states_idxs[:, None] >= key_positions[None, :]
    scores = jnp.einsum('bhqd,bhkd->bhqk', q, k_all) / np.sqrt(DH)
    scores = jnp.where(mask[None, None], scores, jnp.float32(-1e9))
    attn = jax.nn.softmax(scores, axis=-1)
    ctx = jnp.einsum('bhqk,bhkd->bhqd', attn, v_all)
    ctx = ctx.transpose(0, 2, 1, 3).reshape(B, T, D)
    h = resid + ctx @ Wo
    resid2 = h
    hn = rmsnorm(h, norm2)
    out_hidden = resid2 + (jax.nn.silu(hn @ Wg) * (hn @ Wu)) @ Wd
    # update_kv_cache: scatter the newly computed K/V back into the static cache (memory-bound scatter)
    new_key_cache = key_cache.at[:, :, hidden_states_idxs, :].set(k_new)
    new_value_cache = value_cache.at[:, :, hidden_states_idxs, :].set(v_new)
    # importance scores from attention weights of the last token, summed over heads
    importance = jnp.sum(attn[:, :, -1, :], axis=1)
    return (out_hidden, new_key_cache, new_value_cache, importance)

if __name__ == "__main__":
    import jax
    _d = setup_inputs()
    print(jax.jit(kernel)(*tuple(_d.values())))

</pallas_src>

<mosaic_0001>
#map = affine_map<(d0, d1) -> (0, 0)>
module attributes {stable_mosaic.version = 14 : i64} {
  func.func @_sc_bulk_copy_body(%arg0: i32, %arg1: i32, %arg2: memref<131072x128xf32, #tpu.memory_space<hbm>>, %arg3: memref<131072x128xf32, #tpu.memory_space<hbm>>, %arg4: memref<131072x128xf32, #tpu.memory_space<hbm>>, %arg5: memref<131072x128xf32, #tpu.memory_space<hbm>>, %arg6: memref<128x128xf32, #tpu.memory_space<vmem>>, %arg7: memref<128x128xf32, #tpu.memory_space<vmem>>, %arg8: memref<!tpu.dma_semaphore, #tpu.memory_space<semaphore_mem>>, %arg9: memref<!tpu.dma_semaphore, #tpu.memory_space<semaphore_mem>>, %arg10: memref<!tpu.dma_semaphore, #tpu.memory_space<semaphore_mem>>, %arg11: memref<!tpu.dma_semaphore, #tpu.memory_space<semaphore_mem>>) attributes {dimension_semantics = [#tpu.dimension_semantics<core_parallel>, #tpu.dimension_semantics<subcore_parallel>], iteration_bounds = array<i64: 2, 16>, scalar_prefetch = 0 : i64, scratch_operands = 6 : i64, tpu.core_type = #tpu.core_type<sc_vector_subcore>, window_params = [{transform_indices = #map}, {transform_indices = #map}, {transform_indices = #map}, {transform_indices = #map}]} {
    %mul3A = arith.constant 2 : i32
    %mul3A_0 = arith.muli %arg1, %mul3A : i32
    %add3A = arith.addi %mul3A_0, %arg0 : i32
    %jit3A = arith.constant 2 : i32
    %div3A = arith.divsi %add3A, %jit3A : i32
    %sign3A = arith.constant 0 : i32
    %sign3A_1 = arith.cmpi sgt, %add3A, %sign3A : i32
    %sign3A_2 = arith.extui %sign3A_1 : i1 to i32
    %sign3A_3 = arith.constant 0 : i32
    %sign3A_4 = arith.cmpi slt, %add3A, %sign3A_3 : i32
    %sign3A_5 = arith.extui %sign3A_4 : i1 to i32
    %sign3A_6 = arith.subi %sign3A_2, %sign3A_5 : i32
    %sign3A_7 = arith.constant 0 : i32
    %sign3A_8 = arith.cmpi sgt, %jit3A, %sign3A_7 : i32
    %sign3A_9 = arith.extui %sign3A_8 : i1 to i32
    %sign3A_10 = arith.constant 0 : i32
    %sign3A_11 = arith.cmpi slt, %jit3A, %sign3A_10 : i32
    %sign3A_12 = arith.extui %sign3A_11 : i1 to i32
    %sign3A_13 = arith.subi %sign3A_9, %sign3A_12 : i32
    %ne3A = arith.cmpi ne, %sign3A_6, %sign3A_13 : i32
    %rem3A = arith.remsi %add3A, %jit3A : i32
    %ne3A_14 = arith.constant 0 : i32
    %ne3A_15 = arith.cmpi ne, %rem3A, %ne3A_14 : i32
    %and3A = arith.andi %ne3A, %ne3A_15 : i1
    %sub3A = arith.constant 1 : i32
    %sub3A_16 = arith.subi %div3A, %sub3A : i32
    %select_n3A = arith.select %and3A, %sub3A_16, %div3A : i32
    %mul3A_17 = arith.constant 8192 : i32
    %mul3A_18 = arith.muli %select_n3A, %mul3A_17 : i32
    %add3A_19 = arith.constant 1024 : i32
    %add3A_20 = arith.addi %mul3A_18, %add3A_19 : i32
    %jit3A_21 = arith.constant 2 : i32
    %eq3A = arith.constant 0 : i32
    %eq3A_22 = arith.cmpi eq, %jit3A_21, %eq3A : i32
    %jit3A_23 = arith.constant 1 : i32
    %select_n3A_24 = arith.select %eq3A_22, %jit3A_23, %jit3A_21 : i32
    %rem3A_25 = arith.remsi %add3A, %select_n3A_24 : i32
    %ne3A_26 = arith.constant 0 : i32
    %ne3A_27 = arith.cmpi ne, %rem3A_25, %ne3A_26 : i32
    %lt3A = arith.constant 0 : i32
    %lt3A_28 = arith.cmpi slt, %rem3A_25, %lt3A : i32
    %lt3A_29 = arith.constant 0 : i32
    %lt3A_30 = arith.cmpi slt, %select_n3A_24, %lt3A_29 : i32
    %ne3A_31 = arith.xori %lt3A_28, %lt3A_30 : i1
    %and3A_32 = arith.andi %ne3A_31, %ne3A_27 : i1
    %add3A_33 = arith.addi %rem3A_25, %select_n3A_24 : i32
    %select_n3A_34 = arith.select %and3A_32, %add3A_33, %rem3A_25 : i32
    %mul3A_35 = arith.constant 3584 : i32
    %mul3A_36 = arith.muli %select_n3A_34, %mul3A_35 : i32
    %add3A_37 = arith.addi %add3A_20, %mul3A_36 : i32
    %add3A_38 = arith.constant 0 : i32
    %add3A_39 = arith.addi %add3A_37, %add3A_38 : i32
    %dma_start3A = arith.constant 0 : i32
    %dma_start3A_40 = tpu.memref_slice %arg2[%add3A_39, %dma_start3A] : memref<131072x128xf32, #tpu.memory_space<hbm>> -> memref<128x128xf32, #tpu.memory_space<hbm>>
    %dma_start3A_41 = arith.constant 0 : i32
    %dma_start3A_42 = tpu.memref_slice %arg2[%add3A_39, %dma_start3A_41] : memref<131072x128xf32, #tpu.memory_space<hbm>> -> memref<128x128xf32, #tpu.memory_space<hbm>>
    tpu.enqueue_dma source(%dma_start3A_42 : memref<128x128xf32, #tpu.memory_space<hbm>>) target(%arg6 : memref<128x128xf32, #tpu.memory_space<vmem>>) target_semaphore(%arg8 : memref<!tpu.dma_semaphore, #tpu.memory_space<semaphore_mem>>)
    %dma_wait3A = arith.constant 0 : i32
    %dma_wait3A_43 = tpu.memref_slice %arg2[%add3A_39, %dma_wait3A] : memref<131072x128xf32, #tpu.memory_space<hbm>> -> memref<128x128xf32, #tpu.memory_space<hbm>>
    %dma_wait3A_44 = arith.constant 0 : i32
    %dma_wait3A_45 = tpu.memref_slice %arg2[%add3A_39, %dma_wait3A_44] : memref<131072x128xf32, #tpu.memory_space<hbm>> -> memref<128x128xf32, #tpu.memory_space<hbm>>
    tpu.wait_dma2 semaphore(%arg8 : memref<!tpu.dma_semaphore, #tpu.memory_space<semaphore_mem>>) src(%dma_wait3A_45 : memref<128x128xf32, #tpu.memory_space<hbm>>) dst(%arg6 : memref<128x128xf32, #tpu.memory_space<vmem>>)
    %add3A_46 = arith.constant 0 : i32
    %add3A_47 = arith.addi %add3A_37, %add3A_46 : i32
    %dma_start3A_48 = arith.constant 0 : i32
    %dma_start3A_49 = tpu.memref_slice %arg4[%add3A_47, %dma_start3A_48] : memref<131072x128xf32, #tpu.memory_space<hbm>> -> memref<128x128xf32, #tpu.memory_space<hbm>>
    %dma_start3A_50 = arith.constant 0 : i32
    %dma_start3A_51 = tpu.memref_slice %arg4[%add3A_47, %dma_start3A_50] : memref<131072x128xf32, #tpu.memory_space<hbm>> -> memref<128x128xf32, #tpu.memory_space<hbm>>
    tpu.enqueue_dma source(%arg6 : memref<128x128xf32, #tpu.memory_space<vmem>>) target(%dma_start3A_51 : memref<128x128xf32, #tpu.memory_space<hbm>>) target_semaphore(%arg10 : memref<!tpu.dma_semaphore, #tpu.memory_space<semaphore_mem>>)
    %add3A_52 = arith.constant 128 : i32
    %add3A_53 = arith.addi %add3A_37, %add3A_52 : i32
    %dma_start3A_54 = arith.constant 0 : i32
    %dma_start3A_55 = tpu.memref_slice %arg2[%add3A_53, %dma_start3A_54] : memref<131072x128xf32, #tpu.memory_space<hbm>> -> memref<128x128xf32, #tpu.memory_space<hbm>>
    %dma_start3A_56 = arith.constant 0 : i32
    %dma_start3A_57 = tpu.memref_slice %arg2[%add3A_53, %dma_start3A_56] : memref<131072x128xf32, #tpu.memory_space<hbm>> -> memref<128x128xf32, #tpu.memory_space<hbm>>
    tpu.enqueue_dma source(%dma_start3A_57 : memref<128x128xf32, #tpu.memory_space<hbm>>) target(%arg7 : memref<128x128xf32, #tpu.memory_space<vmem>>) target_semaphore(%arg9 : memref<!tpu.dma_semaphore, #tpu.memory_space<semaphore_mem>>)
    %dma_wait3A_58 = arith.constant 0 : i32
    %dma_wait3A_59 = tpu.memref_slice %arg2[%add3A_53, %dma_wait3A_58] : memref<131072x128xf32, #tpu.memory_space<hbm>> -> memref<128x128xf32, #tpu.memory_space<hbm>>
    %dma_wait3A_60 = arith.constant 0 : i32
    %dma_wait3A_61 = tpu.memref_slice %arg2[%add3A_53, %dma_wait3A_60] : memref<131072x128xf32, #tpu.memory_space<hbm>> -> memref<128x128xf32, #tpu.memory_space<hbm>>
    tpu.wait_dma2 semaphore(%arg9 : memref<!tpu.dma_semaphore, #tpu.memory_space<semaphore_mem>>) src(%dma_wait3A_61 : memref<128x128xf32, #tpu.memory_space<hbm>>) dst(%arg7 : memref<128x128xf32, #tpu.memory_space<vmem>>)
    %add3A_62 = arith.constant 128 : i32
    %add3A_63 = arith.addi %add3A_37, %add3A_62 : i32
    %dma_start3A_64 = arith.constant 0 : i32
    %dma_start3A_65 = tpu.memref_slice %arg4[%add3A_63, %dma_start3A_64] : memref<131072x128xf32, #tpu.memory_space<hbm>> -> memref<128x128xf32, #tpu.memory_space<hbm>>
    %dma_start3A_66 = arith.constant 0 : i32
    %dma_start3A_67 = tpu.memref_slice %arg4[%add3A_63, %dma_start3A_66] : memref<131072x128xf32, #tpu.memory_space<hbm>> -> memref<128x128xf32, #tpu.memory_space<hbm>>
    tpu.enqueue_dma source(%arg7 : memref<128x128xf32, #tpu.memory_space<vmem>>) target(%dma_start3A_67 : memref<128x128xf32, #tpu.memory_space<hbm>>) target_semaphore(%arg11 : memref<!tpu.dma_semaphore, #tpu.memory_space<semaphore_mem>>)
    %dma_wait3A_68 = arith.constant 0 : i32
    %dma_wait3A_69 = tpu.memref_slice %arg4[%add3A_47, %dma_wait3A_68] : memref<131072x128xf32, #tpu.memory_space<hbm>> -> memref<128x128xf32, #tpu.memory_space<hbm>>
    %dma_wait3A_70 = arith.constant 0 : i32
    %dma_wait3A_71 = tpu.memref_slice %arg4[%add3A_47, %dma_wait3A_70] : memref<131072x128xf32, #tpu.memory_space<hbm>> -> memref<128x128xf32, #tpu.memory_space<hbm>>
    tpu.wait_dma2 semaphore(%arg10 : memref<!tpu.dma_semaphore, #tpu.memory_space<semaphore_mem>>) src(%arg6 : memref<128x128xf32, #tpu.memory_space<vmem>>) dst(%dma_wait3A_71 : memref<128x128xf32, #tpu.memory_space<hbm>>)
    %add3A_72 = arith.constant 256 : i32
    %add3A_73 = arith.addi %add3A_37, %add3A_72 : i32
    %dma_start3A_74 = arith.constant 0 : i32
    %dma_start3A_75 = tpu.memref_slice %arg2[%add3A_73, %dma_start3A_74] : memref<131072x128xf32, #tpu.memory_space<hbm>> -> memref<128x128xf32, #tpu.memory_space<hbm>>
    %dma_start3A_76 = arith.constant 0 : i32
    %dma_start3A_77 = tpu.memref_slice %arg2[%add3A_73, %dma_start3A_76] : memref<131072x128xf32, #tpu.memory_space<hbm>> -> memref<128x128xf32, #tpu.memory_space<hbm>>
    tpu.enqueue_dma source(%dma_start3A_77 : memref<128x128xf32, #tpu.memory_space<hbm>>) target(%arg6 : memref<128x128xf32, #tpu.memory_space<vmem>>) target_semaphore(%arg8 : memref<!tpu.dma_semaphore, #tpu.memory_space<semaphore_mem>>)
    %dma_wait3A_78 = arith.constant 0 : i32
    %dma_wait3A_79 = tpu.memref_slice %arg2[%add3A_73, %dma_wait3A_78] : memref<131072x128xf32, #tpu.memory_space<hbm>> -> memref<128x128xf32, #tpu.memory_space<hbm>>
    %dma_wait3A_80 = arith.constant 0 : i32
    %dma_wait3A_81 = tpu.memref_slice %arg2[%add3A_73, %dma_wait3A_80] : memref<131072x128xf32, #tpu.memory_space<hbm>> -> memref<128x128xf32, #tpu.memory_space<hbm>>
    tpu.wait_dma2 semaphore(%arg8 : memref<!tpu.dma_semaphore, #tpu.memory_space<semaphore_mem>>) src(%dma_wait3A_81 : memref<128x128xf32, #tpu.memory_space<hbm>>) dst(%arg6 : memref<128x128xf32, #tpu.memory_space<vmem>>)
    %add3A_82 = arith.constant 256 : i32
    %add3A_83 = arith.addi %add3A_37, %add3A_82 : i32
    %dma_start3A_84 = arith.constant 0 : i32
    %dma_start3A_85 = tpu.memref_slice %arg4[%add3A_83, %dma_start3A_84] : memref<131072x128xf32, #tpu.memory_space<hbm>> -> memref<128x128xf32, #tpu.memory_space<hbm>>
    %dma_start3A_86 = arith.constant 0 : i32
    %dma_start3A_87 = tpu.memref_slice %arg4[%add3A_83, %dma_start3A_86] : memref<131072x128xf32, #tpu.memory_space<hbm>> -> memref<128x128xf32, #tpu.memory_space<hbm>>
    tpu.enqueue_dma source(%arg6 : memref<128x128xf32, #tpu.memory_space<vmem>>) target(%dma_start3A_87 : memref<128x128xf32, #tpu.memory_space<hbm>>) target_semaphore(%arg10 : memref<!tpu.dma_semaphore, #tpu.memory_space<semaphore_mem>>)
    %dma_wait3A_88 = arith.constant 0 : i32
    %dma_wait3A_89 = tpu.memref_slice %arg4[%add3A_63, %dma_wait3A_88] : memref<131072x128xf32, #tpu.memory_space<hbm>> -> memref<128x128xf32, #tpu.memory_space<hbm>>
    %dma_wait3A_90 = arith.constant 0 : i32
    %dma_wait3A_91 = tpu.memref_slice %arg4[%add3A_63, %dma_wait3A_90] : memref<131072x128xf32, #tpu.memory_space<hbm>> -> memref<128x128xf32, #tpu.memory_space<hbm>>
    tpu.wait_dma2 semaphore(%arg11 : memref<!tpu.dma_semaphore, #tpu.memory_space<semaphore_mem>>) src(%arg7 : memref<128x128xf32, #tpu.memory_space<vmem>>) dst(%dma_wait3A_91 : memref<128x128xf32, #tpu.memory_space<hbm>>)
    %add3A_92 = arith.constant 384 : i32
    %add3A_93 = arith.addi %add3A_37, %add3A_92 : i32
    %dma_start3A_94 = arith.constant 0 : i32
    %dma_start3A_95 = tpu.memref_slice %arg2[%add3A_93, %dma_start3A_94] : memref<131072x128xf32, #tpu.memory_space<hbm>> -> memref<128x128xf32, #tpu.memory_space<hbm>>
    %dma_start3A_96 = arith.constant 0 : i32
    %dma_start3A_97 = tpu.memref_slice %arg2[%add3A_93, %dma_start3A_96] : memref<131072x128xf32, #tpu.memory_space<hbm>> -> memref<128x128xf32, #tpu.memory_space<hbm>>
    tpu.enqueue_dma source(%dma_start3A_97 : memref<128x128xf32, #tpu.memory_space<hbm>>) target(%arg7 : memref<128x128xf32, #tpu.memory_space<vmem>>) target_semaphore(%arg9 : memref<!tpu.dma_semaphore, #tpu.memory_space<semaphore_mem>>)
    %dma_wait3A_98 = arith.constant 0 : i32
    %dma_wait3A_99 = tpu.memref_slice %arg2[%add3A_93, %dma_wait3A_98] : memref<131072x128xf32, #tpu.memory_space<hbm>> -> memref<128x128xf32, #tpu.memory_space<hbm>>
    %dma_wait3A_100 = arith.constant 0 : i32
    %dma_wait3A_101 = tpu.memref_slice %arg2[%add3A_93, %dma_wait3A_100] : memref<131072x128xf32, #tpu.memory_space<hbm>> -> memref<128x128xf32, #tpu.memory_space<hbm>>
    tpu.wait_dma2 semaphore(%arg9 : memref<!tpu.dma_semaphore, #tpu.memory_space<semaphore_mem>>) src(%dma_wait3A_101 : memref<128x128xf32, #tpu.memory_space<hbm>>) dst(%arg7 : memref<128x128xf32, #tpu.memory_space<vmem>>)
    %add3A_102 = arith.constant 384 : i32
    %add3A_103 = arith.addi %add3A_37, %add3A_102 : i32
    %dma_start3A_104 = arith.constant 0 : i32
    %dma_start3A_105 = tpu.memref_slice %arg4[%add3A_103, %dma_start3A_104] : memref<131072x128xf32, #tpu.memory_space<hbm>> -> memref<128x128xf32, #tpu.memory_space<hbm>>
    %dma_start3A_106 = arith.constant 0 : i32
    %dma_start3A_107 = tpu.memref_slice %arg4[%add3A_103, %dma_start3A_106] : memref<131072x128xf32, #tpu.memory_space<hbm>> -> memref<128x128xf32, #tpu.memory_space<hbm>>
    tpu.enqueue_dma source(%arg7 : memref<128x128xf32, #tpu.memory_space<vmem>>) target(%dma_start3A_107 : memref<128x128xf32, #tpu.memory_space<hbm>>) target_semaphore(%arg11 : memref<!tpu.dma_semaphore, #tpu.memory_space<semaphore_mem>>)
    %dma_wait3A_108 = arith.constant 0 : i32
    %dma_wait3A_109 = tpu.memref_slice %arg4[%add3A_83, %dma_wait3A_108] : memref<131072x128xf32, #tpu.memory_space<hbm>> -> memref<128x128xf32, #tpu.memory_space<hbm>>
    %dma_wait3A_110 = arith.constant 0 : i32
    %dma_wait3A_111 = tpu.memref_slice %arg4[%add3A_83, %dma_wait3A_110] : memref<131072x128xf32, #tpu.memory_space<hbm>> -> memref<128x128xf32, #tpu.memory_space<hbm>>
    tpu.wait_dma2 semaphore(%arg10 : memref<!tpu.dma_semaphore, #tpu.memory_space<semaphore_mem>>) src(%arg6 : memref<128x128xf32, #tpu.memory_space<vmem>>) dst(%dma_wait3A_111 : memref<128x128xf32, #tpu.memory_space<hbm>>)
    %add3A_112 = arith.constant 512 : i32
    %add3A_113 = arith.addi %add3A_37, %add3A_112 : i32
    %dma_start3A_114 = arith.constant 0 : i32
    %dma_start3A_115 = tpu.memref_slice %arg2[%add3A_113, %dma_start3A_114] : memref<131072x128xf32, #tpu.memory_space<hbm>> -> memref<128x128xf32, #tpu.memory_space<hbm>>
    %dma_start3A_116 = arith.constant 0 : i32
    %dma_start3A_117 = tpu.memref_slice %arg2[%add3A_113, %dma_start3A_116] : memref<131072x128xf32, #tpu.memory_space<hbm>> -> memref<128x128xf32, #tpu.memory_space<hbm>>
    tpu.enqueue_dma source(%dma_start3A_117 : memref<128x128xf32, #tpu.memory_space<hbm>>) target(%arg6 : memref<128x128xf32, #tpu.memory_space<vmem>>) target_semaphore(%arg8 : memref<!tpu.dma_semaphore, #tpu.memory_space<semaphore_mem>>)
    %dma_wait3A_118 = arith.constant 0 : i32
    %dma_wait3A_119 = tpu.memref_slice %arg2[%add3A_113, %dma_wait3A_118] : memref<131072x128xf32, #tpu.memory_space<hbm>> -> memref<128x128xf32, #tpu.memory_space<hbm>>
    %dma_wait3A_120 = arith.constant 0 : i32
    %dma_wait3A_121 = tpu.memref_slice %arg2[%add3A_113, %dma_wait3A_120] : memref<131072x128xf32, #tpu.memory_space<hbm>> -> memref<128x128xf32, #tpu.memory_space<hbm>>
    tpu.wait_dma2 semaphore(%arg8 : memref<!tpu.dma_semaphore, #tpu.memory_space<semaphore_mem>>) src(%dma_wait3A_121 : memref<128x128xf32, #tpu.memory_space<hbm>>) dst(%arg6 : memref<128x128xf32, #tpu.memory_space<vmem>>)
    %add3A_122 = arith.constant 512 : i32
    %add3A_123 = arith.addi %add3A_37, %add3A_122 : i32
    %dma_start3A_124 = arith.constant 0 : i32
    %dma_start3A_125 = tpu.memref_slice %arg4[%add3A_123, %dma_start3A_124] : memref<131072x128xf32, #tpu.memory_space<hbm>> -> memref<128x128xf32, #tpu.memory_space<hbm>>
    %dma_start3A_126 = arith.constant 0 : i32
    %dma_start3A_127 = tpu.memref_slice %arg4[%add3A_123, %dma_start3A_126] : memref<131072x128xf32, #tpu.memory_space<hbm>> -> memref<128x128xf32, #tpu.memory_space<hbm>>
    tpu.enqueue_dma source(%arg6 : memref<128x128xf32, #tpu.memory_space<vmem>>) target(%dma_start3A_127 : memref<128x128xf32, #tpu.memory_space<hbm>>) target_semaphore(%arg10 : memref<!tpu.dma_semaphore, #tpu.memory_space<semaphore_mem>>)
    %dma_wait3A_128 = arith.constant 0 : i32
    %dma_wait3A_129 = tpu.memref_slice %arg4[%add3A_103, %dma_wait3A_128] : memref<131072x128xf32, #tpu.memory_space<hbm>> -> memref<128x128xf32, #tpu.memory_space<hbm>>
    %dma_wait3A_130 = arith.constant 0 : i32
    %dma_wait3A_131 = tpu.memref_slice %arg4[%add3A_103, %dma_wait3A_130] : memref<131072x128xf32, #tpu.memory_space<hbm>> -> memref<128x128xf32, #tpu.memory_space<hbm>>
    tpu.wait_dma2 semaphore(%arg11 : memref<!tpu.dma_semaphore, #tpu.memory_space<semaphore_mem>>) src(%arg7 : memref<128x128xf32, #tpu.memory_space<vmem>>) dst(%dma_wait3A_131 : memref<128x128xf32, #tpu.memory_space<hbm>>)
    %add3A_132 = arith.constant 640 : i32
    %add3A_133 = arith.addi %add3A_37, %add3A_132 : i32
    %dma_start3A_134 = arith.constant 0 : i32
    %dma_start3A_135 = tpu.memref_slice %arg2[%add3A_133, %dma_start3A_134] : memref<131072x128xf32, #tpu.memory_space<hbm>> -> memref<128x128xf32, #tpu.memory_space<hbm>>
    %dma_start3A_136 = arith.constant 0 : i32
    %dma_start3A_137 = tpu.memref_slice %arg2[%add3A_133, %dma_start3A_136] : memref<131072x128xf32, #tpu.memory_space<hbm>> -> memref<128x128xf32, #tpu.memory_space<hbm>>
    tpu.enqueue_dma source(%dma_start3A_137 : memref<128x128xf32, #tpu.memory_space<hbm>>) target(%arg7 : memref<128x128xf32, #tpu.memory_space<vmem>>) target_semaphore(%arg9 : memref<!tpu.dma_semaphore, #tpu.memory_space<semaphore_mem>>)
    %dma_wait3A_138 = arith.constant 0 : i32
    %dma_wait3A_139 = tpu.memref_slice %arg2[%add3A_133, %dma_wait3A_138] : memref<131072x128xf32, #tpu.memory_space<hbm>> -> memref<128x128xf32, #tpu.memory_space<hbm>>
    %dma_wait3A_140 = arith.constant 0 : i32
    %dma_wait3A_141 = tpu.memref_slice %arg2[%add3A_133, %dma_wait3A_140] : memref<131072x128xf32, #tpu.memory_space<hbm>> -> memref<128x128xf32, #tpu.memory_space<hbm>>
    tpu.wait_dma2 semaphore(%arg9 : memref<!tpu.dma_semaphore, #tpu.memory_space<semaphore_mem>>) src(%dma_wait3A_141 : memref<128x128xf32, #tpu.memory_space<hbm>>) dst(%arg7 : memref<128x128xf32, #tpu.memory_space<vmem>>)
    %add3A_142 = arith.constant 640 : i32
    %add3A_143 = arith.addi %add3A_37, %add3A_142 : i32
    %dma_start3A_144 = arith.constant 0 : i32
    %dma_start3A_145 = tpu.memref_slice %arg4[%add3A_143, %dma_start3A_144] : memref<131072x128xf32, #tpu.memory_space<hbm>> -> memref<128x128xf32, #tpu.memory_space<hbm>>
    %dma_start3A_146 = arith.constant 0 : i32
    %dma_start3A_147 = tpu.memref_slice %arg4[%add3A_143, %dma_start3A_146] : memref<131072x128xf32, #tpu.memory_space<hbm>> -> memref<128x128xf32, #tpu.memory_space<hbm>>
    tpu.enqueue_dma source(%arg7 : memref<128x128xf32, #tpu.memory_space<vmem>>) target(%dma_start3A_147 : memref<128x128xf32, #tpu.memory_space<hbm>>) target_semaphore(%arg11 : memref<!tpu.dma_semaphore, #tpu.memory_space<semaphore_mem>>)
    %dma_wait3A_148 = arith.constant 0 : i32
    %dma_wait3A_149 = tpu.memref_slice %arg4[%add3A_123, %dma_wait3A_148] : memref<131072x128xf32, #tpu.memory_space<hbm>> -> memref<128x128xf32, #tpu.memory_space<hbm>>
    %dma_wait3A_150 = arith.constant 0 : i32
    %dma_wait3A_151 = tpu.memref_slice %arg4[%add3A_123, %dma_wait3A_150] : memref<131072x128xf32, #tpu.memory_space<hbm>> -> memref<128x128xf32, #tpu.memory_space<hbm>>
    tpu.wait_dma2 semaphore(%arg10 : memref<!tpu.dma_semaphore, #tpu.memory_space<semaphore_mem>>) src(%arg6 : memref<128x128xf32, #tpu.memory_space<vmem>>) dst(%dma_wait3A_151 : memref<128x128xf32, #tpu.memory_space<hbm>>)
    %add3A_152 = arith.constant 768 : i32
    %add3A_153 = arith.addi %add3A_37, %add3A_152 : i32
    %dma_start3A_154 = arith.constant 0 : i32
    %dma_start3A_155 = tpu.memref_slice %arg2[%add3A_153, %dma_start3A_154] : memref<131072x128xf32, #tpu.memory_space<hbm>> -> memref<128x128xf32, #tpu.memory_space<hbm>>
    %dma_start3A_156 = arith.constant 0 : i32
    %dma_start3A_157 = tpu.memref_slice %arg2[%add3A_153, %dma_start3A_156] : memref<131072x128xf32, #tpu.memory_space<hbm>> -> memref<128x128xf32, #tpu.memory_space<hbm>>
    tpu.enqueue_dma source(%dma_start3A_157 : memref<128x128xf32, #tpu.memory_space<hbm>>) target(%arg6 : memref<128x128xf32, #tpu.memory_space<vmem>>) target_semaphore(%arg8 : memref<!tpu.dma_semaphore, #tpu.memory_space<semaphore_mem>>)
    %dma_wait3A_158 = arith.constant 0 : i32
    %dma_wait3A_159 = tpu.memref_slice %arg2[%add3A_153, %dma_wait3A_158] : memref<131072x128xf32, #tpu.memory_space<hbm>> -> memref<128x128xf32, #tpu.memory_space<hbm>>
    %dma_wait3A_160 = arith.constant 0 : i32
    %dma_wait3A_161 = tpu.memref_slice %arg2[%add3A_153, %dma_wait3A_160] : memref<131072x128xf32, #tpu.memory_space<hbm>> -> memref<128x128xf32, #tpu.memory_space<hbm>>
    tpu.wait_dma2 semaphore(%arg8 : memref<!tpu.dma_semaphore, #tpu.memory_space<semaphore_mem>>) src(%dma_wait3A_161 : memref<128x128xf32, #tpu.memory_space<hbm>>) dst(%arg6 : memref<128x128xf32, #tpu.memory_space<vmem>>)
    %add3A_162 = arith.constant 768 : i32
    %add3A_163 = arith.addi %add3A_37, %add3A_162 : i32
    %dma_start3A_164 = arith.constant 0 : i32
    %dma_start3A_165 = tpu.memref_slice %arg4[%add3A_163, %dma_start3A_164] : memref<131072x128xf32, #tpu.memory_space<hbm>> -> memref<128x128xf32, #tpu.memory_space<hbm>>
    %dma_start3A_166 = arith.constant 0 : i32
    %dma_start3A_167 = tpu.memref_slice %arg4[%add3A_163, %dma_start3A_166] : memref<131072x128xf32, #tpu.memory_space<hbm>> -> memref<128x128xf32, #tpu.memory_space<hbm>>
    tpu.enqueue_dma source(%arg6 : memref<128x128xf32, #tpu.memory_space<vmem>>) target(%dma_start3A_167 : memref<128x128xf32, #tpu.memory_space<hbm>>) target_semaphore(%arg10 : memref<!tpu.dma_semaphore, #tpu.memory_space<semaphore_mem>>)
    %dma_wait3A_168 = arith.constant 0 : i32
    %dma_wait3A_169 = tpu.memref_slice %arg4[%add3A_143, %dma_wait3A_168] : memref<131072x128xf32, #tpu.memory_space<hbm>> -> memref<128x128xf32, #tpu.memory_space<hbm>>
    %dma_wait3A_170 = arith.constant 0 : i32
    %dma_wait3A_171 = tpu.memref_slice %arg4[%add3A_143, %dma_wait3A_170] : memref<131072x128xf32, #tpu.memory_space<hbm>> -> memref<128x128xf32, #tpu.memory_space<hbm>>
    tpu.wait_dma2 semaphore(%arg11 : memref<!tpu.dma_semaphore, #tpu.memory_space<semaphore_mem>>) src(%arg7 : memref<128x128xf32, #tpu.memory_space<vmem>>) dst(%dma_wait3A_171 : memref<128x128xf32, #tpu.memory_space<hbm>>)
    %add3A_172 = arith.constant 896 : i32
    %add3A_173 = arith.addi %add3A_37, %add3A_172 : i32
    %dma_start3A_174 = arith.constant 0 : i32
    %dma_start3A_175 = tpu.memref_slice %arg2[%add3A_173, %dma_start3A_174] : memref<131072x128xf32, #tpu.memory_space<hbm>> -> memref<128x128xf32, #tpu.memory_space<hbm>>
    %dma_start3A_176 = arith.constant 0 : i32
    %dma_start3A_177 = tpu.memref_slice %arg2[%add3A_173, %dma_start3A_176] : memref<131072x128xf32, #tpu.memory_space<hbm>> -> memref<128x128xf32, #tpu.memory_space<hbm>>
    tpu.enqueue_dma source(%dma_start3A_177 : memref<128x128xf32, #tpu.memory_space<hbm>>) target(%arg7 : memref<128x128xf32, #tpu.memory_space<vmem>>) target_semaphore(%arg9 : memref<!tpu.dma_semaphore, #tpu.memory_space<semaphore_mem>>)
    %dma_wait3A_178 = arith.constant 0 : i32
    %dma_wait3A_179 = tpu.memref_slice %arg2[%add3A_173, %dma_wait3A_178] : memref<131072x128xf32, #tpu.memory_space<hbm>> -> memref<128x128xf32, #tpu.memory_space<hbm>>
    %dma_wait3A_180 = arith.constant 0 : i32
    %dma_wait3A_181 = tpu.memref_slice %arg2[%add3A_173, %dma_wait3A_180] : memref<131072x128xf32, #tpu.memory_space<hbm>> -> memref<128x128xf32, #tpu.memory_space<hbm>>
    tpu.wait_dma2 semaphore(%arg9 : memref<!tpu.dma_semaphore, #tpu.memory_space<semaphore_mem>>) src(%dma_wait3A_181 : memref<128x128xf32, #tpu.memory_space<hbm>>) dst(%arg7 : memref<128x128xf32, #tpu.memory_space<vmem>>)
    %add3A_182 = arith.constant 896 : i32
    %add3A_183 = arith.addi %add3A_37, %add3A_182 : i32
    %dma_start3A_184 = arith.constant 0 : i32
    %dma_start3A_185 = tpu.memref_slice %arg4[%add3A_183, %dma_start3A_184] : memref<131072x128xf32, #tpu.memory_space<hbm>> -> memref<128x128xf32, #tpu.memory_space<hbm>>
    %dma_start3A_186 = arith.constant 0 : i32
    %dma_start3A_187 = tpu.memref_slice %arg4[%add3A_183, %dma_start3A_186] : memref<131072x128xf32, #tpu.memory_space<hbm>> -> memref<128x128xf32, #tpu.memory_space<hbm>>
    tpu.enqueue_dma source(%arg7 : memref<128x128xf32, #tpu.memory_space<vmem>>) target(%dma_start3A_187 : memref<128x128xf32, #tpu.memory_space<hbm>>) target_semaphore(%arg11 : memref<!tpu.dma_semaphore, #tpu.memory_space<semaphore_mem>>)
    %dma_wait3A_188 = arith.constant 0 : i32
    %dma_wait3A_189 = tpu.memref_slice %arg4[%add3A_163, %dma_wait3A_188] : memref<131072x128xf32, #tpu.memory_space<hbm>> -> memref<128x128xf32, #tpu.memory_space<hbm>>
    %dma_wait3A_190 = arith.constant 0 : i32
    %dma_wait3A_191 = tpu.memref_slice %arg4[%add3A_163, %dma_wait3A_190] : memref<131072x128xf32, #tpu.memory_space<hbm>> -> memref<128x128xf32, #tpu.memory_space<hbm>>
    tpu.wait_dma2 semaphore(%arg10 : memref<!tpu.dma_semaphore, #tpu.memory_space<semaphore_mem>>) src(%arg6 : memref<128x128xf32, #tpu.memory_space<vmem>>) dst(%dma_wait3A_191 : memref<128x128xf32, #tpu.memory_space<hbm>>)
    %add3A_192 = arith.constant 1024 : i32
    %add3A_193 = arith.addi %add3A_37, %add3A_192 : i32
    %dma_start3A_194 = arith.constant 0 : i32
    %dma_start3A_195 = tpu.memref_slice %arg2[%add3A_193, %dma_start3A_194] : memref<131072x128xf32, #tpu.memory_space<hbm>> -> memref<128x128xf32, #tpu.memory_space<hbm>>
    %dma_start3A_196 = arith.constant 0 : i32
    %dma_start3A_197 = tpu.memref_slice %arg2[%add3A_193, %dma_start3A_196] : memref<131072x128xf32, #tpu.memory_space<hbm>> -> memref<128x128xf32, #tpu.memory_space<hbm>>
    tpu.enqueue_dma source(%dma_start3A_197 : memref<128x128xf32, #tpu.memory_space<hbm>>) target(%arg6 : memref<128x128xf32, #tpu.memory_space<vmem>>) target_semaphore(%arg8 : memref<!tpu.dma_semaphore, #tpu.memory_space<semaphore_mem>>)
    %dma_wait3A_198 = arith.constant 0 : i32
    %dma_wait3A_199 = tpu.memref_slice %arg2[%add3A_193, %dma_wait3A_198] : memref<131072x128xf32, #tpu.memory_space<hbm>> -> memref<128x128xf32, #tpu.memory_space<hbm>>
    %dma_wait3A_200 = arith.constant 0 : i32
    %dma_wait3A_201 = tpu.memref_slice %arg2[%add3A_193, %dma_wait3A_200] : memref<131072x128xf32, #tpu.memory_space<hbm>> -> memref<128x128xf32, #tpu.memory_space<hbm>>
    tpu.wait_dma2 semaphore(%arg8 : memref<!tpu.dma_semaphore, #tpu.memory_space<semaphore_mem>>) src(%dma_wait3A_201 : memref<128x128xf32, #tpu.memory_space<hbm>>) dst(%arg6 : memref<128x128xf32, #tpu.memory_space<vmem>>)
    %add3A_202 = arith.constant 1024 : i32
    %add3A_203 = arith.addi %add3A_37, %add3A_202 : i32
    %dma_start3A_204 = arith.constant 0 : i32
    %dma_start3A_205 = tpu.memref_slice %arg4[%add3A_203, %dma_start3A_204] : memref<131072x128xf32, #tpu.memory_space<hbm>> -> memref<128x128xf32, #tpu.memory_space<hbm>>
    %dma_start3A_206 = arith.constant 0 : i32
    %dma_start3A_207 = tpu.memref_slice %arg4[%add3A_203, %dma_start3A_206] : memref<131072x128xf32, #tpu.memory_space<hbm>> -> memref<128x128xf32, #tpu.memory_space<hbm>>
    tpu.enqueue_dma source(%arg6 : memref<128x128xf32, #tpu.memory_space<vmem>>) target(%dma_start3A_207 : memref<128x128xf32, #tpu.memory_space<hbm>>) target_semaphore(%arg10 : memref<!tpu.dma_semaphore, #tpu.memory_space<semaphore_mem>>)
    %dma_wait3A_208 = arith.constant 0 : i32
    %dma_wait3A_209 = tpu.memref_slice %arg4[%add3A_183, %dma_wait3A_208] : memref<131072x128xf32, #tpu.memory_space<hbm>> -> memref<128x128xf32, #tpu.memory_space<hbm>>
    %dma_wait3A_210 = arith.constant 0 : i32
    %dma_wait3A_211 = tpu.memref_slice %arg4[%add3A_183, %dma_wait3A_210] : memref<131072x128xf32, #tpu.memory_space<hbm>> -> memref<128x128xf32, #tpu.memory_space<hbm>>
    tpu.wait_dma2 semaphore(%arg11 : memref<!tpu.dma_semaphore, #tpu.memory_space<semaphore_mem>>) src(%arg7 : memref<128x128xf32, #tpu.memory_space<vmem>>) dst(%dma_wait3A_211 : memref<128x128xf32, #tpu.memory_space<hbm>>)
    %add3A_212 = arith.constant 1152 : i32
    %add3A_213 = arith.addi %add3A_37, %add3A_212 : i32
    %dma_start3A_214 = arith.constant 0 : i32
    %dma_start3A_215 = tpu.memref_slice %arg2[%add3A_213, %dma_start3A_214] : memref<131072x128xf32, #tpu.memory_space<hbm>> -> memref<128x128xf32, #tpu.memory_space<hbm>>
    %dma_start3A_216 = arith.constant 0 : i32
    %dma_start3A_217 = tpu.memref_slice %arg2[%add3A_213, %dma_start3A_216] : memref<131072x128xf32, #tpu.memory_space<hbm>> -> memref<128x128xf32, #tpu.memory_space<hbm>>
    tpu.enqueue_dma source(%dma_start3A_217 : memref<128x128xf32, #tpu.memory_space<hbm>>) target(%arg7 : memref<128x128xf32, #tpu.memory_space<vmem>>) target_semaphore(%arg9 : memref<!tpu.dma_semaphore, #tpu.memory_space<semaphore_mem>>)
    %dma_wait3A_218 = arith.constant 0 : i32
    %dma_wait3A_219 = tpu.memref_slice %arg2[%add3A_213, %dma_wait3A_218] : memref<131072x128xf32, #tpu.memory_space<hbm>> -> memref<128x128xf32, #tpu.memory_space<hbm>>
    %dma_wait3A_220 = arith.constant 0 : i32
    %dma_wait3A_221 = tpu.memref_slice %arg2[%add3A_213, %dma_wait3A_220] : memref<131072x128xf32, #tpu.memory_space<hbm>> -> memref<128x128xf32, #tpu.memory_space<hbm>>
    tpu.wait_dma2 semaphore(%arg9 : memref<!tpu.dma_semaphore, #tpu.memory_space<semaphore_mem>>) src(%dma_wait3A_221 : memref<128x128xf32, #tpu.memory_space<hbm>>) dst(%arg7 : memref<128x128xf32, #tpu.memory_space<vmem>>)
    %add3A_222 = arith.constant 1152 : i32
    %add3A_223 = arith.addi %add3A_37, %add3A_222 : i32
    %dma_start3A_224 = arith.constant 0 : i32
    %dma_start3A_225 = tpu.memref_slice %arg4[%add3A_223, %dma_start3A_224] : memref<131072x128xf32, #tpu.memory_space<hbm>> -> memref<128x128xf32, #tpu.memory_space<hbm>>
    %dma_start3A_226 = arith.constant 0 : i32
    %dma_start3A_227 = tpu.memref_slice %arg4[%add3A_223, %dma_start3A_226] : memref<131072x128xf32, #tpu.memory_space<hbm>> -> memref<128x128xf32, #tpu.memory_space<hbm>>
    tpu.enqueue_dma source(%arg7 : memref<128x128xf32, #tpu.memory_space<vmem>>) target(%dma_start3A_227 : memref<128x128xf32, #tpu.memory_space<hbm>>) target_semaphore(%arg11 : memref<!tpu.dma_semaphore, #tpu.memory_space<semaphore_mem>>)
    %dma_wait3A_228 = arith.constant 0 : i32
    %dma_wait3A_229 = tpu.memref_slice %arg4[%add3A_203, %dma_wait3A_228] : memref<131072x128xf32, #tpu.memory_space<hbm>> -> memref<128x128xf32, #tpu.memory_space<hbm>>
    %dma_wait3A_230 = arith.constant 0 : i32
    %dma_wait3A_231 = tpu.memref_slice %arg4[%add3A_203, %dma_wait3A_230] : memref<131072x128xf32, #tpu.memory_space<hbm>> -> memref<128x128xf32, #tpu.memory_space<hbm>>
    tpu.wait_dma2 semaphore(%arg10 : memref<!tpu.dma_semaphore, #tpu.memory_space<semaphore_mem>>) src(%arg6 : memref<128x128xf32, #tpu.memory_space<vmem>>) dst(%dma_wait3A_231 : memref<128x128xf32, #tpu.memory_space<hbm>>)
    %add3A_232 = arith.constant 1280 : i32
    %add3A_233 = arith.addi %add3A_37, %add3A_232 : i32
    %dma_start3A_234 = arith.constant 0 : i32
    %dma_start3A_235 = tpu.memref_slice %arg2[%add3A_233, %dma_start3A_234] : memref<131072x128xf32, #tpu.memory_space<hbm>> -> memref<128x128xf32, #tpu.memory_space<hbm>>
    %dma_start3A_236 = arith.constant 0 : i32
    %dma_start3A_237 = tpu.memref_slice %arg2[%add3A_233, %dma_start3A_236] : memref<131072x128xf32, #tpu.memory_space<hbm>> -> memref<128x128xf32, #tpu.memory_space<hbm>>
    tpu.enqueue_dma source(%dma_start3A_237 : memref<128x128xf32, #tpu.memory_space<hbm>>) target(%arg6 : memref<128x128xf32, #tpu.memory_space<vmem>>) target_semaphore(%arg8 : memref<!tpu.dma_semaphore, #tpu.memory_space<semaphore_mem>>)
    %dma_wait3A_238 = arith.constant 0 : i32
    %dma_wait3A_239 = tpu.memref_slice %arg2[%add3A_233, %dma_wait3A_238] : memref<131072x128xf32, #tpu.memory_space<hbm>> -> memref<128x128xf32, #tpu.memory_space<hbm>>
    %dma_wait3A_240 = arith.constant 0 : i32
    %dma_wait3A_241 = tpu.memref_slice %arg2[%add3A_233, %dma_wait3A_240] : memref<131072x128xf32, #tpu.memory_space<hbm>> -> memref<128x128xf32, #tpu.memory_space<hbm>>
    tpu.wait_dma2 semaphore(%arg8 : memref<!tpu.dma_semaphore, #tpu.memory_space<semaphore_mem>>) src(%dma_wait3A_241 : memref<128x128xf32, #tpu.memory_space<hbm>>) dst(%arg6 : memref<128x128xf32, #tpu.memory_space<vmem>>)
    %add3A_242 = arith.constant 1280 : i32
    %add3A_243 = arith.addi %add3A_37, %add3A_242 : i32
    %dma_start3A_244 = arith.constant 0 : i32
    %dma_start3A_245 = tpu.memref_slice %arg4[%add3A_243, %dma_start3A_244] : memref<131072x128xf32, #tpu.memory_space<hbm>> -> memref<128x128xf32, #tpu.memory_space<hbm>>
    %dma_start3A_246 = arith.constant 0 : i32
    %dma_start3A_247 = tpu.memref_slice %arg4[%add3A_243, %dma_start3A_246] : memref<131072x128xf32, #tpu.memory_space<hbm>> -> memref<128x128xf32, #tpu.memory_space<hbm>>
    tpu.enqueue_dma source(%arg6 : memref<128x128xf32, #tpu.memory_space<vmem>>) target(%dma_start3A_247 : memref<128x128xf32, #tpu.memory_space<hbm>>) target_semaphore(%arg10 : memref<!tpu.dma_semaphore, #tpu.memory_space<semaphore_mem>>)
    %dma_wait3A_248 = arith.constant 0 : i32
    %dma_wait3A_249 = tpu.memref_slice %arg4[%add3A_223, %dma_wait3A_248] : memref<131072x128xf32, #tpu.memory_space<hbm>> -> memref<128x128xf32, #tpu.memory_space<hbm>>
    %dma_wait3A_250 = arith.constant 0 : i32
    %dma_wait3A_251 = tpu.memref_slice %arg4[%add3A_223, %dma_wait3A_250] : memref<131072x128xf32, #tpu.memory_space<hbm>> -> memref<128x128xf32, #tpu.memory_space<hbm>>
    tpu.wait_dma2 semaphore(%arg11 : memref<!tpu.dma_semaphore, #tpu.memory_space<semaphore_mem>>) src(%arg7 : memref<128x128xf32, #tpu.memory_space<vmem>>) dst(%dma_wait3A_251 : memref<128x128xf32, #tpu.memory_space<hbm>>)
    %add3A_252 = arith.constant 1408 : i32
    %add3A_253 = arith.addi %add3A_37, %add3A_252 : i32
    %dma_start3A_254 = arith.constant 0 : i32
    %dma_start3A_255 = tpu.memref_slice %arg2[%add3A_253, %dma_start3A_254] : memref<131072x128xf32, #tpu.memory_space<hbm>> -> memref<128x128xf32, #tpu.memory_space<hbm>>
    %dma_start3A_256 = arith.constant 0 : i32
    %dma_start3A_257 = tpu.memref_slice %arg2[%add3A_253, %dma_start3A_256] : memref<131072x128xf32, #tpu.memory_space<hbm>> -> memref<128x128xf32, #tpu.memory_space<hbm>>
    tpu.enqueue_dma source(%dma_start3A_257 : memref<128x128xf32, #tpu.memory_space<hbm>>) target(%arg7 : memref<128x128xf32, #tpu.memory_space<vmem>>) target_semaphore(%arg9 : memref<!tpu.dma_semaphore, #tpu.memory_space<semaphore_mem>>)
    %dma_wait3A_258 = arith.constant 0 : i32
    %dma_wait3A_259 = tpu.memref_slice %arg2[%add3A_253, %dma_wait3A_258] : memref<131072x128xf32, #tpu.memory_space<hbm>> -> memref<128x128xf32, #tpu.memory_space<hbm>>
    %dma_wait3A_260 = arith.constant 0 : i32
    %dma_wait3A_261 = tpu.memref_slice %arg2[%add3A_253, %dma_wait3A_260] : memref<131072x128xf32, #tpu.memory_space<hbm>> -> memref<128x128xf32, #tpu.memory_space<hbm>>
    tpu.wait_dma2 semaphore(%arg9 : memref<!tpu.dma_semaphore, #tpu.memory_space<semaphore_mem>>) src(%dma_wait3A_261 : memref<128x128xf32, #tpu.memory_space<hbm>>) dst(%arg7 : memref<128x128xf32, #tpu.memory_space<vmem>>)
    %add3A_262 = arith.constant 1408 : i32
    %add3A_263 = arith.addi %add3A_37, %add3A_262 : i32
    %dma_start3A_264 = arith.constant 0 : i32
    %dma_start3A_265 = tpu.memref_slice %arg4[%add3A_263, %dma_start3A_264] : memref<131072x128xf32, #tpu.memory_space<hbm>> -> memref<128x128xf32, #tpu.memory_space<hbm>>
    %dma_start3A_266 = arith.constant 0 : i32
    %dma_start3A_267 = tpu.memref_slice %arg4[%add3A_263, %dma_start3A_266] : memref<131072x128xf32, #tpu.memory_space<hbm>> -> memref<128x128xf32, #tpu.memory_space<hbm>>
    tpu.enqueue_dma source(%arg7 : memref<128x128xf32, #tpu.memory_space<vmem>>) target(%dma_start3A_267 : memref<128x128xf32, #tpu.memory_space<hbm>>) target_semaphore(%arg11 : memref<!tpu.dma_semaphore, #tpu.memory_space<semaphore_mem>>)
    %dma_wait3A_268 = arith.constant 0 : i32
    %dma_wait3A_269 = tpu.memref_slice %arg4[%add3A_243, %dma_wait3A_268] : memref<131072x128xf32, #tpu.memory_space<hbm>> -> memref<128x128xf32, #tpu.memory_space<hbm>>
    %dma_wait3A_270 = arith.constant 0 : i32
    %dma_wait3A_271 = tpu.memref_slice %arg4[%add3A_243, %dma_wait3A_270] : memref<131072x128xf32, #tpu.memory_space<hbm>> -> memref<128x128xf32, #tpu.memory_space<hbm>>
    tpu.wait_dma2 semaphore(%arg10 : memref<!tpu.dma_semaphore, #tpu.memory_space<semaphore_mem>>) src(%arg6 : memref<128x128xf32, #tpu.memory_space<vmem>>) dst(%dma_wait3A_271 : memref<128x128xf32, #tpu.memory_space<hbm>>)
    %add3A_272 = arith.constant 1536 : i32
    %add3A_273 = arith.addi %add3A_37, %add3A_272 : i32
    %dma_start3A_274 = arith.constant 0 : i32
    %dma_start3A_275 = tpu.memref_slice %arg2[%add3A_273, %dma_start3A_274] : memref<131072x128xf32, #tpu.memory_space<hbm>> -> memref<128x128xf32, #tpu.memory_space<hbm>>
    %dma_start3A_276 = arith.constant 0 : i32
    %dma_start3A_277 = tpu.memref_slice %arg2[%add3A_273, %dma_start3A_276] : memref<131072x128xf32, #tpu.memory_space<hbm>> -> memref<128x128xf32, #tpu.memory_space<hbm>>
    tpu.enqueue_dma source(%dma_start3A_277 : memref<128x128xf32, #tpu.memory_space<hbm>>) target(%arg6 : memref<128x128xf32, #tpu.memory_space<vmem>>) target_semaphore(%arg8 : memref<!tpu.dma_semaphore, #tpu.memory_space<semaphore_mem>>)
    %dma_wait3A_278 = arith.constant 0 : i32
    %dma_wait3A_279 = tpu.memref_slice %arg2[%add3A_273, %dma_wait3A_278] : memref<131072x128xf32, #tpu.memory_space<hbm>> -> memref<128x128xf32, #tpu.memory_space<hbm>>
    %dma_wait3A_280 = arith.constant 0 : i32
    %dma_wait3A_281 = tpu.memref_slice %arg2[%add3A_273, %dma_wait3A_280] : memref<131072x128xf32, #tpu.memory_space<hbm>> -> memref<128x128xf32, #tpu.memory_space<hbm>>
    tpu.wait_dma2 semaphore(%arg8 : memref<!tpu.dma_semaphore, #tpu.memory_space<semaphore_mem>>) src(%dma_wait3A_281 : memref<128x128xf32, #tpu.memory_space<hbm>>) dst(%arg6 : memref<128x128xf32, #tpu.memory_space<vmem>>)
    %add3A_282 = arith.constant 1536 : i32
    %add3A_283 = arith.addi %add3A_37, %add3A_282 : i32
    %dma_start3A_284 = arith.constant 0 : i32
    %dma_start3A_285 = tpu.memref_slice %arg4[%add3A_283, %dma_start3A_284] : memref<131072x128xf32, #tpu.memory_space<hbm>> -> memref<128x128xf32, #tpu.memory_space<hbm>>
    %dma_start3A_286 = arith.constant 0 : i32
    %dma_start3A_287 = tpu.memref_slice %arg4[%add3A_283, %dma_start3A_286] : memref<131072x128xf32, #tpu.memory_space<hbm>> -> memref<128x128xf32, #tpu.memory_space<hbm>>
    tpu.enqueue_dma source(%arg6 : memref<128x128xf32, #tpu.memory_space<vmem>>) target(%dma_start3A_287 : memref<128x128xf32, #tpu.memory_space<hbm>>) target_semaphore(%arg10 : memref<!tpu.dma_semaphore, #tpu.memory_space<semaphore_mem>>)
    %dma_wait3A_288 = arith.constant 0 : i32
    %dma_wait3A_289 = tpu.memref_slice %arg4[%add3A_263, %dma_wait3A_288] : memref<131072x128xf32, #tpu.memory_space<hbm>> -> memref<128x128xf32, #tpu.memory_space<hbm>>
    %dma_wait3A_290 = arith.constant 0 : i32
    %dma_wait3A_291 = tpu.memref_slice %arg4[%add3A_263, %dma_wait3A_290] : memref<131072x128xf32, #tpu.memory_space<hbm>> -> memref<128x128xf32, #tpu.memory_space<hbm>>
    tpu.wait_dma2 semaphore(%arg11 : memref<!tpu.dma_semaphore, #tpu.memory_space<semaphore_mem>>) src(%arg7 : memref<128x128xf32, #tpu.memory_space<vmem>>) dst(%dma_wait3A_291 : memref<128x128xf32, #tpu.memory_space<hbm>>)
    %add3A_292 = arith.constant 1664 : i32
    %add3A_293 = arith.addi %add3A_37, %add3A_292 : i32
    %dma_start3A_294 = arith.constant 0 : i32
    %dma_start3A_295 = tpu.memref_slice %arg2[%add3A_293, %dma_start3A_294] : memref<131072x128xf32, #tpu.memory_space<hbm>> -> memref<128x128xf32, #tpu.memory_space<hbm>>
    %dma_start3A_296 = arith.constant 0 : i32
    %dma_start3A_297 = tpu.memref_slice %arg2[%add3A_293, %dma_start3A_296] : memref<131072x128xf32, #tpu.memory_space<hbm>> -> memref<128x128xf32, #tpu.memory_space<hbm>>
    tpu.enqueue_dma source(%dma_start3A_297 : memref<128x128xf32, #tpu.memory_space<hbm>>) target(%arg7 : memref<128x128xf32, #tpu.memory_space<vmem>>) target_semaphore(%arg9 : memref<!tpu.dma_semaphore, #tpu.memory_space<semaphore_mem>>)
    %dma_wait3A_298 = arith.constant 0 : i32
    %dma_wait3A_299 = tpu.memref_slice %arg2[%add3A_293, %dma_wait3A_298] : memref<131072x128xf32, #tpu.memory_space<hbm>> -> memref<128x128xf32, #tpu.memory_space<hbm>>
    %dma_wait3A_300 = arith.constant 0 : i32
    %dma_wait3A_301 = tpu.memref_slice %arg2[%add3A_293, %dma_wait3A_300] : memref<131072x128xf32, #tpu.memory_space<hbm>> -> memref<128x128xf32, #tpu.memory_space<hbm>>
    tpu.wait_dma2 semaphore(%arg9 : memref<!tpu.dma_semaphore, #tpu.memory_space<semaphore_mem>>) src(%dma_wait3A_301 : memref<128x128xf32, #tpu.memory_space<hbm>>) dst(%arg7 : memref<128x128xf32, #tpu.memory_space<vmem>>)
    %add3A_302 = arith.constant 1664 : i32
    %add3A_303 = arith.addi %add3A_37, %add3A_302 : i32
    %dma_start3A_304 = arith.constant 0 : i32
    %dma_start3A_305 = tpu.memref_slice %arg4[%add3A_303, %dma_start3A_304] : memref<131072x128xf32, #tpu.memory_space<hbm>> -> memref<128x128xf32, #tpu.memory_space<hbm>>
    %dma_start3A_306 = arith.constant 0 : i32
    %dma_start3A_307 = tpu.memref_slice %arg4[%add3A_303, %dma_start3A_306] : memref<131072x128xf32, #tpu.memory_space<hbm>> -> memref<128x128xf32, #tpu.memory_space<hbm>>
    tpu.enqueue_dma source(%arg7 : memref<128x128xf32, #tpu.memory_space<vmem>>) target(%dma_start3A_307 : memref<128x128xf32, #tpu.memory_space<hbm>>) target_semaphore(%arg11 : memref<!tpu.dma_semaphore, #tpu.memory_space<semaphore_mem>>)
    %dma_wait3A_308 = arith.constant 0 : i32
    %dma_wait3A_309 = tpu.memref_slice %arg4[%add3A_283, %dma_wait3A_308] : memref<131072x128xf32, #tpu.memory_space<hbm>> -> memref<128x128xf32, #tpu.memory_space<hbm>>
    %dma_wait3A_310 = arith.constant 0 : i32
    %dma_wait3A_311 = tpu.memref_slice %arg4[%add3A_283, %dma_wait3A_310] : memref<131072x128xf32, #tpu.memory_space<hbm>> -> memref<128x128xf32, #tpu.memory_space<hbm>>
    tpu.wait_dma2 semaphore(%arg10 : memref<!tpu.dma_semaphore, #tpu.memory_space<semaphore_mem>>) src(%arg6 : memref<128x128xf32, #tpu.memory_space<vmem>>) dst(%dma_wait3A_311 : memref<128x128xf32, #tpu.memory_space<hbm>>)
    %add3A_312 = arith.constant 1792 : i32
    %add3A_313 = arith.addi %add3A_37, %add3A_312 : i32
    %dma_start3A_314 = arith.constant 0 : i32
    %dma_start3A_315 = tpu.memref_slice %arg2[%add3A_313, %dma_start3A_314] : memref<131072x128xf32, #tpu.memory_space<hbm>> -> memref<128x128xf32, #tpu.memory_space<hbm>>
    %dma_start3A_316 = arith.constant 0 : i32
    %dma_start3A_317 = tpu.memref_slice %arg2[%add3A_313, %dma_start3A_316] : memref<131072x128xf32, #tpu.memory_space<hbm>> -> memref<128x128xf32, #tpu.memory_space<hbm>>
    tpu.enqueue_dma source(%dma_start3A_317 : memref<128x128xf32, #tpu.memory_space<hbm>>) target(%arg6 : memref<128x128xf32, #tpu.memory_space<vmem>>) target_semaphore(%arg8 : memref<!tpu.dma_semaphore, #tpu.memory_space<semaphore_mem>>)
    %dma_wait3A_318 = arith.constant 0 : i32
    %dma_wait3A_319 = tpu.memref_slice %arg2[%add3A_313, %dma_wait3A_318] : memref<131072x128xf32, #tpu.memory_space<hbm>> -> memref<128x128xf32, #tpu.memory_space<hbm>>
    %dma_wait3A_320 = arith.constant 0 : i32
    %dma_wait3A_321 = tpu.memref_slice %arg2[%add3A_313, %dma_wait3A_320] : memref<131072x128xf32, #tpu.memory_space<hbm>> -> memref<128x128xf32, #tpu.memory_space<hbm>>
    tpu.wait_dma2 semaphore(%arg8 : memref<!tpu.dma_semaphore, #tpu.memory_space<semaphore_mem>>) src(%dma_wait3A_321 : memref<128x128xf32, #tpu.memory_space<hbm>>) dst(%arg6 : memref<128x128xf32, #tpu.memory_space<vmem>>)
    %add3A_322 = arith.constant 1792 : i32
    %add3A_323 = arith.addi %add3A_37, %add3A_322 : i32
    %dma_start3A_324 = arith.constant 0 : i32
    %dma_start3A_325 = tpu.memref_slice %arg4[%add3A_323, %dma_start3A_324] : memref<131072x128xf32, #tpu.memory_space<hbm>> -> memref<128x128xf32, #tpu.memory_space<hbm>>
    %dma_start3A_326 = arith.constant 0 : i32
    %dma_start3A_327 = tpu.memref_slice %arg4[%add3A_323, %dma_start3A_326] : memref<131072x128xf32, #tpu.memory_space<hbm>> -> memref<128x128xf32, #tpu.memory_space<hbm>>
    tpu.enqueue_dma source(%arg6 : memref<128x128xf32, #tpu.memory_space<vmem>>) target(%dma_start3A_327 : memref<128x128xf32, #tpu.memory_space<hbm>>) target_semaphore(%arg10 : memref<!tpu.dma_semaphore, #tpu.memory_space<semaphore_mem>>)
    %dma_wait3A_328 = arith.constant 0 : i32
    %dma_wait3A_329 = tpu.memref_slice %arg4[%add3A_303, %dma_wait3A_328] : memref<131072x128xf32, #tpu.memory_space<hbm>> -> memref<128x128xf32, #tpu.memory_space<hbm>>
    %dma_wait3A_330 = arith.constant 0 : i32
    %dma_wait3A_331 = tpu.memref_slice %arg4[%add3A_303, %dma_wait3A_330] : memref<131072x128xf32, #tpu.memory_space<hbm>> -> memref<128x128xf32, #tpu.memory_space<hbm>>
    tpu.wait_dma2 semaphore(%arg11 : memref<!tpu.dma_semaphore, #tpu.memory_space<semaphore_mem>>) src(%arg7 : memref<128x128xf32, #tpu.memory_space<vmem>>) dst(%dma_wait3A_331 : memref<128x128xf32, #tpu.memory_space<hbm>>)
    %add3A_332 = arith.constant 1920 : i32
    %add3A_333 = arith.addi %add3A_37, %add3A_332 : i32
    %dma_start3A_334 = arith.constant 0 : i32
    %dma_start3A_335 = tpu.memref_slice %arg2[%add3A_333, %dma_start3A_334] : memref<131072x128xf32, #tpu.memory_space<hbm>> -> memref<128x128xf32, #tpu.memory_space<hbm>>
    %dma_start3A_336 = arith.constant 0 : i32
    %dma_start3A_337 = tpu.memref_slice %arg2[%add3A_333, %dma_start3A_336] : memref<131072x128xf32, #tpu.memory_space<hbm>> -> memref<128x128xf32, #tpu.memory_space<hbm>>
    tpu.enqueue_dma source(%dma_start3A_337 : memref<128x128xf32, #tpu.memory_space<hbm>>) target(%arg7 : memref<128x128xf32, #tpu.memory_space<vmem>>) target_semaphore(%arg9 : memref<!tpu.dma_semaphore, #tpu.memory_space<semaphore_mem>>)
    %dma_wait3A_338 = arith.constant 0 : i32
    %dma_wait3A_339 = tpu.memref_slice %arg2[%add3A_333, %dma_wait3A_338] : memref<131072x128xf32, #tpu.memory_space<hbm>> -> memref<128x128xf32, #tpu.memory_space<hbm>>
    %dma_wait3A_340 = arith.constant 0 : i32
    %dma_wait3A_341 = tpu.memref_slice %arg2[%add3A_333, %dma_wait3A_340] : memref<131072x128xf32, #tpu.memory_space<hbm>> -> memref<128x128xf32, #tpu.memory_space<hbm>>
    tpu.wait_dma2 semaphore(%arg9 : memref<!tpu.dma_semaphore, #tpu.memory_space<semaphore_mem>>) src(%dma_wait3A_341 : memref<128x128xf32, #tpu.memory_space<hbm>>) dst(%arg7 : memref<128x128xf32, #tpu.memory_space<vmem>>)
    %add3A_342 = arith.constant 1920 : i32
    %add3A_343 = arith.addi %add3A_37, %add3A_342 : i32
    %dma_start3A_344 = arith.constant 0 : i32
    %dma_start3A_345 = tpu.memref_slice %arg4[%add3A_343, %dma_start3A_344] : memref<131072x128xf32, #tpu.memory_space<hbm>> -> memref<128x128xf32, #tpu.memory_space<hbm>>
    %dma_start3A_346 = arith.constant 0 : i32
    %dma_start3A_347 = tpu.memref_slice %arg4[%add3A_343, %dma_start3A_346] : memref<131072x128xf32, #tpu.memory_space<hbm>> -> memref<128x128xf32, #tpu.memory_space<hbm>>
    tpu.enqueue_dma source(%arg7 : memref<128x128xf32, #tpu.memory_space<vmem>>) target(%dma_start3A_347 : memref<128x128xf32, #tpu.memory_space<hbm>>) target_semaphore(%arg11 : memref<!tpu.dma_semaphore, #tpu.memory_space<semaphore_mem>>)
    %dma_wait3A_348 = arith.constant 0 : i32
    %dma_wait3A_349 = tpu.memref_slice %arg4[%add3A_323, %dma_wait3A_348] : memref<131072x128xf32, #tpu.memory_space<hbm>> -> memref<128x128xf32, #tpu.memory_space<hbm>>
    %dma_wait3A_350 = arith.constant 0 : i32
    %dma_wait3A_351 = tpu.memref_slice %arg4[%add3A_323, %dma_wait3A_350] : memref<131072x128xf32, #tpu.memory_space<hbm>> -> memref<128x128xf32, #tpu.memory_space<hbm>>
    tpu.wait_dma2 semaphore(%arg10 : memref<!tpu.dma_semaphore, #tpu.memory_space<semaphore_mem>>) src(%arg6 : memref<128x128xf32, #tpu.memory_space<vmem>>) dst(%dma_wait3A_351 : memref<128x128xf32, #tpu.memory_space<hbm>>)
    %add3A_352 = arith.constant 2048 : i32
    %add3A_353 = arith.addi %add3A_37, %add3A_352 : i32
    %dma_start3A_354 = arith.constant 0 : i32
    %dma_start3A_355 = tpu.memref_slice %arg2[%add3A_353, %dma_start3A_354] : memref<131072x128xf32, #tpu.memory_space<hbm>> -> memref<128x128xf32, #tpu.memory_space<hbm>>
    %dma_start3A_356 = arith.constant 0 : i32
    %dma_start3A_357 = tpu.memref_slice %arg2[%add3A_353, %dma_start3A_356] : memref<131072x128xf32, #tpu.memory_space<hbm>> -> memref<128x128xf32, #tpu.memory_space<hbm>>
    tpu.enqueue_dma source(%dma_start3A_357 : memref<128x128xf32, #tpu.memory_space<hbm>>) target(%arg6 : memref<128x128xf32, #tpu.memory_space<vmem>>) target_semaphore(%arg8 : memref<!tpu.dma_semaphore, #tpu.memory_space<semaphore_mem>>)
    %dma_wait3A_358 = arith.constant 0 : i32
    %dma_wait3A_359 = tpu.memref_slice %arg2[%add3A_353, %dma_wait3A_358] : memref<131072x128xf32, #tpu.memory_space<hbm>> -> memref<128x128xf32, #tpu.memory_space<hbm>>
    %dma_wait3A_360 = arith.constant 0 : i32
    %dma_wait3A_361 = tpu.memref_slice %arg2[%add3A_353, %dma_wait3A_360] : memref<131072x128xf32, #tpu.memory_space<hbm>> -> memref<128x128xf32, #tpu.memory_space<hbm>>
    tpu.wait_dma2 semaphore(%arg8 : memref<!tpu.dma_semaphore, #tpu.memory_space<semaphore_mem>>) src(%dma_wait3A_361 : memref<128x128xf32, #tpu.memory_space<hbm>>) dst(%arg6 : memref<128x128xf32, #tpu.memory_space<vmem>>)
    %add3A_362 = arith.constant 2048 : i32
    %add3A_363 = arith.addi %add3A_37, %add3A_362 : i32
    %dma_start3A_364 = arith.constant 0 : i32
    %dma_start3A_365 = tpu.memref_slice %arg4[%add3A_363, %dma_start3A_364] : memref<131072x128xf32, #tpu.memory_space<hbm>> -> memref<128x128xf32, #tpu.memory_space<hbm>>
    %dma_start3A_366 = arith.constant 0 : i32
    %dma_start3A_367 = tpu.memref_slice %arg4[%add3A_363, %dma_start3A_366] : memref<131072x128xf32, #tpu.memory_space<hbm>> -> memref<128x128xf32, #tpu.memory_space<hbm>>
    tpu.enqueue_dma source(%arg6 : memref<128x128xf32, #tpu.memory_space<vmem>>) target(%dma_start3A_367 : memref<128x128xf32, #tpu.memory_space<hbm>>) target_semaphore(%arg10 : memref<!tpu.dma_semaphore, #tpu.memory_space<semaphore_mem>>)
    %dma_wait3A_368 = arith.constant 0 : i32
    %dma_wait3A_369 = tpu.memref_slice %arg4[%add3A_343, %dma_wait3A_368] : memref<131072x128xf32, #tpu.memory_space<hbm>> -> memref<128x128xf32, #tpu.memory_space<hbm>>
    %dma_wait3A_370 = arith.constant 0 : i32
    %dma_wait3A_371 = tpu.memref_slice %arg4[%add3A_343, %dma_wait3A_370] : memref<131072x128xf32, #tpu.memory_space<hbm>> -> memref<128x128xf32, #tpu.memory_space<hbm>>
    tpu.wait_dma2 semaphore(%arg11 : memref<!tpu.dma_semaphore, #tpu.memory_space<semaphore_mem>>) src(%arg7 : memref<128x128xf32, #tpu.memory_space<vmem>>) dst(%dma_wait3A_371 : memref<128x128xf32, #tpu.memory_space<hbm>>)
    %add3A_372 = arith.constant 2176 : i32
    %add3A_373 = arith.addi %add3A_37, %add3A_372 : i32
    %dma_start3A_374 = arith.constant 0 : i32
    %dma_start3A_375 = tpu.memref_slice %arg2[%add3A_373, %dma_start3A_374] : memref<131072x128xf32, #tpu.memory_space<hbm>> -> memref<128x128xf32, #tpu.memory_space<hbm>>
    %dma_start3A_376 = arith.constant 0 : i32
    %dma_start3A_377 = tpu.memref_slice %arg2[%add3A_373, %dma_start3A_376] : memref<131072x128xf32, #tpu.memory_space<hbm>> -> memref<128x128xf32, #tpu.memory_space<hbm>>
    tpu.enqueue_dma source(%dma_start3A_377 : memref<128x128xf32, #tpu.memory_space<hbm>>) target(%arg7 : memref<128x128xf32, #tpu.memory_space<vmem>>) target_semaphore(%arg9 : memref<!tpu.dma_semaphore, #tpu.memory_space<semaphore_mem>>)
    %dma_wait3A_378 = arith.constant 0 : i32
    %dma_wait3A_379 = tpu.memref_slice %arg2[%add3A_373, %dma_wait3A_378] : memref<131072x128xf32, #tpu.memory_space<hbm>> -> memref<128x128xf32, #tpu.memory_space<hbm>>
    %dma_wait3A_380 = arith.constant 0 : i32
    %dma_wait3A_381 = tpu.memref_slice %arg2[%add3A_373, %dma_wait3A_380] : memref<131072x128xf32, #tpu.memory_space<hbm>> -> memref<128x128xf32, #tpu.memory_space<hbm>>
    tpu.wait_dma2 semaphore(%arg9 : memref<!tpu.dma_semaphore, #tpu.memory_space<semaphore_mem>>) src(%dma_wait3A_381 : memref<128x128xf32, #tpu.memory_space<hbm>>) dst(%arg7 : memref<128x128xf32, #tpu.memory_space<vmem>>)
    %add3A_382 = arith.constant 2176 : i32
    %add3A_383 = arith.addi %add3A_37, %add3A_382 : i32
    %dma_start3A_384 = arith.constant 0 : i32
    %dma_start3A_385 = tpu.memref_slice %arg4[%add3A_383, %dma_start3A_384] : memref<131072x128xf32, #tpu.memory_space<hbm>> -> memref<128x128xf32, #tpu.memory_space<hbm>>
    %dma_start3A_386 = arith.constant 0 : i32
    %dma_start3A_387 = tpu.memref_slice %arg4[%add3A_383, %dma_start3A_386] : memref<131072x128xf32, #tpu.memory_space<hbm>> -> memref<128x128xf32, #tpu.memory_space<hbm>>
    tpu.enqueue_dma source(%arg7 : memref<128x128xf32, #tpu.memory_space<vmem>>) target(%dma_start3A_387 : memref<128x128xf32, #tpu.memory_space<hbm>>) target_semaphore(%arg11 : memref<!tpu.dma_semaphore, #tpu.memory_space<semaphore_mem>>)
    %dma_wait3A_388 = arith.constant 0 : i32
    %dma_wait3A_389 = tpu.memref_slice %arg4[%add3A_363, %dma_wait3A_388] : memref<131072x128xf32, #tpu.memory_space<hbm>> -> memref<128x128xf32, #tpu.memory_space<hbm>>
    %dma_wait3A_390 = arith.constant 0 : i32
    %dma_wait3A_391 = tpu.memref_slice %arg4[%add3A_363, %dma_wait3A_390] : memref<131072x128xf32, #tpu.memory_space<hbm>> -> memref<128x128xf32, #tpu.memory_space<hbm>>
    tpu.wait_dma2 semaphore(%arg10 : memref<!tpu.dma_semaphore, #tpu.memory_space<semaphore_mem>>) src(%arg6 : memref<128x128xf32, #tpu.memory_space<vmem>>) dst(%dma_wait3A_391 : memref<128x128xf32, #tpu.memory_space<hbm>>)
    %add3A_392 = arith.constant 2304 : i32
    %add3A_393 = arith.addi %add3A_37, %add3A_392 : i32
    %dma_start3A_394 = arith.constant 0 : i32
    %dma_start3A_395 = tpu.memref_slice %arg2[%add3A_393, %dma_start3A_394] : memref<131072x128xf32, #tpu.memory_space<hbm>> -> memref<128x128xf32, #tpu.memory_space<hbm>>
    %dma_start3A_396 = arith.constant 0 : i32
    %dma_start3A_397 = tpu.memref_slice %arg2[%add3A_393, %dma_start3A_396] : memref<131072x128xf32, #tpu.memory_space<hbm>> -> memref<128x128xf32, #tpu.memory_space<hbm>>
    tpu.enqueue_dma source(%dma_start3A_397 : memref<128x128xf32, #tpu.memory_space<hbm>>) target(%arg6 : memref<128x128xf32, #tpu.memory_space<vmem>>) target_semaphore(%arg8 : memref<!tpu.dma_semaphore, #tpu.memory_space<semaphore_mem>>)
    %dma_wait3A_398 = arith.constant 0 : i32
    %dma_wait3A_399 = tpu.memref_slice %arg2[%add3A_393, %dma_wait3A_398] : memref<131072x128xf32, #tpu.memory_space<hbm>> -> memref<128x128xf32, #tpu.memory_space<hbm>>
    %dma_wait3A_400 = arith.constant 0 : i32
    %dma_wait3A_401 = tpu.memref_slice %arg2[%add3A_393, %dma_wait3A_400] : memref<131072x128xf32, #tpu.memory_space<hbm>> -> memref<128x128xf32, #tpu.memory_space<hbm>>
    tpu.wait_dma2 semaphore(%arg8 : memref<!tpu.dma_semaphore, #tpu.memory_space<semaphore_mem>>) src(%dma_wait3A_401 : memref<128x128xf32, #tpu.memory_space<hbm>>) dst(%arg6 : memref<128x128xf32, #tpu.memory_space<vmem>>)
    %add3A_402 = arith.constant 2304 : i32
    %add3A_403 = arith.addi %add3A_37, %add3A_402 : i32
    %dma_start3A_404 = arith.constant 0 : i32
    %dma_start3A_405 = tpu.memref_slice %arg4[%add3A_403, %dma_start3A_404] : memref<131072x128xf32, #tpu.memory_space<hbm>> -> memref<128x128xf32, #tpu.memory_space<hbm>>
    %dma_start3A_406 = arith.constant 0 : i32
    %dma_start3A_407 = tpu.memref_slice %arg4[%add3A_403, %dma_start3A_406] : memref<131072x128xf32, #tpu.memory_space<hbm>> -> memref<128x128xf32, #tpu.memory_space<hbm>>
    tpu.enqueue_dma source(%arg6 : memref<128x128xf32, #tpu.memory_space<vmem>>) target(%dma_start3A_407 : memref<128x128xf32, #tpu.memory_space<hbm>>) target_semaphore(%arg10 : memref<!tpu.dma_semaphore, #tpu.memory_space<semaphore_mem>>)
    %dma_wait3A_408 = arith.constant 0 : i32
    %dma_wait3A_409 = tpu.memref_slice %arg4[%add3A_383, %dma_wait3A_408] : memref<131072x128xf32, #tpu.memory_space<hbm>> -> memref<128x128xf32, #tpu.memory_space<hbm>>
    %dma_wait3A_410 = arith.constant 0 : i32
    %dma_wait3A_411 = tpu.memref_slice %arg4[%add3A_383, %dma_wait3A_410] : memref<131072x128xf32, #tpu.memory_space<hbm>> -> memref<128x128xf32, #tpu.memory_space<hbm>>
    tpu.wait_dma2 semaphore(%arg11 : memref<!tpu.dma_semaphore, #tpu.memory_space<semaphore_mem>>) src(%arg7 : memref<128x128xf32, #tpu.memory_space<vmem>>) dst(%dma_wait3A_411 : memref<128x128xf32, #tpu.memory_space<hbm>>)
    %add3A_412 = arith.constant 2432 : i32
    %add3A_413 = arith.addi %add3A_37, %add3A_412 : i32
    %dma_start3A_414 = arith.constant 0 : i32
    %dma_start3A_415 = tpu.memref_slice %arg2[%add3A_413, %dma_start3A_414] : memref<131072x128xf32, #tpu.memory_space<hbm>> -> memref<128x128xf32, #tpu.memory_space<hbm>>
    %dma_start3A_416 = arith.constant 0 : i32
    %dma_start3A_417 = tpu.memref_slice %arg2[%add3A_413, %dma_start3A_416] : memref<131072x128xf32, #tpu.memory_space<hbm>> -> memref<128x128xf32, #tpu.memory_space<hbm>>
    tpu.enqueue_dma source(%dma_start3A_417 : memref<128x128xf32, #tpu.memory_space<hbm>>) target(%arg7 : memref<128x128xf32, #tpu.memory_space<vmem>>) target_semaphore(%arg9 : memref<!tpu.dma_semaphore, #tpu.memory_space<semaphore_mem>>)
    %dma_wait3A_418 = arith.constant 0 : i32
    %dma_wait3A_419 = tpu.memref_slice %arg2[%add3A_413, %dma_wait3A_418] : memref<131072x128xf32, #tpu.memory_space<hbm>> -> memref<128x128xf32, #tpu.memory_space<hbm>>
    %dma_wait3A_420 = arith.constant 0 : i32
    %dma_wait3A_421 = tpu.memref_slice %arg2[%add3A_413, %dma_wait3A_420] : memref<131072x128xf32, #tpu.memory_space<hbm>> -> memref<128x128xf32, #tpu.memory_space<hbm>>
    tpu.wait_dma2 semaphore(%arg9 : memref<!tpu.dma_semaphore, #tpu.memory_space<semaphore_mem>>) src(%dma_wait3A_421 : memref<128x128xf32, #tpu.memory_space<hbm>>) dst(%arg7 : memref<128x128xf32, #tpu.memory_space<vmem>>)
    %add3A_422 = arith.constant 2432 : i32
    %add3A_423 = arith.addi %add3A_37, %add3A_422 : i32
    %dma_start3A_424 = arith.constant 0 : i32
    %dma_start3A_425 = tpu.memref_slice %arg4[%add3A_423, %dma_start3A_424] : memref<131072x128xf32, #tpu.memory_space<hbm>> -> memref<128x128xf32, #tpu.memory_space<hbm>>
    %dma_start3A_426 = arith.constant 0 : i32
    %dma_start3A_427 = tpu.memref_slice %arg4[%add3A_423, %dma_start3A_426] : memref<131072x128xf32, #tpu.memory_space<hbm>> -> memref<128x128xf32, #tpu.memory_space<hbm>>
    tpu.enqueue_dma source(%arg7 : memref<128x128xf32, #tpu.memory_space<vmem>>) target(%dma_start3A_427 : memref<128x128xf32, #tpu.memory_space<hbm>>) target_semaphore(%arg11 : memref<!tpu.dma_semaphore, #tpu.memory_space<semaphore_mem>>)
    %dma_wait3A_428 = arith.constant 0 : i32
    %dma_wait3A_429 = tpu.memref_slice %arg4[%add3A_403, %dma_wait3A_428] : memref<131072x128xf32, #tpu.memory_space<hbm>> -> memref<128x128xf32, #tpu.memory_space<hbm>>
    %dma_wait3A_430 = arith.constant 0 : i32
    %dma_wait3A_431 = tpu.memref_slice %arg4[%add3A_403, %dma_wait3A_430] : memref<131072x128xf32, #tpu.memory_space<hbm>> -> memref<128x128xf32, #tpu.memory_space<hbm>>
    tpu.wait_dma2 semaphore(%arg10 : memref<!tpu.dma_semaphore, #tpu.memory_space<semaphore_mem>>) src(%arg6 : memref<128x128xf32, #tpu.memory_space<vmem>>) dst(%dma_wait3A_431 : memref<128x128xf32, #tpu.memory_space<hbm>>)
    %add3A_432 = arith.constant 2560 : i32
    %add3A_433 = arith.addi %add3A_37, %add3A_432 : i32
    %dma_start3A_434 = arith.constant 0 : i32
    %dma_start3A_435 = tpu.memref_slice %arg2[%add3A_433, %dma_start3A_434] : memref<131072x128xf32, #tpu.memory_space<hbm>> -> memref<128x128xf32, #tpu.memory_space<hbm>>
    %dma_start3A_436 = arith.constant 0 : i32
    %dma_start3A_437 = tpu.memref_slice %arg2[%add3A_433, %dma_start3A_436] : memref<131072x128xf32, #tpu.memory_space<hbm>> -> memref<128x128xf32, #tpu.memory_space<hbm>>
    tpu.enqueue_dma source(%dma_start3A_437 : memref<128x128xf32, #tpu.memory_space<hbm>>) target(%arg6 : memref<128x128xf32, #tpu.memory_space<vmem>>) target_semaphore(%arg8 : memref<!tpu.dma_semaphore, #tpu.memory_space<semaphore_mem>>)
    %dma_wait3A_438 = arith.constant 0 : i32
    %dma_wait3A_439 = tpu.memref_slice %arg2[%add3A_433, %dma_wait3A_438] : memref<131072x128xf32, #tpu.memory_space<hbm>> -> memref<128x128xf32, #tpu.memory_space<hbm>>
    %dma_wait3A_440 = arith.constant 0 : i32
    %dma_wait3A_441 = tpu.memref_slice %arg2[%add3A_433, %dma_wait3A_440] : memref<131072x128xf32, #tpu.memory_space<hbm>> -> memref<128x128xf32, #tpu.memory_space<hbm>>
    tpu.wait_dma2 semaphore(%arg8 : memref<!tpu.dma_semaphore, #tpu.memory_space<semaphore_mem>>) src(%dma_wait3A_441 : memref<128x128xf32, #tpu.memory_space<hbm>>) dst(%arg6 : memref<128x128xf32, #tpu.memory_space<vmem>>)
    %add3A_442 = arith.constant 2560 : i32
    %add3A_443 = arith.addi %add3A_37, %add3A_442 : i32
    %dma_start3A_444 = arith.constant 0 : i32
    %dma_start3A_445 = tpu.memref_slice %arg4[%add3A_443, %dma_start3A_444] : memref<131072x128xf32, #tpu.memory_space<hbm>> -> memref<128x128xf32, #tpu.memory_space<hbm>>
    %dma_start3A_446 = arith.constant 0 : i32
    %dma_start3A_447 = tpu.memref_slice %arg4[%add3A_443, %dma_start3A_446] : memref<131072x128xf32, #tpu.memory_space<hbm>> -> memref<128x128xf32, #tpu.memory_space<hbm>>
    tpu.enqueue_dma source(%arg6 : memref<128x128xf32, #tpu.memory_space<vmem>>) target(%dma_start3A_447 : memref<128x128xf32, #tpu.memory_space<hbm>>) target_semaphore(%arg10 : memref<!tpu.dma_semaphore, #tpu.memory_space<semaphore_mem>>)
    %dma_wait3A_448 = arith.constant 0 : i32
    %dma_wait3A_449 = tpu.memref_slice %arg4[%add3A_423, %dma_wait3A_448] : memref<131072x128xf32, #tpu.memory_space<hbm>> -> memref<128x128xf32, #tpu.memory_space<hbm>>
    %dma_wait3A_450 = arith.constant 0 : i32
    %dma_wait3A_451 = tpu.memref_slice %arg4[%add3A_423, %dma_wait3A_450] : memref<131072x128xf32, #tpu.memory_space<hbm>> -> memref<128x128xf32, #tpu.memory_space<hbm>>
    tpu.wait_dma2 semaphore(%arg11 : memref<!tpu.dma_semaphore, #tpu.memory_space<semaphore_mem>>) src(%arg7 : memref<128x128xf32, #tpu.memory_space<vmem>>) dst(%dma_wait3A_451 : memref<128x128xf32, #tpu.memory_space<hbm>>)
    %add3A_452 = arith.constant 2688 : i32
    %add3A_453 = arith.addi %add3A_37, %add3A_452 : i32
    %dma_start3A_454 = arith.constant 0 : i32
    %dma_start3A_455 = tpu.memref_slice %arg2[%add3A_453, %dma_start3A_454] : memref<131072x128xf32, #tpu.memory_space<hbm>> -> memref<128x128xf32, #tpu.memory_space<hbm>>
    %dma_start3A_456 = arith.constant 0 : i32
    %dma_start3A_457 = tpu.memref_slice %arg2[%add3A_453, %dma_start3A_456] : memref<131072x128xf32, #tpu.memory_space<hbm>> -> memref<128x128xf32, #tpu.memory_space<hbm>>
    tpu.enqueue_dma source(%dma_start3A_457 : memref<128x128xf32, #tpu.memory_space<hbm>>) target(%arg7 : memref<128x128xf32, #tpu.memory_space<vmem>>) target_semaphore(%arg9 : memref<!tpu.dma_semaphore, #tpu.memory_space<semaphore_mem>>)
    %dma_wait3A_458 = arith.constant 0 : i32
    %dma_wait3A_459 = tpu.memref_slice %arg2[%add3A_453, %dma_wait3A_458] : memref<131072x128xf32, #tpu.memory_space<hbm>> -> memref<128x128xf32, #tpu.memory_space<hbm>>
    %dma_wait3A_460 = arith.constant 0 : i32
    %dma_wait3A_461 = tpu.memref_slice %arg2[%add3A_453, %dma_wait3A_460] : memref<131072x128xf32, #tpu.memory_space<hbm>> -> memref<128x128xf32, #tpu.memory_space<hbm>>
    tpu.wait_dma2 semaphore(%arg9 : memref<!tpu.dma_semaphore, #tpu.memory_space<semaphore_mem>>) src(%dma_wait3A_461 : memref<128x128xf32, #tpu.memory_space<hbm>>) dst(%arg7 : memref<128x128xf32, #tpu.memory_space<vmem>>)
    %add3A_462 = arith.constant 2688 : i32
    %add3A_463 = arith.addi %add3A_37, %add3A_462 : i32
    %dma_start3A_464 = arith.constant 0 : i32
    %dma_start3A_465 = tpu.memref_slice %arg4[%add3A_463, %dma_start3A_464] : memref<131072x128xf32, #tpu.memory_space<hbm>> -> memref<128x128xf32, #tpu.memory_space<hbm>>
    %dma_start3A_466 = arith.constant 0 : i32
    %dma_start3A_467 = tpu.memref_slice %arg4[%add3A_463, %dma_start3A_466] : memref<131072x128xf32, #tpu.memory_space<hbm>> -> memref<128x128xf32, #tpu.memory_space<hbm>>
    tpu.enqueue_dma source(%arg7 : memref<128x128xf32, #tpu.memory_space<vmem>>) target(%dma_start3A_467 : memref<128x128xf32, #tpu.memory_space<hbm>>) target_semaphore(%arg11 : memref<!tpu.dma_semaphore, #tpu.memory_space<semaphore_mem>>)
    %dma_wait3A_468 = arith.constant 0 : i32
    %dma_wait3A_469 = tpu.memref_slice %arg4[%add3A_443, %dma_wait3A_468] : memref<131072x128xf32, #tpu.memory_space<hbm>> -> memref<128x128xf32, #tpu.memory_space<hbm>>
    %dma_wait3A_470 = arith.constant 0 : i32
    %dma_wait3A_471 = tpu.memref_slice %arg4[%add3A_443, %dma_wait3A_470] : memref<131072x128xf32, #tpu.memory_space<hbm>> -> memref<128x128xf32, #tpu.memory_space<hbm>>
    tpu.wait_dma2 semaphore(%arg10 : memref<!tpu.dma_semaphore, #tpu.memory_space<semaphore_mem>>) src(%arg6 : memref<128x128xf32, #tpu.memory_space<vmem>>) dst(%dma_wait3A_471 : memref<128x128xf32, #tpu.memory_space<hbm>>)
    %add3A_472 = arith.constant 2816 : i32
    %add3A_473 = arith.addi %add3A_37, %add3A_472 : i32
    %dma_start3A_474 = arith.constant 0 : i32
    %dma_start3A_475 = tpu.memref_slice %arg2[%add3A_473, %dma_start3A_474] : memref<131072x128xf32, #tpu.memory_space<hbm>> -> memref<128x128xf32, #tpu.memory_space<hbm>>
    %dma_start3A_476 = arith.constant 0 : i32
    %dma_start3A_477 = tpu.memref_slice %arg2[%add3A_473, %dma_start3A_476] : memref<131072x128xf32, #tpu.memory_space<hbm>> -> memref<128x128xf32, #tpu.memory_space<hbm>>
    tpu.enqueue_dma source(%dma_start3A_477 : memref<128x128xf32, #tpu.memory_space<hbm>>) target(%arg6 : memref<128x128xf32, #tpu.memory_space<vmem>>) target_semaphore(%arg8 : memref<!tpu.dma_semaphore, #tpu.memory_space<semaphore_mem>>)
    %dma_wait3A_478 = arith.constant 0 : i32
    %dma_wait3A_479 = tpu.memref_slice %arg2[%add3A_473, %dma_wait3A_478] : memref<131072x128xf32, #tpu.memory_space<hbm>> -> memref<128x128xf32, #tpu.memory_space<hbm>>
    %dma_wait3A_480 = arith.constant 0 : i32
    %dma_wait3A_481 = tpu.memref_slice %arg2[%add3A_473, %dma_wait3A_480] : memref<131072x128xf32, #tpu.memory_space<hbm>> -> memref<128x128xf32, #tpu.memory_space<hbm>>
    tpu.wait_dma2 semaphore(%arg8 : memref<!tpu.dma_semaphore, #tpu.memory_space<semaphore_mem>>) src(%dma_wait3A_481 : memref<128x128xf32, #tpu.memory_space<hbm>>) dst(%arg6 : memref<128x128xf32, #tpu.memory_space<vmem>>)
    %add3A_482 = arith.constant 2816 : i32
    %add3A_483 = arith.addi %add3A_37, %add3A_482 : i32
    %dma_start3A_484 = arith.constant 0 : i32
    %dma_start3A_485 = tpu.memref_slice %arg4[%add3A_483, %dma_start3A_484] : memref<131072x128xf32, #tpu.memory_space<hbm>> -> memref<128x128xf32, #tpu.memory_space<hbm>>
    %dma_start3A_486 = arith.constant 0 : i32
    %dma_start3A_487 = tpu.memref_slice %arg4[%add3A_483, %dma_start3A_486] : memref<131072x128xf32, #tpu.memory_space<hbm>> -> memref<128x128xf32, #tpu.memory_space<hbm>>
    tpu.enqueue_dma source(%arg6 : memref<128x128xf32, #tpu.memory_space<vmem>>) target(%dma_start3A_487 : memref<128x128xf32, #tpu.memory_space<hbm>>) target_semaphore(%arg10 : memref<!tpu.dma_semaphore, #tpu.memory_space<semaphore_mem>>)
    %dma_wait3A_488 = arith.constant 0 : i32
    %dma_wait3A_489 = tpu.memref_slice %arg4[%add3A_463, %dma_wait3A_488] : memref<131072x128xf32, #tpu.memory_space<hbm>> -> memref<128x128xf32, #tpu.memory_space<hbm>>
    %dma_wait3A_490 = arith.constant 0 : i32
    %dma_wait3A_491 = tpu.memref_slice %arg4[%add3A_463, %dma_wait3A_490] : memref<131072x128xf32, #tpu.memory_space<hbm>> -> memref<128x128xf32, #tpu.memory_space<hbm>>
    tpu.wait_dma2 semaphore(%arg11 : memref<!tpu.dma_semaphore, #tpu.memory_space<semaphore_mem>>) src(%arg7 : memref<128x128xf32, #tpu.memory_space<vmem>>) dst(%dma_wait3A_491 : memref<128x128xf32, #tpu.memory_space<hbm>>)
    %add3A_492 = arith.constant 2944 : i32
    %add3A_493 = arith.addi %add3A_37, %add3A_492 : i32
    %dma_start3A_494 = arith.constant 0 : i32
    %dma_start3A_495 = tpu.memref_slice %arg2[%add3A_493, %dma_start3A_494] : memref<131072x128xf32, #tpu.memory_space<hbm>> -> memref<128x128xf32, #tpu.memory_space<hbm>>
    %dma_start3A_496 = arith.constant 0 : i32
    %dma_start3A_497 = tpu.memref_slice %arg2[%add3A_493, %dma_start3A_496] : memref<131072x128xf32, #tpu.memory_space<hbm>> -> memref<128x128xf32, #tpu.memory_space<hbm>>
    tpu.enqueue_dma source(%dma_start3A_497 : memref<128x128xf32, #tpu.memory_space<hbm>>) target(%arg7 : memref<128x128xf32, #tpu.memory_space<vmem>>) target_semaphore(%arg9 : memref<!tpu.dma_semaphore, #tpu.memory_space<semaphore_mem>>)
    %dma_wait3A_498 = arith.constant 0 : i32
    %dma_wait3A_499 = tpu.memref_slice %arg2[%add3A_493, %dma_wait3A_498] : memref<131072x128xf32, #tpu.memory_space<hbm>> -> memref<128x128xf32, #tpu.memory_space<hbm>>
    %dma_wait3A_500 = arith.constant 0 : i32
    %dma_wait3A_501 = tpu.memref_slice %arg2[%add3A_493, %dma_wait3A_500] : memref<131072x128xf32, #tpu.memory_space<hbm>> -> memref<128x128xf32, #tpu.memory_space<hbm>>
    tpu.wait_dma2 semaphore(%arg9 : memref<!tpu.dma_semaphore, #tpu.memory_space<semaphore_mem>>) src(%dma_wait3A_501 : memref<128x128xf32, #tpu.memory_space<hbm>>) dst(%arg7 : memref<128x128xf32, #tpu.memory_space<vmem>>)
    %add3A_502 = arith.constant 2944 : i32
    %add3A_503 = arith.addi %add3A_37, %add3A_502 : i32
    %dma_start3A_504 = arith.constant 0 : i32
    %dma_start3A_505 = tpu.memref_slice %arg4[%add3A_503, %dma_start3A_504] : memref<131072x128xf32, #tpu.memory_space<hbm>> -> memref<128x128xf32, #tpu.memory_space<hbm>>
    %dma_start3A_506 = arith.constant 0 : i32
    %dma_start3A_507 = tpu.memref_slice %arg4[%add3A_503, %dma_start3A_506] : memref<131072x128xf32, #tpu.memory_space<hbm>> -> memref<128x128xf32, #tpu.memory_space<hbm>>
    tpu.enqueue_dma source(%arg7 : memref<128x128xf32, #tpu.memory_space<vmem>>) target(%dma_start3A_507 : memref<128x128xf32, #tpu.memory_space<hbm>>) target_semaphore(%arg11 : memref<!tpu.dma_semaphore, #tpu.memory_space<semaphore_mem>>)
    %dma_wait3A_508 = arith.constant 0 : i32
    %dma_wait3A_509 = tpu.memref_slice %arg4[%add3A_483, %dma_wait3A_508] : memref<131072x128xf32, #tpu.memory_space<hbm>> -> memref<128x128xf32, #tpu.memory_space<hbm>>
    %dma_wait3A_510 = arith.constant 0 : i32
    %dma_wait3A_511 = tpu.memref_slice %arg4[%add3A_483, %dma_wait3A_510] : memref<131072x128xf32, #tpu.memory_space<hbm>> -> memref<128x128xf32, #tpu.memory_space<hbm>>
    tpu.wait_dma2 semaphore(%arg10 : memref<!tpu.dma_semaphore, #tpu.memory_space<semaphore_mem>>) src(%arg6 : memref<128x128xf32, #tpu.memory_space<vmem>>) dst(%dma_wait3A_511 : memref<128x128xf32, #tpu.memory_space<hbm>>)
    %add3A_512 = arith.constant 3072 : i32
    %add3A_513 = arith.addi %add3A_37, %add3A_512 : i32
    %dma_start3A_514 = arith.constant 0 : i32
    %dma_start3A_515 = tpu.memref_slice %arg2[%add3A_513, %dma_start3A_514] : memref<131072x128xf32, #tpu.memory_space<hbm>> -> memref<128x128xf32, #tpu.memory_space<hbm>>
    %dma_start3A_516 = arith.constant 0 : i32
    %dma_start3A_517 = tpu.memref_slice %arg2[%add3A_513, %dma_start3A_516] : memref<131072x128xf32, #tpu.memory_space<hbm>> -> memref<128x128xf32, #tpu.memory_space<hbm>>
    tpu.enqueue_dma source(%dma_start3A_517 : memref<128x128xf32, #tpu.memory_space<hbm>>) target(%arg6 : memref<128x128xf32, #tpu.memory_space<vmem>>) target_semaphore(%arg8 : memref<!tpu.dma_semaphore, #tpu.memory_space<semaphore_mem>>)
    %dma_wait3A_518 = arith.constant 0 : i32
    %dma_wait3A_519 = tpu.memref_slice %arg2[%add3A_513, %dma_wait3A_518] : memref<131072x128xf32, #tpu.memory_space<hbm>> -> memref<128x128xf32, #tpu.memory_space<hbm>>
    %dma_wait3A_520 = arith.constant 0 : i32
    %dma_wait3A_521 = tpu.memref_slice %arg2[%add3A_513, %dma_wait3A_520] : memref<131072x128xf32, #tpu.memory_space<hbm>> -> memref<128x128xf32, #tpu.memory_space<hbm>>
    tpu.wait_dma2 semaphore(%arg8 : memref<!tpu.dma_semaphore, #tpu.memory_space<semaphore_mem>>) src(%dma_wait3A_521 : memref<128x128xf32, #tpu.memory_space<hbm>>) dst(%arg6 : memref<128x128xf32, #tpu.memory_space<vmem>>)
    %add3A_522 = arith.constant 3072 : i32
    %add3A_523 = arith.addi %add3A_37, %add3A_522 : i32
    %dma_start3A_524 = arith.constant 0 : i32
    %dma_start3A_525 = tpu.memref_slice %arg4[%add3A_523, %dma_start3A_524] : memref<131072x128xf32, #tpu.memory_space<hbm>> -> memref<128x128xf32, #tpu.memory_space<hbm>>
    %dma_start3A_526 = arith.constant 0 : i32
    %dma_start3A_527 = tpu.memref_slice %arg4[%add3A_523, %dma_start3A_526] : memref<131072x128xf32, #tpu.memory_space<hbm>> -> memref<128x128xf32, #tpu.memory_space<hbm>>
    tpu.enqueue_dma source(%arg6 : memref<128x128xf32, #tpu.memory_space<vmem>>) target(%dma_start3A_527 : memref<128x128xf32, #tpu.memory_space<hbm>>) target_semaphore(%arg10 : memref<!tpu.dma_semaphore, #tpu.memory_space<semaphore_mem>>)
    %dma_wait3A_528 = arith.constant 0 : i32
    %dma_wait3A_529 = tpu.memref_slice %arg4[%add3A_503, %dma_wait3A_528] : memref<131072x128xf32, #tpu.memory_space<hbm>> -> memref<128x128xf32, #tpu.memory_space<hbm>>
    %dma_wait3A_530 = arith.constant 0 : i32
    %dma_wait3A_531 = tpu.memref_slice %arg4[%add3A_503, %dma_wait3A_530] : memref<131072x128xf32, #tpu.memory_space<hbm>> -> memref<128x128xf32, #tpu.memory_space<hbm>>
    tpu.wait_dma2 semaphore(%arg11 : memref<!tpu.dma_semaphore, #tpu.memory_space<semaphore_mem>>) src(%arg7 : memref<128x128xf32, #tpu.memory_space<vmem>>) dst(%dma_wait3A_531 : memref<128x128xf32, #tpu.memory_space<hbm>>)
    %add3A_532 = arith.constant 3200 : i32
    %add3A_533 = arith.addi %add3A_37, %add3A_532 : i32
    %dma_start3A_534 = arith.constant 0 : i32
    %dma_start3A_535 = tpu.memref_slice %arg2[%add3A_533, %dma_start3A_534] : memref<131072x128xf32, #tpu.memory_space<hbm>> -> memref<128x128xf32, #tpu.memory_space<hbm>>
    %dma_start3A_536 = arith.constant 0 : i32
    %dma_start3A_537 = tpu.memref_slice %arg2[%add3A_533, %dma_start3A_536] : memref<131072x128xf32, #tpu.memory_space<hbm>> -> memref<128x128xf32, #tpu.memory_space<hbm>>
    tpu.enqueue_dma source(%dma_start3A_537 : memref<128x128xf32, #tpu.memory_space<hbm>>) target(%arg7 : memref<128x128xf32, #tpu.memory_space<vmem>>) target_semaphore(%arg9 : memref<!tpu.dma_semaphore, #tpu.memory_space<semaphore_mem>>)
    %dma_wait3A_538 = arith.constant 0 : i32
    %dma_wait3A_539 = tpu.memref_slice %arg2[%add3A_533, %dma_wait3A_538] : memref<131072x128xf32, #tpu.memory_space<hbm>> -> memref<128x128xf32, #tpu.memory_space<hbm>>
    %dma_wait3A_540 = arith.constant 0 : i32
    %dma_wait3A_541 = tpu.memref_slice %arg2[%add3A_533, %dma_wait3A_540] : memref<131072x128xf32, #tpu.memory_space<hbm>> -> memref<128x128xf32, #tpu.memory_space<hbm>>
    tpu.wait_dma2 semaphore(%arg9 : memref<!tpu.dma_semaphore, #tpu.memory_space<semaphore_mem>>) src(%dma_wait3A_541 : memref<128x128xf32, #tpu.memory_space<hbm>>) dst(%arg7 : memref<128x128xf32, #tpu.memory_space<vmem>>)
    %add3A_542 = arith.constant 3200 : i32
    %add3A_543 = arith.addi %add3A_37, %add3A_542 : i32
    %dma_start3A_544 = arith.constant 0 : i32
    %dma_start3A_545 = tpu.memref_slice %arg4[%add3A_543, %dma_start3A_544] : memref<131072x128xf32, #tpu.memory_space<hbm>> -> memref<128x128xf32, #tpu.memory_space<hbm>>
    %dma_start3A_546 = arith.constant 0 : i32
    %dma_start3A_547 = tpu.memref_slice %arg4[%add3A_543, %dma_start3A_546] : memref<131072x128xf32, #tpu.memory_space<hbm>> -> memref<128x128xf32, #tpu.memory_space<hbm>>
    tpu.enqueue_dma source(%arg7 : memref<128x128xf32, #tpu.memory_space<vmem>>) target(%dma_start3A_547 : memref<128x128xf32, #tpu.memory_space<hbm>>) target_semaphore(%arg11 : memref<!tpu.dma_semaphore, #tpu.memory_space<semaphore_mem>>)
    %dma_wait3A_548 = arith.constant 0 : i32
    %dma_wait3A_549 = tpu.memref_slice %arg4[%add3A_523, %dma_wait3A_548] : memref<131072x128xf32, #tpu.memory_space<hbm>> -> memref<128x128xf32, #tpu.memory_space<hbm>>
    %dma_wait3A_550 = arith.constant 0 : i32
    %dma_wait3A_551 = tpu.memref_slice %arg4[%add3A_523, %dma_wait3A_550] : memref<131072x128xf32, #tpu.memory_space<hbm>> -> memref<128x128xf32, #tpu.memory_space<hbm>>
    tpu.wait_dma2 semaphore(%arg10 : memref<!tpu.dma_semaphore, #tpu.memory_space<semaphore_mem>>) src(%arg6 : memref<128x128xf32, #tpu.memory_space<vmem>>) dst(%dma_wait3A_551 : memref<128x128xf32, #tpu.memory_space<hbm>>)
    %add3A_552 = arith.constant 3328 : i32
    %add3A_553 = arith.addi %add3A_37, %add3A_552 : i32
    %dma_start3A_554 = arith.constant 0 : i32
    %dma_start3A_555 = tpu.memref_slice %arg2[%add3A_553, %dma_start3A_554] : memref<131072x128xf32, #tpu.memory_space<hbm>> -> memref<128x128xf32, #tpu.memory_space<hbm>>
    %dma_start3A_556 = arith.constant 0 : i32
    %dma_start3A_557 = tpu.memref_slice %arg2[%add3A_553, %dma_start3A_556] : memref<131072x128xf32, #tpu.memory_space<hbm>> -> memref<128x128xf32, #tpu.memory_space<hbm>>
    tpu.enqueue_dma source(%dma_start3A_557 : memref<128x128xf32, #tpu.memory_space<hbm>>) target(%arg6 : memref<128x128xf32, #tpu.memory_space<vmem>>) target_semaphore(%arg8 : memref<!tpu.dma_semaphore, #tpu.memory_space<semaphore_mem>>)
    %dma_wait3A_558 = arith.constant 0 : i32
    %dma_wait3A_559 = tpu.memref_slice %arg2[%add3A_553, %dma_wait3A_558] : memref<131072x128xf32, #tpu.memory_space<hbm>> -> memref<128x128xf32, #tpu.memory_space<hbm>>
    %dma_wait3A_560 = arith.constant 0 : i32
    %dma_wait3A_561 = tpu.memref_slice %arg2[%add3A_553, %dma_wait3A_560] : memref<131072x128xf32, #tpu.memory_space<hbm>> -> memref<128x128xf32, #tpu.memory_space<hbm>>
    tpu.wait_dma2 semaphore(%arg8 : memref<!tpu.dma_semaphore, #tpu.memory_space<semaphore_mem>>) src(%dma_wait3A_561 : memref<128x128xf32, #tpu.memory_space<hbm>>) dst(%arg6 : memref<128x128xf32, #tpu.memory_space<vmem>>)
    %add3A_562 = arith.constant 3328 : i32
    %add3A_563 = arith.addi %add3A_37, %add3A_562 : i32
    %dma_start3A_564 = arith.constant 0 : i32
    %dma_start3A_565 = tpu.memref_slice %arg4[%add3A_563, %dma_start3A_564] : memref<131072x128xf32, #tpu.memory_space<hbm>> -> memref<128x128xf32, #tpu.memory_space<hbm>>
    %dma_start3A_566 = arith.constant 0 : i32
    %dma_start3A_567 = tpu.memref_slice %arg4[%add3A_563, %dma_start3A_566] : memref<131072x128xf32, #tpu.memory_space<hbm>> -> memref<128x128xf32, #tpu.memory_space<hbm>>
    tpu.enqueue_dma source(%arg6 : memref<128x128xf32, #tpu.memory_space<vmem>>) target(%dma_start3A_567 : memref<128x128xf32, #tpu.memory_space<hbm>>) target_semaphore(%arg10 : memref<!tpu.dma_semaphore, #tpu.memory_space<semaphore_mem>>)
    %dma_wait3A_568 = arith.constant 0 : i32
    %dma_wait3A_569 = tpu.memref_slice %arg4[%add3A_543, %dma_wait3A_568] : memref<131072x128xf32, #tpu.memory_space<hbm>> -> memref<128x128xf32, #tpu.memory_space<hbm>>
    %dma_wait3A_570 = arith.constant 0 : i32
    %dma_wait3A_571 = tpu.memref_slice %arg4[%add3A_543, %dma_wait3A_570] : memref<131072x128xf32, #tpu.memory_space<hbm>> -> memref<128x128xf32, #tpu.memory_space<hbm>>
    tpu.wait_dma2 semaphore(%arg11 : memref<!tpu.dma_semaphore, #tpu.memory_space<semaphore_mem>>) src(%arg7 : memref<128x128xf32, #tpu.memory_space<vmem>>) dst(%dma_wait3A_571 : memref<128x128xf32, #tpu.memory_space<hbm>>)
    %add3A_572 = arith.constant 3456 : i32
    %add3A_573 = arith.addi %add3A_37, %add3A_572 : i32
    %dma_start3A_574 = arith.constant 0 : i32
    %dma_start3A_575 = tpu.memref_slice %arg2[%add3A_573, %dma_start3A_574] : memref<131072x128xf32, #tpu.memory_space<hbm>> -> memref<128x128xf32, #tpu.memory_space<hbm>>
    %dma_start3A_576 = arith.constant 0 : i32
    %dma_start3A_577 = tpu.memref_slice %arg2[%add3A_573, %dma_start3A_576] : memref<131072x128xf32, #tpu.memory_space<hbm>> -> memref<128x128xf32, #tpu.memory_space<hbm>>
    tpu.enqueue_dma source(%dma_start3A_577 : memref<128x128xf32, #tpu.memory_space<hbm>>) target(%arg7 : memref<128x128xf32, #tpu.memory_space<vmem>>) target_semaphore(%arg9 : memref<!tpu.dma_semaphore, #tpu.memory_space<semaphore_mem>>)
    %dma_wait3A_578 = arith.constant 0 : i32
    %dma_wait3A_579 = tpu.memref_slice %arg2[%add3A_573, %dma_wait3A_578] : memref<131072x128xf32, #tpu.memory_space<hbm>> -> memref<128x128xf32, #tpu.memory_space<hbm>>
    %dma_wait3A_580 = arith.constant 0 : i32
    %dma_wait3A_581 = tpu.memref_slice %arg2[%add3A_573, %dma_wait3A_580] : memref<131072x128xf32, #tpu.memory_space<hbm>> -> memref<128x128xf32, #tpu.memory_space<hbm>>
    tpu.wait_dma2 semaphore(%arg9 : memref<!tpu.dma_semaphore, #tpu.memory_space<semaphore_mem>>) src(%dma_wait3A_581 : memref<128x128xf32, #tpu.memory_space<hbm>>) dst(%arg7 : memref<128x128xf32, #tpu.memory_space<vmem>>)
    %add3A_582 = arith.constant 3456 : i32
    %add3A_583 = arith.addi %add3A_37, %add3A_582 : i32
    %dma_start3A_584 = arith.constant 0 : i32
    %dma_start3A_585 = tpu.memref_slice %arg4[%add3A_583, %dma_start3A_584] : memref<131072x128xf32, #tpu.memory_space<hbm>> -> memref<128x128xf32, #tpu.memory_space<hbm>>
    %dma_start3A_586 = arith.constant 0 : i32
    %dma_start3A_587 = tpu.memref_slice %arg4[%add3A_583, %dma_start3A_586] : memref<131072x128xf32, #tpu.memory_space<hbm>> -> memref<128x128xf32, #tpu.memory_space<hbm>>
    tpu.enqueue_dma source(%arg7 : memref<128x128xf32, #tpu.memory_space<vmem>>) target(%dma_start3A_587 : memref<128x128xf32, #tpu.memory_space<hbm>>) target_semaphore(%arg11 : memref<!tpu.dma_semaphore, #tpu.memory_space<semaphore_mem>>)
    %dma_wait3A_588 = arith.constant 0 : i32
    %dma_wait3A_589 = tpu.memref_slice %arg4[%add3A_563, %dma_wait3A_588] : memref<131072x128xf32, #tpu.memory_space<hbm>> -> memref<128x128xf32, #tpu.memory_space<hbm>>
    %dma_wait3A_590 = arith.constant 0 : i32
    %dma_wait3A_591 = tpu.memref_slice %arg4[%add3A_563, %dma_wait3A_590] : memref<131072x128xf32, #tpu.memory_space<hbm>> -> memref<128x128xf32, #tpu.memory_space<hbm>>
    tpu.wait_dma2 semaphore(%arg10 : memref<!tpu.dma_semaphore, #tpu.memory_space<semaphore_mem>>) src(%arg6 : memref<128x128xf32, #tpu.memory_space<vmem>>) dst(%dma_wait3A_591 : memref<128x128xf32, #tpu.memory_space<hbm>>)
    %add3A_592 = arith.constant 0 : i32
    %add3A_593 = arith.addi %add3A_37, %add3A_592 : i32
    %dma_start3A_594 = arith.constant 0 : i32
    %dma_start3A_595 = tpu.memref_slice %arg3[%add3A_593, %dma_start3A_594] : memref<131072x128xf32, #tpu.memory_space<hbm>> -> memref<128x128xf32, #tpu.memory_space<hbm>>
    %dma_start3A_596 = arith.constant 0 : i32
    %dma_start3A_597 = tpu.memref_slice %arg3[%add3A_593, %dma_start3A_596] : memref<131072x128xf32, #tpu.memory_space<hbm>> -> memref<128x128xf32, #tpu.memory_space<hbm>>
    tpu.enqueue_dma source(%dma_start3A_597 : memref<128x128xf32, #tpu.memory_space<hbm>>) target(%arg6 : memref<128x128xf32, #tpu.memory_space<vmem>>) target_semaphore(%arg8 : memref<!tpu.dma_semaphore, #tpu.memory_space<semaphore_mem>>)
    %dma_wait3A_598 = arith.constant 0 : i32
    %dma_wait3A_599 = tpu.memref_slice %arg3[%add3A_593, %dma_wait3A_598] : memref<131072x128xf32, #tpu.memory_space<hbm>> -> memref<128x128xf32, #tpu.memory_space<hbm>>
    %dma_wait3A_600 = arith.constant 0 : i32
    %dma_wait3A_601 = tpu.memref_slice %arg3[%add3A_593, %dma_wait3A_600] : memref<131072x128xf32, #tpu.memory_space<hbm>> -> memref<128x128xf32, #tpu.memory_space<hbm>>
    tpu.wait_dma2 semaphore(%arg8 : memref<!tpu.dma_semaphore, #tpu.memory_space<semaphore_mem>>) src(%dma_wait3A_601 : memref<128x128xf32, #tpu.memory_space<hbm>>) dst(%arg6 : memref<128x128xf32, #tpu.memory_space<vmem>>)
    %add3A_602 = arith.constant 0 : i32
    %add3A_603 = arith.addi %add3A_37, %add3A_602 : i32
    %dma_start3A_604 = arith.constant 0 : i32
    %dma_start3A_605 = tpu.memref_slice %arg5[%add3A_603, %dma_start3A_604] : memref<131072x128xf32, #tpu.memory_space<hbm>> -> memref<128x128xf32, #tpu.memory_space<hbm>>
    %dma_start3A_606 = arith.constant 0 : i32
    %dma_start3A_607 = tpu.memref_slice %arg5[%add3A_603, %dma_start3A_606] : memref<131072x128xf32, #tpu.memory_space<hbm>> -> memref<128x128xf32, #tpu.memory_space<hbm>>
    tpu.enqueue_dma source(%arg6 : memref<128x128xf32, #tpu.memory_space<vmem>>) target(%dma_start3A_607 : memref<128x128xf32, #tpu.memory_space<hbm>>) target_semaphore(%arg10 : memref<!tpu.dma_semaphore, #tpu.memory_space<semaphore_mem>>)
    %dma_wait3A_608 = arith.constant 0 : i32
    %dma_wait3A_609 = tpu.memref_slice %arg4[%add3A_583, %dma_wait3A_608] : memref<131072x128xf32, #tpu.memory_space<hbm>> -> memref<128x128xf32, #tpu.memory_space<hbm>>
    %dma_wait3A_610 = arith.constant 0 : i32
    %dma_wait3A_611 = tpu.memref_slice %arg4[%add3A_583, %dma_wait3A_610] : memref<131072x128xf32, #tpu.memory_space<hbm>> -> memref<128x128xf32, #tpu.memory_space<hbm>>
    tpu.wait_dma2 semaphore(%arg11 : memref<!tpu.dma_semaphore, #tpu.memory_space<semaphore_mem>>) src(%arg7 : memref<128x128xf32, #tpu.memory_space<vmem>>) dst(%dma_wait3A_611 : memref<128x128xf32, #tpu.memory_space<hbm>>)
    %add3A_612 = arith.constant 128 : i32
    %add3A_613 = arith.addi %add3A_37, %add3A_612 : i32
    %dma_start3A_614 = arith.constant 0 : i32
    %dma_start3A_615 = tpu.memref_slice %arg3[%add3A_613, %dma_start3A_614] : memref<131072x128xf32, #tpu.memory_space<hbm>> -> memref<128x128xf32, #tpu.memory_space<hbm>>
    %dma_start3A_616 = arith.constant 0 : i32
    %dma_start3A_617 = tpu.memref_slice %arg3[%add3A_613, %dma_start3A_616] : memref<131072x128xf32, #tpu.memory_space<hbm>> -> memref<128x128xf32, #tpu.memory_space<hbm>>
    tpu.enqueue_dma source(%dma_start3A_617 : memref<128x128xf32, #tpu.memory_space<hbm>>) target(%arg7 : memref<128x128xf32, #tpu.memory_space<vmem>>) target_semaphore(%arg9 : memref<!tpu.dma_semaphore, #tpu.memory_space<semaphore_mem>>)
    %dma_wait3A_618 = arith.constant 0 : i32
    %dma_wait3A_619 = tpu.memref_slice %arg3[%add3A_613, %dma_wait3A_618] : memref<131072x128xf32, #tpu.memory_space<hbm>> -> memref<128x128xf32, #tpu.memory_space<hbm>>
    %dma_wait3A_620 = arith.constant 0 : i32
    %dma_wait3A_621 = tpu.memref_slice %arg3[%add3A_613, %dma_wait3A_620] : memref<131072x128xf32, #tpu.memory_space<hbm>> -> memref<128x128xf32, #tpu.memory_space<hbm>>
    tpu.wait_dma2 semaphore(%arg9 : memref<!tpu.dma_semaphore, #tpu.memory_space<semaphore_mem>>) src(%dma_wait3A_621 : memref<128x128xf32, #tpu.memory_space<hbm>>) dst(%arg7 : memref<128x128xf32, #tpu.memory_space<vmem>>)
    %add3A_622 = arith.constant 128 : i32
    %add3A_623 = arith.addi %add3A_37, %add3A_622 : i32
    %dma_start3A_624 = arith.constant 0 : i32
    %dma_start3A_625 = tpu.memref_slice %arg5[%add3A_623, %dma_start3A_624] : memref<131072x128xf32, #tpu.memory_space<hbm>> -> memref<128x128xf32, #tpu.memory_space<hbm>>
    %dma_start3A_626 = arith.constant 0 : i32
    %dma_start3A_627 = tpu.memref_slice %arg5[%add3A_623, %dma_start3A_626] : memref<131072x128xf32, #tpu.memory_space<hbm>> -> memref<128x128xf32, #tpu.memory_space<hbm>>
    tpu.enqueue_dma source(%arg7 : memref<128x128xf32, #tpu.memory_space<vmem>>) target(%dma_start3A_627 : memref<128x128xf32, #tpu.memory_space<hbm>>) target_semaphore(%arg11 : memref<!tpu.dma_semaphore, #tpu.memory_space<semaphore_mem>>)
    %dma_wait3A_628 = arith.constant 0 : i32
    %dma_wait3A_629 = tpu.memref_slice %arg5[%add3A_603, %dma_wait3A_628] : memref<131072x128xf32, #tpu.memory_space<hbm>> -> memref<128x128xf32, #tpu.memory_space<hbm>>
    %dma_wait3A_630 = arith.constant 0 : i32
    %dma_wait3A_631 = tpu.memref_slice %arg5[%add3A_603, %dma_wait3A_630] : memref<131072x128xf32, #tpu.memory_space<hbm>> -> memref<128x128xf32, #tpu.memory_space<hbm>>
    tpu.wait_dma2 semaphore(%arg10 : memref<!tpu.dma_semaphore, #tpu.memory_space<semaphore_mem>>) src(%arg6 : memref<128x128xf32, #tpu.memory_space<vmem>>) dst(%dma_wait3A_631 : memref<128x128xf32, #tpu.memory_space<hbm>>)
    %add3A_632 = arith.constant 256 : i32
    %add3A_633 = arith.addi %add3A_37, %add3A_632 : i32
    %dma_start3A_634 = arith.constant 0 : i32
    %dma_start3A_635 = tpu.memref_slice %arg3[%add3A_633, %dma_start3A_634] : memref<131072x128xf32, #tpu.memory_space<hbm>> -> memref<128x128xf32, #tpu.memory_space<hbm>>
    %dma_start3A_636 = arith.constant 0 : i32
    %dma_start3A_637 = tpu.memref_slice %arg3[%add3A_633, %dma_start3A_636] : memref<131072x128xf32, #tpu.memory_space<hbm>> -> memref<128x128xf32, #tpu.memory_space<hbm>>
    tpu.enqueue_dma source(%dma_start3A_637 : memref<128x128xf32, #tpu.memory_space<hbm>>) target(%arg6 : memref<128x128xf32, #tpu.memory_space<vmem>>) target_semaphore(%arg8 : memref<!tpu.dma_semaphore, #tpu.memory_space<semaphore_mem>>)
    %dma_wait3A_638 = arith.constant 0 : i32
    %dma_wait3A_639 = tpu.memref_slice %arg3[%add3A_633, %dma_wait3A_638] : memref<131072x128xf32, #tpu.memory_space<hbm>> -> memref<128x128xf32, #tpu.memory_space<hbm>>
    %dma_wait3A_640 = arith.constant 0 : i32
    %dma_wait3A_641 = tpu.memref_slice %arg3[%add3A_633, %dma_wait3A_640] : memref<131072x128xf32, #tpu.memory_space<hbm>> -> memref<128x128xf32, #tpu.memory_space<hbm>>
    tpu.wait_dma2 semaphore(%arg8 : memref<!tpu.dma_semaphore, #tpu.memory_space<semaphore_mem>>) src(%dma_wait3A_641 : memref<128x128xf32, #tpu.memory_space<hbm>>) dst(%arg6 : memref<128x128xf32, #tpu.memory_space<vmem>>)
    %add3A_642 = arith.constant 256 : i32
    %add3A_643 = arith.addi %add3A_37, %add3A_642 : i32
    %dma_start3A_644 = arith.constant 0 : i32
    %dma_start3A_645 = tpu.memref_slice %arg5[%add3A_643, %dma_start3A_644] : memref<131072x128xf32, #tpu.memory_space<hbm>> -> memref<128x128xf32, #tpu.memory_space<hbm>>
    %dma_start3A_646 = arith.constant 0 : i32
    %dma_start3A_647 = tpu.memref_slice %arg5[%add3A_643, %dma_start3A_646] : memref<131072x128xf32, #tpu.memory_space<hbm>> -> memref<128x128xf32, #tpu.memory_space<hbm>>
    tpu.enqueue_dma source(%arg6 : memref<128x128xf32, #tpu.memory_space<vmem>>) target(%dma_start3A_647 : memref<128x128xf32, #tpu.memory_space<hbm>>) target_semaphore(%arg10 : memref<!tpu.dma_semaphore, #tpu.memory_space<semaphore_mem>>)
    %dma_wait3A_648 = arith.constant 0 : i32
    %dma_wait3A_649 = tpu.memref_slice %arg5[%add3A_623, %dma_wait3A_648] : memref<131072x128xf32, #tpu.memory_space<hbm>> -> memref<128x128xf32, #tpu.memory_space<hbm>>
    %dma_wait3A_650 = arith.constant 0 : i32
    %dma_wait3A_651 = tpu.memref_slice %arg5[%add3A_623, %dma_wait3A_650] : memref<131072x128xf32, #tpu.memory_space<hbm>> -> memref<128x128xf32, #tpu.memory_space<hbm>>
    tpu.wait_dma2 semaphore(%arg11 : memref<!tpu.dma_semaphore, #tpu.memory_space<semaphore_mem>>) src(%arg7 : memref<128x128xf32, #tpu.memory_space<vmem>>) dst(%dma_wait3A_651 : memref<128x128xf32, #tpu.memory_space<hbm>>)
    %add3A_652 = arith.constant 384 : i32
    %add3A_653 = arith.addi %add3A_37, %add3A_652 : i32
    %dma_start3A_654 = arith.constant 0 : i32
    %dma_start3A_655 = tpu.memref_slice %arg3[%add3A_653, %dma_start3A_654] : memref<131072x128xf32, #tpu.memory_space<hbm>> -> memref<128x128xf32, #tpu.memory_space<hbm>>
    %dma_start3A_656 = arith.constant 0 : i32
    %dma_start3A_657 = tpu.memref_slice %arg3[%add3A_653, %dma_start3A_656] : memref<131072x128xf32, #tpu.memory_space<hbm>> -> memref<128x128xf32, #tpu.memory_space<hbm>>
    tpu.enqueue_dma source(%dma_start3A_657 : memref<128x128xf32, #tpu.memory_space<hbm>>) target(%arg7 : memref<128x128xf32, #tpu.memory_space<vmem>>) target_semaphore(%arg9 : memref<!tpu.dma_semaphore, #tpu.memory_space<semaphore_mem>>)
    %dma_wait3A_658 = arith.constant 0 : i32
    %dma_wait3A_659 = tpu.memref_slice %arg3[%add3A_653, %dma_wait3A_658] : memref<131072x128xf32, #tpu.memory_space<hbm>> -> memref<128x128xf32, #tpu.memory_space<hbm>>
    %dma_wait3A_660 = arith.constant 0 : i32
    %dma_wait3A_661 = tpu.memref_slice %arg3[%add3A_653, %dma_wait3A_660] : memref<131072x128xf32, #tpu.memory_space<hbm>> -> memref<128x128xf32, #tpu.memory_space<hbm>>
    tpu.wait_dma2 semaphore(%arg9 : memref<!tpu.dma_semaphore, #tpu.memory_space<semaphore_mem>>) src(%dma_wait3A_661 : memref<128x128xf32, #tpu.memory_space<hbm>>) dst(%arg7 : memref<128x128xf32, #tpu.memory_space<vmem>>)
    %add3A_662 = arith.constant 384 : i32
    %add3A_663 = arith.addi %add3A_37, %add3A_662 : i32
    %dma_start3A_664 = arith.constant 0 : i32
    %dma_start3A_665 = tpu.memref_slice %arg5[%add3A_663, %dma_start3A_664] : memref<131072x128xf32, #tpu.memory_space<hbm>> -> memref<128x128xf32, #tpu.memory_space<hbm>>
    %dma_start3A_666 = arith.constant 0 : i32
    %dma_start3A_667 = tpu.memref_slice %arg5[%add3A_663, %dma_start3A_666] : memref<131072x128xf32, #tpu.memory_space<hbm>> -> memref<128x128xf32, #tpu.memory_space<hbm>>
    tpu.enqueue_dma source(%arg7 : memref<128x128xf32, #tpu.memory_space<vmem>>) target(%dma_start3A_667 : memref<128x128xf32, #tpu.memory_space<hbm>>) target_semaphore(%arg11 : memref<!tpu.dma_semaphore, #tpu.memory_space<semaphore_mem>>)
    %dma_wait3A_668 = arith.constant 0 : i32
    %dma_wait3A_669 = tpu.memref_slice %arg5[%add3A_643, %dma_wait3A_668] : memref<131072x128xf32, #tpu.memory_space<hbm>> -> memref<128x128xf32, #tpu.memory_space<hbm>>
    %dma_wait3A_670 = arith.constant 0 : i32
    %dma_wait3A_671 = tpu.memref_slice %arg5[%add3A_643, %dma_wait3A_670] : memref<131072x128xf32, #tpu.memory_space<hbm>> -> memref<128x128xf32, #tpu.memory_space<hbm>>
    tpu.wait_dma2 semaphore(%arg10 : memref<!tpu.dma_semaphore, #tpu.memory_space<semaphore_mem>>) src(%arg6 : memref<128x128xf32, #tpu.memory_space<vmem>>) dst(%dma_wait3A_671 : memref<128x128xf32, #tpu.memory_space<hbm>>)
    %add3A_672 = arith.constant 512 : i32
    %add3A_673 = arith.addi %add3A_37, %add3A_672 : i32
    %dma_start3A_674 = arith.constant 0 : i32
    %dma_start3A_675 = tpu.memref_slice %arg3[%add3A_673, %dma_start3A_674] : memref<131072x128xf32, #tpu.memory_space<hbm>> -> memref<128x128xf32, #tpu.memory_space<hbm>>
    %dma_start3A_676 = arith.constant 0 : i32
    %dma_start3A_677 = tpu.memref_slice %arg3[%add3A_673, %dma_start3A_676] : memref<131072x128xf32, #tpu.memory_space<hbm>> -> memref<128x128xf32, #tpu.memory_space<hbm>>
    tpu.enqueue_dma source(%dma_start3A_677 : memref<128x128xf32, #tpu.memory_space<hbm>>) target(%arg6 : memref<128x128xf32, #tpu.memory_space<vmem>>) target_semaphore(%arg8 : memref<!tpu.dma_semaphore, #tpu.memory_space<semaphore_mem>>)
    %dma_wait3A_678 = arith.constant 0 : i32
    %dma_wait3A_679 = tpu.memref_slice %arg3[%add3A_673, %dma_wait3A_678] : memref<131072x128xf32, #tpu.memory_space<hbm>> -> memref<128x128xf32, #tpu.memory_space<hbm>>
    %dma_wait3A_680 = arith.constant 0 : i32
    %dma_wait3A_681 = tpu.memref_slice %arg3[%add3A_673, %dma_wait3A_680] : memref<131072x128xf32, #tpu.memory_space<hbm>> -> memref<128x128xf32, #tpu.memory_space<hbm>>
    tpu.wait_dma2 semaphore(%arg8 : memref<!tpu.dma_semaphore, #tpu.memory_space<semaphore_mem>>) src(%dma_wait3A_681 : memref<128x128xf32, #tpu.memory_space<hbm>>) dst(%arg6 : memref<128x128xf32, #tpu.memory_space<vmem>>)
    %add3A_682 = arith.constant 512 : i32
    %add3A_683 = arith.addi %add3A_37, %add3A_682 : i32
    %dma_start3A_684 = arith.constant 0 : i32
    %dma_start3A_685 = tpu.memref_slice %arg5[%add3A_683, %dma_start3A_684] : memref<131072x128xf32, #tpu.memory_space<hbm>> -> memref<128x128xf32, #tpu.memory_space<hbm>>
    %dma_start3A_686 = arith.constant 0 : i32
    %dma_start3A_687 = tpu.memref_slice %arg5[%add3A_683, %dma_start3A_686] : memref<131072x128xf32, #tpu.memory_space<hbm>> -> memref<128x128xf32, #tpu.memory_space<hbm>>
    tpu.enqueue_dma source(%arg6 : memref<128x128xf32, #tpu.memory_space<vmem>>) target(%dma_start3A_687 : memref<128x128xf32, #tpu.memory_space<hbm>>) target_semaphore(%arg10 : memref<!tpu.dma_semaphore, #tpu.memory_space<semaphore_mem>>)
    %dma_wait3A_688 = arith.constant 0 : i32
    %dma_wait3A_689 = tpu.memref_slice %arg5[%add3A_663, %dma_wait3A_688] : memref<131072x128xf32, #tpu.memory_space<hbm>> -> memref<128x128xf32, #tpu.memory_space<hbm>>
    %dma_wait3A_690 = arith.constant 0 : i32
    %dma_wait3A_691 = tpu.memref_slice %arg5[%add3A_663, %dma_wait3A_690] : memref<131072x128xf32, #tpu.memory_space<hbm>> -> memref<128x128xf32, #tpu.memory_space<hbm>>
    tpu.wait_dma2 semaphore(%arg11 : memref<!tpu.dma_semaphore, #tpu.memory_space<semaphore_mem>>) src(%arg7 : memref<128x128xf32, #tpu.memory_space<vmem>>) dst(%dma_wait3A_691 : memref<128x128xf32, #tpu.memory_space<hbm>>)
    %add3A_692 = arith.constant 640 : i32
    %add3A_693 = arith.addi %add3A_37, %add3A_692 : i32
    %dma_start3A_694 = arith.constant 0 : i32
    %dma_start3A_695 = tpu.memref_slice %arg3[%add3A_693, %dma_start3A_694] : memref<131072x128xf32, #tpu.memory_space<hbm>> -> memref<128x128xf32, #tpu.memory_space<hbm>>
    %dma_start3A_696 = arith.constant 0 : i32
    %dma_start3A_697 = tpu.memref_slice %arg3[%add3A_693, %dma_start3A_696] : memref<131072x128xf32, #tpu.memory_space<hbm>> -> memref<128x128xf32, #tpu.memory_space<hbm>>
    tpu.enqueue_dma source(%dma_start3A_697 : memref<128x128xf32, #tpu.memory_space<hbm>>) target(%arg7 : memref<128x128xf32, #tpu.memory_space<vmem>>) target_semaphore(%arg9 : memref<!tpu.dma_semaphore, #tpu.memory_space<semaphore_mem>>)
    %dma_wait3A_698 = arith.constant 0 : i32
    %dma_wait3A_699 = tpu.memref_slice %arg3[%add3A_693, %dma_wait3A_698] : memref<131072x128xf32, #tpu.memory_space<hbm>> -> memref<128x128xf32, #tpu.memory_space<hbm>>
    %dma_wait3A_700 = arith.constant 0 : i32
    %dma_wait3A_701 = tpu.memref_slice %arg3[%add3A_693, %dma_wait3A_700] : memref<131072x128xf32, #tpu.memory_space<hbm>> -> memref<128x128xf32, #tpu.memory_space<hbm>>
    tpu.wait_dma2 semaphore(%arg9 : memref<!tpu.dma_semaphore, #tpu.memory_space<semaphore_mem>>) src(%dma_wait3A_701 : memref<128x128xf32, #tpu.memory_space<hbm>>) dst(%arg7 : memref<128x128xf32, #tpu.memory_space<vmem>>)
    %add3A_702 = arith.constant 640 : i32
    %add3A_703 = arith.addi %add3A_37, %add3A_702 : i32
    %dma_start3A_704 = arith.constant 0 : i32
    %dma_start3A_705 = tpu.memref_slice %arg5[%add3A_703, %dma_start3A_704] : memref<131072x128xf32, #tpu.memory_space<hbm>> -> memref<128x128xf32, #tpu.memory_space<hbm>>
    %dma_start3A_706 = arith.constant 0 : i32
    %dma_start3A_707 = tpu.memref_slice %arg5[%add3A_703, %dma_start3A_706] : memref<131072x128xf32, #tpu.memory_space<hbm>> -> memref<128x128xf32, #tpu.memory_space<hbm>>
    tpu.enqueue_dma source(%arg7 : memref<128x128xf32, #tpu.memory_space<vmem>>) target(%dma_start3A_707 : memref<128x128xf32, #tpu.memory_space<hbm>>) target_semaphore(%arg11 : memref<!tpu.dma_semaphore, #tpu.memory_space<semaphore_mem>>)
    %dma_wait3A_708 = arith.constant 0 : i32
    %dma_wait3A_709 = tpu.memref_slice %arg5[%add3A_683, %dma_wait3A_708] : memref<131072x128xf32, #tpu.memory_space<hbm>> -> memref<128x128xf32, #tpu.memory_space<hbm>>
    %dma_wait3A_710 = arith.constant 0 : i32
    %dma_wait3A_711 = tpu.memref_slice %arg5[%add3A_683, %dma_wait3A_710] : memref<131072x128xf32, #tpu.memory_space<hbm>> -> memref<128x128xf32, #tpu.memory_space<hbm>>
    tpu.wait_dma2 semaphore(%arg10 : memref<!tpu.dma_semaphore, #tpu.memory_space<semaphore_mem>>) src(%arg6 : memref<128x128xf32, #tpu.memory_space<vmem>>) dst(%dma_wait3A_711 : memref<128x128xf32, #tpu.memory_space<hbm>>)
    %add3A_712 = arith.constant 768 : i32
    %add3A_713 = arith.addi %add3A_37, %add3A_712 : i32
    %dma_start3A_714 = arith.constant 0 : i32
    %dma_start3A_715 = tpu.memref_slice %arg3[%add3A_713, %dma_start3A_714] : memref<131072x128xf32, #tpu.memory_space<hbm>> -> memref<128x128xf32, #tpu.memory_space<hbm>>
    %dma_start3A_716 = arith.constant 0 : i32
    %dma_start3A_717 = tpu.memref_slice %arg3[%add3A_713, %dma_start3A_716] : memref<131072x128xf32, #tpu.memory_space<hbm>> -> memref<128x128xf32, #tpu.memory_space<hbm>>
    tpu.enqueue_dma source(%dma_start3A_717 : memref<128x128xf32, #tpu.memory_space<hbm>>) target(%arg6 : memref<128x128xf32, #tpu.memory_space<vmem>>) target_semaphore(%arg8 : memref<!tpu.dma_semaphore, #tpu.memory_space<semaphore_mem>>)
    %dma_wait3A_718 = arith.constant 0 : i32
    %dma_wait3A_719 = tpu.memref_slice %arg3[%add3A_713, %dma_wait3A_718] : memref<131072x128xf32, #tpu.memory_space<hbm>> -> memref<128x128xf32, #tpu.memory_space<hbm>>
    %dma_wait3A_720 = arith.constant 0 : i32
    %dma_wait3A_721 = tpu.memref_slice %arg3[%add3A_713, %dma_wait3A_720] : memref<131072x128xf32, #tpu.memory_space<hbm>> -> memref<128x128xf32, #tpu.memory_space<hbm>>
    tpu.wait_dma2 semaphore(%arg8 : memref<!tpu.dma_semaphore, #tpu.memory_space<semaphore_mem>>) src(%dma_wait3A_721 : memref<128x128xf32, #tpu.memory_space<hbm>>) dst(%arg6 : memref<128x128xf32, #tpu.memory_space<vmem>>)
    %add3A_722 = arith.constant 768 : i32
    %add3A_723 = arith.addi %add3A_37, %add3A_722 : i32
    %dma_start3A_724 = arith.constant 0 : i32
    %dma_start3A_725 = tpu.memref_slice %arg5[%add3A_723, %dma_start3A_724] : memref<131072x128xf32, #tpu.memory_space<hbm>> -> memref<128x128xf32, #tpu.memory_space<hbm>>
    %dma_start3A_726 = arith.constant 0 : i32
    %dma_start3A_727 = tpu.memref_slice %arg5[%add3A_723, %dma_start3A_726] : memref<131072x128xf32, #tpu.memory_space<hbm>> -> memref<128x128xf32, #tpu.memory_space<hbm>>
    tpu.enqueue_dma source(%arg6 : memref<128x128xf32, #tpu.memory_space<vmem>>) target(%dma_start3A_727 : memref<128x128xf32, #tpu.memory_space<hbm>>) target_semaphore(%arg10 : memref<!tpu.dma_semaphore, #tpu.memory_space<semaphore_mem>>)
    %dma_wait3A_728 = arith.constant 0 : i32
    %dma_wait3A_729 = tpu.memref_slice %arg5[%add3A_703, %dma_wait3A_728] : memref<131072x128xf32, #tpu.memory_space<hbm>> -> memref<128x128xf32, #tpu.memory_space<hbm>>
    %dma_wait3A_730 = arith.constant 0 : i32
    %dma_wait3A_731 = tpu.memref_slice %arg5[%add3A_703, %dma_wait3A_730] : memref<131072x128xf32, #tpu.memory_space<hbm>> -> memref<128x128xf32, #tpu.memory_space<hbm>>
    tpu.wait_dma2 semaphore(%arg11 : memref<!tpu.dma_semaphore, #tpu.memory_space<semaphore_mem>>) src(%arg7 : memref<128x128xf32, #tpu.memory_space<vmem>>) dst(%dma_wait3A_731 : memref<128x128xf32, #tpu.memory_space<hbm>>)
    %add3A_732 = arith.constant 896 : i32
    %add3A_733 = arith.addi %add3A_37, %add3A_732 : i32
    %dma_start3A_734 = arith.constant 0 : i32
    %dma_start3A_735 = tpu.memref_slice %arg3[%add3A_733, %dma_start3A_734] : memref<131072x128xf32, #tpu.memory_space<hbm>> -> memref<128x128xf32, #tpu.memory_space<hbm>>
    %dma_start3A_736 = arith.constant 0 : i32
    %dma_start3A_737 = tpu.memref_slice %arg3[%add3A_733, %dma_start3A_736] : memref<131072x128xf32, #tpu.memory_space<hbm>> -> memref<128x128xf32, #tpu.memory_space<hbm>>
    tpu.enqueue_dma source(%dma_start3A_737 : memref<128x128xf32, #tpu.memory_space<hbm>>) target(%arg7 : memref<128x128xf32, #tpu.memory_space<vmem>>) target_semaphore(%arg9 : memref<!tpu.dma_semaphore, #tpu.memory_space<semaphore_mem>>)
    %dma_wait3A_738 = arith.constant 0 : i32
    %dma_wait3A_739 = tpu.memref_slice %arg3[%add3A_733, %dma_wait3A_738] : memref<131072x128xf32, #tpu.memory_space<hbm>> -> memref<128x128xf32, #tpu.memory_space<hbm>>
    %dma_wait3A_740 = arith.constant 0 : i32
    %dma_wait3A_741 = tpu.memref_slice %arg3[%add3A_733, %dma_wait3A_740] : memref<131072x128xf32, #tpu.memory_space<hbm>> -> memref<128x128xf32, #tpu.memory_space<hbm>>
    tpu.wait_dma2 semaphore(%arg9 : memref<!tpu.dma_semaphore, #tpu.memory_space<semaphore_mem>>) src(%dma_wait3A_741 : memref<128x128xf32, #tpu.memory_space<hbm>>) dst(%arg7 : memref<128x128xf32, #tpu.memory_space<vmem>>)
    %add3A_742 = arith.constant 896 : i32
    %add3A_743 = arith.addi %add3A_37, %add3A_742 : i32
    %dma_start3A_744 = arith.constant 0 : i32
    %dma_start3A_745 = tpu.memref_slice %arg5[%add3A_743, %dma_start3A_744] : memref<131072x128xf32, #tpu.memory_space<hbm>> -> memref<128x128xf32, #tpu.memory_space<hbm>>
    %dma_start3A_746 = arith.constant 0 : i32
    %dma_start3A_747 = tpu.memref_slice %arg5[%add3A_743, %dma_start3A_746] : memref<131072x128xf32, #tpu.memory_space<hbm>> -> memref<128x128xf32, #tpu.memory_space<hbm>>
    tpu.enqueue_dma source(%arg7 : memref<128x128xf32, #tpu.memory_space<vmem>>) target(%dma_start3A_747 : memref<128x128xf32, #tpu.memory_space<hbm>>) target_semaphore(%arg11 : memref<!tpu.dma_semaphore, #tpu.memory_space<semaphore_mem>>)
    %dma_wait3A_748 = arith.constant 0 : i32
    %dma_wait3A_749 = tpu.memref_slice %arg5[%add3A_723, %dma_wait3A_748] : memref<131072x128xf32, #tpu.memory_space<hbm>> -> memref<128x128xf32, #tpu.memory_space<hbm>>
    %dma_wait3A_750 = arith.constant 0 : i32
    %dma_wait3A_751 = tpu.memref_slice %arg5[%add3A_723, %dma_wait3A_750] : memref<131072x128xf32, #tpu.memory_space<hbm>> -> memref<128x128xf32, #tpu.memory_space<hbm>>
    tpu.wait_dma2 semaphore(%arg10 : memref<!tpu.dma_semaphore, #tpu.memory_space<semaphore_mem>>) src(%arg6 : memref<128x128xf32, #tpu.memory_space<vmem>>) dst(%dma_wait3A_751 : memref<128x128xf32, #tpu.memory_space<hbm>>)
    %add3A_752 = arith.constant 1024 : i32
    %add3A_753 = arith.addi %add3A_37, %add3A_752 : i32
    %dma_start3A_754 = arith.constant 0 : i32
    %dma_start3A_755 = tpu.memref_slice %arg3[%add3A_753, %dma_start3A_754] : memref<131072x128xf32, #tpu.memory_space<hbm>> -> memref<128x128xf32, #tpu.memory_space<hbm>>
    %dma_start3A_756 = arith.constant 0 : i32
    %dma_start3A_757 = tpu.memref_slice %arg3[%add3A_753, %dma_start3A_756] : memref<131072x128xf32, #tpu.memory_space<hbm>> -> memref<128x128xf32, #tpu.memory_space<hbm>>
    tpu.enqueue_dma source(%dma_start3A_757 : memref<128x128xf32, #tpu.memory_space<hbm>>) target(%arg6 : memref<128x128xf32, #tpu.memory_space<vmem>>) target_semaphore(%arg8 : memref<!tpu.dma_semaphore, #tpu.memory_space<semaphore_mem>>)
    %dma_wait3A_758 = arith.constant 0 : i32
    %dma_wait3A_759 = tpu.memref_slice %arg3[%add3A_753, %dma_wait3A_758] : memref<131072x128xf32, #tpu.memory_space<hbm>> -> memref<128x128xf32, #tpu.memory_space<hbm>>
    %dma_wait3A_760 = arith.constant 0 : i32
    %dma_wait3A_761 = tpu.memref_slice %arg3[%add3A_753, %dma_wait3A_760] : memref<131072x128xf32, #tpu.memory_space<hbm>> -> memref<128x128xf32, #tpu.memory_space<hbm>>
    tpu.wait_dma2 semaphore(%arg8 : memref<!tpu.dma_semaphore, #tpu.memory_space<semaphore_mem>>) src(%dma_wait3A_761 : memref<128x128xf32, #tpu.memory_space<hbm>>) dst(%arg6 : memref<128x128xf32, #tpu.memory_space<vmem>>)
    %add3A_762 = arith.constant 1024 : i32
    %add3A_763 = arith.addi %add3A_37, %add3A_762 : i32
    %dma_start3A_764 = arith.constant 0 : i32
    %dma_start3A_765 = tpu.memref_slice %arg5[%add3A_763, %dma_start3A_764] : memref<131072x128xf32, #tpu.memory_space<hbm>> -> memref<128x128xf32, #tpu.memory_space<hbm>>
    %dma_start3A_766 = arith.constant 0 : i32
    %dma_start3A_767 = tpu.memref_slice %arg5[%add3A_763, %dma_start3A_766] : memref<131072x128xf32, #tpu.memory_space<hbm>> -> memref<128x128xf32, #tpu.memory_space<hbm>>
    tpu.enqueue_dma source(%arg6 : memref<128x128xf32, #tpu.memory_space<vmem>>) target(%dma_start3A_767 : memref<128x128xf32, #tpu.memory_space<hbm>>) target_semaphore(%arg10 : memref<!tpu.dma_semaphore, #tpu.memory_space<semaphore_mem>>)
    %dma_wait3A_768 = arith.constant 0 : i32
    %dma_wait3A_769 = tpu.memref_slice %arg5[%add3A_743, %dma_wait3A_768] : memref<131072x128xf32, #tpu.memory_space<hbm>> -> memref<128x128xf32, #tpu.memory_space<hbm>>
    %dma_wait3A_770 = arith.constant 0 : i32
    %dma_wait3A_771 = tpu.memref_slice %arg5[%add3A_743, %dma_wait3A_770] : memref<131072x128xf32, #tpu.memory_space<hbm>> -> memref<128x128xf32, #tpu.memory_space<hbm>>
    tpu.wait_dma2 semaphore(%arg11 : memref<!tpu.dma_semaphore, #tpu.memory_space<semaphore_mem>>) src(%arg7 : memref<128x128xf32, #tpu.memory_space<vmem>>) dst(%dma_wait3A_771 : memref<128x128xf32, #tpu.memory_space<hbm>>)
    %add3A_772 = arith.constant 1152 : i32
    %add3A_773 = arith.addi %add3A_37, %add3A_772 : i32
    %dma_start3A_774 = arith.constant 0 : i32
    %dma_start3A_775 = tpu.memref_slice %arg3[%add3A_773, %dma_start3A_774] : memref<131072x128xf32, #tpu.memory_space<hbm>> -> memref<128x128xf32, #tpu.memory_space<hbm>>
    %dma_start3A_776 = arith.constant 0 : i32
    %dma_start3A_777 = tpu.memref_slice %arg3[%add3A_773, %dma_start3A_776] : memref<131072x128xf32, #tpu.memory_space<hbm>> -> memref<128x128xf32, #tpu.memory_space<hbm>>
    tpu.enqueue_dma source(%dma_start3A_777 : memref<128x128xf32, #tpu.memory_space<hbm>>) target(%arg7 : memref<128x128xf32, #tpu.memory_space<vmem>>) target_semaphore(%arg9 : memref<!tpu.dma_semaphore, #tpu.memory_space<semaphore_mem>>)
    %dma_wait3A_778 = arith.constant 0 : i32
    %dma_wait3A_779 = tpu.memref_slice %arg3[%add3A_773, %dma_wait3A_778] : memref<131072x128xf32, #tpu.memory_space<hbm>> -> memref<128x128xf32, #tpu.memory_space<hbm>>
    %dma_wait3A_780 = arith.constant 0 : i32
    %dma_wait3A_781 = tpu.memref_slice %arg3[%add3A_773, %dma_wait3A_780] : memref<131072x128xf32, #tpu.memory_space<hbm>> -> memref<128x128xf32, #tpu.memory_space<hbm>>
    tpu.wait_dma2 semaphore(%arg9 : memref<!tpu.dma_semaphore, #tpu.memory_space<semaphore_mem>>) src(%dma_wait3A_781 : memref<128x128xf32, #tpu.memory_space<hbm>>) dst(%arg7 : memref<128x128xf32, #tpu.memory_space<vmem>>)
    %add3A_782 = arith.constant 1152 : i32
    %add3A_783 = arith.addi %add3A_37, %add3A_782 : i32
    %dma_start3A_784 = arith.constant 0 : i32
    %dma_start3A_785 = tpu.memref_slice %arg5[%add3A_783, %dma_start3A_784] : memref<131072x128xf32, #tpu.memory_space<hbm>> -> memref<128x128xf32, #tpu.memory_space<hbm>>
    %dma_start3A_786 = arith.constant 0 : i32
    %dma_start3A_787 = tpu.memref_slice %arg5[%add3A_783, %dma_start3A_786] : memref<131072x128xf32, #tpu.memory_space<hbm>> -> memref<128x128xf32, #tpu.memory_space<hbm>>
    tpu.enqueue_dma source(%arg7 : memref<128x128xf32, #tpu.memory_space<vmem>>) target(%dma_start3A_787 : memref<128x128xf32, #tpu.memory_space<hbm>>) target_semaphore(%arg11 : memref<!tpu.dma_semaphore, #tpu.memory_space<semaphore_mem>>)
    %dma_wait3A_788 = arith.constant 0 : i32
    %dma_wait3A_789 = tpu.memref_slice %arg5[%add3A_763, %dma_wait3A_788] : memref<131072x128xf32, #tpu.memory_space<hbm>> -> memref<128x128xf32, #tpu.memory_space<hbm>>
    %dma_wait3A_790 = arith.constant 0 : i32
    %dma_wait3A_791 = tpu.memref_slice %arg5[%add3A_763, %dma_wait3A_790] : memref<131072x128xf32, #tpu.memory_space<hbm>> -> memref<128x128xf32, #tpu.memory_space<hbm>>
    tpu.wait_dma2 semaphore(%arg10 : memref<!tpu.dma_semaphore, #tpu.memory_space<semaphore_mem>>) src(%arg6 : memref<128x128xf32, #tpu.memory_space<vmem>>) dst(%dma_wait3A_791 : memref<128x128xf32, #tpu.memory_space<hbm>>)
    %add3A_792 = arith.constant 1280 : i32
    %add3A_793 = arith.addi %add3A_37, %add3A_792 : i32
    %dma_start3A_794 = arith.constant 0 : i32
    %dma_start3A_795 = tpu.memref_slice %arg3[%add3A_793, %dma_start3A_794] : memref<131072x128xf32, #tpu.memory_space<hbm>> -> memref<128x128xf32, #tpu.memory_space<hbm>>
    %dma_start3A_796 = arith.constant 0 : i32
    %dma_start3A_797 = tpu.memref_slice %arg3[%add3A_793, %dma_start3A_796] : memref<131072x128xf32, #tpu.memory_space<hbm>> -> memref<128x128xf32, #tpu.memory_space<hbm>>
    tpu.enqueue_dma source(%dma_start3A_797 : memref<128x128xf32, #tpu.memory_space<hbm>>) target(%arg6 : memref<128x128xf32, #tpu.memory_space<vmem>>) target_semaphore(%arg8 : memref<!tpu.dma_semaphore, #tpu.memory_space<semaphore_mem>>)
    %dma_wait3A_798 = arith.constant 0 : i32
    %dma_wait3A_799 = tpu.memref_slice %arg3[%add3A_793, %dma_wait3A_798] : memref<131072x128xf32, #tpu.memory_space<hbm>> -> memref<128x128xf32, #tpu.memory_space<hbm>>
    %dma_wait3A_800 = arith.constant 0 : i32
    %dma_wait3A_801 = tpu.memref_slice %arg3[%add3A_793, %dma_wait3A_800] : memref<131072x128xf32, #tpu.memory_space<hbm>> -> memref<128x128xf32, #tpu.memory_space<hbm>>
    tpu.wait_dma2 semaphore(%arg8 : memref<!tpu.dma_semaphore, #tpu.memory_space<semaphore_mem>>) src(%dma_wait3A_801 : memref<128x128xf32, #tpu.memory_space<hbm>>) dst(%arg6 : memref<128x128xf32, #tpu.memory_space<vmem>>)
    %add3A_802 = arith.constant 1280 : i32
    %add3A_803 = arith.addi %add3A_37, %add3A_802 : i32
    %dma_start3A_804 = arith.constant 0 : i32
    %dma_start3A_805 = tpu.memref_slice %arg5[%add3A_803, %dma_start3A_804] : memref<131072x128xf32, #tpu.memory_space<hbm>> -> memref<128x128xf32, #tpu.memory_space<hbm>>
    %dma_start3A_806 = arith.constant 0 : i32
    %dma_start3A_807 = tpu.memref_slice %arg5[%add3A_803, %dma_start3A_806] : memref<131072x128xf32, #tpu.memory_space<hbm>> -> memref<128x128xf32, #tpu.memory_space<hbm>>
    tpu.enqueue_dma source(%arg6 : memref<128x128xf32, #tpu.memory_space<vmem>>) target(%dma_start3A_807 : memref<128x128xf32, #tpu.memory_space<hbm>>) target_semaphore(%arg10 : memref<!tpu.dma_semaphore, #tpu.memory_space<semaphore_mem>>)
    %dma_wait3A_808 = arith.constant 0 : i32
    %dma_wait3A_809 = tpu.memref_slice %arg5[%add3A_783, %dma_wait3A_808] : memref<131072x128xf32, #tpu.memory_space<hbm>> -> memref<128x128xf32, #tpu.memory_space<hbm>>
    %dma_wait3A_810 = arith.constant 0 : i32
    %dma_wait3A_811 = tpu.memref_slice %arg5[%add3A_783, %dma_wait3A_810] : memref<131072x128xf32, #tpu.memory_space<hbm>> -> memref<128x128xf32, #tpu.memory_space<hbm>>
    tpu.wait_dma2 semaphore(%arg11 : memref<!tpu.dma_semaphore, #tpu.memory_space<semaphore_mem>>) src(%arg7 : memref<128x128xf32, #tpu.memory_space<vmem>>) dst(%dma_wait3A_811 : memref<128x128xf32, #tpu.memory_space<hbm>>)
    %add3A_812 = arith.constant 1408 : i32
    %add3A_813 = arith.addi %add3A_37, %add3A_812 : i32
    %dma_start3A_814 = arith.constant 0 : i32
    %dma_start3A_815 = tpu.memref_slice %arg3[%add3A_813, %dma_start3A_814] : memref<131072x128xf32, #tpu.memory_space<hbm>> -> memref<128x128xf32, #tpu.memory_space<hbm>>
    %dma_start3A_816 = arith.constant 0 : i32
    %dma_start3A_817 = tpu.memref_slice %arg3[%add3A_813, %dma_start3A_816] : memref<131072x128xf32, #tpu.memory_space<hbm>> -> memref<128x128xf32, #tpu.memory_space<hbm>>
    tpu.enqueue_dma source(%dma_start3A_817 : memref<128x128xf32, #tpu.memory_space<hbm>>) target(%arg7 : memref<128x128xf32, #tpu.memory_space<vmem>>) target_semaphore(%arg9 : memref<!tpu.dma_semaphore, #tpu.memory_space<semaphore_mem>>)
    %dma_wait3A_818 = arith.constant 0 : i32
    %dma_wait3A_819 = tpu.memref_slice %arg3[%add3A_813, %dma_wait3A_818] : memref<131072x128xf32, #tpu.memory_space<hbm>> -> memref<128x128xf32, #tpu.memory_space<hbm>>
    %dma_wait3A_820 = arith.constant 0 : i32
    %dma_wait3A_821 = tpu.memref_slice %arg3[%add3A_813, %dma_wait3A_820] : memref<131072x128xf32, #tpu.memory_space<hbm>> -> memref<128x128xf32, #tpu.memory_space<hbm>>
    tpu.wait_dma2 semaphore(%arg9 : memref<!tpu.dma_semaphore, #tpu.memory_space<semaphore_mem>>) src(%dma_wait3A_821 : memref<128x128xf32, #tpu.memory_space<hbm>>) dst(%arg7 : memref<128x128xf32, #tpu.memory_space<vmem>>)
    %add3A_822 = arith.constant 1408 : i32
    %add3A_823 = arith.addi %add3A_37, %add3A_822 : i32
    %dma_start3A_824 = arith.constant 0 : i32
    %dma_start3A_825 = tpu.memref_slice %arg5[%add3A_823, %dma_start3A_824] : memref<131072x128xf32, #tpu.memory_space<hbm>> -> memref<128x128xf32, #tpu.memory_space<hbm>>
    %dma_start3A_826 = arith.constant 0 : i32
    %dma_start3A_827 = tpu.memref_slice %arg5[%add3A_823, %dma_start3A_826] : memref<131072x128xf32, #tpu.memory_space<hbm>> -> memref<128x128xf32, #tpu.memory_space<hbm>>
    tpu.enqueue_dma source(%arg7 : memref<128x128xf32, #tpu.memory_space<vmem>>) target(%dma_start3A_827 : memref<128x128xf32, #tpu.memory_space<hbm>>) target_semaphore(%arg11 : memref<!tpu.dma_semaphore, #tpu.memory_space<semaphore_mem>>)
    %dma_wait3A_828 = arith.constant 0 : i32
    %dma_wait3A_829 = tpu.memref_slice %arg5[%add3A_803, %dma_wait3A_828] : memref<131072x128xf32, #tpu.memory_space<hbm>> -> memref<128x128xf32, #tpu.memory_space<hbm>>
    %dma_wait3A_830 = arith.constant 0 : i32
    %dma_wait3A_831 = tpu.memref_slice %arg5[%add3A_803, %dma_wait3A_830] : memref<131072x128xf32, #tpu.memory_space<hbm>> -> memref<128x128xf32, #tpu.memory_space<hbm>>
    tpu.wait_dma2 semaphore(%arg10 : memref<!tpu.dma_semaphore, #tpu.memory_space<semaphore_mem>>) src(%arg6 : memref<128x128xf32, #tpu.memory_space<vmem>>) dst(%dma_wait3A_831 : memref<128x128xf32, #tpu.memory_space<hbm>>)
    %add3A_832 = arith.constant 1536 : i32
    %add3A_833 = arith.addi %add3A_37, %add3A_832 : i32
    %dma_start3A_834 = arith.constant 0 : i32
    %dma_start3A_835 = tpu.memref_slice %arg3[%add3A_833, %dma_start3A_834] : memref<131072x128xf32, #tpu.memory_space<hbm>> -> memref<128x128xf32, #tpu.memory_space<hbm>>
    %dma_start3A_836 = arith.constant 0 : i32
    %dma_start3A_837 = tpu.memref_slice %arg3[%add3A_833, %dma_start3A_836] : memref<131072x128xf32, #tpu.memory_space<hbm>> -> memref<128x128xf32, #tpu.memory_space<hbm>>
    tpu.enqueue_dma source(%dma_start3A_837 : memref<128x128xf32, #tpu.memory_space<hbm>>) target(%arg6 : memref<128x128xf32, #tpu.memory_space<vmem>>) target_semaphore(%arg8 : memref<!tpu.dma_semaphore, #tpu.memory_space<semaphore_mem>>)
    %dma_wait3A_838 = arith.constant 0 : i32
    %dma_wait3A_839 = tpu.memref_slice %arg3[%add3A_833, %dma_wait3A_838] : memref<131072x128xf32, #tpu.memory_space<hbm>> -> memref<128x128xf32, #tpu.memory_space<hbm>>
    %dma_wait3A_840 = arith.constant 0 : i32
    %dma_wait3A_841 = tpu.memref_slice %arg3[%add3A_833, %dma_wait3A_840] : memref<131072x128xf32, #tpu.memory_space<hbm>> -> memref<128x128xf32, #tpu.memory_space<hbm>>
    tpu.wait_dma2 semaphore(%arg8 : memref<!tpu.dma_semaphore, #tpu.memory_space<semaphore_mem>>) src(%dma_wait3A_841 : memref<128x128xf32, #tpu.memory_space<hbm>>) dst(%arg6 : memref<128x128xf32, #tpu.memory_space<vmem>>)
    %add3A_842 = arith.constant 1536 : i32
    %add3A_843 = arith.addi %add3A_37, %add3A_842 : i32
    %dma_start3A_844 = arith.constant 0 : i32
    %dma_start3A_845 = tpu.memref_slice %arg5[%add3A_843, %dma_start3A_844] : memref<131072x128xf32, #tpu.memory_space<hbm>> -> memref<128x128xf32, #tpu.memory_space<hbm>>
    %dma_start3A_846 = arith.constant 0 : i32
    %dma_start3A_847 = tpu.memref_slice %arg5[%add3A_843, %dma_start3A_846] : memref<131072x128xf32, #tpu.memory_space<hbm>> -> memref<128x128xf32, #tpu.memory_space<hbm>>
    tpu.enqueue_dma source(%arg6 : memref<128x128xf32, #tpu.memory_space<vmem>>) target(%dma_start3A_847 : memref<128x128xf32, #tpu.memory_space<hbm>>) target_semaphore(%arg10 : memref<!tpu.dma_semaphore, #tpu.memory_space<semaphore_mem>>)
    %dma_wait3A_848 = arith.constant 0 : i32
    %dma_wait3A_849 = tpu.memref_slice %arg5[%add3A_823, %dma_wait3A_848] : memref<131072x128xf32, #tpu.memory_space<hbm>> -> memref<128x128xf32, #tpu.memory_space<hbm>>
    %dma_wait3A_850 = arith.constant 0 : i32
    %dma_wait3A_851 = tpu.memref_slice %arg5[%add3A_823, %dma_wait3A_850] : memref<131072x128xf32, #tpu.memory_space<hbm>> -> memref<128x128xf32, #tpu.memory_space<hbm>>
    tpu.wait_dma2 semaphore(%arg11 : memref<!tpu.dma_semaphore, #tpu.memory_space<semaphore_mem>>) src(%arg7 : memref<128x128xf32, #tpu.memory_space<vmem>>) dst(%dma_wait3A_851 : memref<128x128xf32, #tpu.memory_space<hbm>>)
    %add3A_852 = arith.constant 1664 : i32
    %add3A_853 = arith.addi %add3A_37, %add3A_852 : i32
    %dma_start3A_854 = arith.constant 0 : i32
    %dma_start3A_855 = tpu.memref_slice %arg3[%add3A_853, %dma_start3A_854] : memref<131072x128xf32, #tpu.memory_space<hbm>> -> memref<128x128xf32, #tpu.memory_space<hbm>>
    %dma_start3A_856 = arith.constant 0 : i32
    %dma_start3A_857 = tpu.memref_slice %arg3[%add3A_853, %dma_start3A_856] : memref<131072x128xf32, #tpu.memory_space<hbm>> -> memref<128x128xf32, #tpu.memory_space<hbm>>
    tpu.enqueue_dma source(%dma_start3A_857 : memref<128x128xf32, #tpu.memory_space<hbm>>) target(%arg7 : memref<128x128xf32, #tpu.memory_space<vmem>>) target_semaphore(%arg9 : memref<!tpu.dma_semaphore, #tpu.memory_space<semaphore_mem>>)
    %dma_wait3A_858 = arith.constant 0 : i32
    %dma_wait3A_859 = tpu.memref_slice %arg3[%add3A_853, %dma_wait3A_858] : memref<131072x128xf32, #tpu.memory_space<hbm>> -> memref<128x128xf32, #tpu.memory_space<hbm>>
    %dma_wait3A_860 = arith.constant 0 : i32
    %dma_wait3A_861 = tpu.memref_slice %arg3[%add3A_853, %dma_wait3A_860] : memref<131072x128xf32, #tpu.memory_space<hbm>> -> memref<128x128xf32, #tpu.memory_space<hbm>>
    tpu.wait_dma2 semaphore(%arg9 : memref<!tpu.dma_semaphore, #tpu.memory_space<semaphore_mem>>) src(%dma_wait3A_861 : memref<128x128xf32, #tpu.memory_space<hbm>>) dst(%arg7 : memref<128x128xf32, #tpu.memory_space<vmem>>)
    %add3A_862 = arith.constant 1664 : i32
    %add3A_863 = arith.addi %add3A_37, %add3A_862 : i32
    %dma_start3A_864 = arith.constant 0 : i32
    %dma_start3A_865 = tpu.memref_slice %arg5[%add3A_863, %dma_start3A_864] : memref<131072x128xf32, #tpu.memory_space<hbm>> -> memref<128x128xf32, #tpu.memory_space<hbm>>
    %dma_start3A_866 = arith.constant 0 : i32
    %dma_start3A_867 = tpu.memref_slice %arg5[%add3A_863, %dma_start3A_866] : memref<131072x128xf32, #tpu.memory_space<hbm>> -> memref<128x128xf32, #tpu.memory_space<hbm>>
    tpu.enqueue_dma source(%arg7 : memref<128x128xf32, #tpu.memory_space<vmem>>) target(%dma_start3A_867 : memref<128x128xf32, #tpu.memory_space<hbm>>) target_semaphore(%arg11 : memref<!tpu.dma_semaphore, #tpu.memory_space<semaphore_mem>>)
    %dma_wait3A_868 = arith.constant 0 : i32
    %dma_wait3A_869 = tpu.memref_slice %arg5[%add3A_843, %dma_wait3A_868] : memref<131072x128xf32, #tpu.memory_space<hbm>> -> memref<128x128xf32, #tpu.memory_space<hbm>>
    %dma_wait3A_870 = arith.constant 0 : i32
    %dma_wait3A_871 = tpu.memref_slice %arg5[%add3A_843, %dma_wait3A_870] : memref<131072x128xf32, #tpu.memory_space<hbm>> -> memref<128x128xf32, #tpu.memory_space<hbm>>
    tpu.wait_dma2 semaphore(%arg10 : memref<!tpu.dma_semaphore, #tpu.memory_space<semaphore_mem>>) src(%arg6 : memref<128x128xf32, #tpu.memory_space<vmem>>) dst(%dma_wait3A_871 : memref<128x128xf32, #tpu.memory_space<hbm>>)
    %add3A_872 = arith.constant 1792 : i32
    %add3A_873 = arith.addi %add3A_37, %add3A_872 : i32
    %dma_start3A_874 = arith.constant 0 : i32
    %dma_start3A_875 = tpu.memref_slice %arg3[%add3A_873, %dma_start3A_874] : memref<131072x128xf32, #tpu.memory_space<hbm>> -> memref<128x128xf32, #tpu.memory_space<hbm>>
    %dma_start3A_876 = arith.constant 0 : i32
    %dma_start3A_877 = tpu.memref_slice %arg3[%add3A_873, %dma_start3A_876] : memref<131072x128xf32, #tpu.memory_space<hbm>> -> memref<128x128xf32, #tpu.memory_space<hbm>>
    tpu.enqueue_dma source(%dma_start3A_877 : memref<128x128xf32, #tpu.memory_space<hbm>>) target(%arg6 : memref<128x128xf32, #tpu.memory_space<vmem>>) target_semaphore(%arg8 : memref<!tpu.dma_semaphore, #tpu.memory_space<semaphore_mem>>)
    %dma_wait3A_878 = arith.constant 0 : i32
    %dma_wait3A_879 = tpu.memref_slice %arg3[%add3A_873, %dma_wait3A_878] : memref<131072x128xf32, #tpu.memory_space<hbm>> -> memref<128x128xf32, #tpu.memory_space<hbm>>
    %dma_wait3A_880 = arith.constant 0 : i32
    %dma_wait3A_881 = tpu.memref_slice %arg3[%add3A_873, %dma_wait3A_880] : memref<131072x128xf32, #tpu.memory_space<hbm>> -> memref<128x128xf32, #tpu.memory_space<hbm>>
    tpu.wait_dma2 semaphore(%arg8 : memref<!tpu.dma_semaphore, #tpu.memory_space<semaphore_mem>>) src(%dma_wait3A_881 : memref<128x128xf32, #tpu.memory_space<hbm>>) dst(%arg6 : memref<128x128xf32, #tpu.memory_space<vmem>>)
    %add3A_882 = arith.constant 1792 : i32
    %add3A_883 = arith.addi %add3A_37, %add3A_882 : i32
    %dma_start3A_884 = arith.constant 0 : i32
    %dma_start3A_885 = tpu.memref_slice %arg5[%add3A_883, %dma_start3A_884] : memref<131072x128xf32, #tpu.memory_space<hbm>> -> memref<128x128xf32, #tpu.memory_space<hbm>>
    %dma_start3A_886 = arith.constant 0 : i32
    %dma_start3A_887 = tpu.memref_slice %arg5[%add3A_883, %dma_start3A_886] : memref<131072x128xf32, #tpu.memory_space<hbm>> -> memref<128x128xf32, #tpu.memory_space<hbm>>
    tpu.enqueue_dma source(%arg6 : memref<128x128xf32, #tpu.memory_space<vmem>>) target(%dma_start3A_887 : memref<128x128xf32, #tpu.memory_space<hbm>>) target_semaphore(%arg10 : memref<!tpu.dma_semaphore, #tpu.memory_space<semaphore_mem>>)
    %dma_wait3A_888 = arith.constant 0 : i32
    %dma_wait3A_889 = tpu.memref_slice %arg5[%add3A_863, %dma_wait3A_888] : memref<131072x128xf32, #tpu.memory_space<hbm>> -> memref<128x128xf32, #tpu.memory_space<hbm>>
    %dma_wait3A_890 = arith.constant 0 : i32
    %dma_wait3A_891 = tpu.memref_slice %arg5[%add3A_863, %dma_wait3A_890] : memref<131072x128xf32, #tpu.memory_space<hbm>> -> memref<128x128xf32, #tpu.memory_space<hbm>>
    tpu.wait_dma2 semaphore(%arg11 : memref<!tpu.dma_semaphore, #tpu.memory_space<semaphore_mem>>) src(%arg7 : memref<128x128xf32, #tpu.memory_space<vmem>>) dst(%dma_wait3A_891 : memref<128x128xf32, #tpu.memory_space<hbm>>)
    %add3A_892 = arith.constant 1920 : i32
    %add3A_893 = arith.addi %add3A_37, %add3A_892 : i32
    %dma_start3A_894 = arith.constant 0 : i32
    %dma_start3A_895 = tpu.memref_slice %arg3[%add3A_893, %dma_start3A_894] : memref<131072x128xf32, #tpu.memory_space<hbm>> -> memref<128x128xf32, #tpu.memory_space<hbm>>
    %dma_start3A_896 = arith.constant 0 : i32
    %dma_start3A_897 = tpu.memref_slice %arg3[%add3A_893, %dma_start3A_896] : memref<131072x128xf32, #tpu.memory_space<hbm>> -> memref<128x128xf32, #tpu.memory_space<hbm>>
    tpu.enqueue_dma source(%dma_start3A_897 : memref<128x128xf32, #tpu.memory_space<hbm>>) target(%arg7 : memref<128x128xf32, #tpu.memory_space<vmem>>) target_semaphore(%arg9 : memref<!tpu.dma_semaphore, #tpu.memory_space<semaphore_mem>>)
    %dma_wait3A_898 = arith.constant 0 : i32
    %dma_wait3A_899 = tpu.memref_slice %arg3[%add3A_893, %dma_wait3A_898] : memref<131072x128xf32, #tpu.memory_space<hbm>> -> memref<128x128xf32, #tpu.memory_space<hbm>>
    %dma_wait3A_900 = arith.constant 0 : i32
    %dma_wait3A_901 = tpu.memref_slice %arg3[%add3A_893, %dma_wait3A_900] : memref<131072x128xf32, #tpu.memory_space<hbm>> -> memref<128x128xf32, #tpu.memory_space<hbm>>
    tpu.wait_dma2 semaphore(%arg9 : memref<!tpu.dma_semaphore, #tpu.memory_space<semaphore_mem>>) src(%dma_wait3A_901 : memref<128x128xf32, #tpu.memory_space<hbm>>) dst(%arg7 : memref<128x128xf32, #tpu.memory_space<vmem>>)
    %add3A_902 = arith.constant 1920 : i32
    %add3A_903 = arith.addi %add3A_37, %add3A_902 : i32
    %dma_start3A_904 = arith.constant 0 : i32
    %dma_start3A_905 = tpu.memref_slice %arg5[%add3A_903, %dma_start3A_904] : memref<131072x128xf32, #tpu.memory_space<hbm>> -> memref<128x128xf32, #tpu.memory_space<hbm>>
    %dma_start3A_906 = arith.constant 0 : i32
    %dma_start3A_907 = tpu.memref_slice %arg5[%add3A_903, %dma_start3A_906] : memref<131072x128xf32, #tpu.memory_space<hbm>> -> memref<128x128xf32, #tpu.memory_space<hbm>>
    tpu.enqueue_dma source(%arg7 : memref<128x128xf32, #tpu.memory_space<vmem>>) target(%dma_start3A_907 : memref<128x128xf32, #tpu.memory_space<hbm>>) target_semaphore(%arg11 : memref<!tpu.dma_semaphore, #tpu.memory_space<semaphore_mem>>)
    %dma_wait3A_908 = arith.constant 0 : i32
    %dma_wait3A_909 = tpu.memref_slice %arg5[%add3A_883, %dma_wait3A_908] : memref<131072x128xf32, #tpu.memory_space<hbm>> -> memref<128x128xf32, #tpu.memory_space<hbm>>
    %dma_wait3A_910 = arith.constant 0 : i32
    %dma_wait3A_911 = tpu.memref_slice %arg5[%add3A_883, %dma_wait3A_910] : memref<131072x128xf32, #tpu.memory_space<hbm>> -> memref<128x128xf32, #tpu.memory_space<hbm>>
    tpu.wait_dma2 semaphore(%arg10 : memref<!tpu.dma_semaphore, #tpu.memory_space<semaphore_mem>>) src(%arg6 : memref<128x128xf32, #tpu.memory_space<vmem>>) dst(%dma_wait3A_911 : memref<128x128xf32, #tpu.memory_space<hbm>>)
    %add3A_912 = arith.constant 2048 : i32
    %add3A_913 = arith.addi %add3A_37, %add3A_912 : i32
    %dma_start3A_914 = arith.constant 0 : i32
    %dma_start3A_915 = tpu.memref_slice %arg3[%add3A_913, %dma_start3A_914] : memref<131072x128xf32, #tpu.memory_space<hbm>> -> memref<128x128xf32, #tpu.memory_space<hbm>>
    %dma_start3A_916 = arith.constant 0 : i32
    %dma_start3A_917 = tpu.memref_slice %arg3[%add3A_913, %dma_start3A_916] : memref<131072x128xf32, #tpu.memory_space<hbm>> -> memref<128x128xf32, #tpu.memory_space<hbm>>
    tpu.enqueue_dma source(%dma_start3A_917 : memref<128x128xf32, #tpu.memory_space<hbm>>) target(%arg6 : memref<128x128xf32, #tpu.memory_space<vmem>>) target_semaphore(%arg8 : memref<!tpu.dma_semaphore, #tpu.memory_space<semaphore_mem>>)
    %dma_wait3A_918 = arith.constant 0 : i32
    %dma_wait3A_919 = tpu.memref_slice %arg3[%add3A_913, %dma_wait3A_918] : memref<131072x128xf32, #tpu.memory_space<hbm>> -> memref<128x128xf32, #tpu.memory_space<hbm>>
    %dma_wait3A_920 = arith.constant 0 : i32
    %dma_wait3A_921 = tpu.memref_slice %arg3[%add3A_913, %dma_wait3A_920] : memref<131072x128xf32, #tpu.memory_space<hbm>> -> memref<128x128xf32, #tpu.memory_space<hbm>>
    tpu.wait_dma2 semaphore(%arg8 : memref<!tpu.dma_semaphore, #tpu.memory_space<semaphore_mem>>) src(%dma_wait3A_921 : memref<128x128xf32, #tpu.memory_space<hbm>>) dst(%arg6 : memref<128x128xf32, #tpu.memory_space<vmem>>)
    %add3A_922 = arith.constant 2048 : i32
    %add3A_923 = arith.addi %add3A_37, %add3A_922 : i32
    %dma_start3A_924 = arith.constant 0 : i32
    %dma_start3A_925 = tpu.memref_slice %arg5[%add3A_923, %dma_start3A_924] : memref<131072x128xf32, #tpu.memory_space<hbm>> -> memref<128x128xf32, #tpu.memory_space<hbm>>
    %dma_start3A_926 = arith.constant 0 : i32
    %dma_start3A_927 = tpu.memref_slice %arg5[%add3A_923, %dma_start3A_926] : memref<131072x128xf32, #tpu.memory_space<hbm>> -> memref<128x128xf32, #tpu.memory_space<hbm>>
    tpu.enqueue_dma source(%arg6 : memref<128x128xf32, #tpu.memory_space<vmem>>) target(%dma_start3A_927 : memref<128x128xf32, #tpu.memory_space<hbm>>) target_semaphore(%arg10 : memref<!tpu.dma_semaphore, #tpu.memory_space<semaphore_mem>>)
    %dma_wait3A_928 = arith.constant 0 : i32
    %dma_wait3A_929 = tpu.memref_slice %arg5[%add3A_903, %dma_wait3A_928] : memref<131072x128xf32, #tpu.memory_space<hbm>> -> memref<128x128xf32, #tpu.memory_space<hbm>>
    %dma_wait3A_930 = arith.constant 0 : i32
    %dma_wait3A_931 = tpu.memref_slice %arg5[%add3A_903, %dma_wait3A_930] : memref<131072x128xf32, #tpu.memory_space<hbm>> -> memref<128x128xf32, #tpu.memory_space<hbm>>
    tpu.wait_dma2 semaphore(%arg11 : memref<!tpu.dma_semaphore, #tpu.memory_space<semaphore_mem>>) src(%arg7 : memref<128x128xf32, #tpu.memory_space<vmem>>) dst(%dma_wait3A_931 : memref<128x128xf32, #tpu.memory_space<hbm>>)
    %add3A_932 = arith.constant 2176 : i32
    %add3A_933 = arith.addi %add3A_37, %add3A_932 : i32
    %dma_start3A_934 = arith.constant 0 : i32
    %dma_start3A_935 = tpu.memref_slice %arg3[%add3A_933, %dma_start3A_934] : memref<131072x128xf32, #tpu.memory_space<hbm>> -> memref<128x128xf32, #tpu.memory_space<hbm>>
    %dma_start3A_936 = arith.constant 0 : i32
    %dma_start3A_937 = tpu.memref_slice %arg3[%add3A_933, %dma_start3A_936] : memref<131072x128xf32, #tpu.memory_space<hbm>> -> memref<128x128xf32, #tpu.memory_space<hbm>>
    tpu.enqueue_dma source(%dma_start3A_937 : memref<128x128xf32, #tpu.memory_space<hbm>>) target(%arg7 : memref<128x128xf32, #tpu.memory_space<vmem>>) target_semaphore(%arg9 : memref<!tpu.dma_semaphore, #tpu.memory_space<semaphore_mem>>)
    %dma_wait3A_938 = arith.constant 0 : i32
    %dma_wait3A_939 = tpu.memref_slice %arg3[%add3A_933, %dma_wait3A_938] : memref<131072x128xf32, #tpu.memory_space<hbm>> -> memref<128x128xf32, #tpu.memory_space<hbm>>
    %dma_wait3A_940 = arith.constant 0 : i32
    %dma_wait3A_941 = tpu.memref_slice %arg3[%add3A_933, %dma_wait3A_940] : memref<131072x128xf32, #tpu.memory_space<hbm>> -> memref<128x128xf32, #tpu.memory_space<hbm>>
    tpu.wait_dma2 semaphore(%arg9 : memref<!tpu.dma_semaphore, #tpu.memory_space<semaphore_mem>>) src(%dma_wait3A_941 : memref<128x128xf32, #tpu.memory_space<hbm>>) dst(%arg7 : memref<128x128xf32, #tpu.memory_space<vmem>>)
    %add3A_942 = arith.constant 2176 : i32
    %add3A_943 = arith.addi %add3A_37, %add3A_942 : i32
    %dma_start3A_944 = arith.constant 0 : i32
    %dma_start3A_945 = tpu.memref_slice %arg5[%add3A_943, %dma_start3A_944] : memref<131072x128xf32, #tpu.memory_space<hbm>> -> memref<128x128xf32, #tpu.memory_space<hbm>>
    %dma_start3A_946 = arith.constant 0 : i32
    %dma_start3A_947 = tpu.memref_slice %arg5[%add3A_943, %dma_start3A_946] : memref<131072x128xf32, #tpu.memory_space<hbm>> -> memref<128x128xf32, #tpu.memory_space<hbm>>
    tpu.enqueue_dma source(%arg7 : memref<128x128xf32, #tpu.memory_space<vmem>>) target(%dma_start3A_947 : memref<128x128xf32, #tpu.memory_space<hbm>>) target_semaphore(%arg11 : memref<!tpu.dma_semaphore, #tpu.memory_space<semaphore_mem>>)
    %dma_wait3A_948 = arith.constant 0 : i32
    %dma_wait3A_949 = tpu.memref_slice %arg5[%add3A_923, %dma_wait3A_948] : memref<131072x128xf32, #tpu.memory_space<hbm>> -> memref<128x128xf32, #tpu.memory_space<hbm>>
    %dma_wait3A_950 = arith.constant 0 : i32
    %dma_wait3A_951 = tpu.memref_slice %arg5[%add3A_923, %dma_wait3A_950] : memref<131072x128xf32, #tpu.memory_space<hbm>> -> memref<128x128xf32, #tpu.memory_space<hbm>>
    tpu.wait_dma2 semaphore(%arg10 : memref<!tpu.dma_semaphore, #tpu.memory_space<semaphore_mem>>) src(%arg6 : memref<128x128xf32, #tpu.memory_space<vmem>>) dst(%dma_wait3A_951 : memref<128x128xf32, #tpu.memory_space<hbm>>)
    %add3A_952 = arith.constant 2304 : i32
    %add3A_953 = arith.addi %add3A_37, %add3A_952 : i32
    %dma_start3A_954 = arith.constant 0 : i32
    %dma_start3A_955 = tpu.memref_slice %arg3[%add3A_953, %dma_start3A_954] : memref<131072x128xf32, #tpu.memory_space<hbm>> -> memref<128x128xf32, #tpu.memory_space<hbm>>
    %dma_start3A_956 = arith.constant 0 : i32
    %dma_start3A_957 = tpu.memref_slice %arg3[%add3A_953, %dma_start3A_956] : memref<131072x128xf32, #tpu.memory_space<hbm>> -> memref<128x128xf32, #tpu.memory_space<hbm>>
    tpu.enqueue_dma source(%dma_start3A_957 : memref<128x128xf32, #tpu.memory_space<hbm>>) target(%arg6 : memref<128x128xf32, #tpu.memory_space<vmem>>) target_semaphore(%arg8 : memref<!tpu.dma_semaphore, #tpu.memory_space<semaphore_mem>>)
    %dma_wait3A_958 = arith.constant 0 : i32
    %dma_wait3A_959 = tpu.memref_slice %arg3[%add3A_953, %dma_wait3A_958] : memref<131072x128xf32, #tpu.memory_space<hbm>> -> memref<128x128xf32, #tpu.memory_space<hbm>>
    %dma_wait3A_960 = arith.constant 0 : i32
    %dma_wait3A_961 = tpu.memref_slice %arg3[%add3A_953, %dma_wait3A_960] : memref<131072x128xf32, #tpu.memory_space<hbm>> -> memref<128x128xf32, #tpu.memory_space<hbm>>
    tpu.wait_dma2 semaphore(%arg8 : memref<!tpu.dma_semaphore, #tpu.memory_space<semaphore_mem>>) src(%dma_wait3A_961 : memref<128x128xf32, #tpu.memory_space<hbm>>) dst(%arg6 : memref<128x128xf32, #tpu.memory_space<vmem>>)
    %add3A_962 = arith.constant 2304 : i32
    %add3A_963 = arith.addi %add3A_37, %add3A_962 : i32
    %dma_start3A_964 = arith.constant 0 : i32
    %dma_start3A_965 = tpu.memref_slice %arg5[%add3A_963, %dma_start3A_964] : memref<131072x128xf32, #tpu.memory_space<hbm>> -> memref<128x128xf32, #tpu.memory_space<hbm>>
    %dma_start3A_966 = arith.constant 0 : i32
    %dma_start3A_967 = tpu.memref_slice %arg5[%add3A_963, %dma_start3A_966] : memref<131072x128xf32, #tpu.memory_space<hbm>> -> memref<128x128xf32, #tpu.memory_space<hbm>>
    tpu.enqueue_dma source(%arg6 : memref<128x128xf32, #tpu.memory_space<vmem>>) target(%dma_start3A_967 : memref<128x128xf32, #tpu.memory_space<hbm>>) target_semaphore(%arg10 : memref<!tpu.dma_semaphore, #tpu.memory_space<semaphore_mem>>)
    %dma_wait3A_968 = arith.constant 0 : i32
    %dma_wait3A_969 = tpu.memref_slice %arg5[%add3A_943, %dma_wait3A_968] : memref<131072x128xf32, #tpu.memory_space<hbm>> -> memref<128x128xf32, #tpu.memory_space<hbm>>
    %dma_wait3A_970 = arith.constant 0 : i32
    %dma_wait3A_971 = tpu.memref_slice %arg5[%add3A_943, %dma_wait3A_970] : memref<131072x128xf32, #tpu.memory_space<hbm>> -> memref<128x128xf32, #tpu.memory_space<hbm>>
    tpu.wait_dma2 semaphore(%arg11 : memref<!tpu.dma_semaphore, #tpu.memory_space<semaphore_mem>>) src(%arg7 : memref<128x128xf32, #tpu.memory_space<vmem>>) dst(%dma_wait3A_971 : memref<128x128xf32, #tpu.memory_space<hbm>>)
    %add3A_972 = arith.constant 2432 : i32
    %add3A_973 = arith.addi %add3A_37, %add3A_972 : i32
    %dma_start3A_974 = arith.constant 0 : i32
    %dma_start3A_975 = tpu.memref_slice %arg3[%add3A_973, %dma_start3A_974] : memref<131072x128xf32, #tpu.memory_space<hbm>> -> memref<128x128xf32, #tpu.memory_space<hbm>>
    %dma_start3A_976 = arith.constant 0 : i32
    %dma_start3A_977 = tpu.memref_slice %arg3[%add3A_973, %dma_start3A_976] : memref<131072x128xf32, #tpu.memory_space<hbm>> -> memref<128x128xf32, #tpu.memory_space<hbm>>
    tpu.enqueue_dma source(%dma_start3A_977 : memref<128x128xf32, #tpu.memory_space<hbm>>) target(%arg7 : memref<128x128xf32, #tpu.memory_space<vmem>>) target_semaphore(%arg9 : memref<!tpu.dma_semaphore, #tpu.memory_space<semaphore_mem>>)
    %dma_wait3A_978 = arith.constant 0 : i32
    %dma_wait3A_979 = tpu.memref_slice %arg3[%add3A_973, %dma_wait3A_978] : memref<131072x128xf32, #tpu.memory_space<hbm>> -> memref<128x128xf32, #tpu.memory_space<hbm>>
    %dma_wait3A_980 = arith.constant 0 : i32
    %dma_wait3A_981 = tpu.memref_slice %arg3[%add3A_973, %dma_wait3A_980] : memref<131072x128xf32, #tpu.memory_space<hbm>> -> memref<128x128xf32, #tpu.memory_space<hbm>>
    tpu.wait_dma2 semaphore(%arg9 : memref<!tpu.dma_semaphore, #tpu.memory_space<semaphore_mem>>) src(%dma_wait3A_981 : memref<128x128xf32, #tpu.memory_space<hbm>>) dst(%arg7 : memref<128x128xf32, #tpu.memory_space<vmem>>)
    %add3A_982 = arith.constant 2432 : i32
    %add3A_983 = arith.addi %add3A_37, %add3A_982 : i32
    %dma_start3A_984 = arith.constant 0 : i32
    %dma_start3A_985 = tpu.memref_slice %arg5[%add3A_983, %dma_start3A_984] : memref<131072x128xf32, #tpu.memory_space<hbm>> -> memref<128x128xf32, #tpu.memory_space<hbm>>
    %dma_start3A_986 = arith.constant 0 : i32
    %dma_start3A_987 = tpu.memref_slice %arg5[%add3A_983, %dma_start3A_986] : memref<131072x128xf32, #tpu.memory_space<hbm>> -> memref<128x128xf32, #tpu.memory_space<hbm>>
    tpu.enqueue_dma source(%arg7 : memref<128x128xf32, #tpu.memory_space<vmem>>) target(%dma_start3A_987 : memref<128x128xf32, #tpu.memory_space<hbm>>) target_semaphore(%arg11 : memref<!tpu.dma_semaphore, #tpu.memory_space<semaphore_mem>>)
    %dma_wait3A_988 = arith.constant 0 : i32
    %dma_wait3A_989 = tpu.memref_slice %arg5[%add3A_963, %dma_wait3A_988] : memref<131072x128xf32, #tpu.memory_space<hbm>> -> memref<128x128xf32, #tpu.memory_space<hbm>>
    %dma_wait3A_990 = arith.constant 0 : i32
    %dma_wait3A_991 = tpu.memref_slice %arg5[%add3A_963, %dma_wait3A_990] : memref<131072x128xf32, #tpu.memory_space<hbm>> -> memref<128x128xf32, #tpu.memory_space<hbm>>
    tpu.wait_dma2 semaphore(%arg10 : memref<!tpu.dma_semaphore, #tpu.memory_space<semaphore_mem>>) src(%arg6 : memref<128x128xf32, #tpu.memory_space<vmem>>) dst(%dma_wait3A_991 : memref<128x128xf32, #tpu.memory_space<hbm>>)
    %add3A_992 = arith.constant 2560 : i32
    %add3A_993 = arith.addi %add3A_37, %add3A_992 : i32
    %dma_start3A_994 = arith.constant 0 : i32
    %dma_start3A_995 = tpu.memref_slice %arg3[%add3A_993, %dma_start3A_994] : memref<131072x128xf32, #tpu.memory_space<hbm>> -> memref<128x128xf32, #tpu.memory_space<hbm>>
    %dma_start3A_996 = arith.constant 0 : i32
    %dma_start3A_997 = tpu.memref_slice %arg3[%add3A_993, %dma_start3A_996] : memref<131072x128xf32, #tpu.memory_space<hbm>> -> memref<128x128xf32, #tpu.memory_space<hbm>>
    tpu.enqueue_dma source(%dma_start3A_997 : memref<128x128xf32, #tpu.memory_space<hbm>>) target(%arg6 : memref<128x128xf32, #tpu.memory_space<vmem>>) target_semaphore(%arg8 : memref<!tpu.dma_semaphore, #tpu.memory_space<semaphore_mem>>)
    %dma_wait3A_998 = arith.constant 0 : i32
    %dma_wait3A_999 = tpu.memref_slice %arg3[%add3A_993, %dma_wait3A_998] : memref<131072x128xf32, #tpu.memory_space<hbm>> -> memref<128x128xf32, #tpu.memory_space<hbm>>
    %dma_wait3A_1000 = arith.constant 0 : i32
    %dma_wait3A_1001 = tpu.memref_slice %arg3[%add3A_993, %dma_wait3A_1000] : memref<131072x128xf32, #tpu.memory_space<hbm>> -> memref<128x128xf32, #tpu.memory_space<hbm>>
    tpu.wait_dma2 semaphore(%arg8 : memref<!tpu.dma_semaphore, #tpu.memory_space<semaphore_mem>>) src(%dma_wait3A_1001 : memref<128x128xf32, #tpu.memory_space<hbm>>) dst(%arg6 : memref<128x128xf32, #tpu.memory_space<vmem>>)
    %add3A_1002 = arith.constant 2560 : i32
    %add3A_1003 = arith.addi %add3A_37, %add3A_1002 : i32
    %dma_start3A_1004 = arith.constant 0 : i32
    %dma_start3A_1005 = tpu.memref_slice %arg5[%add3A_1003, %dma_start3A_1004] : memref<131072x128xf32, #tpu.memory_space<hbm>> -> memref<128x128xf32, #tpu.memory_space<hbm>>
    %dma_start3A_1006 = arith.constant 0 : i32
    %dma_start3A_1007 = tpu.memref_slice %arg5[%add3A_1003, %dma_start3A_1006] : memref<131072x128xf32, #tpu.memory_space<hbm>> -> memref<128x128xf32, #tpu.memory_space<hbm>>
    tpu.enqueue_dma source(%arg6 : memref<128x128xf32, #tpu.memory_space<vmem>>) target(%dma_start3A_1007 : memref<128x128xf32, #tpu.memory_space<hbm>>) target_semaphore(%arg10 : memref<!tpu.dma_semaphore, #tpu.memory_space<semaphore_mem>>)
    %dma_wait3A_1008 = arith.constant 0 : i32
    %dma_wait3A_1009 = tpu.memref_slice %arg5[%add3A_983, %dma_wait3A_1008] : memref<131072x128xf32, #tpu.memory_space<hbm>> -> memref<128x128xf32, #tpu.memory_space<hbm>>
    %dma_wait3A_1010 = arith.constant 0 : i32
    %dma_wait3A_1011 = tpu.memref_slice %arg5[%add3A_983, %dma_wait3A_1010] : memref<131072x128xf32, #tpu.memory_space<hbm>> -> memref<128x128xf32, #tpu.memory_space<hbm>>
    tpu.wait_dma2 semaphore(%arg11 : memref<!tpu.dma_semaphore, #tpu.memory_space<semaphore_mem>>) src(%arg7 : memref<128x128xf32, #tpu.memory_space<vmem>>) dst(%dma_wait3A_1011 : memref<128x128xf32, #tpu.memory_space<hbm>>)
    %add3A_1012 = arith.constant 2688 : i32
    %add3A_1013 = arith.addi %add3A_37, %add3A_1012 : i32
    %dma_start3A_1014 = arith.constant 0 : i32
    %dma_start3A_1015 = tpu.memref_slice %arg3[%add3A_1013, %dma_start3A_1014] : memref<131072x128xf32, #tpu.memory_space<hbm>> -> memref<128x128xf32, #tpu.memory_space<hbm>>
    %dma_start3A_1016 = arith.constant 0 : i32
    %dma_start3A_1017 = tpu.memref_slice %arg3[%add3A_1013, %dma_start3A_1016] : memref<131072x128xf32, #tpu.memory_space<hbm>> -> memref<128x128xf32, #tpu.memory_space<hbm>>
    tpu.enqueue_dma source(%dma_start3A_1017 : memref<128x128xf32, #tpu.memory_space<hbm>>) target(%arg7 : memref<128x128xf32, #tpu.memory_space<vmem>>) target_semaphore(%arg9 : memref<!tpu.dma_semaphore, #tpu.memory_space<semaphore_mem>>)
    %dma_wait3A_1018 = arith.constant 0 : i32
    %dma_wait3A_1019 = tpu.memref_slice %arg3[%add3A_1013, %dma_wait3A_1018] : memref<131072x128xf32, #tpu.memory_space<hbm>> -> memref<128x128xf32, #tpu.memory_space<hbm>>
    %dma_wait3A_1020 = arith.constant 0 : i32
    %dma_wait3A_1021 = tpu.memref_slice %arg3[%add3A_1013, %dma_wait3A_1020] : memref<131072x128xf32, #tpu.memory_space<hbm>> -> memref<128x128xf32, #tpu.memory_space<hbm>>
    tpu.wait_dma2 semaphore(%arg9 : memref<!tpu.dma_semaphore, #tpu.memory_space<semaphore_mem>>) src(%dma_wait3A_1021 : memref<128x128xf32, #tpu.memory_space<hbm>>) dst(%arg7 : memref<128x128xf32, #tpu.memory_space<vmem>>)
    %add3A_1022 = arith.constant 2688 : i32
    %add3A_1023 = arith.addi %add3A_37, %add3A_1022 : i32
    %dma_start3A_1024 = arith.constant 0 : i32
    %dma_start3A_1025 = tpu.memref_slice %arg5[%add3A_1023, %dma_start3A_1024] : memref<131072x128xf32, #tpu.memory_space<hbm>> -> memref<128x128xf32, #tpu.memory_space<hbm>>
    %dma_start3A_1026 = arith.constant 0 : i32
    %dma_start3A_1027 = tpu.memref_slice %arg5[%add3A_1023, %dma_start3A_1026] : memref<131072x128xf32, #tpu.memory_space<hbm>> -> memref<128x128xf32, #tpu.memory_space<hbm>>
    tpu.enqueue_dma source(%arg7 : memref<128x128xf32, #tpu.memory_space<vmem>>) target(%dma_start3A_1027 : memref<128x128xf32, #tpu.memory_space<hbm>>) target_semaphore(%arg11 : memref<!tpu.dma_semaphore, #tpu.memory_space<semaphore_mem>>)
    %dma_wait3A_1028 = arith.constant 0 : i32
    %dma_wait3A_1029 = tpu.memref_slice %arg5[%add3A_1003, %dma_wait3A_1028] : memref<131072x128xf32, #tpu.memory_space<hbm>> -> memref<128x128xf32, #tpu.memory_space<hbm>>
    %dma_wait3A_1030 = arith.constant 0 : i32
    %dma_wait3A_1031 = tpu.memref_slice %arg5[%add3A_1003, %dma_wait3A_1030] : memref<131072x128xf32, #tpu.memory_space<hbm>> -> memref<128x128xf32, #tpu.memory_space<hbm>>
    tpu.wait_dma2 semaphore(%arg10 : memref<!tpu.dma_semaphore, #tpu.memory_space<semaphore_mem>>) src(%arg6 : memref<128x128xf32, #tpu.memory_space<vmem>>) dst(%dma_wait3A_1031 : memref<128x128xf32, #tpu.memory_space<hbm>>)
    %add3A_1032 = arith.constant 2816 : i32
    %add3A_1033 = arith.addi %add3A_37, %add3A_1032 : i32
    %dma_start3A_1034 = arith.constant 0 : i32
    %dma_start3A_1035 = tpu.memref_slice %arg3[%add3A_1033, %dma_start3A_1034] : memref<131072x128xf32, #tpu.memory_space<hbm>> -> memref<128x128xf32, #tpu.memory_space<hbm>>
    %dma_start3A_1036 = arith.constant 0 : i32
    %dma_start3A_1037 = tpu.memref_slice %arg3[%add3A_1033, %dma_start3A_1036] : memref<131072x128xf32, #tpu.memory_space<hbm>> -> memref<128x128xf32, #tpu.memory_space<hbm>>
    tpu.enqueue_dma source(%dma_start3A_1037 : memref<128x128xf32, #tpu.memory_space<hbm>>) target(%arg6 : memref<128x128xf32, #tpu.memory_space<vmem>>) target_semaphore(%arg8 : memref<!tpu.dma_semaphore, #tpu.memory_space<semaphore_mem>>)
    %dma_wait3A_1038 = arith.constant 0 : i32
    %dma_wait3A_1039 = tpu.memref_slice %arg3[%add3A_1033, %dma_wait3A_1038] : memref<131072x128xf32, #tpu.memory_space<hbm>> -> memref<128x128xf32, #tpu.memory_space<hbm>>
    %dma_wait3A_1040 = arith.constant 0 : i32
    %dma_wait3A_1041 = tpu.memref_slice %arg3[%add3A_1033, %dma_wait3A_1040] : memref<131072x128xf32, #tpu.memory_space<hbm>> -> memref<128x128xf32, #tpu.memory_space<hbm>>
    tpu.wait_dma2 semaphore(%arg8 : memref<!tpu.dma_semaphore, #tpu.memory_space<semaphore_mem>>) src(%dma_wait3A_1041 : memref<128x128xf32, #tpu.memory_space<hbm>>) dst(%arg6 : memref<128x128xf32, #tpu.memory_space<vmem>>)
    %add3A_1042 = arith.constant 2816 : i32
    %add3A_1043 = arith.addi %add3A_37, %add3A_1042 : i32
    %dma_start3A_1044 = arith.constant 0 : i32
    %dma_start3A_1045 = tpu.memref_slice %arg5[%add3A_1043, %dma_start3A_1044] : memref<131072x128xf32, #tpu.memory_space<hbm>> -> memref<128x128xf32, #tpu.memory_space<hbm>>
    %dma_start3A_1046 = arith.constant 0 : i32
    %dma_start3A_1047 = tpu.memref_slice %arg5[%add3A_1043, %dma_start3A_1046] : memref<131072x128xf32, #tpu.memory_space<hbm>> -> memref<128x128xf32, #tpu.memory_space<hbm>>
    tpu.enqueue_dma source(%arg6 : memref<128x128xf32, #tpu.memory_space<vmem>>) target(%dma_start3A_1047 : memref<128x128xf32, #tpu.memory_space<hbm>>) target_semaphore(%arg10 : memref<!tpu.dma_semaphore, #tpu.memory_space<semaphore_mem>>)
    %dma_wait3A_1048 = arith.constant 0 : i32
    %dma_wait3A_1049 = tpu.memref_slice %arg5[%add3A_1023, %dma_wait3A_1048] : memref<131072x128xf32, #tpu.memory_space<hbm>> -> memref<128x128xf32, #tpu.memory_space<hbm>>
    %dma_wait3A_1050 = arith.constant 0 : i32
    %dma_wait3A_1051 = tpu.memref_slice %arg5[%add3A_1023, %dma_wait3A_1050] : memref<131072x128xf32, #tpu.memory_space<hbm>> -> memref<128x128xf32, #tpu.memory_space<hbm>>
    tpu.wait_dma2 semaphore(%arg11 : memref<!tpu.dma_semaphore, #tpu.memory_space<semaphore_mem>>) src(%arg7 : memref<128x128xf32, #tpu.memory_space<vmem>>) dst(%dma_wait3A_1051 : memref<128x128xf32, #tpu.memory_space<hbm>>)
    %add3A_1052 = arith.constant 2944 : i32
    %add3A_1053 = arith.addi %add3A_37, %add3A_1052 : i32
    %dma_start3A_1054 = arith.constant 0 : i32
    %dma_start3A_1055 = tpu.memref_slice %arg3[%add3A_1053, %dma_start3A_1054] : memref<131072x128xf32, #tpu.memory_space<hbm>> -> memref<128x128xf32, #tpu.memory_space<hbm>>
    %dma_start3A_1056 = arith.constant 0 : i32
    %dma_start3A_1057 = tpu.memref_slice %arg3[%add3A_1053, %dma_start3A_1056] : memref<131072x128xf32, #tpu.memory_space<hbm>> -> memref<128x128xf32, #tpu.memory_space<hbm>>
    tpu.enqueue_dma source(%dma_start3A_1057 : memref<128x128xf32, #tpu.memory_space<hbm>>) target(%arg7 : memref<128x128xf32, #tpu.memory_space<vmem>>) target_semaphore(%arg9 : memref<!tpu.dma_semaphore, #tpu.memory_space<semaphore_mem>>)
    %dma_wait3A_1058 = arith.constant 0 : i32
    %dma_wait3A_1059 = tpu.memref_slice %arg3[%add3A_1053, %dma_wait3A_1058] : memref<131072x128xf32, #tpu.memory_space<hbm>> -> memref<128x128xf32, #tpu.memory_space<hbm>>
    %dma_wait3A_1060 = arith.constant 0 : i32
    %dma_wait3A_1061 = tpu.memref_slice %arg3[%add3A_1053, %dma_wait3A_1060] : memref<131072x128xf32, #tpu.memory_space<hbm>> -> memref<128x128xf32, #tpu.memory_space<hbm>>
    tpu.wait_dma2 semaphore(%arg9 : memref<!tpu.dma_semaphore, #tpu.memory_space<semaphore_mem>>) src(%dma_wait3A_1061 : memref<128x128xf32, #tpu.memory_space<hbm>>) dst(%arg7 : memref<128x128xf32, #tpu.memory_space<vmem>>)
    %add3A_1062 = arith.constant 2944 : i32
    %add3A_1063 = arith.addi %add3A_37, %add3A_1062 : i32
    %dma_start3A_1064 = arith.constant 0 : i32
    %dma_start3A_1065 = tpu.memref_slice %arg5[%add3A_1063, %dma_start3A_1064] : memref<131072x128xf32, #tpu.memory_space<hbm>> -> memref<128x128xf32, #tpu.memory_space<hbm>>
    %dma_start3A_1066 = arith.constant 0 : i32
    %dma_start3A_1067 = tpu.memref_slice %arg5[%add3A_1063, %dma_start3A_1066] : memref<131072x128xf32, #tpu.memory_space<hbm>> -> memref<128x128xf32, #tpu.memory_space<hbm>>
    tpu.enqueue_dma source(%arg7 : memref<128x128xf32, #tpu.memory_space<vmem>>) target(%dma_start3A_1067 : memref<128x128xf32, #tpu.memory_space<hbm>>) target_semaphore(%arg11 : memref<!tpu.dma_semaphore, #tpu.memory_space<semaphore_mem>>)
    %dma_wait3A_1068 = arith.constant 0 : i32
    %dma_wait3A_1069 = tpu.memref_slice %arg5[%add3A_1043, %dma_wait3A_1068] : memref<131072x128xf32, #tpu.memory_space<hbm>> -> memref<128x128xf32, #tpu.memory_space<hbm>>
    %dma_wait3A_1070 = arith.constant 0 : i32
    %dma_wait3A_1071 = tpu.memref_slice %arg5[%add3A_1043, %dma_wait3A_1070] : memref<131072x128xf32, #tpu.memory_space<hbm>> -> memref<128x128xf32, #tpu.memory_space<hbm>>
    tpu.wait_dma2 semaphore(%arg10 : memref<!tpu.dma_semaphore, #tpu.memory_space<semaphore_mem>>) src(%arg6 : memref<128x128xf32, #tpu.memory_space<vmem>>) dst(%dma_wait3A_1071 : memref<128x128xf32, #tpu.memory_space<hbm>>)
    %add3A_1072 = arith.constant 3072 : i32
    %add3A_1073 = arith.addi %add3A_37, %add3A_1072 : i32
    %dma_start3A_1074 = arith.constant 0 : i32
    %dma_start3A_1075 = tpu.memref_slice %arg3[%add3A_1073, %dma_start3A_1074] : memref<131072x128xf32, #tpu.memory_space<hbm>> -> memref<128x128xf32, #tpu.memory_space<hbm>>
    %dma_start3A_1076 = arith.constant 0 : i32
    %dma_start3A_1077 = tpu.memref_slice %arg3[%add3A_1073, %dma_start3A_1076] : memref<131072x128xf32, #tpu.memory_space<hbm>> -> memref<128x128xf32, #tpu.memory_space<hbm>>
    tpu.enqueue_dma source(%dma_start3A_1077 : memref<128x128xf32, #tpu.memory_space<hbm>>) target(%arg6 : memref<128x128xf32, #tpu.memory_space<vmem>>) target_semaphore(%arg8 : memref<!tpu.dma_semaphore, #tpu.memory_space<semaphore_mem>>)
    %dma_wait3A_1078 = arith.constant 0 : i32
    %dma_wait3A_1079 = tpu.memref_slice %arg3[%add3A_1073, %dma_wait3A_1078] : memref<131072x128xf32, #tpu.memory_space<hbm>> -> memref<128x128xf32, #tpu.memory_space<hbm>>
    %dma_wait3A_1080 = arith.constant 0 : i32
    %dma_wait3A_1081 = tpu.memref_slice %arg3[%add3A_1073, %dma_wait3A_1080] : memref<131072x128xf32, #tpu.memory_space<hbm>> -> memref<128x128xf32, #tpu.memory_space<hbm>>
    tpu.wait_dma2 semaphore(%arg8 : memref<!tpu.dma_semaphore, #tpu.memory_space<semaphore_mem>>) src(%dma_wait3A_1081 : memref<128x128xf32, #tpu.memory_space<hbm>>) dst(%arg6 : memref<128x128xf32, #tpu.memory_space<vmem>>)
    %add3A_1082 = arith.constant 3072 : i32
    %add3A_1083 = arith.addi %add3A_37, %add3A_1082 : i32
    %dma_start3A_1084 = arith.constant 0 : i32
    %dma_start3A_1085 = tpu.memref_slice %arg5[%add3A_1083, %dma_start3A_1084] : memref<131072x128xf32, #tpu.memory_space<hbm>> -> memref<128x128xf32, #tpu.memory_space<hbm>>
    %dma_start3A_1086 = arith.constant 0 : i32
    %dma_start3A_1087 = tpu.memref_slice %arg5[%add3A_1083, %dma_start3A_1086] : memref<131072x128xf32, #tpu.memory_space<hbm>> -> memref<128x128xf32, #tpu.memory_space<hbm>>
    tpu.enqueue_dma source(%arg6 : memref<128x128xf32, #tpu.memory_space<vmem>>) target(%dma_start3A_1087 : memref<128x128xf32, #tpu.memory_space<hbm>>) target_semaphore(%arg10 : memref<!tpu.dma_semaphore, #tpu.memory_space<semaphore_mem>>)
    %dma_wait3A_1088 = arith.constant 0 : i32
    %dma_wait3A_1089 = tpu.memref_slice %arg5[%add3A_1063, %dma_wait3A_1088] : memref<131072x128xf32, #tpu.memory_space<hbm>> -> memref<128x128xf32, #tpu.memory_space<hbm>>
    %dma_wait3A_1090 = arith.constant 0 : i32
    %dma_wait3A_1091 = tpu.memref_slice %arg5[%add3A_1063, %dma_wait3A_1090] : memref<131072x128xf32, #tpu.memory_space<hbm>> -> memref<128x128xf32, #tpu.memory_space<hbm>>
    tpu.wait_dma2 semaphore(%arg11 : memref<!tpu.dma_semaphore, #tpu.memory_space<semaphore_mem>>) src(%arg7 : memref<128x128xf32, #tpu.memory_space<vmem>>) dst(%dma_wait3A_1091 : memref<128x128xf32, #tpu.memory_space<hbm>>)
    %add3A_1092 = arith.constant 3200 : i32
    %add3A_1093 = arith.addi %add3A_37, %add3A_1092 : i32
    %dma_start3A_1094 = arith.constant 0 : i32
    %dma_start3A_1095 = tpu.memref_slice %arg3[%add3A_1093, %dma_start3A_1094] : memref<131072x128xf32, #tpu.memory_space<hbm>> -> memref<128x128xf32, #tpu.memory_space<hbm>>
    %dma_start3A_1096 = arith.constant 0 : i32
    %dma_start3A_1097 = tpu.memref_slice %arg3[%add3A_1093, %dma_start3A_1096] : memref<131072x128xf32, #tpu.memory_space<hbm>> -> memref<128x128xf32, #tpu.memory_space<hbm>>
    tpu.enqueue_dma source(%dma_start3A_1097 : memref<128x128xf32, #tpu.memory_space<hbm>>) target(%arg7 : memref<128x128xf32, #tpu.memory_space<vmem>>) target_semaphore(%arg9 : memref<!tpu.dma_semaphore, #tpu.memory_space<semaphore_mem>>)
    %dma_wait3A_1098 = arith.constant 0 : i32
    %dma_wait3A_1099 = tpu.memref_slice %arg3[%add3A_1093, %dma_wait3A_1098] : memref<131072x128xf32, #tpu.memory_space<hbm>> -> memref<128x128xf32, #tpu.memory_space<hbm>>
    %dma_wait3A_1100 = arith.constant 0 : i32
    %dma_wait3A_1101 = tpu.memref_slice %arg3[%add3A_1093, %dma_wait3A_1100] : memref<131072x128xf32, #tpu.memory_space<hbm>> -> memref<128x128xf32, #tpu.memory_space<hbm>>
    tpu.wait_dma2 semaphore(%arg9 : memref<!tpu.dma_semaphore, #tpu.memory_space<semaphore_mem>>) src(%dma_wait3A_1101 : memref<128x128xf32, #tpu.memory_space<hbm>>) dst(%arg7 : memref<128x128xf32, #tpu.memory_space<vmem>>)
    %add3A_1102 = arith.constant 3200 : i32
    %add3A_1103 = arith.addi %add3A_37, %add3A_1102 : i32
    %dma_start3A_1104 = arith.constant 0 : i32
    %dma_start3A_1105 = tpu.memref_slice %arg5[%add3A_1103, %dma_start3A_1104] : memref<131072x128xf32, #tpu.memory_space<hbm>> -> memref<128x128xf32, #tpu.memory_space<hbm>>
    %dma_start3A_1106 = arith.constant 0 : i32
    %dma_start3A_1107 = tpu.memref_slice %arg5[%add3A_1103, %dma_start3A_1106] : memref<131072x128xf32, #tpu.memory_space<hbm>> -> memref<128x128xf32, #tpu.memory_space<hbm>>
    tpu.enqueue_dma source(%arg7 : memref<128x128xf32, #tpu.memory_space<vmem>>) target(%dma_start3A_1107 : memref<128x128xf32, #tpu.memory_space<hbm>>) target_semaphore(%arg11 : memref<!tpu.dma_semaphore, #tpu.memory_space<semaphore_mem>>)
    %dma_wait3A_1108 = arith.constant 0 : i32
    %dma_wait3A_1109 = tpu.memref_slice %arg5[%add3A_1083, %dma_wait3A_1108] : memref<131072x128xf32, #tpu.memory_space<hbm>> -> memref<128x128xf32, #tpu.memory_space<hbm>>
    %dma_wait3A_1110 = arith.constant 0 : i32
    %dma_wait3A_1111 = tpu.memref_slice %arg5[%add3A_1083, %dma_wait3A_1110] : memref<131072x128xf32, #tpu.memory_space<hbm>> -> memref<128x128xf32, #tpu.memory_space<hbm>>
    tpu.wait_dma2 semaphore(%arg10 : memref<!tpu.dma_semaphore, #tpu.memory_space<semaphore_mem>>) src(%arg6 : memref<128x128xf32, #tpu.memory_space<vmem>>) dst(%dma_wait3A_1111 : memref<128x128xf32, #tpu.memory_space<hbm>>)
    %add3A_1112 = arith.constant 3328 : i32
    %add3A_1113 = arith.addi %add3A_37, %add3A_1112 : i32
    %dma_start3A_1114 = arith.constant 0 : i32
    %dma_start3A_1115 = tpu.memref_slice %arg3[%add3A_1113, %dma_start3A_1114] : memref<131072x128xf32, #tpu.memory_space<hbm>> -> memref<128x128xf32, #tpu.memory_space<hbm>>
    %dma_start3A_1116 = arith.constant 0 : i32
    %dma_start3A_1117 = tpu.memref_slice %arg3[%add3A_1113, %dma_start3A_1116] : memref<131072x128xf32, #tpu.memory_space<hbm>> -> memref<128x128xf32, #tpu.memory_space<hbm>>
    tpu.enqueue_dma source(%dma_start3A_1117 : memref<128x128xf32, #tpu.memory_space<hbm>>) target(%arg6 : memref<128x128xf32, #tpu.memory_space<vmem>>) target_semaphore(%arg8 : memref<!tpu.dma_semaphore, #tpu.memory_space<semaphore_mem>>)
    %dma_wait3A_1118 = arith.constant 0 : i32
    %dma_wait3A_1119 = tpu.memref_slice %arg3[%add3A_1113, %dma_wait3A_1118] : memref<131072x128xf32, #tpu.memory_space<hbm>> -> memref<128x128xf32, #tpu.memory_space<hbm>>
    %dma_wait3A_1120 = arith.constant 0 : i32
    %dma_wait3A_1121 = tpu.memref_slice %arg3[%add3A_1113, %dma_wait3A_1120] : memref<131072x128xf32, #tpu.memory_space<hbm>> -> memref<128x128xf32, #tpu.memory_space<hbm>>
    tpu.wait_dma2 semaphore(%arg8 : memref<!tpu.dma_semaphore, #tpu.memory_space<semaphore_mem>>) src(%dma_wait3A_1121 : memref<128x128xf32, #tpu.memory_space<hbm>>) dst(%arg6 : memref<128x128xf32, #tpu.memory_space<vmem>>)
    %add3A_1122 = arith.constant 3328 : i32
    %add3A_1123 = arith.addi %add3A_37, %add3A_1122 : i32
    %dma_start3A_1124 = arith.constant 0 : i32
    %dma_start3A_1125 = tpu.memref_slice %arg5[%add3A_1123, %dma_start3A_1124] : memref<131072x128xf32, #tpu.memory_space<hbm>> -> memref<128x128xf32, #tpu.memory_space<hbm>>
    %dma_start3A_1126 = arith.constant 0 : i32
    %dma_start3A_1127 = tpu.memref_slice %arg5[%add3A_1123, %dma_start3A_1126] : memref<131072x128xf32, #tpu.memory_space<hbm>> -> memref<128x128xf32, #tpu.memory_space<hbm>>
    tpu.enqueue_dma source(%arg6 : memref<128x128xf32, #tpu.memory_space<vmem>>) target(%dma_start3A_1127 : memref<128x128xf32, #tpu.memory_space<hbm>>) target_semaphore(%arg10 : memref<!tpu.dma_semaphore, #tpu.memory_space<semaphore_mem>>)
    %dma_wait3A_1128 = arith.constant 0 : i32
    %dma_wait3A_1129 = tpu.memref_slice %arg5[%add3A_1103, %dma_wait3A_1128] : memref<131072x128xf32, #tpu.memory_space<hbm>> -> memref<128x128xf32, #tpu.memory_space<hbm>>
    %dma_wait3A_1130 = arith.constant 0 : i32
    %dma_wait3A_1131 = tpu.memref_slice %arg5[%add3A_1103, %dma_wait3A_1130] : memref<131072x128xf32, #tpu.memory_space<hbm>> -> memref<128x128xf32, #tpu.memory_space<hbm>>
    tpu.wait_dma2 semaphore(%arg11 : memref<!tpu.dma_semaphore, #tpu.memory_space<semaphore_mem>>) src(%arg7 : memref<128x128xf32, #tpu.memory_space<vmem>>) dst(%dma_wait3A_1131 : memref<128x128xf32, #tpu.memory_space<hbm>>)
    %add3A_1132 = arith.constant 3456 : i32
    %add3A_1133 = arith.addi %add3A_37, %add3A_1132 : i32
    %dma_start3A_1134 = arith.constant 0 : i32
    %dma_start3A_1135 = tpu.memref_slice %arg3[%add3A_1133, %dma_start3A_1134] : memref<131072x128xf32, #tpu.memory_space<hbm>> -> memref<128x128xf32, #tpu.memory_space<hbm>>
    %dma_start3A_1136 = arith.constant 0 : i32
    %dma_start3A_1137 = tpu.memref_slice %arg3[%add3A_1133, %dma_start3A_1136] : memref<131072x128xf32, #tpu.memory_space<hbm>> -> memref<128x128xf32, #tpu.memory_space<hbm>>
    tpu.enqueue_dma source(%dma_start3A_1137 : memref<128x128xf32, #tpu.memory_space<hbm>>) target(%arg7 : memref<128x128xf32, #tpu.memory_space<vmem>>) target_semaphore(%arg9 : memref<!tpu.dma_semaphore, #tpu.memory_space<semaphore_mem>>)
    %dma_wait3A_1138 = arith.constant 0 : i32
    %dma_wait3A_1139 = tpu.memref_slice %arg3[%add3A_1133, %dma_wait3A_1138] : memref<131072x128xf32, #tpu.memory_space<hbm>> -> memref<128x128xf32, #tpu.memory_space<hbm>>
    %dma_wait3A_1140 = arith.constant 0 : i32
    %dma_wait3A_1141 = tpu.memref_slice %arg3[%add3A_1133, %dma_wait3A_1140] : memref<131072x128xf32, #tpu.memory_space<hbm>> -> memref<128x128xf32, #tpu.memory_space<hbm>>
    tpu.wait_dma2 semaphore(%arg9 : memref<!tpu.dma_semaphore, #tpu.memory_space<semaphore_mem>>) src(%dma_wait3A_1141 : memref<128x128xf32, #tpu.memory_space<hbm>>) dst(%arg7 : memref<128x128xf32, #tpu.memory_space<vmem>>)
    %add3A_1142 = arith.constant 3456 : i32
    %add3A_1143 = arith.addi %add3A_37, %add3A_1142 : i32
    %dma_start3A_1144 = arith.constant 0 : i32
    %dma_start3A_1145 = tpu.memref_slice %arg5[%add3A_1143, %dma_start3A_1144] : memref<131072x128xf32, #tpu.memory_space<hbm>> -> memref<128x128xf32, #tpu.memory_space<hbm>>
    %dma_start3A_1146 = arith.constant 0 : i32
    %dma_start3A_1147 = tpu.memref_slice %arg5[%add3A_1143, %dma_start3A_1146] : memref<131072x128xf32, #tpu.memory_space<hbm>> -> memref<128x128xf32, #tpu.memory_space<hbm>>
    tpu.enqueue_dma source(%arg7 : memref<128x128xf32, #tpu.memory_space<vmem>>) target(%dma_start3A_1147 : memref<128x128xf32, #tpu.memory_space<hbm>>) target_semaphore(%arg11 : memref<!tpu.dma_semaphore, #tpu.memory_space<semaphore_mem>>)
    %dma_wait3A_1148 = arith.constant 0 : i32
    %dma_wait3A_1149 = tpu.memref_slice %arg5[%add3A_1123, %dma_wait3A_1148] : memref<131072x128xf32, #tpu.memory_space<hbm>> -> memref<128x128xf32, #tpu.memory_space<hbm>>
    %dma_wait3A_1150 = arith.constant 0 : i32
    %dma_wait3A_1151 = tpu.memref_slice %arg5[%add3A_1123, %dma_wait3A_1150] : memref<131072x128xf32, #tpu.memory_space<hbm>> -> memref<128x128xf32, #tpu.memory_space<hbm>>
    tpu.wait_dma2 semaphore(%arg10 : memref<!tpu.dma_semaphore, #tpu.memory_space<semaphore_mem>>) src(%arg6 : memref<128x128xf32, #tpu.memory_space<vmem>>) dst(%dma_wait3A_1151 : memref<128x128xf32, #tpu.memory_space<hbm>>)
    %dma_wait3A_1152 = arith.constant 0 : i32
    %dma_wait3A_1153 = tpu.memref_slice %arg5[%add3A_1143, %dma_wait3A_1152] : memref<131072x128xf32, #tpu.memory_space<hbm>> -> memref<128x128xf32, #tpu.memory_space<hbm>>
    %dma_wait3A_1154 = arith.constant 0 : i32
    %dma_wait3A_1155 = tpu.memref_slice %arg5[%add3A_1143, %dma_wait3A_1154] : memref<131072x128xf32, #tpu.memory_space<hbm>> -> memref<128x128xf32, #tpu.memory_space<hbm>>
    tpu.wait_dma2 semaphore(%arg11 : memref<!tpu.dma_semaphore, #tpu.memory_space<semaphore_mem>>) src(%arg7 : memref<128x128xf32, #tpu.memory_space<vmem>>) dst(%dma_wait3A_1155 : memref<128x128xf32, #tpu.memory_space<hbm>>)
    return
  }
}

module attributes {stable_mosaic.version = 14 : i64} {
  func.func @_qkv_kernel(%arg0: i32, %arg1: memref<256x2048xf32, #tpu.memory_space<vmem>>, %arg2: memref<2048x512xf32, #tpu.memory_space<vmem>>, %arg3: memref<2048x512xf32, #tpu.memory_space<vmem>>, %arg4: memref<2048x512xf32, #tpu.memory_space<vmem>>, %arg5: memref<256x512xf32, #tpu.memory_space<vmem>>, %arg6: memref<256x512xf32, #tpu.memory_space<vmem>>, %arg7: memref<256x512xf32, #tpu.memory_space<vmem>>) attributes {dimension_semantics = [#tpu.dimension_semantics<arbitrary>], iteration_bounds = array<i64: 4>, scalar_prefetch = 0 : i64, scratch_operands = 0 : i64, tpu.core_type = #tpu.core_type<tc>, window_params = [{pipeline_mode = #tpu.pipeline_mode<synchronous>, transform_indices = @transform_0, window_bounds = array<i64: 256, 2048>}, {transform_indices = @transform_1, window_bounds = array<i64: 2048, 512>}, {transform_indices = @transform_2, window_bounds = array<i64: 2048, 512>}, {transform_indices = @transform_3, window_bounds = array<i64: 2048, 512>}, {transform_indices = @transform_4, window_bounds = array<i64: 256, 512>}, {transform_indices = @transform_5, window_bounds = array<i64: 256, 512>}, {transform_indices = @transform_6, window_bounds = array<i64: 256, 512>}]} {
    %get3A = arith.constant 0 : index
    %get3A_0 = arith.constant 0 : index
    %get3A_1 = vector.load %arg1[%get3A, %get3A_0] : memref<256x2048xf32, #tpu.memory_space<vmem>>, vector<256x2048xf32>
    %convert_element_type3A = arith.truncf %get3A_1 : vector<256x2048xf32> to vector<256x2048xbf16>
    %get3A_2 = arith.constant 0 : index
    %get3A_3 = arith.constant 0 : index
    %get3A_4 = vector.load %arg2[%get3A_2, %get3A_3] : memref<2048x512xf32, #tpu.memory_space<vmem>>, vector<2048x512xf32>
    %convert_element_type3A_5 = arith.truncf %get3A_4 : vector<2048x512xf32> to vector<2048x512xbf16>
    %dot_general3A = arith.constant dense<0.000000e+00> : vector<256x512xf32>
    %dot_general3A_6 = tpu.matmul %convert_element_type3A, %convert_element_type3A_5, %dot_general3A {dimension_numbers = #tpu.dot_dimension_numbers<[1], [0], [0], [1], [0, 0, 1, 1], [], []>, transpose_lhs_hint = false} : vector<256x2048xbf16>, vector<2048x512xbf16>, vector<256x512xf32> -> vector<256x512xf32>
    %get3A_7 = arith.constant 0 : index
    %get3A_8 = arith.constant 0 : index
    %get3A_9 = vector.load %arg3[%get3A_7, %get3A_8] : memref<2048x512xf32, #tpu.memory_space<vmem>>, vector<2048x512xf32>
    %convert_element_type3A_10 = arith.truncf %get3A_9 : vector<2048x512xf32> to vector<2048x512xbf16>
    %dot_general3A_11 = arith.constant dense<0.000000e+00> : vector<256x512xf32>
    %dot_general3A_12 = tpu.matmul %convert_element_type3A, %convert_element_type3A_10, %dot_general3A_11 {dimension_numbers = #tpu.dot_dimension_numbers<[1], [0], [0], [1], [0, 0, 1, 1], [], []>, transpose_lhs_hint = false} : vector<256x2048xbf16>, vector<2048x512xbf16>, vector<256x512xf32> -> vector<256x512xf32>
    %get3A_13 = arith.constant 0 : index
    %get3A_14 = arith.constant 0 : index
    %get3A_15 = vector.load %arg4[%get3A_13, %get3A_14] : memref<2048x512xf32, #tpu.memory_space<vmem>>, vector<2048x512xf32>
    %convert_element_type3A_16 = arith.truncf %get3A_15 : vector<2048x512xf32> to vector<2048x512xbf16>
    %dot_general3A_17 = arith.constant dense<0.000000e+00> : vector<256x512xf32>
    %dot_general3A_18 = tpu.matmul %convert_element_type3A, %convert_element_type3A_16, %dot_general3A_17 {dimension_numbers = #tpu.dot_dimension_numbers<[1], [0], [0], [1], [0, 0, 1, 1], [], []>, transpose_lhs_hint = false} : vector<256x2048xbf16>, vector<2048x512xbf16>, vector<256x512xf32> -> vector<256x512xf32>
    %iota3A = tpu.iota {dimensions = array<i32: 0>} : vector<256x64xi32>
    %convert_element_type3A_19 = arith.sitofp %iota3A : vector<256x64xi32> to vector<256x64xf32>
    %iota3A_20 = tpu.iota {dimensions = array<i32: 1>} : vector<256x64xi32>
    %convert_element_type3A_21 = arith.sitofp %iota3A_20 : vector<256x64xi32> to vector<256x64xf32>
    %mul3A = arith.constant -0.14391157 : f32
    %mul3A_22 = vector.broadcast %mul3A : f32 to vector<256x64xf32>
    %mul3A_23 = arith.mulf %convert_element_type3A_21, %mul3A_22 : vector<256x64xf32>
    %exp3A = math.exp %mul3A_23 : vector<256x64xf32>
    %mul3A_24 = arith.mulf %convert_element_type3A_19, %exp3A : vector<256x64xf32>
    %cos3A = math.cos %mul3A_24 : vector<256x64xf32>
    %sin3A = math.sin %mul3A_24 : vector<256x64xf32>
    %concatenate3A = tpu.concatenate %cos3A, %cos3A in 1 : vector<256x64xf32>, vector<256x64xf32> -> vector<256x128xf32>
    %concatenate3A_25 = tpu.concatenate %sin3A, %sin3A in 1 : vector<256x64xf32>, vector<256x64xf32> -> vector<256x128xf32>
    %slice3A = vector.extract_strided_slice %dot_general3A_6 {offsets = [0, 0], sizes = [256, 128], strides = [1, 1]} : vector<256x512xf32> to vector<256x128xf32>
    %slice3A_26 = vector.extract_strided_slice %slice3A {offsets = [0, 0], sizes = [256, 64], strides = [1, 1]} : vector<256x128xf32> to vector<256x64xf32>
    %slice3A_27 = vector.extract_strided_slice %slice3A {offsets = [0, 64], sizes = [256, 64], strides = [1, 1]} : vector<256x128xf32> to vector<256x64xf32>
    %neg3A = arith.constant 0.000000e+00 : f32
    %neg3A_28 = vector.broadcast %neg3A : f32 to vector<256x64xf32>
    %neg3A_29 = arith.subf %neg3A_28, %slice3A_27 : vector<256x64xf32>
    %concatenate3A_30 = tpu.concatenate %neg3A_29, %slice3A_26 in 1 : vector<256x64xf32>, vector<256x64xf32> -> vector<256x128xf32>
    %mul3A_31 = arith.mulf %slice3A, %concatenate3A : vector<256x128xf32>
    %mul3A_32 = arith.mulf %concatenate3A_30, %concatenate3A_25 : vector<256x128xf32>
    %add3A = arith.addf %mul3A_31, %mul3A_32 : vector<256x128xf32>
    %slice3A_33 = vector.extract_strided_slice %dot_general3A_6 {offsets = [0, 128], sizes = [256, 128], strides = [1, 1]} : vector<256x512xf32> to vector<256x128xf32>
    %slice3A_34 = vector.extract_strided_slice %slice3A_33 {offsets = [0, 0], sizes = [256, 64], strides = [1, 1]} : vector<256x128xf32> to vector<256x64xf32>
    %slice3A_35 = vector.extract_strided_slice %slice3A_33 {offsets = [0, 64], sizes = [256, 64], strides = [1, 1]} : vector<256x128xf32> to vector<256x64xf32>
    %neg3A_36 = arith.constant 0.000000e+00 : f32
    %neg3A_37 = vector.broadcast %neg3A_36 : f32 to vector<256x64xf32>
    %neg3A_38 = arith.subf %neg3A_37, %slice3A_35 : vector<256x64xf32>
    %concatenate3A_39 = tpu.concatenate %neg3A_38, %slice3A_34 in 1 : vector<256x64xf32>, vector<256x64xf32> -> vector<256x128xf32>
    %mul3A_40 = arith.mulf %slice3A_33, %concatenate3A : vector<256x128xf32>
    %mul3A_41 = arith.mulf %concatenate3A_39, %concatenate3A_25 : vector<256x128xf32>
    %add3A_42 = arith.addf %mul3A_40, %mul3A_41 : vector<256x128xf32>
    %slice3A_43 = vector.extract_strided_slice %dot_general3A_6 {offsets = [0, 256], sizes = [256, 128], strides = [1, 1]} : vector<256x512xf32> to vector<256x128xf32>
    %slice3A_44 = vector.extract_strided_slice %slice3A_43 {offsets = [0, 0], sizes = [256, 64], strides = [1, 1]} : vector<256x128xf32> to vector<256x64xf32>
    %slice3A_45 = vector.extract_strided_slice %slice3A_43 {offsets = [0, 64], sizes = [256, 64], strides = [1, 1]} : vector<256x128xf32> to vector<256x64xf32>
    %neg3A_46 = arith.constant 0.000000e+00 : f32
    %neg3A_47 = vector.broadcast %neg3A_46 : f32 to vector<256x64xf32>
    %neg3A_48 = arith.subf %neg3A_47, %slice3A_45 : vector<256x64xf32>
    %concatenate3A_49 = tpu.concatenate %neg3A_48, %slice3A_44 in 1 : vector<256x64xf32>, vector<256x64xf32> -> vector<256x128xf32>
    %mul3A_50 = arith.mulf %slice3A_43, %concatenate3A : vector<256x128xf32>
    %mul3A_51 = arith.mulf %concatenate3A_49, %concatenate3A_25 : vector<256x128xf32>
    %add3A_52 = arith.addf %mul3A_50, %mul3A_51 : vector<256x128xf32>
    %slice3A_53 = vector.extract_strided_slice %dot_general3A_6 {offsets = [0, 384], sizes = [256, 128], strides = [1, 1]} : vector<256x512xf32> to vector<256x128xf32>
    %slice3A_54 = vector.extract_strided_slice %slice3A_53 {offsets = [0, 0], sizes = [256, 64], strides = [1, 1]} : vector<256x128xf32> to vector<256x64xf32>
    %slice3A_55 = vector.extract_strided_slice %slice3A_53 {offsets = [0, 64], sizes = [256, 64], strides = [1, 1]} : vector<256x128xf32> to vector<256x64xf32>
    %neg3A_56 = arith.constant 0.000000e+00 : f32
    %neg3A_57 = vector.broadcast %neg3A_56 : f32 to vector<256x64xf32>
    %neg3A_58 = arith.subf %neg3A_57, %slice3A_55 : vector<256x64xf32>
    %concatenate3A_59 = tpu.concatenate %neg3A_58, %slice3A_54 in 1 : vector<256x64xf32>, vector<256x64xf32> -> vector<256x128xf32>
    %mul3A_60 = arith.mulf %slice3A_53, %concatenate3A : vector<256x128xf32>
    %mul3A_61 = arith.mulf %concatenate3A_59, %concatenate3A_25 : vector<256x128xf32>
    %add3A_62 = arith.addf %mul3A_60, %mul3A_61 : vector<256x128xf32>
    %concatenate3A_63 = tpu.concatenate %add3A, %add3A_42, %add3A_52, %add3A_62 in 1 : vector<256x128xf32>, vector<256x128xf32>, vector<256x128xf32>, vector<256x128xf32> -> vector<256x512xf32>
    %mul3A_64 = arith.constant 0.0883883461 : f32
    %mul3A_65 = vector.broadcast %mul3A_64 : f32 to vector<256x512xf32>
    %mul3A_66 = arith.mulf %concatenate3A_63, %mul3A_65 : vector<256x512xf32>
    %swap3A = arith.constant 0 : index
    %swap3A_67 = arith.constant 0 : index
    %swap3A_68 = vector.load %arg5[%swap3A, %swap3A_67] : memref<256x512xf32, #tpu.memory_space<vmem>>, vector<256x512xf32>
    tpu.vector_store %arg5[%swap3A, %swap3A_67], %mul3A_66 {strides = array<i32>} : memref<256x512xf32, #tpu.memory_space<vmem>>, vector<256x512xf32>,
    %slice3A_69 = vector.extract_strided_slice %dot_general3A_12 {offsets = [0, 0], sizes = [256, 128], strides = [1, 1]} : vector<256x512xf32> to vector<256x128xf32>
    %slice3A_70 = vector.extract_strided_slice %slice3A_69 {offsets = [0, 0], sizes = [256, 64], strides = [1, 1]} : vector<256x128xf32> to vector<256x64xf32>
    %slice3A_71 = vector.extract_strided_slice %slice3A_69 {offsets = [0, 64], sizes = [256, 64], strides = [1, 1]} : vector<256x128xf32> to vector<256x64xf32>
    %neg3A_72 = arith.constant 0.000000e+00 : f32
    %neg3A_73 = vector.broadcast %neg3A_72 : f32 to vector<256x64xf32>
    %neg3A_74 = arith.subf %neg3A_73, %slice3A_71 : vector<256x64xf32>
    %concatenate3A_75 = tpu.concatenate %neg3A_74, %slice3A_70 in 1 : vector<256x64xf32>, vector<256x64xf32> -> vector<256x128xf32>
    %mul3A_76 = arith.mulf %slice3A_69, %concatenate3A : vector<256x128xf32>
    %mul3A_77 = arith.mulf %concatenate3A_75, %concatenate3A_25 : vector<256x128xf32>
    %add3A_78 = arith.addf %mul3A_76, %mul3A_77 : vector<256x128xf32>
    %slice3A_79 = vector.extract_strided_slice %dot_general3A_12 {offsets = [0, 128], sizes = [256, 128], strides = [1, 1]} : vector<256x512xf32> to vector<256x128xf32>
    %slice3A_80 = vector.extract_strided_slice %slice3A_79 {offsets = [0, 0], sizes = [256, 64], strides = [1, 1]} : vector<256x128xf32> to vector<256x64xf32>
    %slice3A_81 = vector.extract_strided_slice %slice3A_79 {offsets = [0, 64], sizes = [256, 64], strides = [1, 1]} : vector<256x128xf32> to vector<256x64xf32>
    %neg3A_82 = arith.constant 0.000000e+00 : f32
    %neg3A_83 = vector.broadcast %neg3A_82 : f32 to vector<256x64xf32>
    %neg3A_84 = arith.subf %neg3A_83, %slice3A_81 : vector<256x64xf32>
    %concatenate3A_85 = tpu.concatenate %neg3A_84, %slice3A_80 in 1 : vector<256x64xf32>, vector<256x64xf32> -> vector<256x128xf32>
    %mul3A_86 = arith.mulf %slice3A_79, %concatenate3A : vector<256x128xf32>
    %mul3A_87 = arith.mulf %concatenate3A_85, %concatenate3A_25 : vector<256x128xf32>
    %add3A_88 = arith.addf %mul3A_86, %mul3A_87 : vector<256x128xf32>
    %slice3A_89 = vector.extract_strided_slice %dot_general3A_12 {offsets = [0, 256], sizes = [256, 128], strides = [1, 1]} : vector<256x512xf32> to vector<256x128xf32>
    %slice3A_90 = vector.extract_strided_slice %slice3A_89 {offsets = [0, 0], sizes = [256, 64], strides = [1, 1]} : vector<256x128xf32> to vector<256x64xf32>
    %slice3A_91 = vector.extract_strided_slice %slice3A_89 {offsets = [0, 64], sizes = [256, 64], strides = [1, 1]} : vector<256x128xf32> to vector<256x64xf32>
    %neg3A_92 = arith.constant 0.000000e+00 : f32
    %neg3A_93 = vector.broadcast %neg3A_92 : f32 to vector<256x64xf32>
    %neg3A_94 = arith.subf %neg3A_93, %slice3A_91 : vector<256x64xf32>
    %concatenate3A_95 = tpu.concatenate %neg3A_94, %slice3A_90 in 1 : vector<256x64xf32>, vector<256x64xf32> -> vector<256x128xf32>
    %mul3A_96 = arith.mulf %slice3A_89, %concatenate3A : vector<256x128xf32>
    %mul3A_97 = arith.mulf %concatenate3A_95, %concatenate3A_25 : vector<256x128xf32>
    %add3A_98 = arith.addf %mul3A_96, %mul3A_97 : vector<256x128xf32>
    %slice3A_99 = vector.extract_strided_slice %dot_general3A_12 {offsets = [0, 384], sizes = [256, 128], strides = [1, 1]} : vector<256x512xf32> to vector<256x128xf32>
    %slice3A_100 = vector.extract_strided_slice %slice3A_99 {offsets = [0, 0], sizes = [256, 64], strides = [1, 1]} : vector<256x128xf32> to vector<256x64xf32>
    %slice3A_101 = vector.extract_strided_slice %slice3A_99 {offsets = [0, 64], sizes = [256, 64], strides = [1, 1]} : vector<256x128xf32> to vector<256x64xf32>
    %neg3A_102 = arith.constant 0.000000e+00 : f32
    %neg3A_103 = vector.broadcast %neg3A_102 : f32 to vector<256x64xf32>
    %neg3A_104 = arith.subf %neg3A_103, %slice3A_101 : vector<256x64xf32>
    %concatenate3A_105 = tpu.concatenate %neg3A_104, %slice3A_100 in 1 : vector<256x64xf32>, vector<256x64xf32> -> vector<256x128xf32>
    %mul3A_106 = arith.mulf %slice3A_99, %concatenate3A : vector<256x128xf32>
    %mul3A_107 = arith.mulf %concatenate3A_105, %concatenate3A_25 : vector<256x128xf32>
    %add3A_108 = arith.addf %mul3A_106, %mul3A_107 : vector<256x128xf32>
    %concatenate3A_109 = tpu.concatenate %add3A_78, %add3A_88, %add3A_98, %add3A_108 in 1 : vector<256x128xf32>, vector<256x128xf32>, vector<256x128xf32>, vector<256x128xf32> -> vector<256x512xf32>
    %swap3A_110 = arith.constant 0 : index
    %swap3A_111 = arith.constant 0 : index
    %swap3A_112 = vector.load %arg6[%swap3A_110, %swap3A_111] : memref<256x512xf32, #tpu.memory_space<vmem>>, vector<256x512xf32>
    tpu.vector_store %arg6[%swap3A_110, %swap3A_111], %concatenate3A_109 {strides = array<i32>} : memref<256x512xf32, #tpu.memory_space<vmem>>, vector<256x512xf32>,
    %swap3A_113 = arith.constant 0 : index
    %swap3A_114 = arith.constant 0 : index
    %swap3A_115 = vector.load %arg7[%swap3A_113, %swap3A_114] : memref<256x512xf32, #tpu.memory_space<vmem>>, vector<256x512xf32>
    tpu.vector_store %arg7[%swap3A_113, %swap3A_114], %dot_general3A_18 {strides = array<i32>} : memref<256x512xf32, #tpu.memory_space<vmem>>, vector<256x512xf32>,
    return
  }
  func.func @transform_0(%arg0: i32) -> (i32, i32) {
    %c0_i32 = arith.constant 0 : i32
    %c0_i32_0 = arith.constant 0 : i32
    %c0_i32_1 = arith.constant 0 : i32
    return %c0_i32, %c0_i32_0 : i32, i32
  }
  func.func @transform_1(%arg0: i32) -> (i32, i32) {
    %c0_i32 = arith.constant 0 : i32
    %c0_i32_0 = arith.constant 0 : i32
    return %c0_i32, %arg0 : i32, i32
  }
  func.func @transform_2(%arg0: i32) -> (i32, i32) {
    %c0_i32 = arith.constant 0 : i32
    %c0_i32_0 = arith.constant 0 : i32
    return %c0_i32, %arg0 : i32, i32
  }
  func.func @transform_3(%arg0: i32) -> (i32, i32) {
    %c0_i32 = arith.constant 0 : i32
    %c0_i32_0 = arith.constant 0 : i32
    return %c0_i32, %arg0 : i32, i32
  }
  func.func @transform_4(%arg0: i32) -> (i32, i32) {
    %c0_i32 = arith.constant 0 : i32
    %c0_i32_0 = arith.constant 0 : i32
    return %c0_i32, %arg0 : i32, i32
  }
  func.func @transform_5(%arg0: i32) -> (i32, i32) {
    %c0_i32 = arith.constant 0 : i32
    %c0_i32_0 = arith.constant 0 : i32
    return %c0_i32, %arg0 : i32, i32
  }
  func.func @transform_6(%arg0: i32) -> (i32, i32) {
    %c0_i32 = arith.constant 0 : i32
    %c0_i32_0 = arith.constant 0 : i32
    return %c0_i32, %arg0 : i32, i32
  }
}

module attributes {stable_mosaic.version = 14 : i64} {
  func.func @_norm_counts_kernel(%arg0: memref<256x2048xf32, #tpu.memory_space<vmem>>, %arg1: memref<1x2048xf32, #tpu.memory_space<vmem>>, %arg2: memref<4096x1xi32, #tpu.memory_space<vmem>>, %arg3: memref<256x2048xf32, #tpu.memory_space<vmem>>, %arg4: memref<1x256xf32, #tpu.memory_space<vmem>>) attributes {dimension_semantics = [], scalar_prefetch = 0 : i64, scratch_operands = 0 : i64, tpu.core_type = #tpu.core_type<tc>} {
    %get3A = arith.constant 0 : index
    %get3A_0 = arith.constant 0 : index
    %get3A_1 = vector.load %arg0[%get3A, %get3A_0] : memref<256x2048xf32, #tpu.memory_space<vmem>>, vector<256x2048xf32>
    %mul3A = arith.mulf %get3A_1, %get3A_1 : vector<256x2048xf32>
    %reduce_sum3A = arith.constant dense<0.000000e+00> : vector<256xf32>
    %reduce_sum3A_2 = vector.multi_reduction <add>, %mul3A, %reduce_sum3A [1] : vector<256x2048xf32> to vector<256xf32>
    %broadcast_in_dim3A = vector.shape_cast %reduce_sum3A_2 : vector<256xf32> to vector<256x1xf32>
    %div3A = arith.constant 2.048000e+03 : f32
    %div3A_3 = vector.broadcast %div3A : f32 to vector<256x1xf32>
    %div3A_4 = arith.divf %broadcast_in_dim3A, %div3A_3 : vector<256x1xf32>
    %add3A = arith.constant 9.99999997E-7 : f32
    %add3A_5 = vector.broadcast %add3A : f32 to vector<256x1xf32>
    %add3A_6 = arith.addf %div3A_4, %add3A_5 : vector<256x1xf32>
    %rsqrt3A = math.rsqrt %add3A_6 : vector<256x1xf32>
    %mul3A_7 = vector.broadcast %rsqrt3A : vector<256x1xf32> to vector<256x2048xf32>
    %mul3A_8 = arith.mulf %get3A_1, %mul3A_7 : vector<256x2048xf32>
    %get3A_9 = arith.constant 0 : index
    %get3A_10 = arith.constant 0 : index
    %get3A_11 = vector.load %arg1[%get3A_9, %get3A_10] : memref<1x2048xf32, #tpu.memory_space<vmem>>, vector<1x2048xf32>
    %mul3A_12 = vector.broadcast %get3A_11 : vector<1x2048xf32> to vector<256x2048xf32>
    %mul3A_13 = arith.mulf %mul3A_8, %mul3A_12 : vector<256x2048xf32>
    %swap3A = arith.constant 0 : index
    %swap3A_14 = arith.constant 0 : index
    %swap3A_15 = vector.load %arg3[%swap3A, %swap3A_14] : memref<256x2048xf32, #tpu.memory_space<vmem>>, vector<256x2048xf32>
    tpu.vector_store %arg3[%swap3A, %swap3A_14], %mul3A_13 {strides = array<i32>} : memref<256x2048xf32, #tpu.memory_space<vmem>>, vector<256x2048xf32>,
    %get3A_16 = arith.constant 0 : index
    %get3A_17 = arith.constant 0 : index
    %get3A_18 = vector.load %arg2[%get3A_16, %get3A_17] : memref<4096x1xi32, #tpu.memory_space<vmem>>, vector<4096x1xi32>
    %iota3A = tpu.iota {dimensions = array<i32: 1>} : vector<4096x256xi32>
    %eq3A = vector.broadcast %get3A_18 : vector<4096x1xi32> to vector<4096x256xi32>
    %eq3A_19 = arith.cmpi eq, %eq3A, %iota3A : vector<4096x256xi32>
    %convert_element_type3A = arith.extui %eq3A_19 : vector<4096x256xi1> to vector<4096x256xi32>
    %convert_element_type3A_20 = arith.sitofp %convert_element_type3A : vector<4096x256xi32> to vector<4096x256xf32>
    %reduce_sum3A_21 = arith.constant dense<0.000000e+00> : vector<256xf32>
    %reduce_sum3A_22 = vector.multi_reduction <add>, %convert_element_type3A_20, %reduce_sum3A_21 [0] : vector<4096x256xf32> to vector<256xf32>
    %broadcast_in_dim3A_23 = vector.shape_cast %reduce_sum3A_22 : vector<256xf32> to vector<1x256xf32>
    %swap3A_24 = arith.constant 0 : index
    %swap3A_25 = arith.constant 0 : index
    %swap3A_26 = vector.load %arg4[%swap3A_24, %swap3A_25] : memref<1x256xf32, #tpu.memory_space<vmem>>, vector<1x256xf32>
    tpu.vector_store %arg4[%swap3A_24, %swap3A_25], %broadcast_in_dim3A_23 {strides = array<i32>} : memref<1x256xf32, #tpu.memory_space<vmem>>, vector<1x256xf32>,
    return
  }
}

module attributes {stable_mosaic.version = 14 : i64} {
  func.func @_attn_kernel(%arg0: i32, %arg1: memref<256x256xf32, #tpu.memory_space<vmem>>, %arg2: memref<256x256xf32, #tpu.memory_space<vmem>>, %arg3: memref<256x256xf32, #tpu.memory_space<vmem>>, %arg4: memref<1x2x256x128xf32, #tpu.memory_space<vmem>>, %arg5: memref<1x2x256x128xf32, #tpu.memory_space<vmem>>, %arg6: memref<1x256xf32, #tpu.memory_space<vmem>>, %arg7: memref<4096x1xi32, #tpu.memory_space<vmem>>, %arg8: memref<256x256xf32, #tpu.memory_space<vmem>>, %arg9: memref<1x4352xf32, #tpu.memory_space<vmem>>, %arg10: memref<1x256xf32, #tpu.memory_space<vmem>>, %arg11: memref<1x256xf32, #tpu.memory_space<vmem>>) attributes {dimension_semantics = [#tpu.dimension_semantics<arbitrary>], iteration_bounds = array<i64: 8>, scalar_prefetch = 0 : i64, scratch_operands = 0 : i64, tpu.core_type = #tpu.core_type<tc>, window_params = [{transform_indices = @transform_0, window_bounds = array<i64: 256, 256>}, {transform_indices = @transform_1, window_bounds = array<i64: 256, 256>}, {transform_indices = @transform_2, window_bounds = array<i64: 256, 256>}, {transform_indices = @transform_3, window_bounds = array<i64: 1, 2, 256, 128>}, {transform_indices = @transform_4, window_bounds = array<i64: 1, 2, 256, 128>}, {pipeline_mode = #tpu.pipeline_mode<synchronous>, transform_indices = @transform_5, window_bounds = array<i64: 1, 256>}, {pipeline_mode = #tpu.pipeline_mode<synchronous>, transform_indices = @transform_6, window_bounds = array<i64: 4096, 1>}, {transform_indices = @transform_7, window_bounds = array<i64: 256, 256>}, {pipeline_mode = #tpu.pipeline_mode<synchronous>, transform_indices = @transform_8, window_bounds = array<i64: 1, 4352>}, {pipeline_mode = #tpu.pipeline_mode<synchronous>, transform_indices = @transform_9, window_bounds = array<i64: 1, 256>}, {pipeline_mode = #tpu.pipeline_mode<synchronous>, transform_indices = @transform_10, window_bounds = array<i64: 1, 256>}]} {
    %get3A = arith.constant 0 : index
    %get3A_0 = arith.constant 0 : index
    %get3A_1 = vector.load %arg6[%get3A, %get3A_0] : memref<1x256xf32, #tpu.memory_space<vmem>>, vector<1x256xf32>
    %iota3A = tpu.iota {dimensions = array<i32: 0>} : vector<256x256xi32>
    %iota3A_2 = tpu.iota {dimensions = array<i32: 1>} : vector<256x256xi32>
    %ge3A = arith.cmpi sge, %iota3A, %iota3A_2 : vector<256x256xi32>
    %eq3A = arith.constant 0 : i32
    %eq3A_3 = arith.cmpi eq, %arg0, %eq3A : i32
    %convert_element_type3A = arith.extui %eq3A_3 : i1 to i32
    %cond3A = arith.constant 0 : i32
    %cond3A_4 = arith.cmpi ne, %convert_element_type3A, %cond3A : i32
    scf.if %cond3A_4 {
      %broadcast_in_dim3A_164 = arith.constant 0.000000e+00 : f32
      %broadcast_in_dim3A_165 = vector.broadcast %broadcast_in_dim3A_164 : f32 to vector<1x256xf32>
      %swap3A_166 = arith.constant 0 : index
      %swap3A_167 = arith.constant 0 : index
      %swap3A_168 = vector.load %arg10[%swap3A_166, %swap3A_167] : memref<1x256xf32, #tpu.memory_space<vmem>>, vector<1x256xf32>
      tpu.vector_store %arg10[%swap3A_166, %swap3A_167], %broadcast_in_dim3A_165 {strides = array<i32>} : memref<1x256xf32, #tpu.memory_space<vmem>>, vector<1x256xf32>,
      %broadcast_in_dim3A_169 = arith.constant 0.000000e+00 : f32
      %broadcast_in_dim3A_170 = vector.broadcast %broadcast_in_dim3A_169 : f32 to vector<1x256xf32>
      %swap3A_171 = arith.constant 0 : index
      %swap3A_172 = arith.constant 0 : index
      %swap3A_173 = vector.load %arg11[%swap3A_171, %swap3A_172] : memref<1x256xf32, #tpu.memory_space<vmem>>, vector<1x256xf32>
      tpu.vector_store %arg11[%swap3A_171, %swap3A_172], %broadcast_in_dim3A_170 {strides = array<i32>} : memref<1x256xf32, #tpu.memory_space<vmem>>, vector<1x256xf32>,
    } else {
    }
    %get3A_5 = arith.constant 0 : index
    %get3A_6 = arith.constant 0 : index
    %get3A_7 = vector.load %arg1[%get3A_5, %get3A_6] : memref<256x256xf32, #tpu.memory_space<vmem>>, vector<256x128xf32>
    %get3A_8 = arith.constant 0 : index
    %get3A_9 = arith.constant 0 : index
    %get3A_10 = vector.load %arg2[%get3A_8, %get3A_9] : memref<256x256xf32, #tpu.memory_space<vmem>>, vector<256x128xf32>
    %get3A_11 = arith.constant 0 : index
    %get3A_12 = arith.constant 0 : index
    %get3A_13 = vector.load %arg3[%get3A_11, %get3A_12] : memref<256x256xf32, #tpu.memory_space<vmem>>, vector<256x128xf32>
    %get3A_14 = arith.constant 0 : index
    %get3A_15 = arith.constant 0 : index
    %get3A_16 = arith.constant 0 : index
    %get3A_17 = arith.constant 0 : index
    %get3A_18 = vector.load %arg4[%get3A_14, %get3A_15, %get3A_16, %get3A_17] : memref<1x2x256x128xf32, #tpu.memory_space<vmem>>, vector<1x1x256x128xf32>
    %get3A_19 = vector.shape_cast %get3A_18 : vector<1x1x256x128xf32> to vector<256x128xf32>
    %get3A_20 = arith.constant 0 : index
    %get3A_21 = arith.constant 0 : index
    %get3A_22 = arith.constant 0 : index
    %get3A_23 = arith.constant 0 : index
    %get3A_24 = vector.load %arg5[%get3A_20, %get3A_21, %get3A_22, %get3A_23] : memref<1x2x256x128xf32, #tpu.memory_space<vmem>>, vector<1x1x256x128xf32>
    %get3A_25 = vector.shape_cast %get3A_24 : vector<1x1x256x128xf32> to vector<256x128xf32>
    %dot_general3A = arith.constant dense<0.000000e+00> : vector<256x256xf32>
    %dot_general3A_26 = tpu.matmul %get3A_7, %get3A_19, %dot_general3A {dimension_numbers = #tpu.dot_dimension_numbers<[1], [1], [0], [0], [0, 0, 1, 0], [], []>, transpose_lhs_hint = false} : vector<256x128xf32>, vector<256x128xf32>, vector<256x256xf32> -> vector<256x256xf32>
    %jit3A = arith.constant -1.000000e+30 : f32
    %broadcast_in_dim3A = vector.broadcast %jit3A : f32 to vector<256x256xf32>
    %select_n3A = arith.select %ge3A, %dot_general3A_26, %broadcast_in_dim3A : vector<256x256xi1>, vector<256x256xf32>
    %dot_general3A_27 = arith.constant dense<0.000000e+00> : vector<256x256xf32>
    %dot_general3A_28 = tpu.matmul %get3A_7, %get3A_10, %dot_general3A_27 {dimension_numbers = #tpu.dot_dimension_numbers<[1], [1], [0], [0], [0, 0, 1, 0], [], []>, transpose_lhs_hint = false} : vector<256x128xf32>, vector<256x128xf32>, vector<256x256xf32> -> vector<256x256xf32>
    %jit3A_29 = arith.constant -1.000000e+30 : f32
    %broadcast_in_dim3A_30 = vector.broadcast %jit3A_29 : f32 to vector<256x256xf32>
    %select_n3A_31 = arith.select %ge3A, %dot_general3A_28, %broadcast_in_dim3A_30 : vector<256x256xi1>, vector<256x256xf32>
    %reduce_max3A = arith.constant dense<0xFF800000> : vector<256xf32>
    %reduce_max3A_32 = vector.multi_reduction <maximumf>, %select_n3A, %reduce_max3A [1] : vector<256x256xf32> to vector<256xf32>
    %broadcast_in_dim3A_33 = vector.shape_cast %reduce_max3A_32 : vector<256xf32> to vector<256x1xf32>
    %reduce_max3A_34 = arith.constant dense<0xFF800000> : vector<256xf32>
    %reduce_max3A_35 = vector.multi_reduction <maximumf>, %select_n3A_31, %reduce_max3A_34 [1] : vector<256x256xf32> to vector<256xf32>
    %broadcast_in_dim3A_36 = vector.shape_cast %reduce_max3A_35 : vector<256xf32> to vector<256x1xf32>
    %max3A = arith.maximumf %broadcast_in_dim3A_33, %broadcast_in_dim3A_36 : vector<256x1xf32>
    %sub3A = vector.broadcast %max3A : vector<256x1xf32> to vector<256x256xf32>
    %sub3A_37 = arith.subf %select_n3A, %sub3A : vector<256x256xf32>
    %exp3A = math.exp %sub3A_37 : vector<256x256xf32>
    %sub3A_38 = vector.broadcast %max3A : vector<256x1xf32> to vector<256x256xf32>
    %sub3A_39 = arith.subf %select_n3A_31, %sub3A_38 : vector<256x256xf32>
    %exp3A_40 = math.exp %sub3A_39 : vector<256x256xf32>
    %mul3A = vector.broadcast %get3A_1 : vector<1x256xf32> to vector<256x256xf32>
    %mul3A_41 = arith.mulf %exp3A, %mul3A : vector<256x256xf32>
    %reduce_sum3A = arith.constant dense<0.000000e+00> : vector<256xf32>
    %reduce_sum3A_42 = vector.multi_reduction <add>, %mul3A_41, %reduce_sum3A [1] : vector<256x256xf32> to vector<256xf32>
    %broadcast_in_dim3A_43 = vector.shape_cast %reduce_sum3A_42 : vector<256xf32> to vector<256x1xf32>
    %reduce_sum3A_44 = arith.constant dense<0.000000e+00> : vector<256xf32>
    %reduce_sum3A_45 = vector.multi_reduction <add>, %exp3A_40, %reduce_sum3A_44 [1] : vector<256x256xf32> to vector<256xf32>
    %broadcast_in_dim3A_46 = vector.shape_cast %reduce_sum3A_45 : vector<256xf32> to vector<256x1xf32>
    %add3A = arith.addf %broadcast_in_dim3A_43, %broadcast_in_dim3A_46 : vector<256x1xf32>
    %dot_general3A_47 = arith.constant dense<0.000000e+00> : vector<256x128xf32>
    %dot_general3A_48 = tpu.matmul %mul3A_41, %get3A_25, %dot_general3A_47 {dimension_numbers = #tpu.dot_dimension_numbers<[1], [0], [0], [1], [0, 0, 1, 1], [], []>, transpose_lhs_hint = false} : vector<256x256xf32>, vector<256x128xf32>, vector<256x128xf32> -> vector<256x128xf32>
    %dot_general3A_49 = arith.constant dense<0.000000e+00> : vector<256x128xf32>
    %dot_general3A_50 = tpu.matmul %exp3A_40, %get3A_13, %dot_general3A_49 {dimension_numbers = #tpu.dot_dimension_numbers<[1], [0], [0], [1], [0, 0, 1, 1], [], []>, transpose_lhs_hint = false} : vector<256x256xf32>, vector<256x128xf32>, vector<256x128xf32> -> vector<256x128xf32>
    %add3A_51 = arith.addf %dot_general3A_48, %dot_general3A_50 : vector<256x128xf32>
    %div3A = vector.broadcast %add3A : vector<256x1xf32> to vector<256x128xf32>
    %div3A_52 = arith.divf %add3A_51, %div3A : vector<256x128xf32>
    %swap3A = arith.constant 0 : index
    %swap3A_53 = arith.constant 0 : index
    %swap3A_54 = vector.load %arg8[%swap3A, %swap3A_53] : memref<256x256xf32, #tpu.memory_space<vmem>>, vector<256x128xf32>
    tpu.vector_store %arg8[%swap3A, %swap3A_53], %div3A_52 {strides = array<i32>} : memref<256x256xf32, #tpu.memory_space<vmem>>, vector<256x128xf32>,
    %slice3A = vector.extract_strided_slice %add3A {offsets = [255, 0], sizes = [1, 1], strides = [1, 1]} : vector<256x1xf32> to vector<1x1xf32>
    %get3A_55 = arith.constant 0 : index
    %get3A_56 = arith.constant 0 : index
    %get3A_57 = vector.load %arg10[%get3A_55, %get3A_56] : memref<1x256xf32, #tpu.memory_space<vmem>>, vector<1x256xf32>
    %slice3A_58 = vector.extract_strided_slice %exp3A {offsets = [255, 0], sizes = [1, 256], strides = [1, 1]} : vector<256x256xf32> to vector<1x256xf32>
    %div3A_59 = vector.broadcast %slice3A : vector<1x1xf32> to vector<1x256xf32>
    %div3A_60 = arith.divf %slice3A_58, %div3A_59 : vector<1x256xf32>
    %add3A_61 = arith.addf %get3A_57, %div3A_60 : vector<1x256xf32>
    %swap3A_62 = arith.constant 0 : index
    %swap3A_63 = arith.constant 0 : index
    %swap3A_64 = vector.load %arg10[%swap3A_62, %swap3A_63] : memref<1x256xf32, #tpu.memory_space<vmem>>, vector<1x256xf32>
    tpu.vector_store %arg10[%swap3A_62, %swap3A_63], %add3A_61 {strides = array<i32>} : memref<1x256xf32, #tpu.memory_space<vmem>>, vector<1x256xf32>,
    %get3A_65 = arith.constant 0 : index
    %get3A_66 = arith.constant 0 : index
    %get3A_67 = vector.load %arg11[%get3A_65, %get3A_66] : memref<1x256xf32, #tpu.memory_space<vmem>>, vector<1x256xf32>
    %slice3A_68 = vector.extract_strided_slice %exp3A_40 {offsets = [255, 0], sizes = [1, 256], strides = [1, 1]} : vector<256x256xf32> to vector<1x256xf32>
    %div3A_69 = vector.broadcast %slice3A : vector<1x1xf32> to vector<1x256xf32>
    %div3A_70 = arith.divf %slice3A_68, %div3A_69 : vector<1x256xf32>
    %add3A_71 = arith.addf %get3A_67, %div3A_70 : vector<1x256xf32>
    %swap3A_72 = arith.constant 0 : index
    %swap3A_73 = arith.constant 0 : index
    %swap3A_74 = vector.load %arg11[%swap3A_72, %swap3A_73] : memref<1x256xf32, #tpu.memory_space<vmem>>, vector<1x256xf32>
    tpu.vector_store %arg11[%swap3A_72, %swap3A_73], %add3A_71 {strides = array<i32>} : memref<1x256xf32, #tpu.memory_space<vmem>>, vector<1x256xf32>,
    %get3A_75 = arith.constant 0 : index
    %get3A_76 = arith.constant 128 : index
    %get3A_77 = vector.load %arg1[%get3A_75, %get3A_76] : memref<256x256xf32, #tpu.memory_space<vmem>>, vector<256x128xf32>
    %get3A_78 = arith.constant 0 : index
    %get3A_79 = arith.constant 128 : index
    %get3A_80 = vector.load %arg2[%get3A_78, %get3A_79] : memref<256x256xf32, #tpu.memory_space<vmem>>, vector<256x128xf32>
    %get3A_81 = arith.constant 0 : index
    %get3A_82 = arith.constant 128 : index
    %get3A_83 = vector.load %arg3[%get3A_81, %get3A_82] : memref<256x256xf32, #tpu.memory_space<vmem>>, vector<256x128xf32>
    %get3A_84 = arith.constant 0 : index
    %get3A_85 = arith.constant 1 : index
    %get3A_86 = arith.constant 0 : index
    %get3A_87 = arith.constant 0 : index
    %get3A_88 = vector.load %arg4[%get3A_84, %get3A_85, %get3A_86, %get3A_87] : memref<1x2x256x128xf32, #tpu.memory_space<vmem>>, vector<1x1x256x128xf32>
    %get3A_89 = vector.shape_cast %get3A_88 : vector<1x1x256x128xf32> to vector<256x128xf32>
    %get3A_90 = arith.constant 0 : index
    %get3A_91 = arith.constant 1 : index
    %get3A_92 = arith.constant 0 : index
    %get3A_93 = arith.constant 0 : index
    %get3A_94 = vector.load %arg5[%get3A_90, %get3A_91, %get3A_92, %get3A_93] : memref<1x2x256x128xf32, #tpu.memory_space<vmem>>, vector<1x1x256x128xf32>
    %get3A_95 = vector.shape_cast %get3A_94 : vector<1x1x256x128xf32> to vector<256x128xf32>
    %dot_general3A_96 = arith.constant dense<0.000000e+00> : vector<256x256xf32>
    %dot_general3A_97 = tpu.matmul %get3A_77, %get3A_89, %dot_general3A_96 {dimension_numbers = #tpu.dot_dimension_numbers<[1], [1], [0], [0], [0, 0, 1, 0], [], []>, transpose_lhs_hint = false} : vector<256x128xf32>, vector<256x128xf32>, vector<256x256xf32> -> vector<256x256xf32>
    %jit3A_98 = arith.constant -1.000000e+30 : f32
    %broadcast_in_dim3A_99 = vector.broadcast %jit3A_98 : f32 to vector<256x256xf32>
    %select_n3A_100 = arith.select %ge3A, %dot_general3A_97, %broadcast_in_dim3A_99 : vector<256x256xi1>, vector<256x256xf32>
    %dot_general3A_101 = arith.constant dense<0.000000e+00> : vector<256x256xf32>
    %dot_general3A_102 = tpu.matmul %get3A_77, %get3A_80, %dot_general3A_101 {dimension_numbers = #tpu.dot_dimension_numbers<[1], [1], [0], [0], [0, 0, 1, 0], [], []>, transpose_lhs_hint = false} : vector<256x128xf32>, vector<256x128xf32>, vector<256x256xf32> -> vector<256x256xf32>
    %jit3A_103 = arith.constant -1.000000e+30 : f32
    %broadcast_in_dim3A_104 = vector.broadcast %jit3A_103 : f32 to vector<256x256xf32>
    %select_n3A_105 = arith.select %ge3A, %dot_general3A_102, %broadcast_in_dim3A_104 : vector<256x256xi1>, vector<256x256xf32>
    %reduce_max3A_106 = arith.constant dense<0xFF800000> : vector<256xf32>
    %reduce_max3A_107 = vector.multi_reduction <maximumf>, %select_n3A_100, %reduce_max3A_106 [1] : vector<256x256xf32> to vector<256xf32>
    %broadcast_in_dim3A_108 = vector.shape_cast %reduce_max3A_107 : vector<256xf32> to vector<256x1xf32>
    %reduce_max3A_109 = arith.constant dense<0xFF800000> : vector<256xf32>
    %reduce_max3A_110 = vector.multi_reduction <maximumf>, %select_n3A_105, %reduce_max3A_109 [1] : vector<256x256xf32> to vector<256xf32>
    %broadcast_in_dim3A_111 = vector.shape_cast %reduce_max3A_110 : vector<256xf32> to vector<256x1xf32>
    %max3A_112 = arith.maximumf %broadcast_in_dim3A_108, %broadcast_in_dim3A_111 : vector<256x1xf32>
    %sub3A_113 = vector.broadcast %max3A_112 : vector<256x1xf32> to vector<256x256xf32>
    %sub3A_114 = arith.subf %select_n3A_100, %sub3A_113 : vector<256x256xf32>
    %exp3A_115 = math.exp %sub3A_114 : vector<256x256xf32>
    %sub3A_116 = vector.broadcast %max3A_112 : vector<256x1xf32> to vector<256x256xf32>
    %sub3A_117 = arith.subf %select_n3A_105, %sub3A_116 : vector<256x256xf32>
    %exp3A_118 = math.exp %sub3A_117 : vector<256x256xf32>
    %mul3A_119 = vector.broadcast %get3A_1 : vector<1x256xf32> to vector<256x256xf32>
    %mul3A_120 = arith.mulf %exp3A_115, %mul3A_119 : vector<256x256xf32>
    %reduce_sum3A_121 = arith.constant dense<0.000000e+00> : vector<256xf32>
    %reduce_sum3A_122 = vector.multi_reduction <add>, %mul3A_120, %reduce_sum3A_121 [1] : vector<256x256xf32> to vector<256xf32>
    %broadcast_in_dim3A_123 = vector.shape_cast %reduce_sum3A_122 : vector<256xf32> to vector<256x1xf32>
    %reduce_sum3A_124 = arith.constant dense<0.000000e+00> : vector<256xf32>
    %reduce_sum3A_125 = vector.multi_reduction <add>, %exp3A_118, %reduce_sum3A_124 [1] : vector<256x256xf32> to vector<256xf32>
    %broadcast_in_dim3A_126 = vector.shape_cast %reduce_sum3A_125 : vector<256xf32> to vector<256x1xf32>
    %add3A_127 = arith.addf %broadcast_in_dim3A_123, %broadcast_in_dim3A_126 : vector<256x1xf32>
    %dot_general3A_128 = arith.constant dense<0.000000e+00> : vector<256x128xf32>
    %dot_general3A_129 = tpu.matmul %mul3A_120, %get3A_95, %dot_general3A_128 {dimension_numbers = #tpu.dot_dimension_numbers<[1], [0], [0], [1], [0, 0, 1, 1], [], []>, transpose_lhs_hint = false} : vector<256x256xf32>, vector<256x128xf32>, vector<256x128xf32> -> vector<256x128xf32>
    %dot_general3A_130 = arith.constant dense<0.000000e+00> : vector<256x128xf32>
    %dot_general3A_131 = tpu.matmul %exp3A_118, %get3A_83, %dot_general3A_130 {dimension_numbers = #tpu.dot_dimension_numbers<[1], [0], [0], [1], [0, 0, 1, 1], [], []>, transpose_lhs_hint = false} : vector<256x256xf32>, vector<256x128xf32>, vector<256x128xf32> -> vector<256x128xf32>
    %add3A_132 = arith.addf %dot_general3A_129, %dot_general3A_131 : vector<256x128xf32>
    %div3A_133 = vector.broadcast %add3A_127 : vector<256x1xf32> to vector<256x128xf32>
    %div3A_134 = arith.divf %add3A_132, %div3A_133 : vector<256x128xf32>
    %swap3A_135 = arith.constant 0 : index
    %swap3A_136 = arith.constant 128 : index
    %swap3A_137 = vector.load %arg8[%swap3A_135, %swap3A_136] : memref<256x256xf32, #tpu.memory_space<vmem>>, vector<256x128xf32>
    tpu.vector_store %arg8[%swap3A_135, %swap3A_136], %div3A_134 {strides = array<i32>} : memref<256x256xf32, #tpu.memory_space<vmem>>, vector<256x128xf32>,
    %slice3A_138 = vector.extract_strided_slice %add3A_127 {offsets = [255, 0], sizes = [1, 1], strides = [1, 1]} : vector<256x1xf32> to vector<1x1xf32>
    %get3A_139 = arith.constant 0 : index
    %get3A_140 = arith.constant 0 : index
    %get3A_141 = vector.load %arg10[%get3A_139, %get3A_140] : memref<1x256xf32, #tpu.memory_space<vmem>>, vector<1x256xf32>
    %slice3A_142 = vector.extract_strided_slice %exp3A_115 {offsets = [255, 0], sizes = [1, 256], strides = [1, 1]} : vector<256x256xf32> to vector<1x256xf32>
    %div3A_143 = vector.broadcast %slice3A_138 : vector<1x1xf32> to vector<1x256xf32>
    %div3A_144 = arith.divf %slice3A_142, %div3A_143 : vector<1x256xf32>
    %add3A_145 = arith.addf %get3A_141, %div3A_144 : vector<1x256xf32>
    %swap3A_146 = arith.constant 0 : index
    %swap3A_147 = arith.constant 0 : index
    %swap3A_148 = vector.load %arg10[%swap3A_146, %swap3A_147] : memref<1x256xf32, #tpu.memory_space<vmem>>, vector<1x256xf32>
    tpu.vector_store %arg10[%swap3A_146, %swap3A_147], %add3A_145 {strides = array<i32>} : memref<1x256xf32, #tpu.memory_space<vmem>>, vector<1x256xf32>,
    %get3A_149 = arith.constant 0 : index
    %get3A_150 = arith.constant 0 : index
    %get3A_151 = vector.load %arg11[%get3A_149, %get3A_150] : memref<1x256xf32, #tpu.memory_space<vmem>>, vector<1x256xf32>
    %slice3A_152 = vector.extract_strided_slice %exp3A_118 {offsets = [255, 0], sizes = [1, 256], strides = [1, 1]} : vector<256x256xf32> to vector<1x256xf32>
    %div3A_153 = vector.broadcast %slice3A_138 : vector<1x1xf32> to vector<1x256xf32>
    %div3A_154 = arith.divf %slice3A_152, %div3A_153 : vector<1x256xf32>
    %add3A_155 = arith.addf %get3A_151, %div3A_154 : vector<1x256xf32>
    %swap3A_156 = arith.constant 0 : index
    %swap3A_157 = arith.constant 0 : index
    %swap3A_158 = vector.load %arg11[%swap3A_156, %swap3A_157] : memref<1x256xf32, #tpu.memory_space<vmem>>, vector<1x256xf32>
    tpu.vector_store %arg11[%swap3A_156, %swap3A_157], %add3A_155 {strides = array<i32>} : memref<1x256xf32, #tpu.memory_space<vmem>>, vector<1x256xf32>,
    %eq3A_159 = arith.constant 7 : i32
    %eq3A_160 = arith.cmpi eq, %arg0, %eq3A_159 : i32
    %convert_element_type3A_161 = arith.extui %eq3A_160 : i1 to i32
    %cond3A_162 = arith.constant 0 : i32
    %cond3A_163 = arith.cmpi ne, %convert_element_type3A_161, %cond3A_162 : i32
    scf.if %cond3A_163 {
      %get3A_164 = arith.constant 0 : index
      %get3A_165 = arith.constant 0 : index
      %get3A_166 = vector.load %arg7[%get3A_164, %get3A_165] : memref<4096x1xi32, #tpu.memory_space<vmem>>, vector<4096x1xi32>
      %iota3A_167 = tpu.iota {dimensions = array<i32: 1>} : vector<4096x256xi32>
      %eq3A_168 = vector.broadcast %get3A_166 : vector<4096x1xi32> to vector<4096x256xi32>
      %eq3A_169 = arith.cmpi eq, %eq3A_168, %iota3A_167 : vector<4096x256xi32>
      %convert_element_type3A_170 = arith.extui %eq3A_169 : vector<4096x256xi1> to vector<4096x256xi32>
      %convert_element_type3A_171 = arith.sitofp %convert_element_type3A_170 : vector<4096x256xi32> to vector<4096x256xf32>
      %get3A_172 = arith.constant 0 : index
      %get3A_173 = arith.constant 0 : index
      %get3A_174 = vector.load %arg10[%get3A_172, %get3A_173] : memref<1x256xf32, #tpu.memory_space<vmem>>, vector<1x256xf32>
      %dot_general3A_175 = arith.constant dense<0.000000e+00> : vector<1x4096xf32>
      %dot_general3A_176 = tpu.matmul %get3A_174, %convert_element_type3A_171, %dot_general3A_175 {dimension_numbers = #tpu.dot_dimension_numbers<[1], [1], [0], [0], [0, 0, 1, 0], [], []>, transpose_lhs_hint = false} : vector<1x256xf32>, vector<4096x256xf32>, vector<1x4096xf32> -> vector<1x4096xf32>
      %swap3A_177 = arith.constant 0 : index
      %swap3A_178 = arith.constant 0 : index
      %swap3A_179 = vector.load %arg9[%swap3A_177, %swap3A_178] : memref<1x4352xf32, #tpu.memory_space<vmem>>, vector<1x4096xf32>
      tpu.vector_store %arg9[%swap3A_177, %swap3A_178], %dot_general3A_176 {strides = array<i32>} : memref<1x4352xf32, #tpu.memory_space<vmem>>, vector<1x4096xf32>,
      %get3A_180 = arith.constant 0 : index
      %get3A_181 = arith.constant 0 : index
      %get3A_182 = vector.load %arg11[%get3A_180, %get3A_181] : memref<1x256xf32, #tpu.memory_space<vmem>>, vector<1x256xf32>
      %swap3A_183 = arith.constant 0 : index
      %swap3A_184 = arith.constant 4096 : index
      %swap3A_185 = vector.load %arg9[%swap3A_183, %swap3A_184] : memref<1x4352xf32, #tpu.memory_space<vmem>>, vector<1x256xf32>
      tpu.vector_store %arg9[%swap3A_183, %swap3A_184], %get3A_182 {strides = array<i32>} : memref<1x4352xf32, #tpu.memory_space<vmem>>, vector<1x256xf32>,
    } else {
    }
    return
  }
  func.func @transform_0(%arg0: i32) -> (i32, i32) {
    %c0_i32 = arith.constant 0 : i32
    %c0_i32_0 = arith.constant 0 : i32
    return %c0_i32, %arg0 : i32, i32
  }
  func.func @transform_1(%arg0: i32) -> (i32, i32) {
    %c0_i32 = arith.constant 0 : i32
    %c0_i32_0 = arith.constant 0 : i32
    return %c0_i32, %arg0 : i32, i32
  }
  func.func @transform_2(%arg0: i32) -> (i32, i32) {
    %c0_i32 = arith.constant 0 : i32
    %c0_i32_0 = arith.constant 0 : i32
    return %c0_i32, %arg0 : i32, i32
  }
  func.func @transform_3(%arg0: i32) -> (i32, i32, i32, i32) {
    %c0_i32 = arith.constant 0 : i32
    %c0_i32_0 = arith.constant 0 : i32
    %c0_i32_1 = arith.constant 0 : i32
    %c0_i32_2 = arith.constant 0 : i32
    return %c0_i32, %arg0, %c0_i32_0, %c0_i32_1 : i32, i32, i32, i32
  }
  func.func @transform_4(%arg0: i32) -> (i32, i32, i32, i32) {
    %c0_i32 = arith.constant 0 : i32
    %c0_i32_0 = arith.constant 0 : i32
    %c0_i32_1 = arith.constant 0 : i32
    %c0_i32_2 = arith.constant 0 : i32
    return %c0_i32, %arg0, %c0_i32_0, %c0_i32_1 : i32, i32, i32, i32
  }
  func.func @transform_5(%arg0: i32) -> (i32, i32) {
    %c0_i32 = arith.constant 0 : i32
    %c0_i32_0 = arith.constant 0 : i32
    %c0_i32_1 = arith.constant 0 : i32
    return %c0_i32, %c0_i32_0 : i32, i32
  }
  func.func @transform_6(%arg0: i32) -> (i32, i32) {
    %c0_i32 = arith.constant 0 : i32
    %c0_i32_0 = arith.constant 0 : i32
    %c0_i32_1 = arith.constant 0 : i32
    return %c0_i32, %c0_i32_0 : i32, i32
  }
  func.func @transform_7(%arg0: i32) -> (i32, i32) {
    %c0_i32 = arith.constant 0 : i32
    %c0_i32_0 = arith.constant 0 : i32
    return %c0_i32, %arg0 : i32, i32
  }
  func.func @transform_8(%arg0: i32) -> (i32, i32) {
    %c0_i32 = arith.constant 0 : i32
    %c0_i32_0 = arith.constant 0 : i32
    %c0_i32_1 = arith.constant 0 : i32
    return %c0_i32, %c0_i32_0 : i32, i32
  }
  func.func @transform_9(%arg0: i32) -> (i32, i32) {
    %c0_i32 = arith.constant 0 : i32
    %c0_i32_0 = arith.constant 0 : i32
    %c0_i32_1 = arith.constant 0 : i32
    return %c0_i32, %c0_i32_0 : i32, i32
  }
  func.func @transform_10(%arg0: i32) -> (i32, i32) {
    %c0_i32 = arith.constant 0 : i32
    %c0_i32_0 = arith.constant 0 : i32
    %c0_i32_1 = arith.constant 0 : i32
    return %c0_i32, %c0_i32_0 : i32, i32
  }
}

module attributes {stable_mosaic.version = 14 : i64} {
  func.func @_oproj_kernel(%arg0: i32, %arg1: memref<256x256xf32, #tpu.memory_space<vmem>>, %arg2: memref<256x2048xf32, #tpu.memory_space<vmem>>, %arg3: memref<256x2048xf32, #tpu.memory_space<vmem>>, %arg4: memref<1x2048xf32, #tpu.memory_space<vmem>>, %arg5: memref<256x2048xf32, #tpu.memory_space<vmem>>, %arg6: memref<256x2048xf32, #tpu.memory_space<vmem>>) attributes {dimension_semantics = [#tpu.dimension_semantics<arbitrary>], iteration_bounds = array<i64: 8>, scalar_prefetch = 0 : i64, scratch_operands = 0 : i64, tpu.core_type = #tpu.core_type<tc>, window_params = [{transform_indices = @transform_0, window_bounds = array<i64: 256, 256>}, {pipeline_mode = #tpu.pipeline_mode<synchronous>, transform_indices = @transform_1, window_bounds = array<i64: 256, 2048>}, {transform_indices = @transform_2, window_bounds = array<i64: 256, 2048>}, {pipeline_mode = #tpu.pipeline_mode<synchronous>, transform_indices = @transform_3, window_bounds = array<i64: 1, 2048>}, {pipeline_mode = #tpu.pipeline_mode<synchronous>, transform_indices = @transform_4, window_bounds = array<i64: 256, 2048>}, {pipeline_mode = #tpu.pipeline_mode<synchronous>, transform_indices = @transform_5, window_bounds = array<i64: 256, 2048>}]} {
    %get3A = arith.constant 0 : index
    %get3A_0 = arith.constant 0 : index
    %get3A_1 = vector.load %arg1[%get3A, %get3A_0] : memref<256x256xf32, #tpu.memory_space<vmem>>, vector<256x256xf32>
    %convert_element_type3A = arith.truncf %get3A_1 : vector<256x256xf32> to vector<256x256xbf16>
    %get3A_2 = arith.constant 0 : index
    %get3A_3 = arith.constant 0 : index
    %get3A_4 = vector.load %arg3[%get3A_2, %get3A_3] : memref<256x2048xf32, #tpu.memory_space<vmem>>, vector<256x2048xf32>
    %convert_element_type3A_5 = arith.truncf %get3A_4 : vector<256x2048xf32> to vector<256x2048xbf16>
    %dot_general3A = arith.constant dense<0.000000e+00> : vector<256x2048xf32>
    %dot_general3A_6 = tpu.matmul %convert_element_type3A, %convert_element_type3A_5, %dot_general3A {dimension_numbers = #tpu.dot_dimension_numbers<[1], [0], [0], [1], [0, 0, 1, 1], [], []>, transpose_lhs_hint = false} : vector<256x256xbf16>, vector<256x2048xbf16>, vector<256x2048xf32> -> vector<256x2048xf32>
    %eq3A = arith.constant 0 : i32
    %eq3A_7 = arith.cmpi eq, %arg0, %eq3A : i32
    %convert_element_type3A_8 = arith.extui %eq3A_7 : i1 to i32
    %cond3A = arith.constant 0 : i32
    %cond3A_9 = arith.cmpi ne, %convert_element_type3A_8, %cond3A : i32
    scf.if %cond3A_9 {
      %get3A_19 = arith.constant 0 : index
      %get3A_20 = arith.constant 0 : index
      %get3A_21 = vector.load %arg2[%get3A_19, %get3A_20] : memref<256x2048xf32, #tpu.memory_space<vmem>>, vector<256x2048xf32>
      %add3A = arith.addf %get3A_21, %dot_general3A_6 : vector<256x2048xf32>
      %swap3A = arith.constant 0 : index
      %swap3A_22 = arith.constant 0 : index
      %swap3A_23 = vector.load %arg5[%swap3A, %swap3A_22] : memref<256x2048xf32, #tpu.memory_space<vmem>>, vector<256x2048xf32>
      tpu.vector_store %arg5[%swap3A, %swap3A_22], %add3A {strides = array<i32>} : memref<256x2048xf32, #tpu.memory_space<vmem>>, vector<256x2048xf32>,
    } else {
    }
    %gt3A = arith.constant 0 : i32
    %gt3A_10 = arith.cmpi sgt, %arg0, %gt3A : i32
    %convert_element_type3A_11 = arith.extui %gt3A_10 : i1 to i32
    %cond3A_12 = arith.constant 0 : i32
    %cond3A_13 = arith.cmpi ne, %convert_element_type3A_11, %cond3A_12 : i32
    scf.if %cond3A_13 {
      %get3A_19 = arith.constant 0 : index
      %get3A_20 = arith.constant 0 : index
      %get3A_21 = vector.load %arg5[%get3A_19, %get3A_20] : memref<256x2048xf32, #tpu.memory_space<vmem>>, vector<256x2048xf32>
      %add3A = arith.addf %get3A_21, %dot_general3A_6 : vector<256x2048xf32>
      %swap3A = arith.constant 0 : index
      %swap3A_22 = arith.constant 0 : index
      %swap3A_23 = vector.load %arg5[%swap3A, %swap3A_22] : memref<256x2048xf32, #tpu.memory_space<vmem>>, vector<256x2048xf32>
      tpu.vector_store %arg5[%swap3A, %swap3A_22], %add3A {strides = array<i32>} : memref<256x2048xf32, #tpu.memory_space<vmem>>, vector<256x2048xf32>,
    } else {
    }
    %eq3A_14 = arith.constant 7 : i32
    %eq3A_15 = arith.cmpi eq, %arg0, %eq3A_14 : i32
    %convert_element_type3A_16 = arith.extui %eq3A_15 : i1 to i32
    %cond3A_17 = arith.constant 0 : i32
    %cond3A_18 = arith.cmpi ne, %convert_element_type3A_16, %cond3A_17 : i32
    scf.if %cond3A_18 {
      %get3A_19 = arith.constant 0 : index
      %get3A_20 = arith.constant 0 : index
      %get3A_21 = vector.load %arg5[%get3A_19, %get3A_20] : memref<256x2048xf32, #tpu.memory_space<vmem>>, vector<256x2048xf32>
      %mul3A = arith.mulf %get3A_21, %get3A_21 : vector<256x2048xf32>
      %reduce_sum3A = arith.constant dense<0.000000e+00> : vector<256xf32>
      %reduce_sum3A_22 = vector.multi_reduction <add>, %mul3A, %reduce_sum3A [1] : vector<256x2048xf32> to vector<256xf32>
      %broadcast_in_dim3A = vector.shape_cast %reduce_sum3A_22 : vector<256xf32> to vector<256x1xf32>
      %div3A = arith.constant 2.048000e+03 : f32
      %div3A_23 = vector.broadcast %div3A : f32 to vector<256x1xf32>
      %div3A_24 = arith.divf %broadcast_in_dim3A, %div3A_23 : vector<256x1xf32>
      %add3A = arith.constant 9.99999997E-7 : f32
      %add3A_25 = vector.broadcast %add3A : f32 to vector<256x1xf32>
      %add3A_26 = arith.addf %div3A_24, %add3A_25 : vector<256x1xf32>
      %rsqrt3A = math.rsqrt %add3A_26 : vector<256x1xf32>
      %mul3A_27 = vector.broadcast %rsqrt3A : vector<256x1xf32> to vector<256x2048xf32>
      %mul3A_28 = arith.mulf %get3A_21, %mul3A_27 : vector<256x2048xf32>
      %get3A_29 = arith.constant 0 : index
      %get3A_30 = arith.constant 0 : index
      %get3A_31 = vector.load %arg4[%get3A_29, %get3A_30] : memref<1x2048xf32, #tpu.memory_space<vmem>>, vector<1x2048xf32>
      %mul3A_32 = vector.broadcast %get3A_31 : vector<1x2048xf32> to vector<256x2048xf32>
      %mul3A_33 = arith.mulf %mul3A_28, %mul3A_32 : vector<256x2048xf32>
      %swap3A = arith.constant 0 : index
      %swap3A_34 = arith.constant 0 : index
      %swap3A_35 = vector.load %arg6[%swap3A, %swap3A_34] : memref<256x2048xf32, #tpu.memory_space<vmem>>, vector<256x2048xf32>
      tpu.vector_store %arg6[%swap3A, %swap3A_34], %mul3A_33 {strides = array<i32>} : memref<256x2048xf32, #tpu.memory_space<vmem>>, vector<256x2048xf32>,
    } else {
    }
    return
  }
  func.func @transform_0(%arg0: i32) -> (i32, i32) {
    %c0_i32 = arith.constant 0 : i32
    %c0_i32_0 = arith.constant 0 : i32
    return %c0_i32, %arg0 : i32, i32
  }
  func.func @transform_1(%arg0: i32) -> (i32, i32) {
    %c0_i32 = arith.constant 0 : i32
    %c0_i32_0 = arith.constant 0 : i32
    %c0_i32_1 = arith.constant 0 : i32
    return %c0_i32, %c0_i32_0 : i32, i32
  }
  func.func @transform_2(%arg0: i32) -> (i32, i32) {
    %c0_i32 = arith.constant 0 : i32
    %c0_i32_0 = arith.constant 0 : i32
    return %arg0, %c0_i32 : i32, i32
  }
  func.func @transform_3(%arg0: i32) -> (i32, i32) {
    %c0_i32 = arith.constant 0 : i32
    %c0_i32_0 = arith.constant 0 : i32
    %c0_i32_1 = arith.constant 0 : i32
    return %c0_i32, %c0_i32_0 : i32, i32
  }
  func.func @transform_4(%arg0: i32) -> (i32, i32) {
    %c0_i32 = arith.constant 0 : i32
    %c0_i32_0 = arith.constant 0 : i32
    %c0_i32_1 = arith.constant 0 : i32
    return %c0_i32, %c0_i32_0 : i32, i32
  }
  func.func @transform_5(%arg0: i32) -> (i32, i32) {
    %c0_i32 = arith.constant 0 : i32
    %c0_i32_0 = arith.constant 0 : i32
    %c0_i32_1 = arith.constant 0 : i32
    return %c0_i32, %c0_i32_0 : i32, i32
  }
}

module attributes {stable_mosaic.version = 14 : i64} {
  func.func @_mlp_kernel(%arg0: i32, %arg1: memref<256x2048xf32, #tpu.memory_space<vmem>>, %arg2: memref<256x2048xf32, #tpu.memory_space<vmem>>, %arg3: memref<2048x512xf32, #tpu.memory_space<vmem>>, %arg4: memref<2048x512xf32, #tpu.memory_space<vmem>>, %arg5: memref<512x2048xf32, #tpu.memory_space<vmem>>, %arg6: memref<256x2048xf32, #tpu.memory_space<vmem>>) attributes {dimension_semantics = [#tpu.dimension_semantics<arbitrary>], iteration_bounds = array<i64: 11>, scalar_prefetch = 0 : i64, scratch_operands = 0 : i64, tpu.core_type = #tpu.core_type<tc>, window_params = [{pipeline_mode = #tpu.pipeline_mode<synchronous>, transform_indices = @transform_0, window_bounds = array<i64: 256, 2048>}, {pipeline_mode = #tpu.pipeline_mode<synchronous>, transform_indices = @transform_1, window_bounds = array<i64: 256, 2048>}, {transform_indices = @transform_2, window_bounds = array<i64: 2048, 512>}, {transform_indices = @transform_3, window_bounds = array<i64: 2048, 512>}, {transform_indices = @transform_4, window_bounds = array<i64: 512, 2048>}, {pipeline_mode = #tpu.pipeline_mode<synchronous>, transform_indices = @transform_5, window_bounds = array<i64: 256, 2048>}]} {
    %get3A = arith.constant 0 : index
    %get3A_0 = arith.constant 0 : index
    %get3A_1 = vector.load %arg1[%get3A, %get3A_0] : memref<256x2048xf32, #tpu.memory_space<vmem>>, vector<256x2048xf32>
    %convert_element_type3A = arith.truncf %get3A_1 : vector<256x2048xf32> to vector<256x2048xbf16>
    %get3A_2 = arith.constant 0 : index
    %get3A_3 = arith.constant 0 : index
    %get3A_4 = vector.load %arg3[%get3A_2, %get3A_3] : memref<2048x512xf32, #tpu.memory_space<vmem>>, vector<2048x512xf32>
    %convert_element_type3A_5 = arith.truncf %get3A_4 : vector<2048x512xf32> to vector<2048x512xbf16>
    %dot_general3A = arith.constant dense<0.000000e+00> : vector<256x512xf32>
    %dot_general3A_6 = tpu.matmul %convert_element_type3A, %convert_element_type3A_5, %dot_general3A {dimension_numbers = #tpu.dot_dimension_numbers<[1], [0], [0], [1], [0, 0, 1, 1], [], []>, transpose_lhs_hint = false} : vector<256x2048xbf16>, vector<2048x512xbf16>, vector<256x512xf32> -> vector<256x512xf32>
    %get3A_7 = arith.constant 0 : index
    %get3A_8 = arith.constant 0 : index
    %get3A_9 = vector.load %arg4[%get3A_7, %get3A_8] : memref<2048x512xf32, #tpu.memory_space<vmem>>, vector<2048x512xf32>
    %convert_element_type3A_10 = arith.truncf %get3A_9 : vector<2048x512xf32> to vector<2048x512xbf16>
    %dot_general3A_11 = arith.constant dense<0.000000e+00> : vector<256x512xf32>
    %dot_general3A_12 = tpu.matmul %convert_element_type3A, %convert_element_type3A_10, %dot_general3A_11 {dimension_numbers = #tpu.dot_dimension_numbers<[1], [0], [0], [1], [0, 0, 1, 1], [], []>, transpose_lhs_hint = false} : vector<256x2048xbf16>, vector<2048x512xbf16>, vector<256x512xf32> -> vector<256x512xf32>
    %neg3A = arith.constant 0.000000e+00 : f32
    %neg3A_13 = vector.broadcast %neg3A : f32 to vector<256x512xf32>
    %neg3A_14 = arith.subf %neg3A_13, %dot_general3A_6 : vector<256x512xf32>
    %exp3A = math.exp %neg3A_14 : vector<256x512xf32>
    %add3A = arith.constant 1.000000e+00 : f32
    %add3A_15 = vector.broadcast %add3A : f32 to vector<256x512xf32>
    %add3A_16 = arith.addf %add3A_15, %exp3A : vector<256x512xf32>
    %div3A = arith.divf %dot_general3A_6, %add3A_16 : vector<256x512xf32>
    %mul3A = arith.mulf %div3A, %dot_general3A_12 : vector<256x512xf32>
    %convert_element_type3A_17 = arith.truncf %mul3A : vector<256x512xf32> to vector<256x512xbf16>
    %get3A_18 = arith.constant 0 : index
    %get3A_19 = arith.constant 0 : index
    %get3A_20 = vector.load %arg5[%get3A_18, %get3A_19] : memref<512x2048xf32, #tpu.memory_space<vmem>>, vector<512x2048xf32>
    %convert_element_type3A_21 = arith.truncf %get3A_20 : vector<512x2048xf32> to vector<512x2048xbf16>
    %dot_general3A_22 = arith.constant dense<0.000000e+00> : vector<256x2048xf32>
    %dot_general3A_23 = tpu.matmul %convert_element_type3A_17, %convert_element_type3A_21, %dot_general3A_22 {dimension_numbers = #tpu.dot_dimension_numbers<[1], [0], [0], [1], [0, 0, 1, 1], [], []>, transpose_lhs_hint = false} : vector<256x512xbf16>, vector<512x2048xbf16>, vector<256x2048xf32> -> vector<256x2048xf32>
    %eq3A = arith.constant 0 : i32
    %eq3A_24 = arith.cmpi eq, %arg0, %eq3A : i32
    %convert_element_type3A_25 = arith.extui %eq3A_24 : i1 to i32
    %cond3A = arith.constant 0 : i32
    %cond3A_26 = arith.cmpi ne, %convert_element_type3A_25, %cond3A : i32
    scf.if %cond3A_26 {
      %get3A_33 = arith.constant 0 : index
      %get3A_34 = arith.constant 0 : index
      %get3A_35 = vector.load %arg2[%get3A_33, %get3A_34] : memref<256x2048xf32, #tpu.memory_space<vmem>>, vector<256x2048xf32>
      %swap3A_36 = arith.constant 0 : index
      %swap3A_37 = arith.constant 0 : index
      %swap3A_38 = vector.load %arg6[%swap3A_36, %swap3A_37] : memref<256x2048xf32, #tpu.memory_space<vmem>>, vector<256x2048xf32>
      tpu.vector_store %arg6[%swap3A_36, %swap3A_37], %get3A_35 {strides = array<i32>} : memref<256x2048xf32, #tpu.memory_space<vmem>>, vector<256x2048xf32>,
    } else {
    }
    %get3A_27 = arith.constant 0 : index
    %get3A_28 = arith.constant 0 : index
    %get3A_29 = vector.load %arg6[%get3A_27, %get3A_28] : memref<256x2048xf32, #tpu.memory_space<vmem>>, vector<256x2048xf32>
    %add3A_30 = arith.addf %get3A_29, %dot_general3A_23 : vector<256x2048xf32>
    %swap3A = arith.constant 0 : index
    %swap3A_31 = arith.constant 0 : index
    %swap3A_32 = vector.load %arg6[%swap3A, %swap3A_31] : memref<256x2048xf32, #tpu.memory_space<vmem>>, vector<256x2048xf32>
    tpu.vector_store %arg6[%swap3A, %swap3A_31], %add3A_30 {strides = array<i32>} : memref<256x2048xf32, #tpu.memory_space<vmem>>, vector<256x2048xf32>,
    return
  }
  func.func @transform_0(%arg0: i32) -> (i32, i32) {
    %c0_i32 = arith.constant 0 : i32
    %c0_i32_0 = arith.constant 0 : i32
    %c0_i32_1 = arith.constant 0 : i32
    return %c0_i32, %c0_i32_0 : i32, i32
  }
  func.func @transform_1(%arg0: i32) -> (i32, i32) {
    %c0_i32 = arith.constant 0 : i32
    %c0_i32_0 = arith.constant 0 : i32
    %c0_i32_1 = arith.constant 0 : i32
    return %c0_i32, %c0_i32_0 : i32, i32
  }
  func.func @transform_2(%arg0: i32) -> (i32, i32) {
    %c0_i32 = arith.constant 0 : i32
    %c0_i32_0 = arith.constant 0 : i32
    return %c0_i32, %arg0 : i32, i32
  }
  func.func @transform_3(%arg0: i32) -> (i32, i32) {
    %c0_i32 = arith.constant 0 : i32
    %c0_i32_0 = arith.constant 0 : i32
    return %c0_i32, %arg0 : i32, i32
  }
  func.func @transform_4(%arg0: i32) -> (i32, i32) {
    %c0_i32 = arith.constant 0 : i32
    %c0_i32_0 = arith.constant 0 : i32
    return %arg0, %c0_i32 : i32, i32
  }
  func.func @transform_5(%arg0: i32) -> (i32, i32) {
    %c0_i32 = arith.constant 0 : i32
    %c0_i32_0 = arith.constant 0 : i32
    %c0_i32_1 = arith.constant 0 : i32
    return %c0_i32, %c0_i32_0 : i32, i32
  }
}

module attributes {stable_mosaic.version = 14 : i64} {
  func.func @_head_rows_kernel(%arg0: i32, %arg1: memref<1x1x1024x128xf32, #tpu.memory_space<vmem>>, %arg2: memref<1x1x1024x128xf32, #tpu.memory_space<vmem>>, %arg3: memref<256x128xf32, #tpu.memory_space<vmem>>, %arg4: memref<256x128xf32, #tpu.memory_space<vmem>>, %arg5: memref<8x128xf32, #tpu.memory_space<vmem>>, %arg6: memref<8x128xf32, #tpu.memory_space<vmem>>, %arg7: memref<1024x128xf32, #tpu.memory_space<vmem>>, %arg8: memref<1024x128xf32, #tpu.memory_space<vmem>>) attributes {dimension_semantics = [#tpu.dimension_semantics<arbitrary>], iteration_bounds = array<i64: 16>, scalar_prefetch = 0 : i64, scratch_operands = 0 : i64, tpu.core_type = #tpu.core_type<tc>, window_params = [{transform_indices = @transform_0, window_bounds = array<i64: 1, 1, 1024, 128>}, {transform_indices = @transform_1, window_bounds = array<i64: 1, 1, 1024, 128>}, {transform_indices = @transform_2, window_bounds = array<i64: 256, 128>}, {transform_indices = @transform_3, window_bounds = array<i64: 256, 128>}, {transform_indices = @transform_4, window_bounds = array<i64: 8, 128>}, {transform_indices = @transform_5, window_bounds = array<i64: 8, 128>}, {transform_indices = @transform_6, window_bounds = array<i64: 1024, 128>}, {transform_indices = @transform_7, window_bounds = array<i64: 1024, 128>}]} {
    %get3A = arith.constant 0 : index
    %get3A_0 = arith.constant 0 : index
    %get3A_1 = vector.load %arg3[%get3A, %get3A_0] : memref<256x128xf32, #tpu.memory_space<vmem>>, vector<256x128xf32>
    %swap3A = arith.constant 0 : index
    %swap3A_2 = arith.constant 0 : index
    %swap3A_3 = vector.load %arg7[%swap3A, %swap3A_2] : memref<1024x128xf32, #tpu.memory_space<vmem>>, vector<256x128xf32>
    tpu.vector_store %arg7[%swap3A, %swap3A_2], %get3A_1 {strides = array<i32>} : memref<1024x128xf32, #tpu.memory_space<vmem>>, vector<256x128xf32>,
    %get3A_4 = arith.constant 0 : index
    %get3A_5 = arith.constant 0 : index
    %get3A_6 = vector.load %arg4[%get3A_4, %get3A_5] : memref<256x128xf32, #tpu.memory_space<vmem>>, vector<256x128xf32>
    %swap3A_7 = arith.constant 0 : index
    %swap3A_8 = arith.constant 0 : index
    %swap3A_9 = vector.load %arg8[%swap3A_7, %swap3A_8] : memref<1024x128xf32, #tpu.memory_space<vmem>>, vector<256x128xf32>
    tpu.vector_store %arg8[%swap3A_7, %swap3A_8], %get3A_6 {strides = array<i32>} : memref<1024x128xf32, #tpu.memory_space<vmem>>, vector<256x128xf32>,
    %get3A_10 = arith.constant 0 : index
    %get3A_11 = arith.constant 0 : index
    %get3A_12 = arith.constant 256 : index
    %get3A_13 = arith.constant 0 : index
    %get3A_14 = vector.load %arg1[%get3A_10, %get3A_11, %get3A_12, %get3A_13] : memref<1x1x1024x128xf32, #tpu.memory_space<vmem>>, vector<1x1x768x128xf32>
    %get3A_15 = vector.shape_cast %get3A_14 : vector<1x1x768x128xf32> to vector<768x128xf32>
    %swap3A_16 = arith.constant 256 : index
    %swap3A_17 = arith.constant 0 : index
    %swap3A_18 = vector.load %arg7[%swap3A_16, %swap3A_17] : memref<1024x128xf32, #tpu.memory_space<vmem>>, vector<768x128xf32>
    tpu.vector_store %arg7[%swap3A_16, %swap3A_17], %get3A_15 {strides = array<i32>} : memref<1024x128xf32, #tpu.memory_space<vmem>>, vector<768x128xf32>,
    %get3A_19 = arith.constant 0 : index
    %get3A_20 = arith.constant 0 : index
    %get3A_21 = arith.constant 256 : index
    %get3A_22 = arith.constant 0 : index
    %get3A_23 = vector.load %arg2[%get3A_19, %get3A_20, %get3A_21, %get3A_22] : memref<1x1x1024x128xf32, #tpu.memory_space<vmem>>, vector<1x1x768x128xf32>
    %get3A_24 = vector.shape_cast %get3A_23 : vector<1x1x768x128xf32> to vector<768x128xf32>
    %swap3A_25 = arith.constant 256 : index
    %swap3A_26 = arith.constant 0 : index
    %swap3A_27 = vector.load %arg8[%swap3A_25, %swap3A_26] : memref<1024x128xf32, #tpu.memory_space<vmem>>, vector<768x128xf32>
    tpu.vector_store %arg8[%swap3A_25, %swap3A_26], %get3A_24 {strides = array<i32>} : memref<1024x128xf32, #tpu.memory_space<vmem>>, vector<768x128xf32>,
    return
  }
  func.func @transform_0(%arg0: i32) -> (i32, i32, i32, i32) {
    %c0_i32 = arith.constant 0 : i32
    %c0_i32_0 = arith.constant 0 : i32
    %c0_i32_1 = arith.constant 0 : i32
    %c0_i32_2 = arith.constant 0 : i32
    return %c0_i32, %arg0, %c0_i32_0, %c0_i32_1 : i32, i32, i32, i32
  }
  func.func @transform_1(%arg0: i32) -> (i32, i32, i32, i32) {
    %c0_i32 = arith.constant 0 : i32
    %c0_i32_0 = arith.constant 0 : i32
    %c0_i32_1 = arith.constant 0 : i32
    %c0_i32_2 = arith.constant 0 : i32
    return %c0_i32, %arg0, %c0_i32_0, %c0_i32_1 : i32, i32, i32, i32
  }
  func.func @transform_2(%arg0: i32) -> (i32, i32) {
    %c0_i32 = arith.constant 0 : i32
    %c0_i32_0 = arith.constant 0 : i32
    return %c0_i32, %arg0 : i32, i32
  }
  func.func @transform_3(%arg0: i32) -> (i32, i32) {
    %c0_i32 = arith.constant 0 : i32
    %c0_i32_0 = arith.constant 0 : i32
    return %c0_i32, %arg0 : i32, i32
  }
  func.func @transform_4(%arg0: i32) -> (i32, i32) {
    %mul3A = arith.constant 1024 : i32
    %mul3A_0 = arith.muli %arg0, %mul3A : i32
    %c0_i32 = arith.constant 0 : i32
    %c0_i32_1 = arith.constant 0 : i32
    return %mul3A_0, %c0_i32 : i32, i32
  }
  func.func @transform_5(%arg0: i32) -> (i32, i32) {
    %mul3A = arith.constant 1024 : i32
    %mul3A_0 = arith.muli %arg0, %mul3A : i32
    %c0_i32 = arith.constant 0 : i32
    %c0_i32_1 = arith.constant 0 : i32
    return %mul3A_0, %c0_i32 : i32, i32
  }
  func.func @transform_6(%arg0: i32) -> (i32, i32) {
    %mul3A = arith.constant 8 : i32
    %mul3A_0 = arith.muli %arg0, %mul3A : i32
    %c0_i32 = arith.constant 0 : i32
    %c0_i32_1 = arith.constant 0 : i32
    return %mul3A_0, %c0_i32 : i32, i32
  }
  func.func @transform_7(%arg0: i32) -> (i32, i32) {
    %mul3A = arith.constant 8 : i32
    %mul3A_0 = arith.muli %arg0, %mul3A : i32
    %c0_i32 = arith.constant 0 : i32
    %c0_i32_1 = arith.constant 0 : i32
    return %mul3A_0, %c0_i32 : i32, i32
  }
}

</mosaic_0001>

<sc_bundles>
// kernel: kernel.9.cloned.1.call-start
scs
__scs_entry_jumppad:
0x0: {  	(pc) =	sbr.rel $0x88, $3  }
0x1: {  	(tag) =	ssettag $0x0;
	lr =	simm.s32 $0x1  }
0x2: {  	[smem:$0x3F94] =	sst lr;
	_ =	strace $0xD0000000  }
0x3: {  	_ = 	snop  }
0x4: {  	_ = 	snop  }
0x5: {  	_ = 	snop  }
0x6: {  	_ = 	snop  }
0x7: {  	_ = 	snop  }
__scs_overlays_trampoline_lowered:
0x8: {  	[smem:$0x3FA3] =	sst s0  }
0x9: {  	[smem:$0x3FA4] =	sst s1  }
0xa: {  	[smem:$0x3FA5] =	sst s2  }
0xb: {  	[smem:$0x3FA6] =	sst s3  }
0xc: {  	[smem:$0x3FA7] =	sst s4  }
0xd: {  	[smem:$0x3FA8] =	sst s5  }
0xe: {  	[smem:$0x3FA9] =	sst s6  }
0xf: {  	[smem:$0x3FAA] =	sst s7  }
0x10: {  	[smem:$0x3FAB] =	sst s8  }
0x11: {  	[smem:$0x3FAC] =	sst s9;
	s0 =	simm.s32 @!p0 $0x0  }
0x12: {  	s1 =	sld [smem:$0x3F92];
	s0 =	simm.s32 @p0 $0x1  }
0x13: {  	[smem:$0x3FAD] =	sst s0;
	s0 =	simm.s32 @!p1 $0x0  }
0x14: {  	s2 =	sld [smem:$0x3F91];
	s0 =	simm.s32 @p1 $0x1  }
0x15: {  	[smem:$0x3FAE] =	sst s0;
	s0 =	simm.s32 @!p2 $0x0  }
0x16: {  	s3 =	sld [smem:$0x3FDB];
	s0 =	simm.s32 @p2 $0x1  }
0x17: {  	s4 =	simm.s32 $0x1BF5;
	[smem:$0x3FB0] =	sst s0  }
0x18: {  	s0 =	sld [smem:$0x3F93];
	_ =	swait.ge [sflag:s4], $0x0  }
0x19: {  	s7 =	sld [smem:$0x3F94]  }
0x1a: {  	s8 =	sadd.s32 $0xFFFFE003, lr  }
0x1b: {  	s9 =	sadd.s32 $0xFFFFFEF7, lr;
	s5 =	simm.s32 $0xFFFFFFFF;
	p2 =	slt.u32 s8, $0xFFFFF086  }
0x1c: {  	p1 =	slt.u32 s9, $0xF7A;
	s5 =	simm.s32 @!p2 $0x0  }
0x1d: {  	s5 =	simm.s32 @p1 $0x1;
	p0 =	seq.s32 s7, s2  }
0x1e: {  	s7 =	smul.u32 @!p0 $0xF7A, s2;
	p2 =	seq.s32 @!p0 s5, $0x0  }
0x1f: {  	s9 =	smul.u32 $0xF7A, s1;
	s8 =	simm.s32 @!p0 $0x1BF5;
	p2 =	por !p2, p0  }
0x20: {  	[sflag:s8] =	ssyncset.s32 @!p0 $0xFFFFF086;
	s6 =	sadd.s32 @!p0 s3, s7;
	s7 =	simm.s32 @!p0 $0x108  }
0x21: {  	s3 =	sadd.s32 s3, s9;
	s6 =	sadd.s32 @!p0 $0x88, s6;
	s7 =	simm.s32 @p2 $0x1082  }
0x22: {  	[simem:s7], [sflag:s8] =	dma.local @!p0 [hbm:s6], $0xF7A  }
0x23: {  	s9 =	sor.u32 $0xD0000000, s2;
	s6 =	simm.s32 $0x108;
	_ =	swait.ge @!p0 [sflag:s8], $0x0  }
0x24: {  	s3 =	sadd.s32 $0x88, s3;
	s6 =	simm.s32 @!p1 $0x1082;
	[sflag:s4] =	ssyncset.s32 $0xFFFFF086  }
0x25: {  	[simem:s6], [sflag:s4] =	dma.local [hbm:s3], $0xF7A  }
0x26: {  	[smem:$0x3F94] =	sst s1;
	(tag) =	ssettag s2;
	_ =	strace s9  }
0x27: {  	s1 =	sld [smem:$0x3FA4]  }
0x28: {  	s2 =	sld [smem:$0x3FA5]  }
0x29: {  	s4 =	sld [smem:$0x3FA7]  }
0x2a: {  	p0 =	seq.s32 s5, $0x0;
	s5 =	sld [smem:$0x3FA8]  }
0x2b: {  	s6 =	sld [smem:$0x3FA9]  }
0x2c: {  	s7 =	sld [smem:$0x3FAA]  }
0x2d: {  	s3 =	simm.s32 $0x108;
	s8 =	sld [smem:$0x3FAB]  }
0x2e: {  	s3 =	simm.s32 @!p0 $0x1082;
	s9 =	sld [smem:$0x3FAC]  }
0x2f: {  	lr =	sadd.s32 s0, s3;
	s0 =	sld [smem:$0x3FA3]  }
0x30: {  	s3 =	sld [smem:$0x3FA6]  }
0x31: {  	[smem:$0x3FAF] =	sst s10  }
0x32: {  	s10 =	sld [smem:$0x3FAD];
	_ =	sdelay $0x3  }
0x33: {  	p0 =	seq.s32 s10, $0x1;
	s10 =	sld [smem:$0x3FAF];
	_ =	sdelay $0x3  }
0x34: {  	[smem:$0x3FAF] =	sst s10  }
0x35: {  	s10 =	sld [smem:$0x3FAE];
	_ =	sdelay $0x3  }
0x36: {  	p1 =	seq.s32 s10, $0x1;
	s10 =	sld [smem:$0x3FAF];
	_ =	sdelay $0x3  }
0x37: {  	[smem:$0x3FAF] =	sst s10  }
0x38: {  	s10 =	sld [smem:$0x3FB0]  }
0x39: {  	_ = 	snop;
	(pc) =	sbr.ind lr, $3  }
0x3a: {  	_ = 	snop  }
0x3b: {  	_ = 	snop  }
0x3c: {  	p2 =	seq.s32 s10, $0x1;
	s10 =	sld [smem:$0x3FAF]  }
0x3d: {  	_ =	shalt  }
0x3e: {  	_ =	shalt  }
0x3f: {  	_ =	shalt  }
0x40: {  	_ =	shalt  }
0x41: {  	_ =	shalt  }
0x42: {  	_ =	shalt  }
0x43: {  	_ =	shalt  }
0x44: {  	_ =	shalt  }
0x45: {  	_ =	shalt  }
0x46: {  	_ =	shalt  }
0x47: {  	_ =	shalt  }
0x48: {  	_ =	shalt  }
0x49: {  	_ =	shalt  }
0x4a: {  	_ =	shalt  }
0x4b: {  	_ =	shalt  }
0x4c: {  	_ =	shalt  }
0x4d: {  	_ =	shalt  }
0x4e: {  	_ =	shalt  }
0x4f: {  	_ =	shalt  }
0x50: {  	_ =	shalt  }
0x51: {  	_ =	shalt  }
0x52: {  	_ =	shalt  }
0x53: {  	_ =	shalt  }
0x54: {  	_ =	shalt  }
0x55: {  	_ =	shalt  }
0x56: {  	_ =	shalt  }
0x57: {  	_ =	shalt  }
0x58: {  	_ =	shalt  }
0x59: {  	_ =	shalt  }
0x5a: {  	_ =	shalt  }
0x5b: {  	_ =	shalt  }
0x5c: {  	_ =	shalt  }
0x5d: {  	_ =	shalt  }
0x5e: {  	_ =	shalt  }
0x5f: {  	_ =	shalt  }
0x60: {  	_ =	shalt  }
0x61: {  	_ =	shalt  }
0x62: {  	_ =	shalt  }
0x63: {  	_ =	shalt  }
0x64: {  	_ =	shalt  }
0x65: {  	_ =	shalt  }
0x66: {  	_ =	shalt  }
0x67: {  	_ =	shalt  }
0x68: {  	_ =	shalt  }
0x69: {  	_ =	shalt  }
0x6a: {  	_ =	shalt  }
0x6b: {  	_ =	shalt  }
0x6c: {  	_ =	shalt  }
0x6d: {  	_ =	shalt  }
0x6e: {  	_ =	shalt  }
0x6f: {  	_ =	shalt  }
0x70: {  	_ =	shalt  }
0x71: {  	_ =	shalt  }
0x72: {  	_ =	shalt  }
0x73: {  	_ =	shalt  }
0x74: {  	_ =	shalt  }
0x75: {  	_ =	shalt  }
0x76: {  	_ =	shalt  }
0x77: {  	_ =	shalt  }
0x78: {  	_ =	shalt  }
0x79: {  	_ =	shalt  }
0x7a: {  	_ =	shalt  }
0x7b: {  	_ =	shalt  }
0x7c: {  	_ =	shalt  }
0x7d: {  	_ =	shalt  }
0x7e: {  	_ =	shalt  }
0x7f: {  	_ =	shalt  }
0x80: {  	_ =	shalt  }
0x81: {  	_ =	shalt  }
0x82: {  	_ =	shalt  }
0x83: {  	_ =	shalt  }
0x84: {  	_ =	shalt  }
0x85: {  	_ =	shalt  }
0x86: {  	_ =	shalt  }
0x87: {  	_ =	shalt  }
.Lfunc_end0:
.L_simem_size_0:
called_computation_lowered:
.L_overlay_start_0:
0x88: {  	s2 =	sld [smem:$0x3FD9]  }
0x89: {  	s3 =	sld [smem:$0x3FFE];
	_ =	sdelay $0x1  }
0x8a: {  	s1 =	srdreg.scid  }
0x8b: {  	s0 =	sand.u32 $0x1, s1  }
0x8c: {  	s15 =	sshll.u32 s0, $0xA;
	s2 =	sadd.s32 s3, s2  }
0x8d: {  	s2 =	sadd.s32 s2, s15  }
0x8e: {  	[smem:$0x3FBB] =	sst s2  }
0x8f: {  	_ = 	snop  }
0x90: {  	s2 =	sld [smem:$0x3FD0];
	_ =	sdelay $0x1  }
0x91: {  	s16 =	sld [smem:$0x3FC8]  }
0x92: {  	s5 =	simm.s32 $0xA;
	s6 =	simm.s32 $0x10;
	s4 =	sld [smem:$0x3FC7]  }
0x93: {  	[smem:s6], [sflag:s5] =	dma.local [hbm:s2], $0x1  }
0x94: {  	_ =	swait.eq [sflag:s5], $0x1  }
0x95: {  	[sflag:s5] =	ssyncset.done $0x0  }
0x96: {  	s17 =	sld [smem:$0x11];
	[sflag:s5] =	ssyncadd.s32 $0xFFFFFFFF  }
0x97: {  	s18 =	sld [smem:$0x12];
	(tm) =	ssettm $0x1  }
0x98: {  	s19 =	sld [smem:$0x3FFB];
	_ =	sdelay $0x3  }
0x99: {  	_ =	strace s19  }
0x9a: {  	s6 =	sld [smem:$0x3FFC];
	_ =	sdelay $0x3  }
0x9b: {  	_ =	strace s6  }
0x9c: {  	s6 =	sld [smem:$0x3FFD];
	_ =	sdelay $0x3  }
0x9d: {  	_ =	strace s6  }
0x9e: {  	_ =	strace $0x8FFFFFFF  }
0x9f: {  	s20 =	sld [smem:$0x3FDB];
	_ =	sdelay $0x1  }
0xa0: {  	s7 =	simm.s32 $_scs_section_size  }
0xa1: {  	s8 =	simm.s32 $_size__tile_overlayer_lowered;
	s9 =	simm.s32 $_tile_overlayer_lowered  }
0xa2: {  	s23 =	simm.s32 $0x1BFF;
	s22 =	sshll.u32 s9, $0x1;
	s6 =	sadd.s32 s7, s20  }
0xa3: {  	s10 =	simm.s32 $0x0;
	s21 =	sshll.u32 s8, $0x1;
	s8 =	sadd.s32 s22, s6  }
0xa4: {  	[timem:s10], [sflag:s23] =	dma.local [hbm:s8], s21  }
0xa5: {  	_ =	swait.ge [sflag:s23], s21  }
0xa6: {  	s7 =	ssub.s32 $0x0, s21;
	[sflag:s23] =	ssyncset.done $0x0  }
0xa7: {  	[sflag:s23] =	ssyncadd.s32 s7;
	_ =	sdelay $0x1  }
0xa8: {  	s24 =	simm.s32 $0x1B8B  }
0xa9: {  	_ =	swait.ge [sflag:s24], $0x1  }
0xaa: {  	[sflag:s24] =	ssyncset.done $0x0  }
0xab: {  	s25 =	simm.s32 $0x1B8E;
	[sflag:s24] =	ssyncadd.s32 $0xFFFFFFFF  }
0xac: {  	s26 =	simm.s32 $execute0_lowered;
	[smem:$0x3FD2] =	sst s25  }
0xad: {  	s7 =	sshll.u32 s26, $0x1;
	_ =	strace $0x80000046;
	[dreg:$0x1] =	wrdreg $0xFFFFFFFF  }
0xae: {  	s28 =	simm.s32 $_size_execute0_lowered;
	s6 =	sadd.s32 s6, s7;
	[dreg:$0x0] =	wrdreg $0x0  }
0xaf: {  	s7 =	sshll.u32 s28, $0x1;
	[dreg:$0x2] =	wrdreg s6  }
0xb0: {  	[dreg:$0x3] =	wrdreg s7  }
0xb1: {  	[dreg:$0x4] =	wrdreg $0xC0  }
0xb2: {  	_ =	task [dreg:s10], $0x5FFFF  }
0xb3: {  	[dreg:$0x1] =	wrdreg $0xFFFFFFFF  }
0xb4: {  	[dreg:$0x0] =	wrdreg $0x60  }
0xb5: {  	[dreg:$0x2] =	wrdreg s16  }
0xb6: {  	[dreg:$0x3] =	wrdreg s4  }
0xb7: {  	[dreg:$0x4] =	wrdreg s17  }
0xb8: {  	[dreg:$0x5] =	wrdreg s18  }
0xb9: {  	[dreg:$0x6] =	wrdreg $0x9  }
0xba: {  	_ =	task.clear_ibuf [dreg:s10], $0x7FFFF;
	_ =	strace $0x90000046  }
0xbb: {  	s29 =	simm.s32 $0x9;
	_ =	strace $0x80000048  }
0xbc: {  	_ =	swait.ge [sflag:s29], $0x1  }
0xbd: {  	[sflag:s29] =	ssyncadd.s32 $0xFFFFFFFF  }
0xbe: {  	_ =	strace $0x90000048  }
0xbf: {  	_ =	sfence  }
0xc0: {  	s30 =	sld [smem:$0x0];
	_ =	sdelay $0x2  }
0xc1: {  	s31 =	sshll.u32 s1, $0xD;
	s1 =	sshrl.u32 s1, $0x2  }
0xc2: {  	s3 =	sand.u32 $0x4000, s31;
	s1 =	sadd.s32 s1, s30  }
0xc3: {  	s0 =	sor.u32 s3, s0;
	s1 =	sshll.u32 s1, $0x11  }
0xc4: {  	s0 =	sor.u32 s1, s0  }
0xc5: {  	s0 =	sadd.s32 $0x8F2B, s0  }
0xc6: {  	[sflag:s0] =	ssyncadd.remote.s32 $0x1  }
0xc7: {  	_ =	sfence.sel $0xFFFF  }
0xc8: {  	[dreg:$0x0] =	wrdreg $0xFFFFFFFF;
	(pc) =	sbr.abs _section_cstart, $3  }
0xc9: {  	[dreg:$0x1] =	wrdreg $0xFFFFFFFF  }
0xca: {  	_ =	task.clear_ibuf [dreg:s10], $0x2FFFF;
	_ =	strace $0x9FFFFFFF  }
0xcb: {  	(tm) =	ssettm $0x7FFFFFFF  }
tec
execute0_lowered:
.L_overlay_start_1:
0x0: {  	(tag) =	ssettag $0x1  }
0x1: {  	s0 =	srdreg.scid  }
0x2: {  	s2 =	stileid.u32;
	s1 =	sand.u32 $0x1, s0  }
0x3: {  	s0 =	sor.u32 s1, s2  }
0x4: {  	p1 =	seq.s32 s1, $0x1;
	p0 =	seq.s32 s0, $0x0  }
0x5: {  	p0 =	por !p0, !p1  }
0x6: {  	s0 =	simm.s32 $0x1;
	p0 =	por !p0, !p0  }
0x7: {  	s5 =	rddreg [dreg:$0x0];
	s0 =	simm.s32 @!p0 $0x0  }
0x8: {  	s6 =	rddreg [dreg:$0x2];
	s4 =	simm.s32 $0x1200;
	s0 =	ssub.s32 s2, s0  }
0x9: {  	s3 =	rddreg [dreg:$0x3];
	s4 =	simm.s32 @!p1 $0x400;
	s0 =	sshll.u32 s0, $0xD  }
0xa: {  	[smem:$0x7FA] =	sst s1;
	s2 =	simm.s32 $0x0;
	s0 =	sor.u32 s0, s4  }
0xb: {  	[smem:$0x7FF] =	sst s2;
	s12 =	sshll.u32 s0, $0x4  }
0xc: {  	s1 =	rddreg [dreg:$0x1];
	_ =	strace $0x80000047;
	s9 =	sadd.s32 s5, s12  }
0xd: {  	s7 =	sand.u32 $0x1FFF6000, s12;
	s10 =	sadd.s32 s6, s12;
	[dreg:$0x5] =	wrdreg s9  }
0xe: {  	s8 =	sor.u32 $0x800, s7;
	[dreg:$0x6] =	wrdreg s10  }
0xf: {  	s14 =	sor.u32 $0x1000, s7;
	[smem:$0x7DB] =	sst s8  }
0x10: {  	s7 =	sor.u32 $0x1800, s7;
	[smem:$0x7DE] =	sst s14  }
0x11: {  	s11 =	sadd.s32 s5, s8;
	[smem:$0x7E1] =	sst s7  }
0x12: {  	s13 =	sadd.s32 s6, s8;
	[dreg:$0x7] =	wrdreg s11  }
0x13: {  	s15 =	sadd.s32 s5, s14;
	[dreg:$0x8] =	wrdreg s13  }
0x14: {  	s28 =	sshll.u32 s0, $0x7;
	s16 =	sadd.s32 s6, s14;
	[dreg:$0x9] =	wrdreg s15  }
0x15: {  	s0 =	sshrl.u32 s28, $0x3;
	s17 =	sadd.s32 s5, s7;
	[dreg:$0xa] =	wrdreg s16  }
0x16: {  	s31 =	sadd.s32 $0x2000, s0;
	s18 =	sadd.s32 s6, s7;
	[dreg:$0xb] =	wrdreg s17  }
0x17: {  	s19 =	sadd.s32 s5, s31;
	[dreg:$0xc] =	wrdreg s18  }
0x18: {  	s30 =	sadd.s32 $0x2800, s0;
	s20 =	sadd.s32 s6, s31;
	[dreg:$0xd] =	wrdreg s19  }
0x19: {  	s21 =	sadd.s32 s5, s30;
	[dreg:$0xe] =	wrdreg s20  }
0x1a: {  	s29 =	sadd.s32 $0x3000, s0;
	s22 =	sadd.s32 s6, s30;
	[dreg:$0xf] =	wrdreg s21  }
0x1b: {  	s23 =	sadd.s32 s5, s29;
	[dreg:$0x10] =	wrdreg s22  }
0x1c: {  	s26 =	sadd.s32 $0x3800, s0;
	s24 =	sadd.s32 s6, s29;
	[dreg:$0x11] =	wrdreg s23  }
0x1d: {  	s25 =	sadd.s32 s5, s26;
	[dreg:$0x12] =	wrdreg s24  }
0x1e: {  	s7 =	sadd.s32 s6, s26;
	[dreg:$0x13] =	wrdreg s25;
	s15 =	sadd.s32 $0x4000, s0  }
0x1f: {  	[dreg:$0x14] =	wrdreg s7;
	s8 =	sadd.s32 s5, s15  }
0x20: {  	s16 =	sadd.s32 $0x4800, s0;
	s9 =	sadd.s32 s6, s15;
	[dreg:$0x15] =	wrdreg s8  }
0x21: {  	s10 =	sadd.s32 s5, s16;
	[dreg:$0x16] =	wrdreg s9  }
0x22: {  	s17 =	sadd.s32 $0x5000, s0;
	s11 =	sadd.s32 s6, s16;
	[dreg:$0x17] =	wrdreg s10  }
0x23: {  	s13 =	sadd.s32 s5, s17;
	[dreg:$0x18] =	wrdreg s11  }
0x24: {  	s18 =	sadd.s32 $0x5800, s0;
	s14 =	sadd.s32 s6, s17;
	[dreg:$0x19] =	wrdreg s13  }
0x25: {  	s19 =	sadd.s32 s5, s18;
	[dreg:$0x1a] =	wrdreg s14  }
0x26: {  	s20 =	sadd.s32 s6, s18;
	[dreg:$0x1b] =	wrdreg s19;
	s19 =	sadd.s32 $0x6000, s0  }
0x27: {  	[dreg:$0x1c] =	wrdreg s20;
	s21 =	sadd.s32 s5, s19  }
0x28: {  	s20 =	sadd.s32 $0x6800, s0;
	s22 =	sadd.s32 s6, s19;
	[dreg:$0x1d] =	wrdreg s21  }
0x29: {  	s23 =	sadd.s32 s5, s20;
	[dreg:$0x1e] =	wrdreg s22  }
0x2a: {  	s24 =	sadd.s32 s6, s20;
	[dreg:$0x1f] =	wrdreg s23;
	s22 =	sadd.s32 $0x7000, s0  }
0x2b: {  	[smem:$0x7BC] =	sst s24;
	s25 =	sadd.s32 s5, s22  }
0x2c: {  	s23 =	sadd.s32 $0x7800, s0;
	s7 =	sadd.s32 s6, s22;
	[smem:$0x7BD] =	sst s25  }
0x2d: {  	s8 =	sadd.s32 s5, s23;
	[smem:$0x7BE] =	sst s7  }
0x2e: {  	s21 =	sor.u32 $0x8000, s0;
	s9 =	sadd.s32 s6, s23;
	[smem:$0x7BF] =	sst s8  }
0x2f: {  	s10 =	sadd.s32 s5, s21;
	[smem:$0x7C0] =	sst s9  }
0x30: {  	s24 =	sor.u32 $0x8800, s0;
	s11 =	sadd.s32 s6, s21;
	[smem:$0x7C1] =	sst s10  }
0x31: {  	s13 =	sadd.s32 s5, s24;
	[smem:$0x7C2] =	sst s11  }
0x32: {  	s14 =	sadd.s32 s6, s24;
	[smem:$0x7C3] =	sst s13;
	s25 =	sor.u32 $0x9000, s0  }
0x33: {  	[smem:$0x7C4] =	sst s14;
	s7 =	sadd.s32 s5, s25  }
0x34: {  	s14 =	sor.u32 $0x9800, s0;
	s8 =	sadd.s32 s6, s25;
	[smem:$0x7C5] =	sst s7  }
0x35: {  	s10 =	sadd.s32 $0x50000, s28;
	s9 =	sadd.s32 s5, s14;
	[smem:$0x7C6] =	sst s8  }
0x36: {  	s13 =	sshrl.u32 s10, $0x3;
	s11 =	sadd.s32 s6, s14;
	[smem:$0x7C7] =	sst s9  }
0x37: {  	[smem:$0x7C8] =	sst s11;
	s4 =	sadd.s32 s5, s13;
	s7 =	sadd.s32 $0x54000, s28  }
0x38: {  	s8 =	sadd.s32 s6, s13;
	[smem:$0x7C9] =	sst s4;
	s11 =	sshrl.u32 s7, $0x3  }
0x39: {  	s10 =	sadd.s32 $0x58000, s28;
	[smem:$0x7CA] =	sst s8;
	s9 =	sadd.s32 s5, s11  }
0x3a: {  	s7 =	sadd.s32 s6, s11;
	[smem:$0x7CB] =	sst s9;
	s9 =	sshrl.u32 s10, $0x3  }
0x3b: {  	[smem:$0x7CC] =	sst s7;
	s10 =	sadd.s32 $0x5C000, s28;
	s8 =	sadd.s32 s5, s9  }
0x3c: {  	s10 =	sshrl.u32 s10, $0x3;
	s4 =	sadd.s32 s6, s9;
	[smem:$0x7CD] =	sst s8  }
0x3d: {  	[smem:$0x7CE] =	sst s4;
	s7 =	sadd.s32 s5, s10;
	s8 =	sadd.s32 $0x60000, s28  }
0x3e: {  	[smem:$0x7CF] =	sst s7;
	s8 =	sshrl.u32 s8, $0x3;
	s7 =	sadd.s32 s6, s10  }
0x3f: {  	[smem:$0x7D0] =	sst s7;
	s4 =	sadd.s32 s5, s8;
	s7 =	sadd.s32 $0x64000, s28  }
0x40: {  	[smem:$0x7D1] =	sst s4;
	s7 =	sshrl.u32 s7, $0x3;
	s4 =	sadd.s32 s6, s8  }
0x41: {  	[smem:$0x7D2] =	sst s4;
	s0 =	sadd.s32 s5, s7  }
0x42: {  	s4 =	sadd.s32 $0x68000, s28;
	[smem:$0x7D3] =	sst s0;
	s0 =	sadd.s32 s6, s7  }
0x43: {  	s4 =	sshrl.u32 s4, $0x3;
	[smem:$0x7D4] =	sst s0;
	s0 =	sadd.s32 $0x6C000, s28  }
0x44: {  	s28 =	sadd.s32 s5, s4;
	s0 =	sshrl.u32 s0, $0x3  }
0x45: {  	[smem:$0x7D5] =	sst s28;
	s28 =	sadd.s32 s6, s4;
	s6 =	sadd.s32 s6, s0  }
0x46: {  	[smem:$0x7D8] =	sst s6;
	s6 =	sadd.s32 s1, s12  }
0x47: {  	[smem:$0x7D9] =	sst s6;
	s6 =	sadd.s32 s3, s12  }
0x48: {  	[smem:$0x7DA] =	sst s6  }
0x49: {  	s6 =	sld [smem:$0x7DB];
	_ =	sdelay $0x2  }
0x4a: {  	s12 =	sadd.s32 s1, s6;
	s6 =	sadd.s32 s3, s6  }
0x4b: {  	[smem:$0x7DD] =	sst s6  }
0x4c: {  	s6 =	sld [smem:$0x7DE];
	_ =	sdelay $0x2  }
0x4d: {  	[smem:$0x7DC] =	sst s12;
	s12 =	sadd.s32 s1, s6;
	s6 =	sadd.s32 s3, s6  }
0x4e: {  	[smem:$0x7E0] =	sst s6  }
0x4f: {  	s6 =	sld [smem:$0x7E1]  }
0x50: {  	[smem:$0x7D6] =	sst s28;
	s5 =	sadd.s32 s5, s0  }
0x51: {  	[smem:$0x7D7] =	sst s5  }
0x52: {  	[smem:$0x7DF] =	sst s12;
	s12 =	sadd.s32 s1, s6  }
0x53: {  	s6 =	sadd.s32 s3, s6;
	[smem:$0x7E2] =	sst s12  }
0x54: {  	[smem:$0x7E3] =	sst s6;
	s12 =	sadd.s32 s1, s31  }
0x55: {  	s6 =	sadd.s32 s3, s31;
	[smem:$0x7E4] =	sst s12  }
0x56: {  	[smem:$0x7E5] =	sst s6;
	s12 =	sadd.s32 s1, s30  }
0x57: {  	s6 =	sadd.s32 s3, s30;
	[smem:$0x7E6] =	sst s12  }
0x58: {  	[smem:$0x7E7] =	sst s6;
	s12 =	sadd.s32 s1, s29  }
0x59: {  	s6 =	sadd.s32 s3, s29;
	[smem:$0x7E8] =	sst s12  }
0x5a: {  	[smem:$0x7E9] =	sst s6;
	s12 =	sadd.s32 s1, s26  }
0x5b: {  	s6 =	sadd.s32 s3, s26;
	[smem:$0x7EA] =	sst s12  }
0x5c: {  	s26 =	sadd.s32 s3, s15;
	[smem:$0x7EB] =	sst s6  }
0x5d: {  	s12 =	sadd.s32 s1, s15;
	[smem:$0x7ED] =	sst s26  }
0x5e: {  	p0 =	por $0x0, $0x0;
	s6 =	sadd.s32 s1, s16;
	[smem:$0x7EC] =	sst s12  }
0x5f: {  	s28 =	sadd.s32 s1, s25;
	s15 =	sadd.s32 s1, s17;
	[smem:$0x7EE] =	sst s6  }
0x60: {  	s5 =	simm.s32 $0x4;
	s26 =	sadd.s32 s3, s18;
	[smem:$0x7F0] =	sst s15  }
0x61: {  	s31 =	sadd.s32 s3, s21;
	s12 =	sadd.s32 s3, s16;
	[smem:$0x7F3] =	sst s26  }
0x62: {  	s30 =	sadd.s32 s1, s24;
	s16 =	sadd.s32 s3, s17;
	[smem:$0x7EF] =	sst s12  }
0x63: {  	s29 =	sadd.s32 s3, s24;
	s17 =	sadd.s32 s1, s18;
	[smem:$0x7F1] =	sst s16  }
0x64: {  	s24 =	sadd.s32 s3, s14;
	s6 =	sadd.s32 s1, s19;
	[smem:$0x7F2] =	sst s17  }
0x65: {  	s15 =	sadd.s32 s1, s20;
	s18 =	sadd.s32 s3, s22;
	[smem:$0x7F4] =	sst s6  }
0x66: {  	s26 =	sadd.s32 s1, s21;
	s21 =	sadd.s32 s1, s11;
	[smem:$0x7F6] =	sst s15  }
0x67: {  	s12 =	sadd.s32 s3, s19;
	s16 =	sadd.s32 s3, s20;
	[smem:$0x7F9] =	sst s18  }
0x68: {  	s17 =	sadd.s32 s1, s22;
	s19 =	sadd.s32 s1, s23;
	s20 =	sld [smem:$0x7FA]  }
0x69: {  	s22 =	sadd.s32 s3, s23;
	[smem:$0x7FD] =	sst s26;
	s26 =	sadd.s32 s3, s25  }
0x6a: {  	s25 =	sadd.s32 s1, s14;
	s18 =	sadd.s32 s3, s9;
	[smem:$0x7F5] =	sst s12  }
0x6b: {  	s15 =	sadd.s32 s1, s8;
	[smem:$0x7F7] =	sst s16;
	s6 =	ssub.s32 $0x2, s20  }
0x6c: {  	s14 =	sadd.s32 s3, s8;
	[smem:$0x7F8] =	sst s17;
	s23 =	sshrl.u32 s6, $0x1  }
0x6d: {  	s8 =	simm.s32 $0x4000;
	[smem:$0x7FB] =	sst s19;
	s6 =	ssub.s32 s6, s23  }
0x6e: {  	[smem:$0x7FC] =	sst s22;
	s22 =	sadd.s32 s3, s13;
	s12 =	smax.u32 s6, $0x1  }
0x6f: {  	s19 =	sadd.s32 s1, s9;
	s17 =	sadd.s32 s1, s10;
	p1 =	sne.s32 s12, $0x1  }
.Ltmp0:
0x70: {  	s16 =	sadd.s32 s3, s10;
	s10 =	sadd.s32 s1, s4;
	(pc) =	sbr.rel @!p1 .LBB2_3-.Ltmp0, $4  }
0x71: {  	s9 =	simm.s32 $0x2;
	s20 =	sadd.s32 s3, s11;
	s11 =	sadd.s32 s3, s7  }
0x72: {  	s23 =	sadd.s32 s1, s13;
	s13 =	sadd.s32 s1, s7;
	s7 =	sadd.s32 s3, s4  }
0x73: {  	s4 =	sadd.s32 s1, s0;
	s3 =	sadd.s32 s3, s0;
	s0 =	rddreg [dreg:$0x5]  }
0x74: {  	s6 =	simm.s32 $0x3;
	s1 =	sadd.s32 $0xFFFFFFFF, s12;
	s12 =	simm.s32 $0x1  }
0x75: {  	[tilespmem:s2], [sflag:$0x1] =	stream.linear.gather [hbm4b:s0+s2], $0x4000, $0x38;
	[tilespmem:$0x8000] =	vst v63  }
0x76: {  	_ =	swait.ge [sflag:s12], $0x4000  }
0x77: {  	s0 =	rddreg [dreg:$0x6];
	[sflag:s12] =	ssyncset.done $0x0  }
0x78: {  	[smem:$0x7BB] =	sst s1;
	[sflag:s12] =	ssyncadd.s32 $0xFFFFC000  }
0x79: {  	[hbm4b:s0+s2] =	stream.linear.scatter [tilespmem:s2], [sflag:$0x3], $0x4000, $0x38;
	[tilespmem:$0x8000] =	vst v63  }
0x7a: {  	s1 =	rddreg [dreg:$0x7]  }
0x7b: {  	[tilespmem:s8], [sflag:$0x2] =	stream.linear.gather [hbm4b:s1+s2], $0x4000, $0x38;
	[tilespmem:$0x8000] =	vst v63  }
0x7c: {  	_ =	swait.ge [sflag:s9], $0x4000  }
0x7d: {  	[sflag:s9] =	ssyncset.done $0x0  }
0x7e: {  	s1 =	rddreg [dreg:$0x8];
	[sflag:s9] =	ssyncadd.s32 $0xFFFFC000  }
0x7f: {  	[hbm4b:s1+s2] =	stream.linear.scatter [tilespmem:s8], [sflag:$0x4], $0x4000, $0x38;
	[tilespmem:$0x8000] =	vst v63  }
0x80: {  	_ =	swait.ge [sflag:s6], $0x4000  }
0x81: {  	[sflag:s6] =	ssyncset.done $0x0  }
0x82: {  	s1 =	rddreg [dreg:$0x9];
	[sflag:s6] =	ssyncadd.s32 $0xFFFFC000  }
0x83: {  	[tilespmem:s2], [sflag:$0x1] =	stream.linear.gather [hbm4b:s1+s2], $0x4000, $0x38;
	[tilespmem:$0x8000] =	vst v63  }
0x84: {  	_ =	swait.ge [sflag:s12], $0x4000  }
0x85: {  	[sflag:s12] =	ssyncset.done $0x0  }
0x86: {  	s1 =	rddreg [dreg:$0xa];
	[sflag:s12] =	ssyncadd.s32 $0xFFFFC000  }
0x87: {  	[hbm4b:s1+s2] =	stream.linear.scatter [tilespmem:s2], [sflag:$0x3], $0x4000, $0x38;
	[tilespmem:$0x8000] =	vst v63  }
0x88: {  	_ =	swait.ge [sflag:s5], $0x4000  }
0x89: {  	[sflag:s5] =	ssyncset.done $0x0  }
0x8a: {  	s1 =	rddreg [dreg:$0xb];
	[sflag:s5] =	ssyncadd.s32 $0xFFFFC000  }
0x8b: {  	[tilespmem:s8], [sflag:$0x2] =	stream.linear.gather [hbm4b:s1+s2], $0x4000, $0x38;
	[tilespmem:$0x8000] =	vst v63  }
0x8c: {  	_ =	swait.ge [sflag:s9], $0x4000  }
0x8d: {  	[sflag:s9] =	ssyncset.done $0x0  }
0x8e: {  	s1 =	rddreg [dreg:$0xc];
	[sflag:s9] =	ssyncadd.s32 $0xFFFFC000  }
0x8f: {  	[hbm4b:s1+s2] =	stream.linear.scatter [tilespmem:s8], [sflag:$0x4], $0x4000, $0x38;
	[tilespmem:$0x8000] =	vst v63  }
0x90: {  	_ =	swait.ge [sflag:s6], $0x4000  }
0x91: {  	[sflag:s6] =	ssyncset.done $0x0  }
0x92: {  	s1 =	rddreg [dreg:$0xd];
	[sflag:s6] =	ssyncadd.s32 $0xFFFFC000  }
0x93: {  	[tilespmem:s2], [sflag:$0x1] =	stream.linear.gather [hbm4b:s1+s2], $0x4000, $0x38;
	[tilespmem:$0x8000] =	vst v63  }
0x94: {  	_ =	swait.ge [sflag:s12], $0x4000  }
0x95: {  	[sflag:s12] =	ssyncset.done $0x0  }
0x96: {  	s1 =	rddreg [dreg:$0xe];
	[sflag:s12] =	ssyncadd.s32 $0xFFFFC000  }
0x97: {  	[hbm4b:s1+s2] =	stream.linear.scatter [tilespmem:s2], [sflag:$0x3], $0x4000, $0x38;
	[tilespmem:$0x8000] =	vst v63  }
0x98: {  	_ =	swait.ge [sflag:s5], $0x4000  }
0x99: {  	[sflag:s5] =	ssyncset.done $0x0  }
0x9a: {  	s1 =	rddreg [dreg:$0xf];
	[sflag:s5] =	ssyncadd.s32 $0xFFFFC000  }
0x9b: {  	[tilespmem:s8], [sflag:$0x2] =	stream.linear.gather [hbm4b:s1+s2], $0x4000, $0x38;
	[tilespmem:$0x8000] =	vst v63  }
0x9c: {  	_ =	swait.ge [sflag:s9], $0x4000  }
0x9d: {  	[sflag:s9] =	ssyncset.done $0x0  }
0x9e: {  	s1 =	rddreg [dreg:$0x10];
	[sflag:s9] =	ssyncadd.s32 $0xFFFFC000  }
0x9f: {  	[hbm4b:s1+s2] =	stream.linear.scatter [tilespmem:s8], [sflag:$0x4], $0x4000, $0x38;
	[tilespmem:$0x8000] =	vst v63  }
0xa0: {  	_ =	swait.ge [sflag:s6], $0x4000  }
0xa1: {  	[sflag:s6] =	ssyncset.done $0x0  }
0xa2: {  	s1 =	rddreg [dreg:$0x11];
	[sflag:s6] =	ssyncadd.s32 $0xFFFFC000  }
0xa3: {  	[tilespmem:s2], [sflag:$0x1] =	stream.linear.gather [hbm4b:s1+s2], $0x4000, $0x38;
	[tilespmem:$0x8000] =	vst v63  }
0xa4: {  	_ =	swait.ge [sflag:s12], $0x4000  }
0xa5: {  	[sflag:s12] =	ssyncset.done $0x0  }
0xa6: {  	s1 =	rddreg [dreg:$0x12];
	[sflag:s12] =	ssyncadd.s32 $0xFFFFC000  }
0xa7: {  	[hbm4b:s1+s2] =	stream.linear.scatter [tilespmem:s2], [sflag:$0x3], $0x4000, $0x38;
	[tilespmem:$0x8000] =	vst v63  }
0xa8: {  	_ =	swait.ge [sflag:s5], $0x4000  }
0xa9: {  	[sflag:s5] =	ssyncset.done $0x0  }
0xaa: {  	s1 =	rddreg [dreg:$0x13];
	[sflag:s5] =	ssyncadd.s32 $0xFFFFC000  }
0xab: {  	[tilespmem:s8], [sflag:$0x2] =	stream.linear.gather [hbm4b:s1+s2], $0x4000, $0x38;
	[tilespmem:$0x8000] =	vst v63  }
0xac: {  	_ =	swait.ge [sflag:s9], $0x4000  }
0xad: {  	[sflag:s9] =	ssyncset.done $0x0  }
0xae: {  	s1 =	rddreg [dreg:$0x14];
	[sflag:s9] =	ssyncadd.s32 $0xFFFFC000  }
0xaf: {  	[hbm4b:s1+s2] =	stream.linear.scatter [tilespmem:s8], [sflag:$0x4], $0x4000, $0x38;
	[tilespmem:$0x8000] =	vst v63  }
0xb0: {  	_ =	swait.ge [sflag:s6], $0x4000  }
0xb1: {  	[sflag:s6] =	ssyncset.done $0x0  }
0xb2: {  	s1 =	rddreg [dreg:$0x15];
	[sflag:s6] =	ssyncadd.s32 $0xFFFFC000  }
0xb3: {  	[tilespmem:s2], [sflag:$0x1] =	stream.linear.gather [hbm4b:s1+s2], $0x4000, $0x38;
	[tilespmem:$0x8000] =	vst v63  }
0xb4: {  	_ =	swait.ge [sflag:s12], $0x4000  }
0xb5: {  	[sflag:s12] =	ssyncset.done $0x0  }
0xb6: {  	s1 =	rddreg [dreg:$0x16];
	[sflag:s12] =	ssyncadd.s32 $0xFFFFC000  }
0xb7: {  	[hbm4b:s1+s2] =	stream.linear.scatter [tilespmem:s2], [sflag:$0x3], $0x4000, $0x38;
	[tilespmem:$0x8000] =	vst v63  }
0xb8: {  	_ =	swait.ge [sflag:s5], $0x4000  }
0xb9: {  	[sflag:s5] =	ssyncset.done $0x0  }
0xba: {  	s1 =	rddreg [dreg:$0x17];
	[sflag:s5] =	ssyncadd.s32 $0xFFFFC000  }
0xbb: {  	[tilespmem:s8], [sflag:$0x2] =	stream.linear.gather [hbm4b:s1+s2], $0x4000, $0x38;
	[tilespmem:$0x8000] =	vst v63  }
0xbc: {  	_ =	swait.ge [sflag:s9], $0x4000  }
0xbd: {  	[sflag:s9] =	ssyncset.done $0x0  }
0xbe: {  	s1 =	rddreg [dreg:$0x18];
	[sflag:s9] =	ssyncadd.s32 $0xFFFFC000  }
0xbf: {  	[hbm4b:s1+s2] =	stream.linear.scatter [tilespmem:s8], [sflag:$0x4], $0x4000, $0x38;
	[tilespmem:$0x8000] =	vst v63  }
0xc0: {  	_ =	swait.ge [sflag:s6], $0x4000  }
0xc1: {  	[sflag:s6] =	ssyncset.done $0x0  }
0xc2: {  	s1 =	rddreg [dreg:$0x19];
	[sflag:s6] =	ssyncadd.s32 $0xFFFFC000  }
0xc3: {  	[tilespmem:s2], [sflag:$0x1] =	stream.linear.gather [hbm4b:s1+s2], $0x4000, $0x38;
	[tilespmem:$0x8000] =	vst v63  }
0xc4: {  	_ =	swait.ge [sflag:s12], $0x4000  }
0xc5: {  	[sflag:s12] =	ssyncset.done $0x0  }
0xc6: {  	s1 =	rddreg [dreg:$0x1a];
	[sflag:s12] =	ssyncadd.s32 $0xFFFFC000  }
0xc7: {  	[hbm4b:s1+s2] =	stream.linear.scatter [tilespmem:s2], [sflag:$0x3], $0x4000, $0x38;
	[tilespmem:$0x8000] =	vst v63  }
0xc8: {  	_ =	swait.ge [sflag:s5], $0x4000  }
0xc9: {  	[sflag:s5] =	ssyncset.done $0x0  }
0xca: {  	s1 =	rddreg [dreg:$0x1b];
	[sflag:s5] =	ssyncadd.s32 $0xFFFFC000  }
0xcb: {  	[tilespmem:s8], [sflag:$0x2] =	stream.linear.gather [hbm4b:s1+s2], $0x4000, $0x38;
	[tilespmem:$0x8000] =	vst v63  }
0xcc: {  	_ =	swait.ge [sflag:s9], $0x4000  }
0xcd: {  	[sflag:s9] =	ssyncset.done $0x0  }
0xce: {  	s1 =	rddreg [dreg:$0x1c];
	[sflag:s9] =	ssyncadd.s32 $0xFFFFC000  }
0xcf: {  	[hbm4b:s1+s2] =	stream.linear.scatter [tilespmem:s8], [sflag:$0x4], $0x4000, $0x38;
	[tilespmem:$0x8000] =	vst v63  }
0xd0: {  	_ =	swait.ge [sflag:s6], $0x4000  }
0xd1: {  	[sflag:s6] =	ssyncset.done $0x0  }
0xd2: {  	s1 =	rddreg [dreg:$0x1d];
	[sflag:s6] =	ssyncadd.s32 $0xFFFFC000  }
0xd3: {  	[tilespmem:s2], [sflag:$0x1] =	stream.linear.gather [hbm4b:s1+s2], $0x4000, $0x38;
	[tilespmem:$0x8000] =	vst v63  }
0xd4: {  	_ =	swait.ge [sflag:s12], $0x4000  }
0xd5: {  	[sflag:s12] =	ssyncset.done $0x0  }
0xd6: {  	s1 =	rddreg [dreg:$0x1e];
	[sflag:s12] =	ssyncadd.s32 $0xFFFFC000  }
0xd7: {  	[hbm4b:s1+s2] =	stream.linear.scatter [tilespmem:s2], [sflag:$0x3], $0x4000, $0x38;
	[tilespmem:$0x8000] =	vst v63  }
0xd8: {  	_ =	swait.ge [sflag:s5], $0x4000  }
0xd9: {  	[sflag:s5] =	ssyncset.done $0x0  }
0xda: {  	s1 =	rddreg [dreg:$0x1f];
	[sflag:s5] =	ssyncadd.s32 $0xFFFFC000  }
0xdb: {  	[tilespmem:s8], [sflag:$0x2] =	stream.linear.gather [hbm4b:s1+s2], $0x4000, $0x38;
	[tilespmem:$0x8000] =	vst v63  }
0xdc: {  	_ =	swait.ge [sflag:s9], $0x4000  }
0xdd: {  	s1 =	sld [smem:$0x7BC]  }
0xde: {  	[sflag:s9] =	ssyncset.done $0x0  }
0xdf: {  	[sflag:s9] =	ssyncadd.s32 $0xFFFFC000  }
0xe0: {  	[hbm4b:s1+s2] =	stream.linear.scatter [tilespmem:s8], [sflag:$0x4], $0x4000, $0x38;
	[tilespmem:$0x8000] =	vst v63  }
0xe1: {  	_ =	swait.ge [sflag:s6], $0x4000  }
0xe2: {  	s1 =	sld [smem:$0x7BD]  }
0xe3: {  	[sflag:s6] =	ssyncset.done $0x0  }
0xe4: {  	[sflag:s6] =	ssyncadd.s32 $0xFFFFC000  }
0xe5: {  	[tilespmem:s2], [sflag:$0x1] =	stream.linear.gather [hbm4b:s1+s2], $0x4000, $0x38;
	[tilespmem:$0x8000] =	vst v63  }
0xe6: {  	_ =	swait.ge [sflag:s12], $0x4000  }
0xe7: {  	s1 =	sld [smem:$0x7BE]  }
0xe8: {  	[sflag:s12] =	ssyncset.done $0x0  }
0xe9: {  	[sflag:s12] =	ssyncadd.s32 $0xFFFFC000  }
0xea: {  	[hbm4b:s1+s2] =	stream.linear.scatter [tilespmem:s2], [sflag:$0x3], $0x4000, $0x38;
	[tilespmem:$0x8000] =	vst v63  }
0xeb: {  	_ =	swait.ge [sflag:s5], $0x4000  }
0xec: {  	s1 =	sld [smem:$0x7BF]  }
0xed: {  	[sflag:s5] =	ssyncset.done $0x0  }
0xee: {  	[sflag:s5] =	ssyncadd.s32 $0xFFFFC000  }
0xef: {  	[tilespmem:s8], [sflag:$0x2] =	stream.linear.gather [hbm4b:s1+s2], $0x4000, $0x38;
	[tilespmem:$0x8000] =	vst v63  }
0xf0: {  	_ =	swait.ge [sflag:s9], $0x4000  }
0xf1: {  	s1 =	sld [smem:$0x7C0]  }
0xf2: {  	[sflag:s9] =	ssyncset.done $0x0  }
0xf3: {  	[sflag:s9] =	ssyncadd.s32 $0xFFFFC000  }
0xf4: {  	[hbm4b:s1+s2] =	stream.linear.scatter [tilespmem:s8], [sflag:$0x4], $0x4000, $0x38;
	[tilespmem:$0x8000] =	vst v63  }
0xf5: {  	_ =	swait.ge [sflag:s6], $0x4000  }
0xf6: {  	s1 =	sld [smem:$0x7C1]  }
0xf7: {  	[sflag:s6] =	ssyncset.done $0x0  }
0xf8: {  	[sflag:s6] =	ssyncadd.s32 $0xFFFFC000  }
0xf9: {  	[tilespmem:s2], [sflag:$0x1] =	stream.linear.gather [hbm4b:s1+s2], $0x4000, $0x38;
	[tilespmem:$0x8000] =	vst v63  }
0xfa: {  	_ =	swait.ge [sflag:s12], $0x4000  }
0xfb: {  	s1 =	sld [smem:$0x7C2]  }
0xfc: {  	[sflag:s12] =	ssyncset.done $0x0  }
0xfd: {  	[sflag:s12] =	ssyncadd.s32 $0xFFFFC000  }
0xfe: {  	[hbm4b:s1+s2] =	stream.linear.scatter [tilespmem:s2], [sflag:$0x3], $0x4000, $0x38;
	[tilespmem:$0x8000] =	vst v63  }
0xff: {  	_ =	swait.ge [sflag:s5], $0x4000  }
0x100: {  	s1 =	sld [smem:$0x7C3]  }
0x101: {  	[sflag:s5] =	ssyncset.done $0x0  }
0x102: {  	[sflag:s5] =	ssyncadd.s32 $0xFFFFC000  }
0x103: {  	[tilespmem:s8], [sflag:$0x2] =	stream.linear.gather [hbm4b:s1+s2], $0x4000, $0x38;
	[tilespmem:$0x8000] =	vst v63  }
0x104: {  	_ =	swait.ge [sflag:s9], $0x4000  }
0x105: {  	s1 =	sld [smem:$0x7C4]  }
0x106: {  	[sflag:s9] =	ssyncset.done $0x0  }
0x107: {  	[sflag:s9] =	ssyncadd.s32 $0xFFFFC000  }
0x108: {  	[hbm4b:s1+s2] =	stream.linear.scatter [tilespmem:s8], [sflag:$0x4], $0x4000, $0x38;
	[tilespmem:$0x8000] =	vst v63  }
0x109: {  	_ =	swait.ge [sflag:s6], $0x4000  }
0x10a: {  	s1 =	sld [smem:$0x7C5]  }
0x10b: {  	[sflag:s6] =	ssyncset.done $0x0  }
0x10c: {  	[sflag:s6] =	ssyncadd.s32 $0xFFFFC000  }
0x10d: {  	[tilespmem:s2], [sflag:$0x1] =	stream.linear.gather [hbm4b:s1+s2], $0x4000, $0x38;
	[tilespmem:$0x8000] =	vst v63  }
0x10e: {  	_ =	swait.ge [sflag:s12], $0x4000  }
0x10f: {  	s1 =	sld [smem:$0x7C6]  }
0x110: {  	[sflag:s12] =	ssyncset.done $0x0  }
0x111: {  	[sflag:s12] =	ssyncadd.s32 $0xFFFFC000  }
0x112: {  	[hbm4b:s1+s2] =	stream.linear.scatter [tilespmem:s2], [sflag:$0x3], $0x4000, $0x38;
	[tilespmem:$0x8000] =	vst v63  }
0x113: {  	_ =	swait.ge [sflag:s5], $0x4000  }
0x114: {  	s1 =	sld [smem:$0x7C7]  }
0x115: {  	[sflag:s5] =	ssyncset.done $0x0  }
0x116: {  	[sflag:s5] =	ssyncadd.s32 $0xFFFFC000  }
0x117: {  	[tilespmem:s8], [sflag:$0x2] =	stream.linear.gather [hbm4b:s1+s2], $0x4000, $0x38;
	[tilespmem:$0x8000] =	vst v63  }
0x118: {  	_ =	swait.ge [sflag:s9], $0x4000  }
0x119: {  	s1 =	sld [smem:$0x7C8]  }
0x11a: {  	[sflag:s9] =	ssyncset.done $0x0  }
0x11b: {  	[sflag:s9] =	ssyncadd.s32 $0xFFFFC000  }
0x11c: {  	[hbm4b:s1+s2] =	stream.linear.scatter [tilespmem:s8], [sflag:$0x4], $0x4000, $0x38;
	[tilespmem:$0x8000] =	vst v63  }
0x11d: {  	_ =	swait.ge [sflag:s6], $0x4000  }
0x11e: {  	s1 =	sld [smem:$0x7C9]  }
0x11f: {  	[sflag:s6] =	ssyncset.done $0x0  }
0x120: {  	[sflag:s6] =	ssyncadd.s32 $0xFFFFC000  }
0x121: {  	[tilespmem:s2], [sflag:$0x1] =	stream.linear.gather [hbm4b:s1+s2], $0x4000, $0x38;
	[tilespmem:$0x8000] =	vst v63  }
0x122: {  	_ =	swait.ge [sflag:s12], $0x4000  }
0x123: {  	s1 =	sld [smem:$0x7CA]  }
0x124: {  	[sflag:s12] =	ssyncset.done $0x0  }
0x125: {  	[sflag:s12] =	ssyncadd.s32 $0xFFFFC000  }
0x126: {  	[hbm4b:s1+s2] =	stream.linear.scatter [tilespmem:s2], [sflag:$0x3], $0x4000, $0x38;
	[tilespmem:$0x8000] =	vst v63  }
0x127: {  	_ =	swait.ge [sflag:s5], $0x4000  }
0x128: {  	s1 =	sld [smem:$0x7CB]  }
0x129: {  	[sflag:s5] =	ssyncset.done $0x0  }
0x12a: {  	[sflag:s5] =	ssyncadd.s32 $0xFFFFC000  }
0x12b: {  	[tilespmem:s8], [sflag:$0x2] =	stream.linear.gather [hbm4b:s1+s2], $0x4000, $0x38;
	[tilespmem:$0x8000] =	vst v63  }
0x12c: {  	_ =	swait.ge [sflag:s9], $0x4000  }
0x12d: {  	s1 =	sld [smem:$0x7CC]  }
0x12e: {  	[sflag:s9] =	ssyncset.done $0x0  }
0x12f: {  	[sflag:s9] =	ssyncadd.s32 $0xFFFFC000  }
0x130: {  	[hbm4b:s1+s2] =	stream.linear.scatter [tilespmem:s8], [sflag:$0x4], $0x4000, $0x38;
	[tilespmem:$0x8000] =	vst v63  }
0x131: {  	_ =	swait.ge [sflag:s6], $0x4000  }
0x132: {  	s1 =	sld [smem:$0x7CD]  }
0x133: {  	[sflag:s6] =	ssyncset.done $0x0  }
0x134: {  	[sflag:s6] =	ssyncadd.s32 $0xFFFFC000  }
0x135: {  	[tilespmem:s2], [sflag:$0x1] =	stream.linear.gather [hbm4b:s1+s2], $0x4000, $0x38;
	[tilespmem:$0x8000] =	vst v63  }
0x136: {  	_ =	swait.ge [sflag:s12], $0x4000  }
0x137: {  	s1 =	sld [smem:$0x7CE]  }
0x138: {  	[sflag:s12] =	ssyncset.done $0x0  }
0x139: {  	[sflag:s12] =	ssyncadd.s32 $0xFFFFC000  }
0x13a: {  	[hbm4b:s1+s2] =	stream.linear.scatter [tilespmem:s2], [sflag:$0x3], $0x4000, $0x38;
	[tilespmem:$0x8000] =	vst v63  }
0x13b: {  	_ =	swait.ge [sflag:s5], $0x4000  }
0x13c: {  	s1 =	sld [smem:$0x7CF]  }
0x13d: {  	[sflag:s5] =	ssyncset.done $0x0  }
0x13e: {  	[sflag:s5] =	ssyncadd.s32 $0xFFFFC000  }
0x13f: {  	[tilespmem:s8], [sflag:$0x2] =	stream.linear.gather [hbm4b:s1+s2], $0x4000, $0x38;
	[tilespmem:$0x8000] =	vst v63  }
0x140: {  	_ =	swait.ge [sflag:s9], $0x4000  }
0x141: {  	s1 =	sld [smem:$0x7D0]  }
0x142: {  	[sflag:s9] =	ssyncset.done $0x0  }
0x143: {  	[sflag:s9] =	ssyncadd.s32 $0xFFFFC000  }
0x144: {  	[hbm4b:s1+s2] =	stream.linear.scatter [tilespmem:s8], [sflag:$0x4], $0x4000, $0x38;
	[tilespmem:$0x8000] =	vst v63  }
0x145: {  	_ =	swait.ge [sflag:s6], $0x4000  }
0x146: {  	s1 =	sld [smem:$0x7D1]  }
0x147: {  	[sflag:s6] =	ssyncset.done $0x0  }
0x148: {  	[sflag:s6] =	ssyncadd.s32 $0xFFFFC000  }
0x149: {  	[tilespmem:s2], [sflag:$0x1] =	stream.linear.gather [hbm4b:s1+s2], $0x4000, $0x38;
	[tilespmem:$0x8000] =	vst v63  }
0x14a: {  	_ =	swait.ge [sflag:s12], $0x4000  }
0x14b: {  	s1 =	sld [smem:$0x7D2]  }
0x14c: {  	[sflag:s12] =	ssyncset.done $0x0  }
0x14d: {  	[sflag:s12] =	ssyncadd.s32 $0xFFFFC000  }
0x14e: {  	[hbm4b:s1+s2] =	stream.linear.scatter [tilespmem:s2], [sflag:$0x3], $0x4000, $0x38;
	[tilespmem:$0x8000] =	vst v63  }
0x14f: {  	_ =	swait.ge [sflag:s5], $0x4000  }
0x150: {  	s1 =	sld [smem:$0x7D3]  }
0x151: {  	[sflag:s5] =	ssyncset.done $0x0  }
0x152: {  	[sflag:s5] =	ssyncadd.s32 $0xFFFFC000  }
0x153: {  	[tilespmem:s8], [sflag:$0x2] =	stream.linear.gather [hbm4b:s1+s2], $0x4000, $0x38;
	[tilespmem:$0x8000] =	vst v63  }
0x154: {  	_ =	swait.ge [sflag:s9], $0x4000  }
0x155: {  	s1 =	sld [smem:$0x7D4]  }
0x156: {  	[sflag:s9] =	ssyncset.done $0x0  }
0x157: {  	[sflag:s9] =	ssyncadd.s32 $0xFFFFC000  }
0x158: {  	[hbm4b:s1+s2] =	stream.linear.scatter [tilespmem:s8], [sflag:$0x4], $0x4000, $0x38;
	[tilespmem:$0x8000] =	vst v63  }
0x159: {  	_ =	swait.ge [sflag:s6], $0x4000  }
0x15a: {  	s1 =	sld [smem:$0x7D5]  }
0x15b: {  	[sflag:s6] =	ssyncset.done $0x0  }
0x15c: {  	[sflag:s6] =	ssyncadd.s32 $0xFFFFC000  }
0x15d: {  	[tilespmem:s2], [sflag:$0x1] =	stream.linear.gather [hbm4b:s1+s2], $0x4000, $0x38;
	[tilespmem:$0x8000] =	vst v63  }
0x15e: {  	_ =	swait.ge [sflag:s12], $0x4000  }
0x15f: {  	s1 =	sld [smem:$0x7D6]  }
0x160: {  	[sflag:s12] =	ssyncset.done $0x0  }
0x161: {  	[sflag:s12] =	ssyncadd.s32 $0xFFFFC000  }
0x162: {  	[hbm4b:s1+s2] =	stream.linear.scatter [tilespmem:s2], [sflag:$0x3], $0x4000, $0x38;
	[tilespmem:$0x8000] =	vst v63  }
0x163: {  	_ =	swait.ge [sflag:s5], $0x4000  }
0x164: {  	s1 =	sld [smem:$0x7D7]  }
0x165: {  	[sflag:s5] =	ssyncset.done $0x0  }
0x166: {  	[sflag:s5] =	ssyncadd.s32 $0xFFFFC000  }
0x167: {  	[tilespmem:s8], [sflag:$0x2] =	stream.linear.gather [hbm4b:s1+s2], $0x4000, $0x38;
	[tilespmem:$0x8000] =	vst v63  }
0x168: {  	_ =	swait.ge [sflag:s9], $0x4000  }
0x169: {  	s1 =	sld [smem:$0x7D8]  }
0x16a: {  	[sflag:s9] =	ssyncset.done $0x0  }
0x16b: {  	[sflag:s9] =	ssyncadd.s32 $0xFFFFC000  }
0x16c: {  	[hbm4b:s1+s2] =	stream.linear.scatter [tilespmem:s8], [sflag:$0x4], $0x4000, $0x38;
	[tilespmem:$0x8000] =	vst v63  }
0x16d: {  	_ =	swait.ge [sflag:s6], $0x4000  }
0x16e: {  	s1 =	sld [smem:$0x7D9]  }
0x16f: {  	[sflag:s6] =	ssyncset.done $0x0  }
0x170: {  	[sflag:s6] =	ssyncadd.s32 $0xFFFFC000  }
0x171: {  	[tilespmem:s2], [sflag:$0x1] =	stream.linear.gather [hbm4b:s1+s2], $0x4000, $0x38;
	[tilespmem:$0x8000] =	vst v63  }
0x172: {  	_ =	swait.ge [sflag:s12], $0x4000  }
0x173: {  	s1 =	sld [smem:$0x7DA]  }
0x174: {  	[sflag:s12] =	ssyncset.done $0x0  }
0x175: {  	[sflag:s12] =	ssyncadd.s32 $0xFFFFC000  }
0x176: {  	[hbm4b:s1+s2] =	stream.linear.scatter [tilespmem:s2], [sflag:$0x3], $0x4000, $0x38;
	[tilespmem:$0x8000] =	vst v63  }
0x177: {  	_ =	swait.ge [sflag:s5], $0x4000  }
0x178: {  	s1 =	sld [smem:$0x7DC]  }
0x179: {  	[sflag:s5] =	ssyncset.done $0x0  }
0x17a: {  	[sflag:s5] =	ssyncadd.s32 $0xFFFFC000  }
0x17b: {  	[tilespmem:s8], [sflag:$0x2] =	stream.linear.gather [hbm4b:s1+s2], $0x4000, $0x38;
	[tilespmem:$0x8000] =	vst v63  }
0x17c: {  	_ =	swait.ge [sflag:s9], $0x4000  }
0x17d: {  	s1 =	sld [smem:$0x7DD]  }
0x17e: {  	[sflag:s9] =	ssyncset.done $0x0  }
0x17f: {  	[sflag:s9] =	ssyncadd.s32 $0xFFFFC000  }
0x180: {  	[hbm4b:s1+s2] =	stream.linear.scatter [tilespmem:s8], [sflag:$0x4], $0x4000, $0x38;
	[tilespmem:$0x8000] =	vst v63  }
0x181: {  	_ =	swait.ge [sflag:s6], $0x4000  }
0x182: {  	s1 =	sld [smem:$0x7DF]  }
0x183: {  	[sflag:s6] =	ssyncset.done $0x0  }
0x184: {  	[sflag:s6] =	ssyncadd.s32 $0xFFFFC000  }
0x185: {  	[tilespmem:s2], [sflag:$0x1] =	stream.linear.gather [hbm4b:s1+s2], $0x4000, $0x38;
	[tilespmem:$0x8000] =	vst v63  }
0x186: {  	_ =	swait.ge [sflag:s12], $0x4000  }
0x187: {  	s1 =	sld [smem:$0x7E0]  }
0x188: {  	[sflag:s12] =	ssyncset.done $0x0  }
0x189: {  	[sflag:s12] =	ssyncadd.s32 $0xFFFFC000  }
0x18a: {  	[hbm4b:s1+s2] =	stream.linear.scatter [tilespmem:s2], [sflag:$0x3], $0x4000, $0x38;
	[tilespmem:$0x8000] =	vst v63  }
0x18b: {  	_ =	swait.ge [sflag:s5], $0x4000  }
0x18c: {  	s1 =	sld [smem:$0x7E2]  }
0x18d: {  	[sflag:s5] =	ssyncset.done $0x0  }
0x18e: {  	[sflag:s5] =	ssyncadd.s32 $0xFFFFC000  }
0x18f: {  	[tilespmem:s8], [sflag:$0x2] =	stream.linear.gather [hbm4b:s1+s2], $0x4000, $0x38;
	[tilespmem:$0x8000] =	vst v63  }
0x190: {  	_ =	swait.ge [sflag:s9], $0x4000  }
0x191: {  	s1 =	sld [smem:$0x7E3]  }
0x192: {  	[sflag:s9] =	ssyncset.done $0x0  }
0x193: {  	[sflag:s9] =	ssyncadd.s32 $0xFFFFC000  }
0x194: {  	[hbm4b:s1+s2] =	stream.linear.scatter [tilespmem:s8], [sflag:$0x4], $0x4000, $0x38;
	[tilespmem:$0x8000] =	vst v63  }
0x195: {  	_ =	swait.ge [sflag:s6], $0x4000  }
0x196: {  	s1 =	sld [smem:$0x7E4]  }
0x197: {  	[sflag:s6] =	ssyncset.done $0x0  }
0x198: {  	[sflag:s6] =	ssyncadd.s32 $0xFFFFC000  }
0x199: {  	[tilespmem:s2], [sflag:$0x1] =	stream.linear.gather [hbm4b:s1+s2], $0x4000, $0x38;
	[tilespmem:$0x8000] =	vst v63  }
0x19a: {  	_ =	swait.ge [sflag:s12], $0x4000  }
0x19b: {  	s1 =	sld [smem:$0x7E5]  }
0x19c: {  	[sflag:s12] =	ssyncset.done $0x0  }
0x19d: {  	[sflag:s12] =	ssyncadd.s32 $0xFFFFC000  }
0x19e: {  	[hbm4b:s1+s2] =	stream.linear.scatter [tilespmem:s2], [sflag:$0x3], $0x4000, $0x38;
	[tilespmem:$0x8000] =	vst v63  }
0x19f: {  	_ =	swait.ge [sflag:s5], $0x4000  }
0x1a0: {  	s1 =	sld [smem:$0x7E6]  }
0x1a1: {  	[sflag:s5] =	ssyncset.done $0x0  }
0x1a2: {  	[sflag:s5] =	ssyncadd.s32 $0xFFFFC000  }
0x1a3: {  	[tilespmem:s8], [sflag:$0x2] =	stream.linear.gather [hbm4b:s1+s2], $0x4000, $0x38;
	[tilespmem:$0x8000] =	vst v63  }
0x1a4: {  	_ =	swait.ge [sflag:s9], $0x4000  }
0x1a5: {  	s1 =	sld [smem:$0x7E7]  }
0x1a6: {  	[sflag:s9] =	ssyncset.done $0x0  }
0x1a7: {  	[sflag:s9] =	ssyncadd.s32 $0xFFFFC000  }
0x1a8: {  	[hbm4b:s1+s2] =	stream.linear.scatter [tilespmem:s8], [sflag:$0x4], $0x4000, $0x38;
	[tilespmem:$0x8000] =	vst v63  }
0x1a9: {  	_ =	swait.ge [sflag:s6], $0x4000  }
0x1aa: {  	s1 =	sld [smem:$0x7E8]  }
0x1ab: {  	[sflag:s6] =	ssyncset.done $0x0  }
0x1ac: {  	[sflag:s6] =	ssyncadd.s32 $0xFFFFC000  }
0x1ad: {  	[tilespmem:s2], [sflag:$0x1] =	stream.linear.gather [hbm4b:s1+s2], $0x4000, $0x38;
	[tilespmem:$0x8000] =	vst v63  }
0x1ae: {  	_ =	swait.ge [sflag:s12], $0x4000  }
0x1af: {  	s1 =	sld [smem:$0x7E9]  }
0x1b0: {  	[sflag:s12] =	ssyncset.done $0x0  }
0x1b1: {  	[sflag:s12] =	ssyncadd.s32 $0xFFFFC000  }
0x1b2: {  	[hbm4b:s1+s2] =	stream.linear.scatter [tilespmem:s2], [sflag:$0x3], $0x4000, $0x38;
	[tilespmem:$0x8000] =	vst v63  }
0x1b3: {  	_ =	swait.ge [sflag:s5], $0x4000  }
0x1b4: {  	s1 =	sld [smem:$0x7EA]  }
0x1b5: {  	[sflag:s5] =	ssyncset.done $0x0  }
0x1b6: {  	[sflag:s5] =	ssyncadd.s32 $0xFFFFC000  }
0x1b7: {  	[tilespmem:s8], [sflag:$0x2] =	stream.linear.gather [hbm4b:s1+s2], $0x4000, $0x38;
	[tilespmem:$0x8000] =	vst v63  }
0x1b8: {  	_ =	swait.ge [sflag:s9], $0x4000  }
0x1b9: {  	s1 =	sld [smem:$0x7EB]  }
0x1ba: {  	[sflag:s9] =	ssyncset.done $0x0  }
0x1bb: {  	[sflag:s9] =	ssyncadd.s32 $0xFFFFC000  }
0x1bc: {  	[hbm4b:s1+s2] =	stream.linear.scatter [tilespmem:s8], [sflag:$0x4], $0x4000, $0x38;
	[tilespmem:$0x8000] =	vst v63  }
0x1bd: {  	_ =	swait.ge [sflag:s6], $0x4000  }
0x1be: {  	s1 =	sld [smem:$0x7EC]  }
0x1bf: {  	[sflag:s6] =	ssyncset.done $0x0  }
0x1c0: {  	[sflag:s6] =	ssyncadd.s32 $0xFFFFC000  }
0x1c1: {  	[tilespmem:s2], [sflag:$0x1] =	stream.linear.gather [hbm4b:s1+s2], $0x4000, $0x38;
	[tilespmem:$0x8000] =	vst v63  }
0x1c2: {  	_ =	swait.ge [sflag:s12], $0x4000  }
0x1c3: {  	s1 =	sld [smem:$0x7ED]  }
0x1c4: {  	[sflag:s12] =	ssyncset.done $0x0  }
0x1c5: {  	[sflag:s12] =	ssyncadd.s32 $0xFFFFC000  }
0x1c6: {  	[hbm4b:s1+s2] =	stream.linear.scatter [tilespmem:s2], [sflag:$0x3], $0x4000, $0x38;
	[tilespmem:$0x8000] =	vst v63  }
0x1c7: {  	_ =	swait.ge [sflag:s5], $0x4000  }
0x1c8: {  	s1 =	sld [smem:$0x7EE]  }
0x1c9: {  	[sflag:s5] =	ssyncset.done $0x0  }
0x1ca: {  	[sflag:s5] =	ssyncadd.s32 $0xFFFFC000  }
0x1cb: {  	[tilespmem:s8], [sflag:$0x2] =	stream.linear.gather [hbm4b:s1+s2], $0x4000, $0x38;
	[tilespmem:$0x8000] =	vst v63  }
0x1cc: {  	_ =	swait.ge [sflag:s9], $0x4000  }
0x1cd: {  	s1 =	sld [smem:$0x7EF]  }
0x1ce: {  	[sflag:s9] =	ssyncset.done $0x0  }
0x1cf: {  	[sflag:s9] =	ssyncadd.s32 $0xFFFFC000  }
0x1d0: {  	[hbm4b:s1+s2] =	stream.linear.scatter [tilespmem:s8], [sflag:$0x4], $0x4000, $0x38;
	[tilespmem:$0x8000] =	vst v63  }
0x1d1: {  	_ =	swait.ge [sflag:s6], $0x4000  }
0x1d2: {  	s1 =	sld [smem:$0x7F0]  }
0x1d3: {  	[sflag:s6] =	ssyncset.done $0x0  }
0x1d4: {  	[sflag:s6] =	ssyncadd.s32 $0xFFFFC000  }
0x1d5: {  	[tilespmem:s2], [sflag:$0x1] =	stream.linear.gather [hbm4b:s1+s2], $0x4000, $0x38;
	[tilespmem:$0x8000] =	vst v63  }
0x1d6: {  	_ =	swait.ge [sflag:s12], $0x4000  }
0x1d7: {  	s1 =	sld [smem:$0x7F1]  }
0x1d8: {  	[sflag:s12] =	ssyncset.done $0x0  }
0x1d9: {  	[sflag:s12] =	ssyncadd.s32 $0xFFFFC000  }
0x1da: {  	[hbm4b:s1+s2] =	stream.linear.scatter [tilespmem:s2], [sflag:$0x3], $0x4000, $0x38;
	[tilespmem:$0x8000] =	vst v63  }
0x1db: {  	_ =	swait.ge [sflag:s5], $0x4000  }
0x1dc: {  	s1 =	sld [smem:$0x7F2]  }
0x1dd: {  	[sflag:s5] =	ssyncset.done $0x0  }
0x1de: {  	[sflag:s5] =	ssyncadd.s32 $0xFFFFC000  }
0x1df: {  	[tilespmem:s8], [sflag:$0x2] =	stream.linear.gather [hbm4b:s1+s2], $0x4000, $0x38;
	[tilespmem:$0x8000] =	vst v63  }
0x1e0: {  	_ =	swait.ge [sflag:s9], $0x4000  }
0x1e1: {  	s1 =	sld [smem:$0x7F3]  }
0x1e2: {  	[sflag:s9] =	ssyncset.done $0x0  }
0x1e3: {  	[sflag:s9] =	ssyncadd.s32 $0xFFFFC000  }
0x1e4: {  	[hbm4b:s1+s2] =	stream.linear.scatter [tilespmem:s8], [sflag:$0x4], $0x4000, $0x38;
	[tilespmem:$0x8000] =	vst v63  }
0x1e5: {  	_ =	swait.ge [sflag:s6], $0x4000  }
0x1e6: {  	s1 =	sld [smem:$0x7F4]  }
0x1e7: {  	[sflag:s6] =	ssyncset.done $0x0  }
0x1e8: {  	[sflag:s6] =	ssyncadd.s32 $0xFFFFC000  }
0x1e9: {  	[tilespmem:s2], [sflag:$0x1] =	stream.linear.gather [hbm4b:s1+s2], $0x4000, $0x38;
	[tilespmem:$0x8000] =	vst v63  }
0x1ea: {  	_ =	swait.ge [sflag:s12], $0x4000  }
0x1eb: {  	s1 =	sld [smem:$0x7F5]  }
0x1ec: {  	[sflag:s12] =	ssyncset.done $0x0  }
0x1ed: {  	[sflag:s12] =	ssyncadd.s32 $0xFFFFC000  }
0x1ee: {  	[hbm4b:s1+s2] =	stream.linear.scatter [tilespmem:s2], [sflag:$0x3], $0x4000, $0x38;
	[tilespmem:$0x8000] =	vst v63  }
0x1ef: {  	_ =	swait.ge [sflag:s5], $0x4000  }
0x1f0: {  	s1 =	sld [smem:$0x7F6]  }
0x1f1: {  	[sflag:s5] =	ssyncset.done $0x0  }
0x1f2: {  	[sflag:s5] =	ssyncadd.s32 $0xFFFFC000  }
0x1f3: {  	[tilespmem:s8], [sflag:$0x2] =	stream.linear.gather [hbm4b:s1+s2], $0x4000, $0x38;
	[tilespmem:$0x8000] =	vst v63  }
0x1f4: {  	_ =	swait.ge [sflag:s9], $0x4000  }
0x1f5: {  	s1 =	sld [smem:$0x7F7]  }
0x1f6: {  	[sflag:s9] =	ssyncset.done $0x0  }
0x1f7: {  	[sflag:s9] =	ssyncadd.s32 $0xFFFFC000  }
0x1f8: {  	[hbm4b:s1+s2] =	stream.linear.scatter [tilespmem:s8], [sflag:$0x4], $0x4000, $0x38;
	[tilespmem:$0x8000] =	vst v63  }
0x1f9: {  	_ =	swait.ge [sflag:s6], $0x4000  }
0x1fa: {  	s1 =	sld [smem:$0x7F8]  }
0x1fb: {  	[sflag:s6] =	ssyncset.done $0x0  }
0x1fc: {  	[sflag:s6] =	ssyncadd.s32 $0xFFFFC000  }
0x1fd: {  	[tilespmem:s2], [sflag:$0x1] =	stream.linear.gather [hbm4b:s1+s2], $0x4000, $0x38;
	[tilespmem:$0x8000] =	vst v63  }
0x1fe: {  	_ =	swait.ge [sflag:s12], $0x4000  }
0x1ff: {  	s1 =	sld [smem:$0x7F9]  }
0x200: {  	[sflag:s12] =	ssyncset.done $0x0  }
0x201: {  	[sflag:s12] =	ssyncadd.s32 $0xFFFFC000  }
0x202: {  	[hbm4b:s1+s2] =	stream.linear.scatter [tilespmem:s2], [sflag:$0x3], $0x4000, $0x38;
	[tilespmem:$0x8000] =	vst v63  }
0x203: {  	_ =	swait.ge [sflag:s5], $0x4000  }
0x204: {  	s1 =	sld [smem:$0x7FB]  }
0x205: {  	[sflag:s5] =	ssyncset.done $0x0  }
0x206: {  	[sflag:s5] =	ssyncadd.s32 $0xFFFFC000  }
0x207: {  	[tilespmem:s8], [sflag:$0x2] =	stream.linear.gather [hbm4b:s1+s2], $0x4000, $0x38;
	[tilespmem:$0x8000] =	vst v63  }
0x208: {  	_ =	swait.ge [sflag:s9], $0x4000  }
0x209: {  	s1 =	sld [smem:$0x7FC]  }
0x20a: {  	[sflag:s9] =	ssyncset.done $0x0  }
0x20b: {  	[sflag:s9] =	ssyncadd.s32 $0xFFFFC000  }
0x20c: {  	[hbm4b:s1+s2] =	stream.linear.scatter [tilespmem:s8], [sflag:$0x4], $0x4000, $0x38;
	[tilespmem:$0x8000] =	vst v63  }
0x20d: {  	_ =	swait.ge [sflag:s6], $0x4000  }
0x20e: {  	s1 =	sld [smem:$0x7FD]  }
0x20f: {  	[sflag:s6] =	ssyncset.done $0x0  }
0x210: {  	[sflag:s6] =	ssyncadd.s32 $0xFFFFC000  }
0x211: {  	[tilespmem:s2], [sflag:$0x1] =	stream.linear.gather [hbm4b:s1+s2], $0x4000, $0x38;
	[tilespmem:$0x8000] =	vst v63  }
0x212: {  	_ =	swait.ge [sflag:s12], $0x4000  }
0x213: {  	[sflag:s12] =	ssyncset.done $0x0  }
0x214: {  	[sflag:s12] =	ssyncadd.s32 $0xFFFFC000  }
0x215: {  	[hbm4b:s31+s2] =	stream.linear.scatter [tilespmem:s2], [sflag:$0x3], $0x4000, $0x38;
	[tilespmem:$0x8000] =	vst v63  }
0x216: {  	_ =	swait.ge [sflag:s5], $0x4000  }
0x217: {  	[sflag:s5] =	ssyncset.done $0x0  }
0x218: {  	[sflag:s5] =	ssyncadd.s32 $0xFFFFC000  }
0x219: {  	[tilespmem:s8], [sflag:$0x2] =	stream.linear.gather [hbm4b:s30+s2], $0x4000, $0x38;
	[tilespmem:$0x8000] =	vst v63  }
0x21a: {  	_ =	swait.ge [sflag:s9], $0x4000  }
0x21b: {  	[sflag:s9] =	ssyncset.done $0x0  }
0x21c: {  	[sflag:s9] =	ssyncadd.s32 $0xFFFFC000  }
0x21d: {  	[hbm4b:s29+s2] =	stream.linear.scatter [tilespmem:s8], [sflag:$0x4], $0x4000, $0x38;
	[tilespmem:$0x8000] =	vst v63  }
0x21e: {  	_ =	swait.ge [sflag:s6], $0x4000  }
0x21f: {  	[sflag:s6] =	ssyncset.done $0x0  }
0x220: {  	[sflag:s6] =	ssyncadd.s32 $0xFFFFC000  }
0x221: {  	[tilespmem:s2], [sflag:$0x1] =	stream.linear.gather [hbm4b:s28+s2], $0x4000, $0x38;
	[tilespmem:$0x8000] =	vst v63  }
0x222: {  	_ =	swait.ge [sflag:s12], $0x4000  }
0x223: {  	[sflag:s12] =	ssyncset.done $0x0  }
0x224: {  	[sflag:s12] =	ssyncadd.s32 $0xFFFFC000  }
0x225: {  	[hbm4b:s26+s2] =	stream.linear.scatter [tilespmem:s2], [sflag:$0x3], $0x4000, $0x38;
	[tilespmem:$0x8000] =	vst v63  }
0x226: {  	_ =	swait.ge [sflag:s5], $0x4000  }
0x227: {  	[sflag:s5] =	ssyncset.done $0x0  }
0x228: {  	[sflag:s5] =	ssyncadd.s32 $0xFFFFC000  }
0x229: {  	[tilespmem:s8], [sflag:$0x2] =	stream.linear.gather [hbm4b:s25+s2], $0x4000, $0x38;
	[tilespmem:$0x8000] =	vst v63  }
0x22a: {  	_ =	swait.ge [sflag:s9], $0x4000  }
0x22b: {  	[sflag:s9] =	ssyncset.done $0x0  }
0x22c: {  	[sflag:s9] =	ssyncadd.s32 $0xFFFFC000  }
0x22d: {  	[hbm4b:s24+s2] =	stream.linear.scatter [tilespmem:s8], [sflag:$0x4], $0x4000, $0x38;
	[tilespmem:$0x8000] =	vst v63  }
0x22e: {  	_ =	swait.ge [sflag:s6], $0x4000  }
0x22f: {  	[sflag:s6] =	ssyncset.done $0x0  }
0x230: {  	[sflag:s6] =	ssyncadd.s32 $0xFFFFC000  }
0x231: {  	[tilespmem:s2], [sflag:$0x1] =	stream.linear.gather [hbm4b:s23+s2], $0x4000, $0x38;
	[tilespmem:$0x8000] =	vst v63  }
0x232: {  	_ =	swait.ge [sflag:s12], $0x4000  }
0x233: {  	[sflag:s12] =	ssyncset.done $0x0  }
0x234: {  	[sflag:s12] =	ssyncadd.s32 $0xFFFFC000  }
0x235: {  	[hbm4b:s22+s2] =	stream.linear.scatter [tilespmem:s2], [sflag:$0x3], $0x4000, $0x38;
	[tilespmem:$0x8000] =	vst v63  }
0x236: {  	_ =	swait.ge [sflag:s5], $0x4000  }
0x237: {  	[sflag:s5] =	ssyncset.done $0x0  }
0x238: {  	[sflag:s5] =	ssyncadd.s32 $0xFFFFC000  }
0x239: {  	[tilespmem:s8], [sflag:$0x2] =	stream.linear.gather [hbm4b:s21+s2], $0x4000, $0x38;
	[tilespmem:$0x8000] =	vst v63  }
0x23a: {  	_ =	swait.ge [sflag:s9], $0x4000  }
0x23b: {  	[sflag:s9] =	ssyncset.done $0x0  }
0x23c: {  	[sflag:s9] =	ssyncadd.s32 $0xFFFFC000  }
0x23d: {  	[hbm4b:s20+s2] =	stream.linear.scatter [tilespmem:s8], [sflag:$0x4], $0x4000, $0x38;
	[tilespmem:$0x8000] =	vst v63  }
0x23e: {  	_ =	swait.ge [sflag:s6], $0x4000  }
0x23f: {  	[sflag:s6] =	ssyncset.done $0x0  }
0x240: {  	[sflag:s6] =	ssyncadd.s32 $0xFFFFC000  }
0x241: {  	[tilespmem:s2], [sflag:$0x1] =	stream.linear.gather [hbm4b:s19+s2], $0x4000, $0x38;
	[tilespmem:$0x8000] =	vst v63  }
0x242: {  	_ =	swait.ge [sflag:s12], $0x4000  }
0x243: {  	[sflag:s12] =	ssyncset.done $0x0  }
0x244: {  	[sflag:s12] =	ssyncadd.s32 $0xFFFFC000  }
0x245: {  	[hbm4b:s18+s2] =	stream.linear.scatter [tilespmem:s2], [sflag:$0x3], $0x4000, $0x38;
	[tilespmem:$0x8000] =	vst v63  }
0x246: {  	_ =	swait.ge [sflag:s5], $0x4000  }
0x247: {  	[sflag:s5] =	ssyncset.done $0x0  }
0x248: {  	[sflag:s5] =	ssyncadd.s32 $0xFFFFC000  }
0x249: {  	[tilespmem:s8], [sflag:$0x2] =	stream.linear.gather [hbm4b:s17+s2], $0x4000, $0x38;
	[tilespmem:$0x8000] =	vst v63  }
0x24a: {  	_ =	swait.ge [sflag:s9], $0x4000  }
0x24b: {  	[sflag:s9] =	ssyncset.done $0x0  }
0x24c: {  	[sflag:s9] =	ssyncadd.s32 $0xFFFFC000  }
0x24d: {  	[hbm4b:s16+s2] =	stream.linear.scatter [tilespmem:s8], [sflag:$0x4], $0x4000, $0x38;
	[tilespmem:$0x8000] =	vst v63  }
0x24e: {  	_ =	swait.ge [sflag:s6], $0x4000  }
0x24f: {  	[sflag:s6] =	ssyncset.done $0x0  }
0x250: {  	[sflag:s6] =	ssyncadd.s32 $0xFFFFC000  }
0x251: {  	[tilespmem:s2], [sflag:$0x1] =	stream.linear.gather [hbm4b:s15+s2], $0x4000, $0x38;
	[tilespmem:$0x8000] =	vst v63  }
0x252: {  	_ =	swait.ge [sflag:s12], $0x4000  }
0x253: {  	[sflag:s12] =	ssyncset.done $0x0  }
0x254: {  	[sflag:s12] =	ssyncadd.s32 $0xFFFFC000  }
0x255: {  	[hbm4b:s14+s2] =	stream.linear.scatter [tilespmem:s2], [sflag:$0x3], $0x4000, $0x38;
	[tilespmem:$0x8000] =	vst v63  }
0x256: {  	_ =	swait.ge [sflag:s5], $0x4000  }
0x257: {  	[sflag:s5] =	ssyncset.done $0x0  }
0x258: {  	[sflag:s5] =	ssyncadd.s32 $0xFFFFC000  }
0x259: {  	[tilespmem:s8], [sflag:$0x2] =	stream.linear.gather [hbm4b:s13+s2], $0x4000, $0x38;
	[tilespmem:$0x8000] =	vst v63  }
0x25a: {  	_ =	swait.ge [sflag:s9], $0x4000  }
0x25b: {  	[sflag:s9] =	ssyncset.done $0x0  }
0x25c: {  	[sflag:s9] =	ssyncadd.s32 $0xFFFFC000  }
0x25d: {  	[hbm4b:s11+s2] =	stream.linear.scatter [tilespmem:s8], [sflag:$0x4], $0x4000, $0x38;
	[tilespmem:$0x8000] =	vst v63  }
0x25e: {  	_ =	swait.ge [sflag:s6], $0x4000  }
0x25f: {  	[sflag:s6] =	ssyncset.done $0x0  }
0x260: {  	[sflag:s6] =	ssyncadd.s32 $0xFFFFC000  }
0x261: {  	[tilespmem:s2], [sflag:$0x1] =	stream.linear.gather [hbm4b:s10+s2], $0x4000, $0x38;
	[tilespmem:$0x8000] =	vst v63  }
0x262: {  	_ =	swait.ge [sflag:s12], $0x4000  }
0x263: {  	[sflag:s12] =	ssyncset.done $0x0  }
0x264: {  	[sflag:s12] =	ssyncadd.s32 $0xFFFFC000  }
0x265: {  	[hbm4b:s7+s2] =	stream.linear.scatter [tilespmem:s2], [sflag:$0x3], $0x4000, $0x38;
	[tilespmem:$0x8000] =	vst v63  }
0x266: {  	_ =	swait.ge [sflag:s5], $0x4000  }
0x267: {  	[sflag:s5] =	ssyncset.done $0x0  }
0x268: {  	[sflag:s5] =	ssyncadd.s32 $0xFFFFC000  }
0x269: {  	[tilespmem:s8], [sflag:$0x2] =	stream.linear.gather [hbm4b:s4+s2], $0x4000, $0x38;
	[tilespmem:$0x8000] =	vst v63  }
0x26a: {  	_ =	swait.ge [sflag:s9], $0x4000  }
0x26b: {  	[sflag:s9] =	ssyncset.done $0x0  }
0x26c: {  	[sflag:s9] =	ssyncadd.s32 $0xFFFFC000  }
0x26d: {  	[hbm4b:s3+s2] =	stream.linear.scatter [tilespmem:s8], [sflag:$0x4], $0x4000, $0x38;
	[tilespmem:$0x8000] =	vst v63  }
0x26e: {  	_ =	swait.ge [sflag:s6], $0x4000  }
0x26f: {  	s1 =	sld [smem:$0x7BB];
	_ =	sdelay $0x2  }
0x270: {  	p1 =	sne.s32 s1, $0x1  }
.Ltmp1:
0x271: {  	_ = 	snop;
	(pc) =	sbr.rel @!p1 .LBB2_3-.Ltmp1, $4  }
0x272: {  	[sflag:s6] =	ssyncset.done $0x0  }
0x273: {  	[sflag:s6] =	ssyncadd.s32 $0xFFFFC000  }
0x274: {  	p0 =	por $0x1, $0x1;
	_ =	swait.ge [sflag:s5], $0x4000  }
0x275: {  	s1 =	sadd.s32 $0xFFFFFFFF, s1;
	s0 =	rddreg [dreg:$0x5];
	[sflag:s5] =	ssyncset.done $0x0  }
.LBB2_2:
0x276: {  	p1 =	sne.s32 s1, $0x1;
	s8 =	sadd.s32 $0xFFFFFFFF, s1  }
0x277: {  	[sflag:s5] =	ssyncadd.s32 $0xFFFFC000;
	s5 =	simm.s32 $0x4000;
	s1 =	smov.u32 s31  }
0x278: {  	s31 =	smov.u32 s30;
	s30 =	smov.u32 s29;
	s29 =	smov.u32 s28  }
0x279: {  	s28 =	smov.u32 s26;
	s26 =	smov.u32 s25;
	s25 =	smov.u32 s24  }
0x27a: {  	s24 =	smov.u32 s23;
	s23 =	smov.u32 s22;
	s22 =	smov.u32 s21  }
0x27b: {  	s21 =	smov.u32 s20;
	s20 =	smov.u32 s19;
	s19 =	smov.u32 s18  }
0x27c: {  	s18 =	smov.u32 s17;
	s17 =	smov.u32 s16;
	s16 =	smov.u32 s15  }
0x27d: {  	[tilespmem:s2], [sflag:$0x1] =	stream.linear.gather [hbm4b:s0+s2], $0x4000, $0x38;
	[tilespmem:$0x8000] =	vst v63  }
0x27e: {  	s15 =	smov.u32 s14;
	s14 =	smov.u32 s13;
	_ =	swait.ge [sflag:s12], $0x4000  }
0x27f: {  	s13 =	smov.u32 s11;
	s11 =	smov.u32 s10;
	[sflag:s12] =	ssyncset.done $0x0  }
0x280: {  	s10 =	smov.u32 s7;
	s0 =	rddreg [dreg:$0x6];
	[sflag:s12] =	ssyncadd.s32 $0xFFFFC000  }
0x281: {  	[hbm4b:s0+s2] =	stream.linear.scatter [tilespmem:s2], [sflag:$0x3], $0x4000, $0x38;
	[tilespmem:$0x8000] =	vst v63  }
0x282: {  	s7 =	smov.u32 s4;
	s4 =	smov.u32 s3;
	s3 =	rddreg [dreg:$0x7]  }
0x283: {  	[tilespmem:s5], [sflag:$0x2] =	stream.linear.gather [hbm4b:s3+s2], $0x4000, $0x38;
	[tilespmem:$0x8000] =	vst v63  }
0x284: {  	s3 =	smov.u32 s4;
	s4 =	smov.u32 s7  }
0x285: {  	s7 =	smov.u32 s10;
	s10 =	smov.u32 s11;
	s11 =	smov.u32 s13  }
0x286: {  	s13 =	smov.u32 s14;
	s14 =	smov.u32 s15;
	s15 =	smov.u32 s16  }
0x287: {  	s16 =	smov.u32 s17;
	s17 =	smov.u32 s18;
	s18 =	smov.u32 s19  }
0x288: {  	s19 =	smov.u32 s20;
	s20 =	smov.u32 s21;
	s21 =	smov.u32 s22  }
0x289: {  	s22 =	smov.u32 s23;
	s23 =	smov.u32 s24;
	s24 =	smov.u32 s25  }
0x28a: {  	s25 =	smov.u32 s26;
	s26 =	smov.u32 s28;
	s28 =	smov.u32 s29  }
0x28b: {  	s29 =	smov.u32 s30;
	s30 =	smov.u32 s31;
	_ =	swait.ge [sflag:s9], $0x4000  }
0x28c: {  	s31 =	smov.u32 s1;
	s1 =	smov.u32 s8;
	[sflag:s9] =	ssyncset.done $0x0  }
0x28d: {  	s8 =	simm.s32 $0x4000;
	s0 =	rddreg [dreg:$0x8];
	[sflag:s9] =	ssyncadd.s32 $0xFFFFC000  }
0x28e: {  	[hbm4b:s0+s2] =	stream.linear.scatter [tilespmem:s8], [sflag:$0x4], $0x4000, $0x38;
	[tilespmem:$0x8000] =	vst v63  }
0x28f: {  	_ =	swait.ge [sflag:s6], $0x4000  }
0x290: {  	[sflag:s6] =	ssyncset.done $0x0  }
0x291: {  	s0 =	rddreg [dreg:$0x9];
	[sflag:s6] =	ssyncadd.s32 $0xFFFFC000  }
0x292: {  	[tilespmem:s2], [sflag:$0x1] =	stream.linear.gather [hbm4b:s0+s2], $0x4000, $0x38;
	[tilespmem:$0x8000] =	vst v63  }
0x293: {  	_ =	swait.ge [sflag:s12], $0x4000  }
0x294: {  	[sflag:s12] =	ssyncset.done $0x0  }
0x295: {  	s5 =	simm.s32 $0x4;
	s0 =	rddreg [dreg:$0xa];
	[sflag:s12] =	ssyncadd.s32 $0xFFFFC000  }
0x296: {  	[hbm4b:s0+s2] =	stream.linear.scatter [tilespmem:s2], [sflag:$0x3], $0x4000, $0x38;
	[tilespmem:$0x8000] =	vst v63  }
0x297: {  	_ =	swait.ge [sflag:s5], $0x4000  }
0x298: {  	[sflag:s5] =	ssyncset.done $0x0  }
0x299: {  	s0 =	rddreg [dreg:$0xb];
	[sflag:s5] =	ssyncadd.s32 $0xFFFFC000  }
0x29a: {  	[tilespmem:s8], [sflag:$0x2] =	stream.linear.gather [hbm4b:s0+s2], $0x4000, $0x38;
	[tilespmem:$0x8000] =	vst v63  }
0x29b: {  	_ =	swait.ge [sflag:s9], $0x4000  }
0x29c: {  	[sflag:s9] =	ssyncset.done $0x0  }
0x29d: {  	s0 =	rddreg [dreg:$0xc];
	[sflag:s9] =	ssyncadd.s32 $0xFFFFC000  }
0x29e: {  	[hbm4b:s0+s2] =	stream.linear.scatter [tilespmem:s8], [sflag:$0x4], $0x4000, $0x38;
	[tilespmem:$0x8000] =	vst v63  }
0x29f: {  	_ =	swait.ge [sflag:s6], $0x4000  }
0x2a0: {  	[sflag:s6] =	ssyncset.done $0x0  }
0x2a1: {  	s0 =	rddreg [dreg:$0xd];
	[sflag:s6] =	ssyncadd.s32 $0xFFFFC000  }
0x2a2: {  	[tilespmem:s2], [sflag:$0x1] =	stream.linear.gather [hbm4b:s0+s2], $0x4000, $0x38;
	[tilespmem:$0x8000] =	vst v63  }
0x2a3: {  	_ =	swait.ge [sflag:s12], $0x4000  }
0x2a4: {  	[sflag:s12] =	ssyncset.done $0x0  }
0x2a5: {  	s0 =	rddreg [dreg:$0xe];
	[sflag:s12] =	ssyncadd.s32 $0xFFFFC000  }
0x2a6: {  	[hbm4b:s0+s2] =	stream.linear.scatter [tilespmem:s2], [sflag:$0x3], $0x4000, $0x38;
	[tilespmem:$0x8000] =	vst v63  }
0x2a7: {  	_ =	swait.ge [sflag:s5], $0x4000  }
0x2a8: {  	[sflag:s5] =	ssyncset.done $0x0  }
0x2a9: {  	s0 =	rddreg [dreg:$0xf];
	[sflag:s5] =	ssyncadd.s32 $0xFFFFC000  }
0x2aa: {  	[tilespmem:s8], [sflag:$0x2] =	stream.linear.gather [hbm4b:s0+s2], $0x4000, $0x38;
	[tilespmem:$0x8000] =	vst v63  }
0x2ab: {  	_ =	swait.ge [sflag:s9], $0x4000  }
0x2ac: {  	[sflag:s9] =	ssyncset.done $0x0  }
0x2ad: {  	s0 =	rddreg [dreg:$0x10];
	[sflag:s9] =	ssyncadd.s32 $0xFFFFC000  }
0x2ae: {  	[hbm4b:s0+s2] =	stream.linear.scatter [tilespmem:s8], [sflag:$0x4], $0x4000, $0x38;
	[tilespmem:$0x8000] =	vst v63  }
0x2af: {  	_ =	swait.ge [sflag:s6], $0x4000  }
0x2b0: {  	[sflag:s6] =	ssyncset.done $0x0  }
0x2b1: {  	s0 =	rddreg [dreg:$0x11];
	[sflag:s6] =	ssyncadd.s32 $0xFFFFC000  }
0x2b2: {  	[tilespmem:s2], [sflag:$0x1] =	stream.linear.gather [hbm4b:s0+s2], $0x4000, $0x38;
	[tilespmem:$0x8000] =	vst v63  }
0x2b3: {  	_ =	swait.ge [sflag:s12], $0x4000  }
0x2b4: {  	[sflag:s12] =	ssyncset.done $0x0  }
0x2b5: {  	s0 =	rddreg [dreg:$0x12];
	[sflag:s12] =	ssyncadd.s32 $0xFFFFC000  }
0x2b6: {  	[hbm4b:s0+s2] =	stream.linear.scatter [tilespmem:s2], [sflag:$0x3], $0x4000, $0x38;
	[tilespmem:$0x8000] =	vst v63  }
0x2b7: {  	_ =	swait.ge [sflag:s5], $0x4000  }
0x2b8: {  	[sflag:s5] =	ssyncset.done $0x0  }
0x2b9: {  	s0 =	rddreg [dreg:$0x13];
	[sflag:s5] =	ssyncadd.s32 $0xFFFFC000  }
0x2ba: {  	[tilespmem:s8], [sflag:$0x2] =	stream.linear.gather [hbm4b:s0+s2], $0x4000, $0x38;
	[tilespmem:$0x8000] =	vst v63  }
0x2bb: {  	_ =	swait.ge [sflag:s9], $0x4000  }
0x2bc: {  	[sflag:s9] =	ssyncset.done $0x0  }
0x2bd: {  	s0 =	rddreg [dreg:$0x14];
	[sflag:s9] =	ssyncadd.s32 $0xFFFFC000  }
0x2be: {  	[hbm4b:s0+s2] =	stream.linear.scatter [tilespmem:s8], [sflag:$0x4], $0x4000, $0x38;
	[tilespmem:$0x8000] =	vst v63  }
0x2bf: {  	_ =	swait.ge [sflag:s6], $0x4000  }
0x2c0: {  	[sflag:s6] =	ssyncset.done $0x0  }
0x2c1: {  	s0 =	rddreg [dreg:$0x15];
	[sflag:s6] =	ssyncadd.s32 $0xFFFFC000  }
0x2c2: {  	[tilespmem:s2], [sflag:$0x1] =	stream.linear.gather [hbm4b:s0+s2], $0x4000, $0x38;
	[tilespmem:$0x8000] =	vst v63  }
0x2c3: {  	_ =	swait.ge [sflag:s12], $0x4000  }
0x2c4: {  	[sflag:s12] =	ssyncset.done $0x0  }
0x2c5: {  	s0 =	rddreg [dreg:$0x16];
	[sflag:s12] =	ssyncadd.s32 $0xFFFFC000  }
0x2c6: {  	[hbm4b:s0+s2] =	stream.linear.scatter [tilespmem:s2], [sflag:$0x3], $0x4000, $0x38;
	[tilespmem:$0x8000] =	vst v63  }
0x2c7: {  	_ =	swait.ge [sflag:s5], $0x4000  }
0x2c8: {  	[sflag:s5] =	ssyncset.done $0x0  }
0x2c9: {  	s0 =	rddreg [dreg:$0x17];
	[sflag:s5] =	ssyncadd.s32 $0xFFFFC000  }
0x2ca: {  	[tilespmem:s8], [sflag:$0x2] =	stream.linear.gather [hbm4b:s0+s2], $0x4000, $0x38;
	[tilespmem:$0x8000] =	vst v63  }
0x2cb: {  	_ =	swait.ge [sflag:s9], $0x4000  }
0x2cc: {  	[sflag:s9] =	ssyncset.done $0x0  }
0x2cd: {  	s0 =	rddreg [dreg:$0x18];
	[sflag:s9] =	ssyncadd.s32 $0xFFFFC000  }
0x2ce: {  	[hbm4b:s0+s2] =	stream.linear.scatter [tilespmem:s8], [sflag:$0x4], $0x4000, $0x38;
	[tilespmem:$0x8000] =	vst v63  }
0x2cf: {  	_ =	swait.ge [sflag:s6], $0x4000  }
0x2d0: {  	[sflag:s6] =	ssyncset.done $0x0  }
0x2d1: {  	s0 =	rddreg [dreg:$0x19];
	[sflag:s6] =	ssyncadd.s32 $0xFFFFC000  }
0x2d2: {  	[tilespmem:s2], [sflag:$0x1] =	stream.linear.gather [hbm4b:s0+s2], $0x4000, $0x38;
	[tilespmem:$0x8000] =	vst v63  }
0x2d3: {  	_ =	swait.ge [sflag:s12], $0x4000  }
0x2d4: {  	[sflag:s12] =	ssyncset.done $0x0  }
0x2d5: {  	s0 =	rddreg [dreg:$0x1a];
	[sflag:s12] =	ssyncadd.s32 $0xFFFFC000  }
0x2d6: {  	[hbm4b:s0+s2] =	stream.linear.scatter [tilespmem:s2], [sflag:$0x3], $0x4000, $0x38;
	[tilespmem:$0x8000] =	vst v63  }
0x2d7: {  	_ =	swait.ge [sflag:s5], $0x4000  }
0x2d8: {  	[sflag:s5] =	ssyncset.done $0x0  }
0x2d9: {  	s0 =	rddreg [dreg:$0x1b];
	[sflag:s5] =	ssyncadd.s32 $0xFFFFC000  }
0x2da: {  	[tilespmem:s8], [sflag:$0x2] =	stream.linear.gather [hbm4b:s0+s2], $0x4000, $0x38;
	[tilespmem:$0x8000] =	vst v63  }
0x2db: {  	_ =	swait.ge [sflag:s9], $0x4000  }
0x2dc: {  	[sflag:s9] =	ssyncset.done $0x0  }
0x2dd: {  	s0 =	rddreg [dreg:$0x1c];
	[sflag:s9] =	ssyncadd.s32 $0xFFFFC000  }
0x2de: {  	[hbm4b:s0+s2] =	stream.linear.scatter [tilespmem:s8], [sflag:$0x4], $0x4000, $0x38;
	[tilespmem:$0x8000] =	vst v63  }
0x2df: {  	_ =	swait.ge [sflag:s6], $0x4000  }
0x2e0: {  	[sflag:s6] =	ssyncset.done $0x0  }
0x2e1: {  	s0 =	rddreg [dreg:$0x1d];
	[sflag:s6] =	ssyncadd.s32 $0xFFFFC000  }
0x2e2: {  	[tilespmem:s2], [sflag:$0x1] =	stream.linear.gather [hbm4b:s0+s2], $0x4000, $0x38;
	[tilespmem:$0x8000] =	vst v63  }
0x2e3: {  	_ =	swait.ge [sflag:s12], $0x4000  }
0x2e4: {  	[sflag:s12] =	ssyncset.done $0x0  }
0x2e5: {  	s0 =	rddreg [dreg:$0x1e];
	[sflag:s12] =	ssyncadd.s32 $0xFFFFC000  }
0x2e6: {  	[hbm4b:s0+s2] =	stream.linear.scatter [tilespmem:s2], [sflag:$0x3], $0x4000, $0x38;
	[tilespmem:$0x8000] =	vst v63  }
0x2e7: {  	_ =	swait.ge [sflag:s5], $0x4000  }
0x2e8: {  	[sflag:s5] =	ssyncset.done $0x0  }
0x2e9: {  	s0 =	rddreg [dreg:$0x1f];
	[sflag:s5] =	ssyncadd.s32 $0xFFFFC000  }
0x2ea: {  	[tilespmem:s8], [sflag:$0x2] =	stream.linear.gather [hbm4b:s0+s2], $0x4000, $0x38;
	[tilespmem:$0x8000] =	vst v63  }
0x2eb: {  	_ =	swait.ge [sflag:s9], $0x4000  }
0x2ec: {  	s0 =	sld [smem:$0x7BC]  }
0x2ed: {  	[sflag:s9] =	ssyncset.done $0x0  }
0x2ee: {  	[sflag:s9] =	ssyncadd.s32 $0xFFFFC000  }
0x2ef: {  	[hbm4b:s0+s2] =	stream.linear.scatter [tilespmem:s8], [sflag:$0x4], $0x4000, $0x38;
	[tilespmem:$0x8000] =	vst v63  }
0x2f0: {  	_ =	swait.ge [sflag:s6], $0x4000  }
0x2f1: {  	s0 =	sld [smem:$0x7BD]  }
0x2f2: {  	[sflag:s6] =	ssyncset.done $0x0  }
0x2f3: {  	[sflag:s6] =	ssyncadd.s32 $0xFFFFC000  }
0x2f4: {  	[tilespmem:s2], [sflag:$0x1] =	stream.linear.gather [hbm4b:s0+s2], $0x4000, $0x38;
	[tilespmem:$0x8000] =	vst v63  }
0x2f5: {  	_ =	swait.ge [sflag:s12], $0x4000  }
0x2f6: {  	s0 =	sld [smem:$0x7BE]  }
0x2f7: {  	[sflag:s12] =	ssyncset.done $0x0  }
0x2f8: {  	[sflag:s12] =	ssyncadd.s32 $0xFFFFC000  }
0x2f9: {  	[hbm4b:s0+s2] =	stream.linear.scatter [tilespmem:s2], [sflag:$0x3], $0x4000, $0x38;
	[tilespmem:$0x8000] =	vst v63  }
0x2fa: {  	_ =	swait.ge [sflag:s5], $0x4000  }
0x2fb: {  	s0 =	sld [smem:$0x7BF]  }
0x2fc: {  	[sflag:s5] =	ssyncset.done $0x0  }
0x2fd: {  	[sflag:s5] =	ssyncadd.s32 $0xFFFFC000  }
0x2fe: {  	[tilespmem:s8], [sflag:$0x2] =	stream.linear.gather [hbm4b:s0+s2], $0x4000, $0x38;
	[tilespmem:$0x8000] =	vst v63  }
0x2ff: {  	_ =	swait.ge [sflag:s9], $0x4000  }
0x300: {  	s0 =	sld [smem:$0x7C0]  }
0x301: {  	[sflag:s9] =	ssyncset.done $0x0  }
0x302: {  	[sflag:s9] =	ssyncadd.s32 $0xFFFFC000  }
0x303: {  	[hbm4b:s0+s2] =	stream.linear.scatter [tilespmem:s8], [sflag:$0x4], $0x4000, $0x38;
	[tilespmem:$0x8000] =	vst v63  }
0x304: {  	_ =	swait.ge [sflag:s6], $0x4000  }
0x305: {  	s0 =	sld [smem:$0x7C1]  }
0x306: {  	[sflag:s6] =	ssyncset.done $0x0  }
0x307: {  	[sflag:s6] =	ssyncadd.s32 $0xFFFFC000  }
0x308: {  	[tilespmem:s2], [sflag:$0x1] =	stream.linear.gather [hbm4b:s0+s2], $0x4000, $0x38;
	[tilespmem:$0x8000] =	vst v63  }
0x309: {  	_ =	swait.ge [sflag:s12], $0x4000  }
0x30a: {  	s0 =	sld [smem:$0x7C2]  }
0x30b: {  	[sflag:s12] =	ssyncset.done $0x0  }
0x30c: {  	[sflag:s12] =	ssyncadd.s32 $0xFFFFC000  }
0x30d: {  	[hbm4b:s0+s2] =	stream.linear.scatter [tilespmem:s2], [sflag:$0x3], $0x4000, $0x38;
	[tilespmem:$0x8000] =	vst v63  }
0x30e: {  	_ =	swait.ge [sflag:s5], $0x4000  }
0x30f: {  	s0 =	sld [smem:$0x7C3]  }
0x310: {  	[sflag:s5] =	ssyncset.done $0x0  }
0x311: {  	[sflag:s5] =	ssyncadd.s32 $0xFFFFC000  }
0x312: {  	[tilespmem:s8], [sflag:$0x2] =	stream.linear.gather [hbm4b:s0+s2], $0x4000, $0x38;
	[tilespmem:$0x8000] =	vst v63  }
0x313: {  	_ =	swait.ge [sflag:s9], $0x4000  }
0x314: {  	s0 =	sld [smem:$0x7C4]  }
0x315: {  	[sflag:s9] =	ssyncset.done $0x0  }
0x316: {  	[sflag:s9] =	ssyncadd.s32 $0xFFFFC000  }
0x317: {  	[hbm4b:s0+s2] =	stream.linear.scatter [tilespmem:s8], [sflag:$0x4], $0x4000, $0x38;
	[tilespmem:$0x8000] =	vst v63  }
0x318: {  	_ =	swait.ge [sflag:s6], $0x4000  }
0x319: {  	s0 =	sld [smem:$0x7C5]  }
0x31a: {  	[sflag:s6] =	ssyncset.done $0x0  }
0x31b: {  	[sflag:s6] =	ssyncadd.s32 $0xFFFFC000  }
0x31c: {  	[tilespmem:s2], [sflag:$0x1] =	stream.linear.gather [hbm4b:s0+s2], $0x4000, $0x38;
	[tilespmem:$0x8000] =	vst v63  }
0x31d: {  	_ =	swait.ge [sflag:s12], $0x4000  }
0x31e: {  	s0 =	sld [smem:$0x7C6]  }
0x31f: {  	[sflag:s12] =	ssyncset.done $0x0  }
0x320: {  	[sflag:s12] =	ssyncadd.s32 $0xFFFFC000  }
0x321: {  	[hbm4b:s0+s2] =	stream.linear.scatter [tilespmem:s2], [sflag:$0x3], $0x4000, $0x38;
	[tilespmem:$0x8000] =	vst v63  }
0x322: {  	_ =	swait.ge [sflag:s5], $0x4000  }
0x323: {  	s0 =	sld [smem:$0x7C7]  }
0x324: {  	[sflag:s5] =	ssyncset.done $0x0  }
0x325: {  	[sflag:s5] =	ssyncadd.s32 $0xFFFFC000  }
0x326: {  	[tilespmem:s8], [sflag:$0x2] =	stream.linear.gather [hbm4b:s0+s2], $0x4000, $0x38;
	[tilespmem:$0x8000] =	vst v63  }
0x327: {  	_ =	swait.ge [sflag:s9], $0x4000  }
0x328: {  	s0 =	sld [smem:$0x7C8]  }
0x329: {  	[sflag:s9] =	ssyncset.done $0x0  }
0x32a: {  	[sflag:s9] =	ssyncadd.s32 $0xFFFFC000  }
0x32b: {  	[hbm4b:s0+s2] =	stream.linear.scatter [tilespmem:s8], [sflag:$0x4], $0x4000, $0x38;
	[tilespmem:$0x8000] =	vst v63  }
0x32c: {  	_ =	swait.ge [sflag:s6], $0x4000  }
0x32d: {  	s0 =	sld [smem:$0x7C9]  }
0x32e: {  	[sflag:s6] =	ssyncset.done $0x0  }
0x32f: {  	[sflag:s6] =	ssyncadd.s32 $0xFFFFC000  }
0x330: {  	[tilespmem:s2], [sflag:$0x1] =	stream.linear.gather [hbm4b:s0+s2], $0x4000, $0x38;
	[tilespmem:$0x8000] =	vst v63  }
0x331: {  	_ =	swait.ge [sflag:s12], $0x4000  }
0x332: {  	s0 =	sld [smem:$0x7CA]  }
0x333: {  	[sflag:s12] =	ssyncset.done $0x0  }
0x334: {  	[sflag:s12] =	ssyncadd.s32 $0xFFFFC000  }
0x335: {  	[hbm4b:s0+s2] =	stream.linear.scatter [tilespmem:s2], [sflag:$0x3], $0x4000, $0x38;
	[tilespmem:$0x8000] =	vst v63  }
0x336: {  	_ =	swait.ge [sflag:s5], $0x4000  }
0x337: {  	s0 =	sld [smem:$0x7CB]  }
0x338: {  	[sflag:s5] =	ssyncset.done $0x0  }
0x339: {  	[sflag:s5] =	ssyncadd.s32 $0xFFFFC000  }
0x33a: {  	[tilespmem:s8], [sflag:$0x2] =	stream.linear.gather [hbm4b:s0+s2], $0x4000, $0x38;
	[tilespmem:$0x8000] =	vst v63  }
0x33b: {  	_ =	swait.ge [sflag:s9], $0x4000  }
0x33c: {  	s0 =	sld [smem:$0x7CC]  }
0x33d: {  	[sflag:s9] =	ssyncset.done $0x0  }
0x33e: {  	[sflag:s9] =	ssyncadd.s32 $0xFFFFC000  }
0x33f: {  	[hbm4b:s0+s2] =	stream.linear.scatter [tilespmem:s8], [sflag:$0x4], $0x4000, $0x38;
	[tilespmem:$0x8000] =	vst v63  }
0x340: {  	_ =	swait.ge [sflag:s6], $0x4000  }
0x341: {  	s0 =	sld [smem:$0x7CD]  }
0x342: {  	[sflag:s6] =	ssyncset.done $0x0  }
0x343: {  	[sflag:s6] =	ssyncadd.s32 $0xFFFFC000  }
0x344: {  	[tilespmem:s2], [sflag:$0x1] =	stream.linear.gather [hbm4b:s0+s2], $0x4000, $0x38;
	[tilespmem:$0x8000] =	vst v63  }
0x345: {  	_ =	swait.ge [sflag:s12], $0x4000  }
0x346: {  	s0 =	sld [smem:$0x7CE]  }
0x347: {  	[sflag:s12] =	ssyncset.done $0x0  }
0x348: {  	[sflag:s12] =	ssyncadd.s32 $0xFFFFC000  }
0x349: {  	[hbm4b:s0+s2] =	stream.linear.scatter [tilespmem:s2], [sflag:$0x3], $0x4000, $0x38;
	[tilespmem:$0x8000] =	vst v63  }
0x34a: {  	_ =	swait.ge [sflag:s5], $0x4000  }
0x34b: {  	s0 =	sld [smem:$0x7CF]  }
0x34c: {  	[sflag:s5] =	ssyncset.done $0x0  }
0x34d: {  	[sflag:s5] =	ssyncadd.s32 $0xFFFFC000  }
0x34e: {  	[tilespmem:s8], [sflag:$0x2] =	stream.linear.gather [hbm4b:s0+s2], $0x4000, $0x38;
	[tilespmem:$0x8000] =	vst v63  }
0x34f: {  	_ =	swait.ge [sflag:s9], $0x4000  }
0x350: {  	s0 =	sld [smem:$0x7D0]  }
0x351: {  	[sflag:s9] =	ssyncset.done $0x0  }
0x352: {  	[sflag:s9] =	ssyncadd.s32 $0xFFFFC000  }
0x353: {  	[hbm4b:s0+s2] =	stream.linear.scatter [tilespmem:s8], [sflag:$0x4], $0x4000, $0x38;
	[tilespmem:$0x8000] =	vst v63  }
0x354: {  	_ =	swait.ge [sflag:s6], $0x4000  }
0x355: {  	s0 =	sld [smem:$0x7D1]  }
0x356: {  	[sflag:s6] =	ssyncset.done $0x0  }
0x357: {  	[sflag:s6] =	ssyncadd.s32 $0xFFFFC000  }
0x358: {  	[tilespmem:s2], [sflag:$0x1] =	stream.linear.gather [hbm4b:s0+s2], $0x4000, $0x38;
	[tilespmem:$0x8000] =	vst v63  }
0x359: {  	_ =	swait.ge [sflag:s12], $0x4000  }
0x35a: {  	s0 =	sld [smem:$0x7D2]  }
0x35b: {  	[sflag:s12] =	ssyncset.done $0x0  }
0x35c: {  	[sflag:s12] =	ssyncadd.s32 $0xFFFFC000  }
0x35d: {  	[hbm4b:s0+s2] =	stream.linear.scatter [tilespmem:s2], [sflag:$0x3], $0x4000, $0x38;
	[tilespmem:$0x8000] =	vst v63  }
0x35e: {  	_ =	swait.ge [sflag:s5], $0x4000  }
0x35f: {  	s0 =	sld [smem:$0x7D3]  }
0x360: {  	[sflag:s5] =	ssyncset.done $0x0  }
0x361: {  	[sflag:s5] =	ssyncadd.s32 $0xFFFFC000  }
0x362: {  	[tilespmem:s8], [sflag:$0x2] =	stream.linear.gather [hbm4b:s0+s2], $0x4000, $0x38;
	[tilespmem:$0x8000] =	vst v63  }
0x363: {  	_ =	swait.ge [sflag:s9], $0x4000  }
0x364: {  	s0 =	sld [smem:$0x7D4]  }
0x365: {  	[sflag:s9] =	ssyncset.done $0x0  }
0x366: {  	[sflag:s9] =	ssyncadd.s32 $0xFFFFC000  }
0x367: {  	[hbm4b:s0+s2] =	stream.linear.scatter [tilespmem:s8], [sflag:$0x4], $0x4000, $0x38;
	[tilespmem:$0x8000] =	vst v63  }
0x368: {  	_ =	swait.ge [sflag:s6], $0x4000  }
0x369: {  	s0 =	sld [smem:$0x7D5]  }
0x36a: {  	[sflag:s6] =	ssyncset.done $0x0  }
0x36b: {  	[sflag:s6] =	ssyncadd.s32 $0xFFFFC000  }
0x36c: {  	[tilespmem:s2], [sflag:$0x1] =	stream.linear.gather [hbm4b:s0+s2], $0x4000, $0x38;
	[tilespmem:$0x8000] =	vst v63  }
0x36d: {  	_ =	swait.ge [sflag:s12], $0x4000  }
0x36e: {  	s0 =	sld [smem:$0x7D6]  }
0x36f: {  	[sflag:s12] =	ssyncset.done $0x0  }
0x370: {  	[sflag:s12] =	ssyncadd.s32 $0xFFFFC000  }
0x371: {  	[hbm4b:s0+s2] =	stream.linear.scatter [tilespmem:s2], [sflag:$0x3], $0x4000, $0x38;
	[tilespmem:$0x8000] =	vst v63  }
0x372: {  	_ =	swait.ge [sflag:s5], $0x4000  }
0x373: {  	s0 =	sld [smem:$0x7D7]  }
0x374: {  	[sflag:s5] =	ssyncset.done $0x0  }
0x375: {  	[sflag:s5] =	ssyncadd.s32 $0xFFFFC000  }
0x376: {  	[tilespmem:s8], [sflag:$0x2] =	stream.linear.gather [hbm4b:s0+s2], $0x4000, $0x38;
	[tilespmem:$0x8000] =	vst v63  }
0x377: {  	_ =	swait.ge [sflag:s9], $0x4000  }
0x378: {  	s0 =	sld [smem:$0x7D8]  }
0x379: {  	[sflag:s9] =	ssyncset.done $0x0  }
0x37a: {  	[sflag:s9] =	ssyncadd.s32 $0xFFFFC000  }
0x37b: {  	[hbm4b:s0+s2] =	stream.linear.scatter [tilespmem:s8], [sflag:$0x4], $0x4000, $0x38;
	[tilespmem:$0x8000] =	vst v63  }
0x37c: {  	_ =	swait.ge [sflag:s6], $0x4000  }
0x37d: {  	s0 =	sld [smem:$0x7D9]  }
0x37e: {  	[sflag:s6] =	ssyncset.done $0x0  }
0x37f: {  	[sflag:s6] =	ssyncadd.s32 $0xFFFFC000  }
0x380: {  	[tilespmem:s2], [sflag:$0x1] =	stream.linear.gather [hbm4b:s0+s2], $0x4000, $0x38;
	[tilespmem:$0x8000] =	vst v63  }
0x381: {  	_ =	swait.ge [sflag:s12], $0x4000  }
0x382: {  	s0 =	sld [smem:$0x7DA]  }
0x383: {  	[sflag:s12] =	ssyncset.done $0x0  }
0x384: {  	[sflag:s12] =	ssyncadd.s32 $0xFFFFC000  }
0x385: {  	[hbm4b:s0+s2] =	stream.linear.scatter [tilespmem:s2], [sflag:$0x3], $0x4000, $0x38;
	[tilespmem:$0x8000] =	vst v63  }
0x386: {  	_ =	swait.ge [sflag:s5], $0x4000  }
0x387: {  	s0 =	sld [smem:$0x7DC]  }
0x388: {  	[sflag:s5] =	ssyncset.done $0x0  }
0x389: {  	[sflag:s5] =	ssyncadd.s32 $0xFFFFC000  }
0x38a: {  	[tilespmem:s8], [sflag:$0x2] =	stream.linear.gather [hbm4b:s0+s2], $0x4000, $0x38;
	[tilespmem:$0x8000] =	vst v63  }
0x38b: {  	_ =	swait.ge [sflag:s9], $0x4000  }
0x38c: {  	s0 =	sld [smem:$0x7DD]  }
0x38d: {  	[sflag:s9] =	ssyncset.done $0x0  }
0x38e: {  	[sflag:s9] =	ssyncadd.s32 $0xFFFFC000  }
0x38f: {  	[hbm4b:s0+s2] =	stream.linear.scatter [tilespmem:s8], [sflag:$0x4], $0x4000, $0x38;
	[tilespmem:$0x8000] =	vst v63  }
0x390: {  	_ =	swait.ge [sflag:s6], $0x4000  }
0x391: {  	s0 =	sld [smem:$0x7DF]  }
0x392: {  	[sflag:s6] =	ssyncset.done $0x0  }
0x393: {  	[sflag:s6] =	ssyncadd.s32 $0xFFFFC000  }
0x394: {  	[tilespmem:s2], [sflag:$0x1] =	stream.linear.gather [hbm4b:s0+s2], $0x4000, $0x38;
	[tilespmem:$0x8000] =	vst v63  }
0x395: {  	_ =	swait.ge [sflag:s12], $0x4000  }
0x396: {  	s0 =	sld [smem:$0x7E0]  }
0x397: {  	[sflag:s12] =	ssyncset.done $0x0  }
0x398: {  	[sflag:s12] =	ssyncadd.s32 $0xFFFFC000  }
0x399: {  	[hbm4b:s0+s2] =	stream.linear.scatter [tilespmem:s2], [sflag:$0x3], $0x4000, $0x38;
	[tilespmem:$0x8000] =	vst v63  }
0x39a: {  	_ =	swait.ge [sflag:s5], $0x4000  }
0x39b: {  	s0 =	sld [smem:$0x7E2]  }
0x39c: {  	[sflag:s5] =	ssyncset.done $0x0  }
0x39d: {  	[sflag:s5] =	ssyncadd.s32 $0xFFFFC000  }
0x39e: {  	[tilespmem:s8], [sflag:$0x2] =	stream.linear.gather [hbm4b:s0+s2], $0x4000, $0x38;
	[tilespmem:$0x8000] =	vst v63  }
0x39f: {  	_ =	swait.ge [sflag:s9], $0x4000  }
0x3a0: {  	s0 =	sld [smem:$0x7E3]  }
0x3a1: {  	[sflag:s9] =	ssyncset.done $0x0  }
0x3a2: {  	[sflag:s9] =	ssyncadd.s32 $0xFFFFC000  }
0x3a3: {  	[hbm4b:s0+s2] =	stream.linear.scatter [tilespmem:s8], [sflag:$0x4], $0x4000, $0x38;
	[tilespmem:$0x8000] =	vst v63  }
0x3a4: {  	_ =	swait.ge [sflag:s6], $0x4000  }
0x3a5: {  	s0 =	sld [smem:$0x7E4]  }
0x3a6: {  	[sflag:s6] =	ssyncset.done $0x0  }
0x3a7: {  	[sflag:s6] =	ssyncadd.s32 $0xFFFFC000  }
0x3a8: {  	[tilespmem:s2], [sflag:$0x1] =	stream.linear.gather [hbm4b:s0+s2], $0x4000, $0x38;
	[tilespmem:$0x8000] =	vst v63  }
0x3a9: {  	_ =	swait.ge [sflag:s12], $0x4000  }
0x3aa: {  	s0 =	sld [smem:$0x7E5]  }
0x3ab: {  	[sflag:s12] =	ssyncset.done $0x0  }
0x3ac: {  	[sflag:s12] =	ssyncadd.s32 $0xFFFFC000  }
0x3ad: {  	[hbm4b:s0+s2] =	stream.linear.scatter [tilespmem:s2], [sflag:$0x3], $0x4000, $0x38;
	[tilespmem:$0x8000] =	vst v63  }
0x3ae: {  	_ =	swait.ge [sflag:s5], $0x4000  }
0x3af: {  	s0 =	sld [smem:$0x7E6]  }
0x3b0: {  	[sflag:s5] =	ssyncset.done $0x0  }
0x3b1: {  	[sflag:s5] =	ssyncadd.s32 $0xFFFFC000  }
0x3b2: {  	[tilespmem:s8], [sflag:$0x2] =	stream.linear.gather [hbm4b:s0+s2], $0x4000, $0x38;
	[tilespmem:$0x8000] =	vst v63  }
0x3b3: {  	_ =	swait.ge [sflag:s9], $0x4000  }
0x3b4: {  	s0 =	sld [smem:$0x7E7]  }
0x3b5: {  	[sflag:s9] =	ssyncset.done $0x0  }
0x3b6: {  	[sflag:s9] =	ssyncadd.s32 $0xFFFFC000  }
0x3b7: {  	[hbm4b:s0+s2] =	stream.linear.scatter [tilespmem:s8], [sflag:$0x4], $0x4000, $0x38;
	[tilespmem:$0x8000] =	vst v63  }
0x3b8: {  	_ =	swait.ge [sflag:s6], $0x4000  }
0x3b9: {  	s0 =	sld [smem:$0x7E8]  }
0x3ba: {  	[sflag:s6] =	ssyncset.done $0x0  }
0x3bb: {  	[sflag:s6] =	ssyncadd.s32 $0xFFFFC000  }
0x3bc: {  	[tilespmem:s2], [sflag:$0x1] =	stream.linear.gather [hbm4b:s0+s2], $0x4000, $0x38;
	[tilespmem:$0x8000] =	vst v63  }
0x3bd: {  	_ =	swait.ge [sflag:s12], $0x4000  }
0x3be: {  	s0 =	sld [smem:$0x7E9]  }
0x3bf: {  	[sflag:s12] =	ssyncset.done $0x0  }
0x3c0: {  	[sflag:s12] =	ssyncadd.s32 $0xFFFFC000  }
0x3c1: {  	[hbm4b:s0+s2] =	stream.linear.scatter [tilespmem:s2], [sflag:$0x3], $0x4000, $0x38;
	[tilespmem:$0x8000] =	vst v63  }
0x3c2: {  	_ =	swait.ge [sflag:s5], $0x4000  }
0x3c3: {  	s0 =	sld [smem:$0x7EA]  }
0x3c4: {  	[sflag:s5] =	ssyncset.done $0x0  }
0x3c5: {  	[sflag:s5] =	ssyncadd.s32 $0xFFFFC000  }
0x3c6: {  	[tilespmem:s8], [sflag:$0x2] =	stream.linear.gather [hbm4b:s0+s2], $0x4000, $0x38;
	[tilespmem:$0x8000] =	vst v63  }
0x3c7: {  	_ =	swait.ge [sflag:s9], $0x4000  }
0x3c8: {  	s0 =	sld [smem:$0x7EB]  }
0x3c9: {  	[sflag:s9] =	ssyncset.done $0x0  }
0x3ca: {  	[sflag:s9] =	ssyncadd.s32 $0xFFFFC000  }
0x3cb: {  	[hbm4b:s0+s2] =	stream.linear.scatter [tilespmem:s8], [sflag:$0x4], $0x4000, $0x38;
	[tilespmem:$0x8000] =	vst v63  }
0x3cc: {  	_ =	swait.ge [sflag:s6], $0x4000  }
0x3cd: {  	s0 =	sld [smem:$0x7EC]  }
0x3ce: {  	[sflag:s6] =	ssyncset.done $0x0  }
0x3cf: {  	[sflag:s6] =	ssyncadd.s32 $0xFFFFC000  }
0x3d0: {  	[tilespmem:s2], [sflag:$0x1] =	stream.linear.gather [hbm4b:s0+s2], $0x4000, $0x38;
	[tilespmem:$0x8000] =	vst v63  }
0x3d1: {  	_ =	swait.ge [sflag:s12], $0x4000  }
0x3d2: {  	s0 =	sld [smem:$0x7ED]  }
0x3d3: {  	[sflag:s12] =	ssyncset.done $0x0  }
0x3d4: {  	[sflag:s12] =	ssyncadd.s32 $0xFFFFC000  }
0x3d5: {  	[hbm4b:s0+s2] =	stream.linear.scatter [tilespmem:s2], [sflag:$0x3], $0x4000, $0x38;
	[tilespmem:$0x8000] =	vst v63  }
0x3d6: {  	_ =	swait.ge [sflag:s5], $0x4000  }
0x3d7: {  	s0 =	sld [smem:$0x7EE]  }
0x3d8: {  	[sflag:s5] =	ssyncset.done $0x0  }
0x3d9: {  	[sflag:s5] =	ssyncadd.s32 $0xFFFFC000  }
0x3da: {  	[tilespmem:s8], [sflag:$0x2] =	stream.linear.gather [hbm4b:s0+s2], $0x4000, $0x38;
	[tilespmem:$0x8000] =	vst v63  }
0x3db: {  	_ =	swait.ge [sflag:s9], $0x4000  }
0x3dc: {  	s0 =	sld [smem:$0x7EF]  }
0x3dd: {  	[sflag:s9] =	ssyncset.done $0x0  }
0x3de: {  	[sflag:s9] =	ssyncadd.s32 $0xFFFFC000  }
0x3df: {  	[hbm4b:s0+s2] =	stream.linear.scatter [tilespmem:s8], [sflag:$0x4], $0x4000, $0x38;
	[tilespmem:$0x8000] =	vst v63  }
0x3e0: {  	_ =	swait.ge [sflag:s6], $0x4000  }
0x3e1: {  	s0 =	sld [smem:$0x7F0]  }
0x3e2: {  	[sflag:s6] =	ssyncset.done $0x0  }
0x3e3: {  	[sflag:s6] =	ssyncadd.s32 $0xFFFFC000  }
0x3e4: {  	[tilespmem:s2], [sflag:$0x1] =	stream.linear.gather [hbm4b:s0+s2], $0x4000, $0x38;
	[tilespmem:$0x8000] =	vst v63  }
0x3e5: {  	_ =	swait.ge [sflag:s12], $0x4000  }
0x3e6: {  	s0 =	sld [smem:$0x7F1]  }
0x3e7: {  	[sflag:s12] =	ssyncset.done $0x0  }
0x3e8: {  	[sflag:s12] =	ssyncadd.s32 $0xFFFFC000  }
0x3e9: {  	[hbm4b:s0+s2] =	stream.linear.scatter [tilespmem:s2], [sflag:$0x3], $0x4000, $0x38;
	[tilespmem:$0x8000] =	vst v63  }
0x3ea: {  	_ =	swait.ge [sflag:s5], $0x4000  }
0x3eb: {  	s0 =	sld [smem:$0x7F2]  }
0x3ec: {  	[sflag:s5] =	ssyncset.done $0x0  }
0x3ed: {  	[sflag:s5] =	ssyncadd.s32 $0xFFFFC000  }
0x3ee: {  	[tilespmem:s8], [sflag:$0x2] =	stream.linear.gather [hbm4b:s0+s2], $0x4000, $0x38;
	[tilespmem:$0x8000] =	vst v63  }
0x3ef: {  	_ =	swait.ge [sflag:s9], $0x4000  }
0x3f0: {  	s0 =	sld [smem:$0x7F3]  }
0x3f1: {  	[sflag:s9] =	ssyncset.done $0x0  }
0x3f2: {  	[sflag:s9] =	ssyncadd.s32 $0xFFFFC000  }
0x3f3: {  	[hbm4b:s0+s2] =	stream.linear.scatter [tilespmem:s8], [sflag:$0x4], $0x4000, $0x38;
	[tilespmem:$0x8000] =	vst v63  }
0x3f4: {  	_ =	swait.ge [sflag:s6], $0x4000  }
0x3f5: {  	s0 =	sld [smem:$0x7F4]  }
0x3f6: {  	[sflag:s6] =	ssyncset.done $0x0  }
0x3f7: {  	[sflag:s6] =	ssyncadd.s32 $0xFFFFC000  }
0x3f8: {  	[tilespmem:s2], [sflag:$0x1] =	stream.linear.gather [hbm4b:s0+s2], $0x4000, $0x38;
	[tilespmem:$0x8000] =	vst v63  }
0x3f9: {  	_ =	swait.ge [sflag:s12], $0x4000  }
0x3fa: {  	s0 =	sld [smem:$0x7F5]  }
0x3fb: {  	[sflag:s12] =	ssyncset.done $0x0  }
0x3fc: {  	[sflag:s12] =	ssyncadd.s32 $0xFFFFC000  }
0x3fd: {  	[hbm4b:s0+s2] =	stream.linear.scatter [tilespmem:s2], [sflag:$0x3], $0x4000, $0x38;
	[tilespmem:$0x8000] =	vst v63  }
0x3fe: {  	_ =	swait.ge [sflag:s5], $0x4000  }
0x3ff: {  	s0 =	sld [smem:$0x7F6]  }
0x400: {  	[sflag:s5] =	ssyncset.done $0x0  }
0x401: {  	[sflag:s5] =	ssyncadd.s32 $0xFFFFC000  }
0x402: {  	[tilespmem:s8], [sflag:$0x2] =	stream.linear.gather [hbm4b:s0+s2], $0x4000, $0x38;
	[tilespmem:$0x8000] =	vst v63  }
0x403: {  	_ =	swait.ge [sflag:s9], $0x4000  }
0x404: {  	s0 =	sld [smem:$0x7F7]  }
0x405: {  	[sflag:s9] =	ssyncset.done $0x0  }
0x406: {  	[sflag:s9] =	ssyncadd.s32 $0xFFFFC000  }
0x407: {  	[hbm4b:s0+s2] =	stream.linear.scatter [tilespmem:s8], [sflag:$0x4], $0x4000, $0x38;
	[tilespmem:$0x8000] =	vst v63  }
0x408: {  	_ =	swait.ge [sflag:s6], $0x4000  }
0x409: {  	s0 =	sld [smem:$0x7F8]  }
0x40a: {  	[sflag:s6] =	ssyncset.done $0x0  }
0x40b: {  	[sflag:s6] =	ssyncadd.s32 $0xFFFFC000  }
0x40c: {  	[tilespmem:s2], [sflag:$0x1] =	stream.linear.gather [hbm4b:s0+s2], $0x4000, $0x38;
	[tilespmem:$0x8000] =	vst v63  }
0x40d: {  	_ =	swait.ge [sflag:s12], $0x4000  }
0x40e: {  	s0 =	sld [smem:$0x7F9]  }
0x40f: {  	[sflag:s12] =	ssyncset.done $0x0  }
0x410: {  	[sflag:s12] =	ssyncadd.s32 $0xFFFFC000  }
0x411: {  	[hbm4b:s0+s2] =	stream.linear.scatter [tilespmem:s2], [sflag:$0x3], $0x4000, $0x38;
	[tilespmem:$0x8000] =	vst v63  }
0x412: {  	_ =	swait.ge [sflag:s5], $0x4000  }
0x413: {  	s0 =	sld [smem:$0x7FB]  }
0x414: {  	[sflag:s5] =	ssyncset.done $0x0  }
0x415: {  	[sflag:s5] =	ssyncadd.s32 $0xFFFFC000  }
0x416: {  	[tilespmem:s8], [sflag:$0x2] =	stream.linear.gather [hbm4b:s0+s2], $0x4000, $0x38;
	[tilespmem:$0x8000] =	vst v63  }
0x417: {  	_ =	swait.ge [sflag:s9], $0x4000  }
0x418: {  	s0 =	sld [smem:$0x7FC]  }
0x419: {  	[sflag:s9] =	ssyncset.done $0x0  }
0x41a: {  	[sflag:s9] =	ssyncadd.s32 $0xFFFFC000  }
0x41b: {  	[hbm4b:s0+s2] =	stream.linear.scatter [tilespmem:s8], [sflag:$0x4], $0x4000, $0x38;
	[tilespmem:$0x8000] =	vst v63  }
0x41c: {  	_ =	swait.ge [sflag:s6], $0x4000  }
0x41d: {  	s0 =	sld [smem:$0x7FD]  }
0x41e: {  	[sflag:s6] =	ssyncset.done $0x0  }
0x41f: {  	[sflag:s6] =	ssyncadd.s32 $0xFFFFC000  }
0x420: {  	[tilespmem:s2], [sflag:$0x1] =	stream.linear.gather [hbm4b:s0+s2], $0x4000, $0x38;
	[tilespmem:$0x8000] =	vst v63  }
0x421: {  	_ =	swait.ge [sflag:s12], $0x4000  }
0x422: {  	[sflag:s12] =	ssyncset.done $0x0  }
0x423: {  	[sflag:s12] =	ssyncadd.s32 $0xFFFFC000  }
0x424: {  	[hbm4b:s31+s2] =	stream.linear.scatter [tilespmem:s2], [sflag:$0x3], $0x4000, $0x38;
	[tilespmem:$0x8000] =	vst v63  }
0x425: {  	_ =	swait.ge [sflag:s5], $0x4000  }
0x426: {  	[sflag:s5] =	ssyncset.done $0x0  }
0x427: {  	[sflag:s5] =	ssyncadd.s32 $0xFFFFC000  }
0x428: {  	[tilespmem:s8], [sflag:$0x2] =	stream.linear.gather [hbm4b:s30+s2], $0x4000, $0x38;
	[tilespmem:$0x8000] =	vst v63  }
0x429: {  	_ =	swait.ge [sflag:s9], $0x4000  }
0x42a: {  	[sflag:s9] =	ssyncset.done $0x0  }
0x42b: {  	[sflag:s9] =	ssyncadd.s32 $0xFFFFC000  }
0x42c: {  	[hbm4b:s29+s2] =	stream.linear.scatter [tilespmem:s8], [sflag:$0x4], $0x4000, $0x38;
	[tilespmem:$0x8000] =	vst v63  }
0x42d: {  	_ =	swait.ge [sflag:s6], $0x4000  }
0x42e: {  	[sflag:s6] =	ssyncset.done $0x0  }
0x42f: {  	[sflag:s6] =	ssyncadd.s32 $0xFFFFC000  }
0x430: {  	[tilespmem:s2], [sflag:$0x1] =	stream.linear.gather [hbm4b:s28+s2], $0x4000, $0x38;
	[tilespmem:$0x8000] =	vst v63  }
0x431: {  	_ =	swait.ge [sflag:s12], $0x4000  }
0x432: {  	[sflag:s12] =	ssyncset.done $0x0  }
0x433: {  	[sflag:s12] =	ssyncadd.s32 $0xFFFFC000  }
0x434: {  	[hbm4b:s26+s2] =	stream.linear.scatter [tilespmem:s2], [sflag:$0x3], $0x4000, $0x38;
	[tilespmem:$0x8000] =	vst v63  }
0x435: {  	_ =	swait.ge [sflag:s5], $0x4000  }
0x436: {  	[sflag:s5] =	ssyncset.done $0x0  }
0x437: {  	[sflag:s5] =	ssyncadd.s32 $0xFFFFC000  }
0x438: {  	[tilespmem:s8], [sflag:$0x2] =	stream.linear.gather [hbm4b:s25+s2], $0x4000, $0x38;
	[tilespmem:$0x8000] =	vst v63  }
0x439: {  	_ =	swait.ge [sflag:s9], $0x4000  }
0x43a: {  	[sflag:s9] =	ssyncset.done $0x0  }
0x43b: {  	[sflag:s9] =	ssyncadd.s32 $0xFFFFC000  }
0x43c: {  	[hbm4b:s24+s2] =	stream.linear.scatter [tilespmem:s8], [sflag:$0x4], $0x4000, $0x38;
	[tilespmem:$0x8000] =	vst v63  }
0x43d: {  	_ =	swait.ge [sflag:s6], $0x4000  }
0x43e: {  	[sflag:s6] =	ssyncset.done $0x0  }
0x43f: {  	[sflag:s6] =	ssyncadd.s32 $0xFFFFC000  }
0x440: {  	[tilespmem:s2], [sflag:$0x1] =	stream.linear.gather [hbm4b:s23+s2], $0x4000, $0x38;
	[tilespmem:$0x8000] =	vst v63  }
0x441: {  	_ =	swait.ge [sflag:s12], $0x4000  }
0x442: {  	[sflag:s12] =	ssyncset.done $0x0  }
0x443: {  	[sflag:s12] =	ssyncadd.s32 $0xFFFFC000  }
0x444: {  	[hbm4b:s22+s2] =	stream.linear.scatter [tilespmem:s2], [sflag:$0x3], $0x4000, $0x38;
	[tilespmem:$0x8000] =	vst v63  }
0x445: {  	_ =	swait.ge [sflag:s5], $0x4000  }
0x446: {  	[sflag:s5] =	ssyncset.done $0x0  }
0x447: {  	[sflag:s5] =	ssyncadd.s32 $0xFFFFC000  }
0x448: {  	[tilespmem:s8], [sflag:$0x2] =	stream.linear.gather [hbm4b:s21+s2], $0x4000, $0x38;
	[tilespmem:$0x8000] =	vst v63  }
0x449: {  	_ =	swait.ge [sflag:s9], $0x4000  }
0x44a: {  	[sflag:s9] =	ssyncset.done $0x0  }
0x44b: {  	[sflag:s9] =	ssyncadd.s32 $0xFFFFC000  }
0x44c: {  	[hbm4b:s20+s2] =	stream.linear.scatter [tilespmem:s8], [sflag:$0x4], $0x4000, $0x38;
	[tilespmem:$0x8000] =	vst v63  }
0x44d: {  	_ =	swait.ge [sflag:s6], $0x4000  }
0x44e: {  	[sflag:s6] =	ssyncset.done $0x0  }
0x44f: {  	[sflag:s6] =	ssyncadd.s32 $0xFFFFC000  }
0x450: {  	[tilespmem:s2], [sflag:$0x1] =	stream.linear.gather [hbm4b:s19+s2], $0x4000, $0x38;
	[tilespmem:$0x8000] =	vst v63  }
0x451: {  	_ =	swait.ge [sflag:s12], $0x4000  }
0x452: {  	[sflag:s12] =	ssyncset.done $0x0  }
0x453: {  	[sflag:s12] =	ssyncadd.s32 $0xFFFFC000  }
0x454: {  	[hbm4b:s18+s2] =	stream.linear.scatter [tilespmem:s2], [sflag:$0x3], $0x4000, $0x38;
	[tilespmem:$0x8000] =	vst v63  }
0x455: {  	_ =	swait.ge [sflag:s5], $0x4000  }
0x456: {  	[sflag:s5] =	ssyncset.done $0x0  }
0x457: {  	[sflag:s5] =	ssyncadd.s32 $0xFFFFC000  }
0x458: {  	[tilespmem:s8], [sflag:$0x2] =	stream.linear.gather [hbm4b:s17+s2], $0x4000, $0x38;
	[tilespmem:$0x8000] =	vst v63  }
0x459: {  	_ =	swait.ge [sflag:s9], $0x4000  }
0x45a: {  	[sflag:s9] =	ssyncset.done $0x0  }
0x45b: {  	[sflag:s9] =	ssyncadd.s32 $0xFFFFC000  }
0x45c: {  	[hbm4b:s16+s2] =	stream.linear.scatter [tilespmem:s8], [sflag:$0x4], $0x4000, $0x38;
	[tilespmem:$0x8000] =	vst v63  }
0x45d: {  	_ =	swait.ge [sflag:s6], $0x4000  }
0x45e: {  	[sflag:s6] =	ssyncset.done $0x0  }
0x45f: {  	[sflag:s6] =	ssyncadd.s32 $0xFFFFC000  }
0x460: {  	[tilespmem:s2], [sflag:$0x1] =	stream.linear.gather [hbm4b:s15+s2], $0x4000, $0x38;
	[tilespmem:$0x8000] =	vst v63  }
0x461: {  	_ =	swait.ge [sflag:s12], $0x4000  }
0x462: {  	[sflag:s12] =	ssyncset.done $0x0  }
0x463: {  	[sflag:s12] =	ssyncadd.s32 $0xFFFFC000  }
0x464: {  	[hbm4b:s14+s2] =	stream.linear.scatter [tilespmem:s2], [sflag:$0x3], $0x4000, $0x38;
	[tilespmem:$0x8000] =	vst v63  }
0x465: {  	_ =	swait.ge [sflag:s5], $0x4000  }
0x466: {  	[sflag:s5] =	ssyncset.done $0x0  }
0x467: {  	[sflag:s5] =	ssyncadd.s32 $0xFFFFC000  }
0x468: {  	[tilespmem:s8], [sflag:$0x2] =	stream.linear.gather [hbm4b:s13+s2], $0x4000, $0x38;
	[tilespmem:$0x8000] =	vst v63  }
0x469: {  	_ =	swait.ge [sflag:s9], $0x4000  }
0x46a: {  	[sflag:s9] =	ssyncset.done $0x0  }
0x46b: {  	[sflag:s9] =	ssyncadd.s32 $0xFFFFC000  }
0x46c: {  	[hbm4b:s11+s2] =	stream.linear.scatter [tilespmem:s8], [sflag:$0x4], $0x4000, $0x38;
	[tilespmem:$0x8000] =	vst v63  }
0x46d: {  	_ =	swait.ge [sflag:s6], $0x4000  }
0x46e: {  	[sflag:s6] =	ssyncset.done $0x0  }
0x46f: {  	[sflag:s6] =	ssyncadd.s32 $0xFFFFC000  }
0x470: {  	[tilespmem:s2], [sflag:$0x1] =	stream.linear.gather [hbm4b:s10+s2], $0x4000, $0x38;
	[tilespmem:$0x8000] =	vst v63  }
0x471: {  	_ =	swait.ge [sflag:s12], $0x4000  }
0x472: {  	[sflag:s12] =	ssyncset.done $0x0  }
0x473: {  	[sflag:s12] =	ssyncadd.s32 $0xFFFFC000  }
0x474: {  	[hbm4b:s7+s2] =	stream.linear.scatter [tilespmem:s2], [sflag:$0x3], $0x4000, $0x38;
	[tilespmem:$0x8000] =	vst v63  }
0x475: {  	_ =	swait.ge [sflag:s5], $0x4000  }
0x476: {  	[sflag:s5] =	ssyncset.done $0x0  }
0x477: {  	[sflag:s5] =	ssyncadd.s32 $0xFFFFC000  }
0x478: {  	[tilespmem:s8], [sflag:$0x2] =	stream.linear.gather [hbm4b:s4+s2], $0x4000, $0x38;
	[tilespmem:$0x8000] =	vst v63  }
0x479: {  	_ =	swait.ge [sflag:s9], $0x4000  }
0x47a: {  	[sflag:s9] =	ssyncset.done $0x0  }
0x47b: {  	[sflag:s9] =	ssyncadd.s32 $0xFFFFC000  }
0x47c: {  	[hbm4b:s3+s2] =	stream.linear.scatter [tilespmem:s8], [sflag:$0x4], $0x4000, $0x38;
	[tilespmem:$0x8000] =	vst v63  }
.Ltmp2:
0x47d: {  	_ =	swait.ge [sflag:s6], $0x4000;
	(pc) =	sbr.rel @p1 .LBB2_2-.Ltmp2, $4  }
0x47e: {  	[sflag:s6] =	ssyncset.done $0x0  }
0x47f: {  	[sflag:s6] =	ssyncadd.s32 $0xFFFFC000  }
0x480: {  	_ =	swait.ge [sflag:s5], $0x4000  }
0x481: {  	s0 =	rddreg [dreg:$0x5];
	[sflag:s5] =	ssyncset.done $0x0  }
.LBB2_3:
0x482: {  	[sflag:s5] =	ssyncadd.s32 @p0 $0xFFFFC000  }
0x483: {  	[tilespmem:s2], [sflag:$0x1] =	stream.linear.gather [hbm4b:s0+s2], $0x4000, $0x38;
	[tilespmem:$0x8000] =	vst v63  }
0x484: {  	_ =	swait.ge [sflag:s12], $0x4000  }
0x485: {  	[sflag:s12] =	ssyncset.done $0x0  }
0x486: {  	s0 =	rddreg [dreg:$0x6];
	[sflag:s12] =	ssyncadd.s32 $0xFFFFC000  }
0x487: {  	[hbm4b:s0+s2] =	stream.linear.scatter [tilespmem:s2], [sflag:$0x3], $0x4000, $0x38;
	[tilespmem:$0x8000] =	vst v63  }
0x488: {  	s1 =	rddreg [dreg:$0x7]  }
0x489: {  	[tilespmem:s8], [sflag:$0x2] =	stream.linear.gather [hbm4b:s1+s2], $0x4000, $0x38;
	[tilespmem:$0x8000] =	vst v63  }
0x48a: {  	_ =	swait.ge [sflag:s9], $0x4000  }
0x48b: {  	[sflag:s9] =	ssyncset.done $0x0  }
0x48c: {  	s1 =	rddreg [dreg:$0x8];
	[sflag:s9] =	ssyncadd.s32 $0xFFFFC000  }
0x48d: {  	[hbm4b:s1+s2] =	stream.linear.scatter [tilespmem:s8], [sflag:$0x4], $0x4000, $0x38;
	[tilespmem:$0x8000] =	vst v63  }
0x48e: {  	_ =	swait.ge [sflag:s6], $0x4000  }
0x48f: {  	[sflag:s6] =	ssyncset.done $0x0  }
0x490: {  	s1 =	rddreg [dreg:$0x9];
	[sflag:s6] =	ssyncadd.s32 $0xFFFFC000  }
0x491: {  	[tilespmem:s2], [sflag:$0x1] =	stream.linear.gather [hbm4b:s1+s2], $0x4000, $0x38;
	[tilespmem:$0x8000] =	vst v63  }
0x492: {  	_ =	swait.ge [sflag:s12], $0x4000  }
0x493: {  	[sflag:s12] =	ssyncset.done $0x0  }
0x494: {  	s1 =	rddreg [dreg:$0xa];
	[sflag:s12] =	ssyncadd.s32 $0xFFFFC000  }
0x495: {  	[hbm4b:s1+s2] =	stream.linear.scatter [tilespmem:s2], [sflag:$0x3], $0x4000, $0x38;
	[tilespmem:$0x8000] =	vst v63  }
0x496: {  	_ =	swait.ge [sflag:s5], $0x4000  }
0x497: {  	[sflag:s5] =	ssyncset.done $0x0  }
0x498: {  	s1 =	rddreg [dreg:$0xb];
	[sflag:s5] =	ssyncadd.s32 $0xFFFFC000  }
0x499: {  	[tilespmem:s8], [sflag:$0x2] =	stream.linear.gather [hbm4b:s1+s2], $0x4000, $0x38;
	[tilespmem:$0x8000] =	vst v63  }
0x49a: {  	_ =	swait.ge [sflag:s9], $0x4000  }
0x49b: {  	[sflag:s9] =	ssyncset.done $0x0  }
0x49c: {  	s1 =	rddreg [dreg:$0xc];
	[sflag:s9] =	ssyncadd.s32 $0xFFFFC000  }
0x49d: {  	[hbm4b:s1+s2] =	stream.linear.scatter [tilespmem:s8], [sflag:$0x4], $0x4000, $0x38;
	[tilespmem:$0x8000] =	vst v63  }
0x49e: {  	_ =	swait.ge [sflag:s6], $0x4000  }
0x49f: {  	[sflag:s6] =	ssyncset.done $0x0  }
0x4a0: {  	s1 =	rddreg [dreg:$0xd];
	[sflag:s6] =	ssyncadd.s32 $0xFFFFC000  }
0x4a1: {  	[tilespmem:s2], [sflag:$0x1] =	stream.linear.gather [hbm4b:s1+s2], $0x4000, $0x38;
	[tilespmem:$0x8000] =	vst v63  }
0x4a2: {  	_ =	swait.ge [sflag:s12], $0x4000  }
0x4a3: {  	[sflag:s12] =	ssyncset.done $0x0  }
0x4a4: {  	s1 =	rddreg [dreg:$0xe];
	[sflag:s12] =	ssyncadd.s32 $0xFFFFC000  }
0x4a5: {  	[hbm4b:s1+s2] =	stream.linear.scatter [tilespmem:s2], [sflag:$0x3], $0x4000, $0x38;
	[tilespmem:$0x8000] =	vst v63  }
0x4a6: {  	_ =	swait.ge [sflag:s5], $0x4000  }
0x4a7: {  	[sflag:s5] =	ssyncset.done $0x0  }
0x4a8: {  	s1 =	rddreg [dreg:$0xf];
	[sflag:s5] =	ssyncadd.s32 $0xFFFFC000  }
0x4a9: {  	[tilespmem:s8], [sflag:$0x2] =	stream.linear.gather [hbm4b:s1+s2], $0x4000, $0x38;
	[tilespmem:$0x8000] =	vst v63  }
0x4aa: {  	_ =	swait.ge [sflag:s9], $0x4000  }
0x4ab: {  	[sflag:s9] =	ssyncset.done $0x0  }
0x4ac: {  	s1 =	rddreg [dreg:$0x10];
	[sflag:s9] =	ssyncadd.s32 $0xFFFFC000  }
0x4ad: {  	[hbm4b:s1+s2] =	stream.linear.scatter [tilespmem:s8], [sflag:$0x4], $0x4000, $0x38;
	[tilespmem:$0x8000] =	vst v63  }
0x4ae: {  	_ =	swait.ge [sflag:s6], $0x4000  }
0x4af: {  	[sflag:s6] =	ssyncset.done $0x0  }
0x4b0: {  	s1 =	rddreg [dreg:$0x11];
	[sflag:s6] =	ssyncadd.s32 $0xFFFFC000  }
0x4b1: {  	[tilespmem:s2], [sflag:$0x1] =	stream.linear.gather [hbm4b:s1+s2], $0x4000, $0x38;
	[tilespmem:$0x8000] =	vst v63  }
0x4b2: {  	_ =	swait.ge [sflag:s12], $0x4000  }
0x4b3: {  	[sflag:s12] =	ssyncset.done $0x0  }
0x4b4: {  	s1 =	rddreg [dreg:$0x12];
	[sflag:s12] =	ssyncadd.s32 $0xFFFFC000  }
0x4b5: {  	[hbm4b:s1+s2] =	stream.linear.scatter [tilespmem:s2], [sflag:$0x3], $0x4000, $0x38;
	[tilespmem:$0x8000] =	vst v63  }
0x4b6: {  	_ =	swait.ge [sflag:s5], $0x4000  }
0x4b7: {  	[sflag:s5] =	ssyncset.done $0x0  }
0x4b8: {  	s1 =	rddreg [dreg:$0x13];
	[sflag:s5] =	ssyncadd.s32 $0xFFFFC000  }
0x4b9: {  	[tilespmem:s8], [sflag:$0x2] =	stream.linear.gather [hbm4b:s1+s2], $0x4000, $0x38;
	[tilespmem:$0x8000] =	vst v63  }
0x4ba: {  	_ =	swait.ge [sflag:s9], $0x4000  }
0x4bb: {  	[sflag:s9] =	ssyncset.done $0x0  }
0x4bc: {  	s1 =	rddreg [dreg:$0x14];
	[sflag:s9] =	ssyncadd.s32 $0xFFFFC000  }
0x4bd: {  	[hbm4b:s1+s2] =	stream.linear.scatter [tilespmem:s8], [sflag:$0x4], $0x4000, $0x38;
	[tilespmem:$0x8000] =	vst v63  }
0x4be: {  	_ =	swait.ge [sflag:s6], $0x4000  }
0x4bf: {  	[sflag:s6] =	ssyncset.done $0x0  }
0x4c0: {  	s1 =	rddreg [dreg:$0x15];
	[sflag:s6] =	ssyncadd.s32 $0xFFFFC000  }
0x4c1: {  	[tilespmem:s2], [sflag:$0x1] =	stream.linear.gather [hbm4b:s1+s2], $0x4000, $0x38;
	[tilespmem:$0x8000] =	vst v63  }
0x4c2: {  	_ =	swait.ge [sflag:s12], $0x4000  }
0x4c3: {  	[sflag:s12] =	ssyncset.done $0x0  }
0x4c4: {  	s1 =	rddreg [dreg:$0x16];
	[sflag:s12] =	ssyncadd.s32 $0xFFFFC000  }
0x4c5: {  	[hbm4b:s1+s2] =	stream.linear.scatter [tilespmem:s2], [sflag:$0x3], $0x4000, $0x38;
	[tilespmem:$0x8000] =	vst v63  }
0x4c6: {  	_ =	swait.ge [sflag:s5], $0x4000  }
0x4c7: {  	[sflag:s5] =	ssyncset.done $0x0  }
0x4c8: {  	s1 =	rddreg [dreg:$0x17];
	[sflag:s5] =	ssyncadd.s32 $0xFFFFC000  }
0x4c9: {  	[tilespmem:s8], [sflag:$0x2] =	stream.linear.gather [hbm4b:s1+s2], $0x4000, $0x38;
	[tilespmem:$0x8000] =	vst v63  }
0x4ca: {  	_ =	swait.ge [sflag:s9], $0x4000  }
0x4cb: {  	[sflag:s9] =	ssyncset.done $0x0  }
0x4cc: {  	s1 =	rddreg [dreg:$0x18];
	[sflag:s9] =	ssyncadd.s32 $0xFFFFC000  }
0x4cd: {  	[hbm4b:s1+s2] =	stream.linear.scatter [tilespmem:s8], [sflag:$0x4], $0x4000, $0x38;
	[tilespmem:$0x8000] =	vst v63  }
0x4ce: {  	_ =	swait.ge [sflag:s6], $0x4000  }
0x4cf: {  	[sflag:s6] =	ssyncset.done $0x0  }
0x4d0: {  	s1 =	rddreg [dreg:$0x19];
	[sflag:s6] =	ssyncadd.s32 $0xFFFFC000  }
0x4d1: {  	[tilespmem:s2], [sflag:$0x1] =	stream.linear.gather [hbm4b:s1+s2], $0x4000, $0x38;
	[tilespmem:$0x8000] =	vst v63  }
0x4d2: {  	_ =	swait.ge [sflag:s12], $0x4000  }
0x4d3: {  	[sflag:s12] =	ssyncset.done $0x0  }
0x4d4: {  	s1 =	rddreg [dreg:$0x1a];
	[sflag:s12] =	ssyncadd.s32 $0xFFFFC000  }
0x4d5: {  	[hbm4b:s1+s2] =	stream.linear.scatter [tilespmem:s2], [sflag:$0x3], $0x4000, $0x38;
	[tilespmem:$0x8000] =	vst v63  }
0x4d6: {  	_ =	swait.ge [sflag:s5], $0x4000  }
0x4d7: {  	[sflag:s5] =	ssyncset.done $0x0  }
0x4d8: {  	s1 =	rddreg [dreg:$0x1b];
	[sflag:s5] =	ssyncadd.s32 $0xFFFFC000  }
0x4d9: {  	[tilespmem:s8], [sflag:$0x2] =	stream.linear.gather [hbm4b:s1+s2], $0x4000, $0x38;
	[tilespmem:$0x8000] =	vst v63  }
0x4da: {  	_ =	swait.ge [sflag:s9], $0x4000  }
0x4db: {  	[sflag:s9] =	ssyncset.done $0x0  }
0x4dc: {  	s1 =	rddreg [dreg:$0x1c];
	[sflag:s9] =	ssyncadd.s32 $0xFFFFC000  }
0x4dd: {  	[hbm4b:s1+s2] =	stream.linear.scatter [tilespmem:s8], [sflag:$0x4], $0x4000, $0x38;
	[tilespmem:$0x8000] =	vst v63  }
0x4de: {  	_ =	swait.ge [sflag:s6], $0x4000  }
0x4df: {  	[sflag:s6] =	ssyncset.done $0x0  }
0x4e0: {  	s1 =	rddreg [dreg:$0x1d];
	[sflag:s6] =	ssyncadd.s32 $0xFFFFC000  }
0x4e1: {  	[tilespmem:s2], [sflag:$0x1] =	stream.linear.gather [hbm4b:s1+s2], $0x4000, $0x38;
	[tilespmem:$0x8000] =	vst v63  }
0x4e2: {  	_ =	swait.ge [sflag:s12], $0x4000  }
0x4e3: {  	[sflag:s12] =	ssyncset.done $0x0  }
0x4e4: {  	s1 =	rddreg [dreg:$0x1e];
	[sflag:s12] =	ssyncadd.s32 $0xFFFFC000  }
0x4e5: {  	[hbm4b:s1+s2] =	stream.linear.scatter [tilespmem:s2], [sflag:$0x3], $0x4000, $0x38;
	[tilespmem:$0x8000] =	vst v63  }
0x4e6: {  	_ =	swait.ge [sflag:s5], $0x4000  }
0x4e7: {  	[sflag:s5] =	ssyncset.done $0x0  }
0x4e8: {  	s1 =	rddreg [dreg:$0x1f];
	[sflag:s5] =	ssyncadd.s32 $0xFFFFC000  }
0x4e9: {  	[tilespmem:s8], [sflag:$0x2] =	stream.linear.gather [hbm4b:s1+s2], $0x4000, $0x38;
	[tilespmem:$0x8000] =	vst v63  }
0x4ea: {  	_ =	swait.ge [sflag:s9], $0x4000  }
0x4eb: {  	s1 =	sld [smem:$0x7BC]  }
0x4ec: {  	[sflag:s9] =	ssyncset.done $0x0  }
0x4ed: {  	[sflag:s9] =	ssyncadd.s32 $0xFFFFC000  }
0x4ee: {  	[hbm4b:s1+s2] =	stream.linear.scatter [tilespmem:s8], [sflag:$0x4], $0x4000, $0x38;
	[tilespmem:$0x8000] =	vst v63  }
0x4ef: {  	_ =	swait.ge [sflag:s6], $0x4000  }
0x4f0: {  	s1 =	sld [smem:$0x7BD]  }
0x4f1: {  	[sflag:s6] =	ssyncset.done $0x0  }
0x4f2: {  	[sflag:s6] =	ssyncadd.s32 $0xFFFFC000  }
0x4f3: {  	[tilespmem:s2], [sflag:$0x1] =	stream.linear.gather [hbm4b:s1+s2], $0x4000, $0x38;
	[tilespmem:$0x8000] =	vst v63  }
0x4f4: {  	_ =	swait.ge [sflag:s12], $0x4000  }
0x4f5: {  	s1 =	sld [smem:$0x7BE]  }
0x4f6: {  	[sflag:s12] =	ssyncset.done $0x0  }
0x4f7: {  	[sflag:s12] =	ssyncadd.s32 $0xFFFFC000  }
0x4f8: {  	[hbm4b:s1+s2] =	stream.linear.scatter [tilespmem:s2], [sflag:$0x3], $0x4000, $0x38;
	[tilespmem:$0x8000] =	vst v63  }
0x4f9: {  	_ =	swait.ge [sflag:s5], $0x4000  }
0x4fa: {  	s1 =	sld [smem:$0x7BF]  }
0x4fb: {  	[sflag:s5] =	ssyncset.done $0x0  }
0x4fc: {  	[sflag:s5] =	ssyncadd.s32 $0xFFFFC000  }
0x4fd: {  	[tilespmem:s8], [sflag:$0x2] =	stream.linear.gather [hbm4b:s1+s2], $0x4000, $0x38;
	[tilespmem:$0x8000] =	vst v63  }
0x4fe: {  	_ =	swait.ge [sflag:s9], $0x4000  }
0x4ff: {  	s1 =	sld [smem:$0x7C0]  }
0x500: {  	[sflag:s9] =	ssyncset.done $0x0  }
0x501: {  	[sflag:s9] =	ssyncadd.s32 $0xFFFFC000  }
0x502: {  	[hbm4b:s1+s2] =	stream.linear.scatter [tilespmem:s8], [sflag:$0x4], $0x4000, $0x38;
	[tilespmem:$0x8000] =	vst v63  }
0x503: {  	_ =	swait.ge [sflag:s6], $0x4000  }
0x504: {  	s1 =	sld [smem:$0x7C1]  }
0x505: {  	[sflag:s6] =	ssyncset.done $0x0  }
0x506: {  	[sflag:s6] =	ssyncadd.s32 $0xFFFFC000  }
0x507: {  	[tilespmem:s2], [sflag:$0x1] =	stream.linear.gather [hbm4b:s1+s2], $0x4000, $0x38;
	[tilespmem:$0x8000] =	vst v63  }
0x508: {  	_ =	swait.ge [sflag:s12], $0x4000  }
0x509: {  	s1 =	sld [smem:$0x7C2]  }
0x50a: {  	[sflag:s12] =	ssyncset.done $0x0  }
0x50b: {  	[sflag:s12] =	ssyncadd.s32 $0xFFFFC000  }
0x50c: {  	[hbm4b:s1+s2] =	stream.linear.scatter [tilespmem:s2], [sflag:$0x3], $0x4000, $0x38;
	[tilespmem:$0x8000] =	vst v63  }
0x50d: {  	_ =	swait.ge [sflag:s5], $0x4000  }
0x50e: {  	s1 =	sld [smem:$0x7C3]  }
0x50f: {  	[sflag:s5] =	ssyncset.done $0x0  }
0x510: {  	[sflag:s5] =	ssyncadd.s32 $0xFFFFC000  }
0x511: {  	[tilespmem:s8], [sflag:$0x2] =	stream.linear.gather [hbm4b:s1+s2], $0x4000, $0x38;
	[tilespmem:$0x8000] =	vst v63  }
0x512: {  	_ =	swait.ge [sflag:s9], $0x4000  }
0x513: {  	s1 =	sld [smem:$0x7C4]  }
0x514: {  	[sflag:s9] =	ssyncset.done $0x0  }
0x515: {  	[sflag:s9] =	ssyncadd.s32 $0xFFFFC000  }
0x516: {  	[hbm4b:s1+s2] =	stream.linear.scatter [tilespmem:s8], [sflag:$0x4], $0x4000, $0x38;
	[tilespmem:$0x8000] =	vst v63  }
0x517: {  	_ =	swait.ge [sflag:s6], $0x4000  }
0x518: {  	s1 =	sld [smem:$0x7C5]  }
0x519: {  	[sflag:s6] =	ssyncset.done $0x0  }
0x51a: {  	[sflag:s6] =	ssyncadd.s32 $0xFFFFC000  }
0x51b: {  	[tilespmem:s2], [sflag:$0x1] =	stream.linear.gather [hbm4b:s1+s2], $0x4000, $0x38;
	[tilespmem:$0x8000] =	vst v63  }
0x51c: {  	_ =	swait.ge [sflag:s12], $0x4000  }
0x51d: {  	s1 =	sld [smem:$0x7C6]  }
0x51e: {  	[sflag:s12] =	ssyncset.done $0x0  }
0x51f: {  	[sflag:s12] =	ssyncadd.s32 $0xFFFFC000  }
0x520: {  	[hbm4b:s1+s2] =	stream.linear.scatter [tilespmem:s2], [sflag:$0x3], $0x4000, $0x38;
	[tilespmem:$0x8000] =	vst v63  }
0x521: {  	_ =	swait.ge [sflag:s5], $0x4000  }
0x522: {  	s1 =	sld [smem:$0x7C7]  }
0x523: {  	[sflag:s5] =	ssyncset.done $0x0  }
0x524: {  	[sflag:s5] =	ssyncadd.s32 $0xFFFFC000  }
0x525: {  	[tilespmem:s8], [sflag:$0x2] =	stream.linear.gather [hbm4b:s1+s2], $0x4000, $0x38;
	[tilespmem:$0x8000] =	vst v63  }
0x526: {  	_ =	swait.ge [sflag:s9], $0x4000  }
0x527: {  	s1 =	sld [smem:$0x7C8]  }
0x528: {  	[sflag:s9] =	ssyncset.done $0x0  }
0x529: {  	[sflag:s9] =	ssyncadd.s32 $0xFFFFC000  }
0x52a: {  	[hbm4b:s1+s2] =	stream.linear.scatter [tilespmem:s8], [sflag:$0x4], $0x4000, $0x38;
	[tilespmem:$0x8000] =	vst v63  }
0x52b: {  	_ =	swait.ge [sflag:s6], $0x4000  }
0x52c: {  	s1 =	sld [smem:$0x7C9]  }
0x52d: {  	[sflag:s6] =	ssyncset.done $0x0  }
0x52e: {  	[sflag:s6] =	ssyncadd.s32 $0xFFFFC000  }
0x52f: {  	[tilespmem:s2], [sflag:$0x1] =	stream.linear.gather [hbm4b:s1+s2], $0x4000, $0x38;
	[tilespmem:$0x8000] =	vst v63  }
0x530: {  	_ =	swait.ge [sflag:s12], $0x4000  }
0x531: {  	s1 =	sld [smem:$0x7CA]  }
0x532: {  	[sflag:s12] =	ssyncset.done $0x0  }
0x533: {  	[sflag:s12] =	ssyncadd.s32 $0xFFFFC000  }
0x534: {  	[hbm4b:s1+s2] =	stream.linear.scatter [tilespmem:s2], [sflag:$0x3], $0x4000, $0x38;
	[tilespmem:$0x8000] =	vst v63  }
0x535: {  	_ =	swait.ge [sflag:s5], $0x4000  }
0x536: {  	s1 =	sld [smem:$0x7CB]  }
0x537: {  	[sflag:s5] =	ssyncset.done $0x0  }
0x538: {  	[sflag:s5] =	ssyncadd.s32 $0xFFFFC000  }
0x539: {  	[tilespmem:s8], [sflag:$0x2] =	stream.linear.gather [hbm4b:s1+s2], $0x4000, $0x38;
	[tilespmem:$0x8000] =	vst v63  }
0x53a: {  	_ =	swait.ge [sflag:s9], $0x4000  }
0x53b: {  	s1 =	sld [smem:$0x7CC]  }
0x53c: {  	[sflag:s9] =	ssyncset.done $0x0  }
0x53d: {  	[sflag:s9] =	ssyncadd.s32 $0xFFFFC000  }
0x53e: {  	[hbm4b:s1+s2] =	stream.linear.scatter [tilespmem:s8], [sflag:$0x4], $0x4000, $0x38;
	[tilespmem:$0x8000] =	vst v63  }
0x53f: {  	_ =	swait.ge [sflag:s6], $0x4000  }
0x540: {  	s1 =	sld [smem:$0x7CD]  }
0x541: {  	[sflag:s6] =	ssyncset.done $0x0  }
0x542: {  	[sflag:s6] =	ssyncadd.s32 $0xFFFFC000  }
0x543: {  	[tilespmem:s2], [sflag:$0x1] =	stream.linear.gather [hbm4b:s1+s2], $0x4000, $0x38;
	[tilespmem:$0x8000] =	vst v63  }
0x544: {  	_ =	swait.ge [sflag:s12], $0x4000  }
0x545: {  	s1 =	sld [smem:$0x7CE]  }
0x546: {  	[sflag:s12] =	ssyncset.done $0x0  }
0x547: {  	[sflag:s12] =	ssyncadd.s32 $0xFFFFC000  }
0x548: {  	[hbm4b:s1+s2] =	stream.linear.scatter [tilespmem:s2], [sflag:$0x3], $0x4000, $0x38;
	[tilespmem:$0x8000] =	vst v63  }
0x549: {  	_ =	swait.ge [sflag:s5], $0x4000  }
0x54a: {  	s1 =	sld [smem:$0x7CF]  }
0x54b: {  	[sflag:s5] =	ssyncset.done $0x0  }
0x54c: {  	[sflag:s5] =	ssyncadd.s32 $0xFFFFC000  }
0x54d: {  	[tilespmem:s8], [sflag:$0x2] =	stream.linear.gather [hbm4b:s1+s2], $0x4000, $0x38;
	[tilespmem:$0x8000] =	vst v63  }
0x54e: {  	_ =	swait.ge [sflag:s9], $0x4000  }
0x54f: {  	s1 =	sld [smem:$0x7D0]  }
0x550: {  	[sflag:s9] =	ssyncset.done $0x0  }
0x551: {  	[sflag:s9] =	ssyncadd.s32 $0xFFFFC000  }
0x552: {  	[hbm4b:s1+s2] =	stream.linear.scatter [tilespmem:s8], [sflag:$0x4], $0x4000, $0x38;
	[tilespmem:$0x8000] =	vst v63  }
0x553: {  	_ =	swait.ge [sflag:s6], $0x4000  }
0x554: {  	s1 =	sld [smem:$0x7D1]  }
0x555: {  	[sflag:s6] =	ssyncset.done $0x0  }
0x556: {  	[sflag:s6] =	ssyncadd.s32 $0xFFFFC000  }
0x557: {  	[tilespmem:s2], [sflag:$0x1] =	stream.linear.gather [hbm4b:s1+s2], $0x4000, $0x38;
	[tilespmem:$0x8000] =	vst v63  }
0x558: {  	_ =	swait.ge [sflag:s12], $0x4000  }
0x559: {  	s1 =	sld [smem:$0x7D2]  }
0x55a: {  	[sflag:s12] =	ssyncset.done $0x0  }
0x55b: {  	[sflag:s12] =	ssyncadd.s32 $0xFFFFC000  }
0x55c: {  	[hbm4b:s1+s2] =	stream.linear.scatter [tilespmem:s2], [sflag:$0x3], $0x4000, $0x38;
	[tilespmem:$0x8000] =	vst v63  }
0x55d: {  	_ =	swait.ge [sflag:s5], $0x4000  }
0x55e: {  	s1 =	sld [smem:$0x7D3]  }
0x55f: {  	[sflag:s5] =	ssyncset.done $0x0  }
0x560: {  	[sflag:s5] =	ssyncadd.s32 $0xFFFFC000  }
0x561: {  	[tilespmem:s8], [sflag:$0x2] =	stream.linear.gather [hbm4b:s1+s2], $0x4000, $0x38;
	[tilespmem:$0x8000] =	vst v63  }
0x562: {  	_ =	swait.ge [sflag:s9], $0x4000  }
0x563: {  	s1 =	sld [smem:$0x7D4]  }
0x564: {  	[sflag:s9] =	ssyncset.done $0x0  }
0x565: {  	[sflag:s9] =	ssyncadd.s32 $0xFFFFC000  }
0x566: {  	[hbm4b:s1+s2] =	stream.linear.scatter [tilespmem:s8], [sflag:$0x4], $0x4000, $0x38;
	[tilespmem:$0x8000] =	vst v63  }
0x567: {  	_ =	swait.ge [sflag:s6], $0x4000  }
0x568: {  	s1 =	sld [smem:$0x7D5]  }
0x569: {  	[sflag:s6] =	ssyncset.done $0x0  }
0x56a: {  	[sflag:s6] =	ssyncadd.s32 $0xFFFFC000  }
0x56b: {  	[tilespmem:s2], [sflag:$0x1] =	stream.linear.gather [hbm4b:s1+s2], $0x4000, $0x38;
	[tilespmem:$0x8000] =	vst v63  }
0x56c: {  	_ =	swait.ge [sflag:s12], $0x4000  }
0x56d: {  	s1 =	sld [smem:$0x7D6]  }
0x56e: {  	[sflag:s12] =	ssyncset.done $0x0  }
0x56f: {  	[sflag:s12] =	ssyncadd.s32 $0xFFFFC000  }
0x570: {  	[hbm4b:s1+s2] =	stream.linear.scatter [tilespmem:s2], [sflag:$0x3], $0x4000, $0x38;
	[tilespmem:$0x8000] =	vst v63  }
0x571: {  	_ =	swait.ge [sflag:s5], $0x4000  }
0x572: {  	s1 =	sld [smem:$0x7D7]  }
0x573: {  	[sflag:s5] =	ssyncset.done $0x0  }
0x574: {  	[sflag:s5] =	ssyncadd.s32 $0xFFFFC000  }
0x575: {  	[tilespmem:s8], [sflag:$0x2] =	stream.linear.gather [hbm4b:s1+s2], $0x4000, $0x38;
	[tilespmem:$0x8000] =	vst v63  }
0x576: {  	_ =	swait.ge [sflag:s9], $0x4000  }
0x577: {  	s1 =	sld [smem:$0x7D8]  }
0x578: {  	[sflag:s9] =	ssyncset.done $0x0  }
0x579: {  	[sflag:s9] =	ssyncadd.s32 $0xFFFFC000  }
0x57a: {  	[hbm4b:s1+s2] =	stream.linear.scatter [tilespmem:s8], [sflag:$0x4], $0x4000, $0x38;
	[tilespmem:$0x8000] =	vst v63  }
0x57b: {  	_ =	swait.ge [sflag:s6], $0x4000  }
0x57c: {  	s1 =	sld [smem:$0x7D9]  }
0x57d: {  	[sflag:s6] =	ssyncset.done $0x0  }
0x57e: {  	[sflag:s6] =	ssyncadd.s32 $0xFFFFC000  }
0x57f: {  	[tilespmem:s2], [sflag:$0x1] =	stream.linear.gather [hbm4b:s1+s2], $0x4000, $0x38;
	[tilespmem:$0x8000] =	vst v63  }
0x580: {  	_ =	swait.ge [sflag:s12], $0x4000  }
0x581: {  	s1 =	sld [smem:$0x7DA]  }
0x582: {  	[sflag:s12] =	ssyncset.done $0x0  }
0x583: {  	[sflag:s12] =	ssyncadd.s32 $0xFFFFC000  }
0x584: {  	[hbm4b:s1+s2] =	stream.linear.scatter [tilespmem:s2], [sflag:$0x3], $0x4000, $0x38;
	[tilespmem:$0x8000] =	vst v63  }
0x585: {  	_ =	swait.ge [sflag:s5], $0x4000  }
0x586: {  	s1 =	sld [smem:$0x7DC]  }
0x587: {  	[sflag:s5] =	ssyncset.done $0x0  }
0x588: {  	[sflag:s5] =	ssyncadd.s32 $0xFFFFC000  }
0x589: {  	[tilespmem:s8], [sflag:$0x2] =	stream.linear.gather [hbm4b:s1+s2], $0x4000, $0x38;
	[tilespmem:$0x8000] =	vst v63  }
0x58a: {  	_ =	swait.ge [sflag:s9], $0x4000  }
0x58b: {  	s1 =	sld [smem:$0x7DD]  }
0x58c: {  	[sflag:s9] =	ssyncset.done $0x0  }
0x58d: {  	[sflag:s9] =	ssyncadd.s32 $0xFFFFC000  }
0x58e: {  	[hbm4b:s1+s2] =	stream.linear.scatter [tilespmem:s8], [sflag:$0x4], $0x4000, $0x38;
	[tilespmem:$0x8000] =	vst v63  }
0x58f: {  	_ =	swait.ge [sflag:s6], $0x4000  }
0x590: {  	s1 =	sld [smem:$0x7DF]  }
0x591: {  	[sflag:s6] =	ssyncset.done $0x0  }
0x592: {  	[sflag:s6] =	ssyncadd.s32 $0xFFFFC000  }
0x593: {  	[tilespmem:s2], [sflag:$0x1] =	stream.linear.gather [hbm4b:s1+s2], $0x4000, $0x38;
	[tilespmem:$0x8000] =	vst v63  }
0x594: {  	_ =	swait.ge [sflag:s12], $0x4000  }
0x595: {  	s1 =	sld [smem:$0x7E0]  }
0x596: {  	[sflag:s12] =	ssyncset.done $0x0  }
0x597: {  	[sflag:s12] =	ssyncadd.s32 $0xFFFFC000  }
0x598: {  	[hbm4b:s1+s2] =	stream.linear.scatter [tilespmem:s2], [sflag:$0x3], $0x4000, $0x38;
	[tilespmem:$0x8000] =	vst v63  }
0x599: {  	_ =	swait.ge [sflag:s5], $0x4000  }
0x59a: {  	s1 =	sld [smem:$0x7E2]  }
0x59b: {  	[sflag:s5] =	ssyncset.done $0x0  }
0x59c: {  	[sflag:s5] =	ssyncadd.s32 $0xFFFFC000  }
0x59d: {  	[tilespmem:s8], [sflag:$0x2] =	stream.linear.gather [hbm4b:s1+s2], $0x4000, $0x38;
	[tilespmem:$0x8000] =	vst v63  }
0x59e: {  	_ =	swait.ge [sflag:s9], $0x4000  }
0x59f: {  	s1 =	sld [smem:$0x7E3]  }
0x5a0: {  	[sflag:s9] =	ssyncset.done $0x0  }
0x5a1: {  	[sflag:s9] =	ssyncadd.s32 $0xFFFFC000  }
0x5a2: {  	[hbm4b:s1+s2] =	stream.linear.scatter [tilespmem:s8], [sflag:$0x4], $0x4000, $0x38;
	[tilespmem:$0x8000] =	vst v63  }
0x5a3: {  	_ =	swait.ge [sflag:s6], $0x4000  }
0x5a4: {  	s1 =	sld [smem:$0x7E4]  }
0x5a5: {  	[sflag:s6] =	ssyncset.done $0x0  }
0x5a6: {  	[sflag:s6] =	ssyncadd.s32 $0xFFFFC000  }
0x5a7: {  	[tilespmem:s2], [sflag:$0x1] =	stream.linear.gather [hbm4b:s1+s2], $0x4000, $0x38;
	[tilespmem:$0x8000] =	vst v63  }
0x5a8: {  	_ =	swait.ge [sflag:s12], $0x4000  }
0x5a9: {  	s1 =	sld [smem:$0x7E5]  }
0x5aa: {  	[sflag:s12] =	ssyncset.done $0x0  }
0x5ab: {  	[sflag:s12] =	ssyncadd.s32 $0xFFFFC000  }
0x5ac: {  	[hbm4b:s1+s2] =	stream.linear.scatter [tilespmem:s2], [sflag:$0x3], $0x4000, $0x38;
	[tilespmem:$0x8000] =	vst v63  }
0x5ad: {  	_ =	swait.ge [sflag:s5], $0x4000  }
0x5ae: {  	s1 =	sld [smem:$0x7E6]  }
0x5af: {  	[sflag:s5] =	ssyncset.done $0x0  }
0x5b0: {  	[sflag:s5] =	ssyncadd.s32 $0xFFFFC000  }
0x5b1: {  	[tilespmem:s8], [sflag:$0x2] =	stream.linear.gather [hbm4b:s1+s2], $0x4000, $0x38;
	[tilespmem:$0x8000] =	vst v63  }
0x5b2: {  	_ =	swait.ge [sflag:s9], $0x4000  }
0x5b3: {  	s1 =	sld [smem:$0x7E7]  }
0x5b4: {  	[sflag:s9] =	ssyncset.done $0x0  }
0x5b5: {  	[sflag:s9] =	ssyncadd.s32 $0xFFFFC000  }
0x5b6: {  	[hbm4b:s1+s2] =	stream.linear.scatter [tilespmem:s8], [sflag:$0x4], $0x4000, $0x38;
	[tilespmem:$0x8000] =	vst v63  }
0x5b7: {  	_ =	swait.ge [sflag:s6], $0x4000  }
0x5b8: {  	s1 =	sld [smem:$0x7E8]  }
0x5b9: {  	[sflag:s6] =	ssyncset.done $0x0  }
0x5ba: {  	[sflag:s6] =	ssyncadd.s32 $0xFFFFC000  }
0x5bb: {  	[tilespmem:s2], [sflag:$0x1] =	stream.linear.gather [hbm4b:s1+s2], $0x4000, $0x38;
	[tilespmem:$0x8000] =	vst v63  }
0x5bc: {  	_ =	swait.ge [sflag:s12], $0x4000  }
0x5bd: {  	s1 =	sld [smem:$0x7E9]  }
0x5be: {  	[sflag:s12] =	ssyncset.done $0x0  }
0x5bf: {  	[sflag:s12] =	ssyncadd.s32 $0xFFFFC000  }
0x5c0: {  	[hbm4b:s1+s2] =	stream.linear.scatter [tilespmem:s2], [sflag:$0x3], $0x4000, $0x38;
	[tilespmem:$0x8000] =	vst v63  }
0x5c1: {  	_ =	swait.ge [sflag:s5], $0x4000  }
0x5c2: {  	s1 =	sld [smem:$0x7EA]  }
0x5c3: {  	[sflag:s5] =	ssyncset.done $0x0  }
0x5c4: {  	[sflag:s5] =	ssyncadd.s32 $0xFFFFC000  }
0x5c5: {  	[tilespmem:s8], [sflag:$0x2] =	stream.linear.gather [hbm4b:s1+s2], $0x4000, $0x38;
	[tilespmem:$0x8000] =	vst v63  }
0x5c6: {  	_ =	swait.ge [sflag:s9], $0x4000  }
0x5c7: {  	s1 =	sld [smem:$0x7EB]  }
0x5c8: {  	[sflag:s9] =	ssyncset.done $0x0  }
0x5c9: {  	[sflag:s9] =	ssyncadd.s32 $0xFFFFC000  }
0x5ca: {  	[hbm4b:s1+s2] =	stream.linear.scatter [tilespmem:s8], [sflag:$0x4], $0x4000, $0x38;
	[tilespmem:$0x8000] =	vst v63  }
0x5cb: {  	_ =	swait.ge [sflag:s6], $0x4000  }
0x5cc: {  	s1 =	sld [smem:$0x7EC]  }
0x5cd: {  	[sflag:s6] =	ssyncset.done $0x0  }
0x5ce: {  	[sflag:s6] =	ssyncadd.s32 $0xFFFFC000  }
0x5cf: {  	[tilespmem:s2], [sflag:$0x1] =	stream.linear.gather [hbm4b:s1+s2], $0x4000, $0x38;
	[tilespmem:$0x8000] =	vst v63  }
0x5d0: {  	_ =	swait.ge [sflag:s12], $0x4000  }
0x5d1: {  	s1 =	sld [smem:$0x7ED]  }
0x5d2: {  	[sflag:s12] =	ssyncset.done $0x0  }
0x5d3: {  	[sflag:s12] =	ssyncadd.s32 $0xFFFFC000  }
0x5d4: {  	[hbm4b:s1+s2] =	stream.linear.scatter [tilespmem:s2], [sflag:$0x3], $0x4000, $0x38;
	[tilespmem:$0x8000] =	vst v63  }
0x5d5: {  	_ =	swait.ge [sflag:s5], $0x4000  }
0x5d6: {  	s1 =	sld [smem:$0x7EE]  }
0x5d7: {  	[sflag:s5] =	ssyncset.done $0x0  }
0x5d8: {  	[sflag:s5] =	ssyncadd.s32 $0xFFFFC000  }
0x5d9: {  	[tilespmem:s8], [sflag:$0x2] =	stream.linear.gather [hbm4b:s1+s2], $0x4000, $0x38;
	[tilespmem:$0x8000] =	vst v63  }
0x5da: {  	_ =	swait.ge [sflag:s9], $0x4000  }
0x5db: {  	s1 =	sld [smem:$0x7EF]  }
0x5dc: {  	[sflag:s9] =	ssyncset.done $0x0  }
0x5dd: {  	[sflag:s9] =	ssyncadd.s32 $0xFFFFC000  }
0x5de: {  	[hbm4b:s1+s2] =	stream.linear.scatter [tilespmem:s8], [sflag:$0x4], $0x4000, $0x38;
	[tilespmem:$0x8000] =	vst v63  }
0x5df: {  	_ =	swait.ge [sflag:s6], $0x4000  }
0x5e0: {  	s1 =	sld [smem:$0x7F0]  }
0x5e1: {  	[sflag:s6] =	ssyncset.done $0x0  }
0x5e2: {  	[sflag:s6] =	ssyncadd.s32 $0xFFFFC000  }
0x5e3: {  	[tilespmem:s2], [sflag:$0x1] =	stream.linear.gather [hbm4b:s1+s2], $0x4000, $0x38;
	[tilespmem:$0x8000] =	vst v63  }
0x5e4: {  	_ =	swait.ge [sflag:s12], $0x4000  }
0x5e5: {  	s1 =	sld [smem:$0x7F1]  }
0x5e6: {  	[sflag:s12] =	ssyncset.done $0x0  }
0x5e7: {  	[sflag:s12] =	ssyncadd.s32 $0xFFFFC000  }
0x5e8: {  	[hbm4b:s1+s2] =	stream.linear.scatter [tilespmem:s2], [sflag:$0x3], $0x4000, $0x38;
	[tilespmem:$0x8000] =	vst v63  }
0x5e9: {  	_ =	swait.ge [sflag:s5], $0x4000  }
0x5ea: {  	s1 =	sld [smem:$0x7F2]  }
0x5eb: {  	[sflag:s5] =	ssyncset.done $0x0  }
0x5ec: {  	[sflag:s5] =	ssyncadd.s32 $0xFFFFC000  }
0x5ed: {  	[tilespmem:s8], [sflag:$0x2] =	stream.linear.gather [hbm4b:s1+s2], $0x4000, $0x38;
	[tilespmem:$0x8000] =	vst v63  }
0x5ee: {  	_ =	swait.ge [sflag:s9], $0x4000  }
0x5ef: {  	s1 =	sld [smem:$0x7F3]  }
0x5f0: {  	[sflag:s9] =	ssyncset.done $0x0  }
0x5f1: {  	[sflag:s9] =	ssyncadd.s32 $0xFFFFC000  }
0x5f2: {  	[hbm4b:s1+s2] =	stream.linear.scatter [tilespmem:s8], [sflag:$0x4], $0x4000, $0x38;
	[tilespmem:$0x8000] =	vst v63  }
0x5f3: {  	_ =	swait.ge [sflag:s6], $0x4000  }
0x5f4: {  	s1 =	sld [smem:$0x7F4]  }
0x5f5: {  	[sflag:s6] =	ssyncset.done $0x0  }
0x5f6: {  	[sflag:s6] =	ssyncadd.s32 $0xFFFFC000  }
0x5f7: {  	[tilespmem:s2], [sflag:$0x1] =	stream.linear.gather [hbm4b:s1+s2], $0x4000, $0x38;
	[tilespmem:$0x8000] =	vst v63  }
0x5f8: {  	_ =	swait.ge [sflag:s12], $0x4000  }
0x5f9: {  	s1 =	sld [smem:$0x7F5]  }
0x5fa: {  	[sflag:s12] =	ssyncset.done $0x0  }
0x5fb: {  	[sflag:s12] =	ssyncadd.s32 $0xFFFFC000  }
0x5fc: {  	[hbm4b:s1+s2] =	stream.linear.scatter [tilespmem:s2], [sflag:$0x3], $0x4000, $0x38;
	[tilespmem:$0x8000] =	vst v63  }
0x5fd: {  	_ =	swait.ge [sflag:s5], $0x4000  }
0x5fe: {  	s1 =	sld [smem:$0x7F6]  }
0x5ff: {  	[sflag:s5] =	ssyncset.done $0x0  }
0x600: {  	[sflag:s5] =	ssyncadd.s32 $0xFFFFC000  }
0x601: {  	[tilespmem:s8], [sflag:$0x2] =	stream.linear.gather [hbm4b:s1+s2], $0x4000, $0x38;
	[tilespmem:$0x8000] =	vst v63  }
0x602: {  	_ =	swait.ge [sflag:s9], $0x4000  }
0x603: {  	s1 =	sld [smem:$0x7F7]  }
0x604: {  	[sflag:s9] =	ssyncset.done $0x0  }
0x605: {  	[sflag:s9] =	ssyncadd.s32 $0xFFFFC000  }
0x606: {  	[hbm4b:s1+s2] =	stream.linear.scatter [tilespmem:s8], [sflag:$0x4], $0x4000, $0x38;
	[tilespmem:$0x8000] =	vst v63  }
0x607: {  	_ =	swait.ge [sflag:s6], $0x4000  }
0x608: {  	s1 =	sld [smem:$0x7F8]  }
0x609: {  	[sflag:s6] =	ssyncset.done $0x0  }
0x60a: {  	[sflag:s6] =	ssyncadd.s32 $0xFFFFC000  }
0x60b: {  	[tilespmem:s2], [sflag:$0x1] =	stream.linear.gather [hbm4b:s1+s2], $0x4000, $0x38;
	[tilespmem:$0x8000] =	vst v63  }
0x60c: {  	_ =	swait.ge [sflag:s12], $0x4000  }
0x60d: {  	s1 =	sld [smem:$0x7F9]  }
0x60e: {  	[sflag:s12] =	ssyncset.done $0x0  }
0x60f: {  	[sflag:s12] =	ssyncadd.s32 $0xFFFFC000  }
0x610: {  	[hbm4b:s1+s2] =	stream.linear.scatter [tilespmem:s2], [sflag:$0x3], $0x4000, $0x38;
	[tilespmem:$0x8000] =	vst v63  }
0x611: {  	_ =	swait.ge [sflag:s5], $0x4000  }
0x612: {  	s1 =	sld [smem:$0x7FB]  }
0x613: {  	[sflag:s5] =	ssyncset.done $0x0  }
0x614: {  	[sflag:s5] =	ssyncadd.s32 $0xFFFFC000  }
0x615: {  	[tilespmem:s8], [sflag:$0x2] =	stream.linear.gather [hbm4b:s1+s2], $0x4000, $0x38;
	[tilespmem:$0x8000] =	vst v63  }
0x616: {  	_ =	swait.ge [sflag:s9], $0x4000  }
0x617: {  	s1 =	sld [smem:$0x7FC]  }
0x618: {  	[sflag:s9] =	ssyncset.done $0x0  }
0x619: {  	[sflag:s9] =	ssyncadd.s32 $0xFFFFC000  }
0x61a: {  	[hbm4b:s1+s2] =	stream.linear.scatter [tilespmem:s8], [sflag:$0x4], $0x4000, $0x38;
	[tilespmem:$0x8000] =	vst v63  }
0x61b: {  	_ =	swait.ge [sflag:s6], $0x4000  }
0x61c: {  	s1 =	sld [smem:$0x7FD]  }
0x61d: {  	[sflag:s6] =	ssyncset.done $0x0  }
0x61e: {  	[sflag:s6] =	ssyncadd.s32 $0xFFFFC000  }
0x61f: {  	[tilespmem:s2], [sflag:$0x1] =	stream.linear.gather [hbm4b:s1+s2], $0x4000, $0x38;
	[tilespmem:$0x8000] =	vst v63  }
0x620: {  	_ =	swait.ge [sflag:s12], $0x4000  }
0x621: {  	[sflag:s12] =	ssyncset.done $0x0  }
0x622: {  	[sflag:s12] =	ssyncadd.s32 $0xFFFFC000  }
0x623: {  	[hbm4b:s31+s2] =	stream.linear.scatter [tilespmem:s2], [sflag:$0x3], $0x4000, $0x38;
	[tilespmem:$0x8000] =	vst v63  }
0x624: {  	_ =	swait.ge [sflag:s5], $0x4000  }
0x625: {  	[sflag:s5] =	ssyncset.done $0x0  }
0x626: {  	[sflag:s5] =	ssyncadd.s32 $0xFFFFC000  }
0x627: {  	[tilespmem:s8], [sflag:$0x2] =	stream.linear.gather [hbm4b:s30+s2], $0x4000, $0x38;
	[tilespmem:$0x8000] =	vst v63  }
0x628: {  	_ =	swait.ge [sflag:s9], $0x4000  }
0x629: {  	[sflag:s9] =	ssyncset.done $0x0  }
0x62a: {  	[sflag:s9] =	ssyncadd.s32 $0xFFFFC000  }
0x62b: {  	[hbm4b:s29+s2] =	stream.linear.scatter [tilespmem:s8], [sflag:$0x4], $0x4000, $0x38;
	[tilespmem:$0x8000] =	vst v63  }
0x62c: {  	_ =	swait.ge [sflag:s6], $0x4000  }
0x62d: {  	[sflag:s6] =	ssyncset.done $0x0  }
0x62e: {  	[sflag:s6] =	ssyncadd.s32 $0xFFFFC000  }
0x62f: {  	[tilespmem:s2], [sflag:$0x1] =	stream.linear.gather [hbm4b:s28+s2], $0x4000, $0x38;
	[tilespmem:$0x8000] =	vst v63  }
0x630: {  	_ =	swait.ge [sflag:s12], $0x4000  }
0x631: {  	[sflag:s12] =	ssyncset.done $0x0  }
0x632: {  	[sflag:s12] =	ssyncadd.s32 $0xFFFFC000  }
0x633: {  	[hbm4b:s26+s2] =	stream.linear.scatter [tilespmem:s2], [sflag:$0x3], $0x4000, $0x38;
	[tilespmem:$0x8000] =	vst v63  }
0x634: {  	_ =	swait.ge [sflag:s5], $0x4000  }
0x635: {  	[sflag:s5] =	ssyncset.done $0x0  }
0x636: {  	[sflag:s5] =	ssyncadd.s32 $0xFFFFC000  }
0x637: {  	[tilespmem:s8], [sflag:$0x2] =	stream.linear.gather [hbm4b:s25+s2], $0x4000, $0x38;
	[tilespmem:$0x8000] =	vst v63  }
0x638: {  	_ =	swait.ge [sflag:s9], $0x4000  }
0x639: {  	[sflag:s9] =	ssyncset.done $0x0  }
0x63a: {  	[sflag:s9] =	ssyncadd.s32 $0xFFFFC000  }
0x63b: {  	[hbm4b:s24+s2] =	stream.linear.scatter [tilespmem:s8], [sflag:$0x4], $0x4000, $0x38;
	[tilespmem:$0x8000] =	vst v63  }
0x63c: {  	_ =	swait.ge [sflag:s6], $0x4000  }
0x63d: {  	[sflag:s6] =	ssyncset.done $0x0  }
0x63e: {  	[sflag:s6] =	ssyncadd.s32 $0xFFFFC000  }
0x63f: {  	[tilespmem:s2], [sflag:$0x1] =	stream.linear.gather [hbm4b:s23+s2], $0x4000, $0x38;
	[tilespmem:$0x8000] =	vst v63  }
0x640: {  	_ =	swait.ge [sflag:s12], $0x4000  }
0x641: {  	[sflag:s12] =	ssyncset.done $0x0  }
0x642: {  	[sflag:s12] =	ssyncadd.s32 $0xFFFFC000  }
0x643: {  	[hbm4b:s22+s2] =	stream.linear.scatter [tilespmem:s2], [sflag:$0x3], $0x4000, $0x38;
	[tilespmem:$0x8000] =	vst v63  }
0x644: {  	_ =	swait.ge [sflag:s5], $0x4000  }
0x645: {  	[sflag:s5] =	ssyncset.done $0x0  }
0x646: {  	[sflag:s5] =	ssyncadd.s32 $0xFFFFC000  }
0x647: {  	[tilespmem:s8], [sflag:$0x2] =	stream.linear.gather [hbm4b:s21+s2], $0x4000, $0x38;
	[tilespmem:$0x8000] =	vst v63  }
0x648: {  	_ =	swait.ge [sflag:s9], $0x4000  }
0x649: {  	[sflag:s9] =	ssyncset.done $0x0  }
0x64a: {  	[sflag:s9] =	ssyncadd.s32 $0xFFFFC000  }
0x64b: {  	[hbm4b:s20+s2] =	stream.linear.scatter [tilespmem:s8], [sflag:$0x4], $0x4000, $0x38;
	[tilespmem:$0x8000] =	vst v63  }
0x64c: {  	_ =	swait.ge [sflag:s6], $0x4000  }
0x64d: {  	[sflag:s6] =	ssyncset.done $0x0  }
0x64e: {  	[sflag:s6] =	ssyncadd.s32 $0xFFFFC000  }
0x64f: {  	[tilespmem:s2], [sflag:$0x1] =	stream.linear.gather [hbm4b:s19+s2], $0x4000, $0x38;
	[tilespmem:$0x8000] =	vst v63  }
0x650: {  	_ =	swait.ge [sflag:s12], $0x4000  }
0x651: {  	[sflag:s12] =	ssyncset.done $0x0  }
0x652: {  	[sflag:s12] =	ssyncadd.s32 $0xFFFFC000  }
0x653: {  	[hbm4b:s18+s2] =	stream.linear.scatter [tilespmem:s2], [sflag:$0x3], $0x4000, $0x38;
	[tilespmem:$0x8000] =	vst v63  }
0x654: {  	_ =	swait.ge [sflag:s5], $0x4000  }
0x655: {  	[sflag:s5] =	ssyncset.done $0x0  }
0x656: {  	[sflag:s5] =	ssyncadd.s32 $0xFFFFC000  }
0x657: {  	[tilespmem:s8], [sflag:$0x2] =	stream.linear.gather [hbm4b:s17+s2], $0x4000, $0x38;
	[tilespmem:$0x8000] =	vst v63  }
0x658: {  	_ =	swait.ge [sflag:s9], $0x4000  }
0x659: {  	[sflag:s9] =	ssyncset.done $0x0  }
0x65a: {  	[sflag:s9] =	ssyncadd.s32 $0xFFFFC000  }
0x65b: {  	[hbm4b:s16+s2] =	stream.linear.scatter [tilespmem:s8], [sflag:$0x4], $0x4000, $0x38;
	[tilespmem:$0x8000] =	vst v63  }
0x65c: {  	_ =	swait.ge [sflag:s6], $0x4000  }
0x65d: {  	[sflag:s6] =	ssyncset.done $0x0  }
0x65e: {  	[sflag:s6] =	ssyncadd.s32 $0xFFFFC000  }
0x65f: {  	[tilespmem:s2], [sflag:$0x1] =	stream.linear.gather [hbm4b:s15+s2], $0x4000, $0x38;
	[tilespmem:$0x8000] =	vst v63  }
0x660: {  	_ =	swait.ge [sflag:s12], $0x4000  }
0x661: {  	[sflag:s12] =	ssyncset.done $0x0  }
0x662: {  	[sflag:s12] =	ssyncadd.s32 $0xFFFFC000  }
0x663: {  	[hbm4b:s14+s2] =	stream.linear.scatter [tilespmem:s2], [sflag:$0x3], $0x4000, $0x38;
	[tilespmem:$0x8000] =	vst v63  }
0x664: {  	_ =	swait.ge [sflag:s5], $0x4000  }
0x665: {  	[sflag:s5] =	ssyncset.done $0x0  }
0x666: {  	[sflag:s5] =	ssyncadd.s32 $0xFFFFC000  }
0x667: {  	[tilespmem:s8], [sflag:$0x2] =	stream.linear.gather [hbm4b:s13+s2], $0x4000, $0x38;
	[tilespmem:$0x8000] =	vst v63  }
0x668: {  	_ =	swait.ge [sflag:s9], $0x4000  }
0x669: {  	[sflag:s9] =	ssyncset.done $0x0  }
0x66a: {  	[sflag:s9] =	ssyncadd.s32 $0xFFFFC000  }
0x66b: {  	[hbm4b:s11+s2] =	stream.linear.scatter [tilespmem:s8], [sflag:$0x4], $0x4000, $0x38;
	[tilespmem:$0x8000] =	vst v63  }
0x66c: {  	_ =	swait.ge [sflag:s6], $0x4000  }
0x66d: {  	[sflag:s6] =	ssyncset.done $0x0  }
0x66e: {  	[sflag:s6] =	ssyncadd.s32 $0xFFFFC000  }
0x66f: {  	[tilespmem:s2], [sflag:$0x1] =	stream.linear.gather [hbm4b:s10+s2], $0x4000, $0x38;
	[tilespmem:$0x8000] =	vst v63  }
0x670: {  	_ =	swait.ge [sflag:s12], $0x4000  }
0x671: {  	[sflag:s12] =	ssyncset.done $0x0  }
0x672: {  	[sflag:s12] =	ssyncadd.s32 $0xFFFFC000  }
0x673: {  	[hbm4b:s7+s2] =	stream.linear.scatter [tilespmem:s2], [sflag:$0x3], $0x4000, $0x38;
	[tilespmem:$0x8000] =	vst v63  }
0x674: {  	_ =	swait.ge [sflag:s5], $0x4000  }
0x675: {  	[sflag:s5] =	ssyncset.done $0x0  }
0x676: {  	[sflag:s5] =	ssyncadd.s32 $0xFFFFC000  }
0x677: {  	[tilespmem:s8], [sflag:$0x2] =	stream.linear.gather [hbm4b:s4+s2], $0x4000, $0x38;
	[tilespmem:$0x8000] =	vst v63  }
0x678: {  	_ =	swait.ge [sflag:s9], $0x4000  }
0x679: {  	[sflag:s9] =	ssyncset.done $0x0  }
0x67a: {  	[sflag:s9] =	ssyncadd.s32 $0xFFFFC000  }
0x67b: {  	[hbm4b:s3+s2] =	stream.linear.scatter [tilespmem:s8], [sflag:$0x4], $0x4000, $0x38;
	[tilespmem:$0x8000] =	vst v63  }
0x67c: {  	_ =	swait.ge [sflag:s6], $0x4000  }
0x67d: {  	[sflag:s6] =	ssyncset.done $0x0  }
0x67e: {  	[sflag:s6] =	ssyncadd.s32 $0xFFFFC000  }
0x67f: {  	_ =	swait.ge [sflag:s5], $0x4000  }
0x680: {  	[sflag:s5] =	ssyncset.done $0x0  }
0x681: {  	[sflag:s5] =	ssyncadd.s32 $0xFFFFC000  }
0x682: {  	_ =	sfence.sel $0x180000  }
0x683: {  	[bflag:$0x0] =	sbarrier.arrive $0xFFFF  }
0x684: {  	_ =	strace $0x90000047  }
0x685: {  	s31 =	stileid.u32;
	[bflag:$0x2] =	sbarrier.arrive $0xFFFF  }
0x686: {  	p0 =	sne.s32 s31, $0x0;
	s0 =	rddreg [dreg:$0x4]  }
0x687: {  	s0 =	sadd.s32 @!p0 $0x100000, s0  }
0x688: {  	[sflag:s0] =	ssyncadd.tile.s32 @!p0 $0x1;
	_ =	shalt  }
.Lfunc_end2:
_tile_overlayer_lowered:
.L_overlay_start_2:
0x689: {  	(tag) =	ssettag $0x2  }
0x68a: {  	s0 =	rddreg [dreg:$0x0];
	s2 =	stileid.u32  }
0x68b: {  	s1 =	rddreg [dreg:$0x1];
	p0 =	sne.s32 s2, $0x0  }
0x68c: {  	s3 =	rddreg [dreg:$0x2];
	[bflag:$0x3] =	sbarrier.arrive $0xFFFF;
	s2 =	simm.s32 @!p0 $0x1C05  }
0x68d: {  	[timem:s3], [sflag:s2] =	dma.local @!p0 [hbm:s0], s1  }
0x68e: {  	s0 =	simm.s32 @!p0 $0x5  }
0x68f: {  	_ =	swait.ge @!p0 [sflag:s0], s1  }
0x690: {  	s1 =	ssub.s32 @!p0 $0x0, s1;
	[sflag:s0] =	ssyncset.done @!p0 $0x0  }
0x691: {  	[sflag:s0] =	ssyncadd.s32 @!p0 s1  }
0x692: {  	[bflag:$0x3] =	sbarrier.arrive $0xFFFF  }
0x693: {  	_ =	shalt  }

</sc_bundles>
